<compile_context>
chip_gen: v7x
topology: tpu7x:2x2x1
jax: 0.10.2.dev20260603
libtpu: 0.0.44.dev20260713+nightly
codegen_flags: <defaults>
</compile_context>

<pallas_src>
import jax
import jax.numpy as jnp
from jax import lax
from jax.experimental import pallas as pl
from jax.experimental.pallas import tpu as pltpu
from jax.experimental.pallas import tpu_sc as plsc

_D = 256
_TMP = 1e-05
_MAX_ITER = 100
_L = 16
_NCHUNK = _D // _L


def _cmp_exchange(lo, hi):
    (ak, av), (bk, bv) = lo, hi
    m = ak <= bk
    return (
        (jnp.where(m, ak, bk), jnp.where(m, av, bv)),
        (jnp.where(m, bk, ak), jnp.where(m, bv, av)),
    )


def _bitonic_merge(run_a, run_b):
    n = len(run_b)
    b_rev = [(lax.rev(k, (0,)), lax.rev(v, (0,))) for (k, v) in reversed(run_b)]
    arr = list(run_a) + b_rev
    stride = n
    while stride >= 1:
        for base in range(0, len(arr), 2 * stride):
            for i in range(base, base + stride):
                arr[i], arr[i + stride] = _cmp_exchange(arr[i], arr[i + stride])
        stride //= 2
    return [plsc.sort_key_val(k, v) for (k, v) in arr]


def _sort256(kv):
    runs = [[plsc.sort_key_val(k, v)] for (k, v) in kv]
    while len(runs) > 1:
        runs = [
            _bitonic_merge(runs[i], runs[i + 1]) for i in range(0, len(runs), 2)
        ]
    return runs[0]


def _fw_sc(theta_hbm, out_hbm, t_v, mu_v, s_v):
    tile0 = (lax.axis_index("c") == 0) & (lax.axis_index("s") == 0)

    @pl.when(tile0)
    def _():
        pltpu.sync_copy(theta_hbm, t_v)
        iota_i = lax.iota(jnp.int32, _L)
        iota_f = iota_i.astype(jnp.float32)
        for c in range(_NCHUNK):
            ds = pl.ds(c * _L, _L)
            t_v[ds] = t_v[ds] / jnp.float32(_TMP)

        def lmo_into(dst_ref, g_chunks):
            kv = [(g_chunks[c], iota_i + c * _L) for c in range(_NCHUNK)]
            sorted_kv = _sort256(kv)
            for c in range(_NCHUNK):
                _, idx = sorted_kv[c]
                sval = jnp.float32(_D - c * _L) - iota_f
                plsc.store_scatter(dst_ref, [idx], sval)

        lmo_into(mu_v, [-t_v[pl.ds(c * _L, _L)] for c in range(_NCHUNK)])

        def cond(carry):
            it, done = carry
            return (it < _MAX_ITER) & jnp.logical_not(done)

        def body(carry):
            it, _ = carry
            lmo_into(
                s_v,
                [
                    mu_v[pl.ds(c * _L, _L)] - t_v[pl.ds(c * _L, _L)]
                    for c in range(_NCHUNK)
                ],
            )
            num_acc = jnp.zeros((_L,), jnp.float32)
            den_acc = jnp.zeros((_L,), jnp.float32)
            for c in range(_NCHUNK):
                ds = pl.ds(c * _L, _L)
                g = mu_v[ds] - t_v[ds]
                dv = s_v[ds] - mu_v[ds]
                num_acc = num_acc + g * dv
                den_acc = den_acc + dv * dv
            num = -jnp.sum(num_acc)
            den = jnp.sum(den_acc)
            num_v = jnp.full((_L,), num, jnp.float32)
            den_v = jnp.full((_L,), den, jnp.float32)
            gamma_v = jnp.where(
                den_v > 0,
                jnp.clip(num_v / den_v, 0.0, 1.0),
                jnp.zeros((_L,), jnp.float32),
            )
            for c in range(_NCHUNK):
                ds = pl.ds(c * _L, _L)
                mu_v[ds] = mu_v[ds] + gamma_v * (s_v[ds] - mu_v[ds])
            return it + jnp.int32(1), num <= 0.0

        lax.while_loop(cond, body, (jnp.int32(0), jnp.bool_(False)))
        pltpu.sync_copy(mu_v, out_hbm)


def kernel(theta):
    t_in = theta.astype(jnp.float32).reshape(_D)
    out = pl.kernel(
        _fw_sc,
        out_type=jax.ShapeDtypeStruct((_D,), jnp.float32),
        mesh=plsc.VectorSubcoreMesh(
            core_axis_name="c", subcore_axis_name="s", num_cores=1, num_subcores=1
        ),
        scratch_types=[pltpu.VMEM((_D,), jnp.float32) for _ in range(3)],
        compiler_params=pltpu.CompilerParams(needs_layout_passes=False),
    )(t_in)
    return out

# --- scband reference (transcript-rebuilt; emitter-appended) ---
"""Pipeline reference for scband-sparse-map-ordering-14886356648783 (READ-ONLY COPY).

The authoritative reference and input builder live on the scoring server;
editing this copy changes nothing except your own understanding.
"""

import jax, jax.numpy as jnp
import numpy as np

D = 256
TMP = 1e-05
MAX_ITER = 100


def setup_inputs(seed: int = 0) -> dict:
    key = jax.random.key(seed)
    # learned parameter theta (initialized from theta_init = zeros of length D, unsqueezed to (D, 1))
    theta = jnp.zeros((D, 1), dtype=jnp.float32)
    return {"theta": theta}


def _sparse_rank(t, max_iter):
    # SparseMAP over the permutahedron generated by rho = (D, D-1, ..., 1):
    #   mu* = argmax_{mu in P(rho)} <t, mu> - 0.5 ||mu||^2
    # i.e. Euclidean projection of t onto the permutahedron, solved here with
    # max_iter Frank-Wolfe (conditional gradient) iterations. The linear
    # minimization oracle over the permutahedron assigns the largest rho value
    # to the coordinate with the most negative gradient (an argsort + scatter).
    d = t.shape[0]
    rho = jnp.arange(d, 0, -1).astype(t.dtype)

    def lmo(g):
        # minimize <g, s> over vertices of the permutahedron
        order = jnp.argsort(g)  # ascending: smallest gradient gets largest rho
        return jnp.zeros_like(g).at[order].set(rho)

    mu0 = lmo(-t)  # vertex maximizing <t, s>

    def body(i, mu):
        g = mu - t  # gradient of 0.5||mu - t||^2
        s = lmo(g)
        dvec = s - mu
        denom = jnp.vdot(dvec, dvec)
        num = -jnp.vdot(g, dvec)
        gamma = jnp.where(denom > 0, jnp.clip(num / denom, 0.0, 1.0), 0.0)
        return mu + gamma * dvec

    mu = jax.lax.fori_loop(0, max_iter, body, mu0)
    return mu


def reference(theta) -> jnp.ndarray:
    # forward(): sparse_rank(theta / tmp, init=False, max_iter=max_iter)
    t = (theta / TMP).reshape(-1)
    return _sparse_rank(t, MAX_ITER)

if __name__ == "__main__":
    import jax
    _d = setup_inputs()
    print(jax.jit(kernel)(*tuple(_d.values())))

</pallas_src>

<mosaic_0001>
#map = affine_map<(d0, d1) -> (0)>
module attributes {stable_mosaic.version = 14 : i64} {
  func.func @_fw_sc(%arg0: i32, %arg1: i32, %arg2: memref<256xf32, #tpu.memory_space<hbm>>, %arg3: memref<256xf32, #tpu.memory_space<hbm>>, %arg4: memref<256xf32, #tpu.memory_space<vmem>>, %arg5: memref<256xf32, #tpu.memory_space<vmem>>, %arg6: memref<256xf32, #tpu.memory_space<vmem>>) attributes {dimension_semantics = [#tpu.dimension_semantics<core_parallel>, #tpu.dimension_semantics<subcore_parallel>], iteration_bounds = array<i64: 1, 1>, scalar_prefetch = 0 : i64, scratch_operands = 3 : i64, tpu.core_type = #tpu.core_type<sc_vector_subcore>, window_params = [{transform_indices = #map}, {transform_indices = #map}]} {
    %eq3A = arith.constant 0 : i32
    %eq3A_0 = arith.cmpi eq, %arg0, %eq3A : i32
    %eq3A_1 = arith.constant 0 : i32
    %eq3A_2 = arith.cmpi eq, %arg1, %eq3A_1 : i32
    %and3A = arith.andi %eq3A_0, %eq3A_2 : i1
    %convert_element_type3A = arith.extui %and3A : i1 to i32
    %cond3A = arith.constant 0 : i32
    %cond3A_3 = arith.cmpi ne, %convert_element_type3A, %cond3A : i32
    scf.if %cond3A_3 {
      "tpu.region"() ({
        %run_scoped3A = tpu.sem_alloc : memref<!tpu.dma_semaphore, #tpu.memory_space<semaphore_mem>>
        tpu.enqueue_dma source(%arg2 : memref<256xf32, #tpu.memory_space<hbm>>) target(%arg4 : memref<256xf32, #tpu.memory_space<vmem>>) target_semaphore(%run_scoped3A : memref<!tpu.dma_semaphore, #tpu.memory_space<semaphore_mem>>)
        tpu.wait_dma2 semaphore(%run_scoped3A : memref<!tpu.dma_semaphore, #tpu.memory_space<semaphore_mem>>) src(%arg2 : memref<256xf32, #tpu.memory_space<hbm>>) dst(%arg4 : memref<256xf32, #tpu.memory_space<vmem>>)
        tpu.yield
      }) : () -> ()
      %iota3A = tpu.iota {dimensions = array<i32: 0>} : vector<16xi32>
      %convert_element_type3A_4 = arith.sitofp %iota3A : vector<16xi32> to vector<16xf32>
      %get3A = arith.constant 0 : index
      %get3A_5 = tpu.vector_load %arg4[%get3A] {strides = array<i32>} : memref<256xf32, #tpu.memory_space<vmem>>, vector<16xf32>,
      %div3A = arith.constant 9.99999974E-6 : f32
      %div3A_6 = vector.broadcast %div3A : f32 to vector<16xf32>
      %div3A_7 = arith.divf %get3A_5, %div3A_6 : vector<16xf32>
      %swap3A = arith.constant 0 : index
      %swap3A_8 = tpu.vector_load %arg4[%swap3A] {strides = array<i32>} : memref<256xf32, #tpu.memory_space<vmem>>, vector<16xf32>,
      tpu.vector_store %arg4[%swap3A], %div3A_7 {strides = array<i32>} : memref<256xf32, #tpu.memory_space<vmem>>, vector<16xf32>,
      %get3A_9 = arith.constant 16 : index
      %get3A_10 = tpu.vector_load %arg4[%get3A_9] {strides = array<i32>} : memref<256xf32, #tpu.memory_space<vmem>>, vector<16xf32>,
      %div3A_11 = arith.constant 9.99999974E-6 : f32
      %div3A_12 = vector.broadcast %div3A_11 : f32 to vector<16xf32>
      %div3A_13 = arith.divf %get3A_10, %div3A_12 : vector<16xf32>
      %swap3A_14 = arith.constant 16 : index
      %swap3A_15 = tpu.vector_load %arg4[%swap3A_14] {strides = array<i32>} : memref<256xf32, #tpu.memory_space<vmem>>, vector<16xf32>,
      tpu.vector_store %arg4[%swap3A_14], %div3A_13 {strides = array<i32>} : memref<256xf32, #tpu.memory_space<vmem>>, vector<16xf32>,
      %get3A_16 = arith.constant 32 : index
      %get3A_17 = tpu.vector_load %arg4[%get3A_16] {strides = array<i32>} : memref<256xf32, #tpu.memory_space<vmem>>, vector<16xf32>,
      %div3A_18 = arith.constant 9.99999974E-6 : f32
      %div3A_19 = vector.broadcast %div3A_18 : f32 to vector<16xf32>
      %div3A_20 = arith.divf %get3A_17, %div3A_19 : vector<16xf32>
      %swap3A_21 = arith.constant 32 : index
      %swap3A_22 = tpu.vector_load %arg4[%swap3A_21] {strides = array<i32>} : memref<256xf32, #tpu.memory_space<vmem>>, vector<16xf32>,
      tpu.vector_store %arg4[%swap3A_21], %div3A_20 {strides = array<i32>} : memref<256xf32, #tpu.memory_space<vmem>>, vector<16xf32>,
      %get3A_23 = arith.constant 48 : index
      %get3A_24 = tpu.vector_load %arg4[%get3A_23] {strides = array<i32>} : memref<256xf32, #tpu.memory_space<vmem>>, vector<16xf32>,
      %div3A_25 = arith.constant 9.99999974E-6 : f32
      %div3A_26 = vector.broadcast %div3A_25 : f32 to vector<16xf32>
      %div3A_27 = arith.divf %get3A_24, %div3A_26 : vector<16xf32>
      %swap3A_28 = arith.constant 48 : index
      %swap3A_29 = tpu.vector_load %arg4[%swap3A_28] {strides = array<i32>} : memref<256xf32, #tpu.memory_space<vmem>>, vector<16xf32>,
      tpu.vector_store %arg4[%swap3A_28], %div3A_27 {strides = array<i32>} : memref<256xf32, #tpu.memory_space<vmem>>, vector<16xf32>,
      %get3A_30 = arith.constant 64 : index
      %get3A_31 = tpu.vector_load %arg4[%get3A_30] {strides = array<i32>} : memref<256xf32, #tpu.memory_space<vmem>>, vector<16xf32>,
      %div3A_32 = arith.constant 9.99999974E-6 : f32
      %div3A_33 = vector.broadcast %div3A_32 : f32 to vector<16xf32>
      %div3A_34 = arith.divf %get3A_31, %div3A_33 : vector<16xf32>
      %swap3A_35 = arith.constant 64 : index
      %swap3A_36 = tpu.vector_load %arg4[%swap3A_35] {strides = array<i32>} : memref<256xf32, #tpu.memory_space<vmem>>, vector<16xf32>,
      tpu.vector_store %arg4[%swap3A_35], %div3A_34 {strides = array<i32>} : memref<256xf32, #tpu.memory_space<vmem>>, vector<16xf32>,
      %get3A_37 = arith.constant 80 : index
      %get3A_38 = tpu.vector_load %arg4[%get3A_37] {strides = array<i32>} : memref<256xf32, #tpu.memory_space<vmem>>, vector<16xf32>,
      %div3A_39 = arith.constant 9.99999974E-6 : f32
      %div3A_40 = vector.broadcast %div3A_39 : f32 to vector<16xf32>
      %div3A_41 = arith.divf %get3A_38, %div3A_40 : vector<16xf32>
      %swap3A_42 = arith.constant 80 : index
      %swap3A_43 = tpu.vector_load %arg4[%swap3A_42] {strides = array<i32>} : memref<256xf32, #tpu.memory_space<vmem>>, vector<16xf32>,
      tpu.vector_store %arg4[%swap3A_42], %div3A_41 {strides = array<i32>} : memref<256xf32, #tpu.memory_space<vmem>>, vector<16xf32>,
      %get3A_44 = arith.constant 96 : index
      %get3A_45 = tpu.vector_load %arg4[%get3A_44] {strides = array<i32>} : memref<256xf32, #tpu.memory_space<vmem>>, vector<16xf32>,
      %div3A_46 = arith.constant 9.99999974E-6 : f32
      %div3A_47 = vector.broadcast %div3A_46 : f32 to vector<16xf32>
      %div3A_48 = arith.divf %get3A_45, %div3A_47 : vector<16xf32>
      %swap3A_49 = arith.constant 96 : index
      %swap3A_50 = tpu.vector_load %arg4[%swap3A_49] {strides = array<i32>} : memref<256xf32, #tpu.memory_space<vmem>>, vector<16xf32>,
      tpu.vector_store %arg4[%swap3A_49], %div3A_48 {strides = array<i32>} : memref<256xf32, #tpu.memory_space<vmem>>, vector<16xf32>,
      %get3A_51 = arith.constant 112 : index
      %get3A_52 = tpu.vector_load %arg4[%get3A_51] {strides = array<i32>} : memref<256xf32, #tpu.memory_space<vmem>>, vector<16xf32>,
      %div3A_53 = arith.constant 9.99999974E-6 : f32
      %div3A_54 = vector.broadcast %div3A_53 : f32 to vector<16xf32>
      %div3A_55 = arith.divf %get3A_52, %div3A_54 : vector<16xf32>
      %swap3A_56 = arith.constant 112 : index
      %swap3A_57 = tpu.vector_load %arg4[%swap3A_56] {strides = array<i32>} : memref<256xf32, #tpu.memory_space<vmem>>, vector<16xf32>,
      tpu.vector_store %arg4[%swap3A_56], %div3A_55 {strides = array<i32>} : memref<256xf32, #tpu.memory_space<vmem>>, vector<16xf32>,
      %get3A_58 = arith.constant 128 : index
      %get3A_59 = tpu.vector_load %arg4[%get3A_58] {strides = array<i32>} : memref<256xf32, #tpu.memory_space<vmem>>, vector<16xf32>,
      %div3A_60 = arith.constant 9.99999974E-6 : f32
      %div3A_61 = vector.broadcast %div3A_60 : f32 to vector<16xf32>
      %div3A_62 = arith.divf %get3A_59, %div3A_61 : vector<16xf32>
      %swap3A_63 = arith.constant 128 : index
      %swap3A_64 = tpu.vector_load %arg4[%swap3A_63] {strides = array<i32>} : memref<256xf32, #tpu.memory_space<vmem>>, vector<16xf32>,
      tpu.vector_store %arg4[%swap3A_63], %div3A_62 {strides = array<i32>} : memref<256xf32, #tpu.memory_space<vmem>>, vector<16xf32>,
      %get3A_65 = arith.constant 144 : index
      %get3A_66 = tpu.vector_load %arg4[%get3A_65] {strides = array<i32>} : memref<256xf32, #tpu.memory_space<vmem>>, vector<16xf32>,
      %div3A_67 = arith.constant 9.99999974E-6 : f32
      %div3A_68 = vector.broadcast %div3A_67 : f32 to vector<16xf32>
      %div3A_69 = arith.divf %get3A_66, %div3A_68 : vector<16xf32>
      %swap3A_70 = arith.constant 144 : index
      %swap3A_71 = tpu.vector_load %arg4[%swap3A_70] {strides = array<i32>} : memref<256xf32, #tpu.memory_space<vmem>>, vector<16xf32>,
      tpu.vector_store %arg4[%swap3A_70], %div3A_69 {strides = array<i32>} : memref<256xf32, #tpu.memory_space<vmem>>, vector<16xf32>,
      %get3A_72 = arith.constant 160 : index
      %get3A_73 = tpu.vector_load %arg4[%get3A_72] {strides = array<i32>} : memref<256xf32, #tpu.memory_space<vmem>>, vector<16xf32>,
      %div3A_74 = arith.constant 9.99999974E-6 : f32
      %div3A_75 = vector.broadcast %div3A_74 : f32 to vector<16xf32>
      %div3A_76 = arith.divf %get3A_73, %div3A_75 : vector<16xf32>
      %swap3A_77 = arith.constant 160 : index
      %swap3A_78 = tpu.vector_load %arg4[%swap3A_77] {strides = array<i32>} : memref<256xf32, #tpu.memory_space<vmem>>, vector<16xf32>,
      tpu.vector_store %arg4[%swap3A_77], %div3A_76 {strides = array<i32>} : memref<256xf32, #tpu.memory_space<vmem>>, vector<16xf32>,
      %get3A_79 = arith.constant 176 : index
      %get3A_80 = tpu.vector_load %arg4[%get3A_79] {strides = array<i32>} : memref<256xf32, #tpu.memory_space<vmem>>, vector<16xf32>,
      %div3A_81 = arith.constant 9.99999974E-6 : f32
      %div3A_82 = vector.broadcast %div3A_81 : f32 to vector<16xf32>
      %div3A_83 = arith.divf %get3A_80, %div3A_82 : vector<16xf32>
      %swap3A_84 = arith.constant 176 : index
      %swap3A_85 = tpu.vector_load %arg4[%swap3A_84] {strides = array<i32>} : memref<256xf32, #tpu.memory_space<vmem>>, vector<16xf32>,
      tpu.vector_store %arg4[%swap3A_84], %div3A_83 {strides = array<i32>} : memref<256xf32, #tpu.memory_space<vmem>>, vector<16xf32>,
      %get3A_86 = arith.constant 192 : index
      %get3A_87 = tpu.vector_load %arg4[%get3A_86] {strides = array<i32>} : memref<256xf32, #tpu.memory_space<vmem>>, vector<16xf32>,
      %div3A_88 = arith.constant 9.99999974E-6 : f32
      %div3A_89 = vector.broadcast %div3A_88 : f32 to vector<16xf32>
      %div3A_90 = arith.divf %get3A_87, %div3A_89 : vector<16xf32>
      %swap3A_91 = arith.constant 192 : index
      %swap3A_92 = tpu.vector_load %arg4[%swap3A_91] {strides = array<i32>} : memref<256xf32, #tpu.memory_space<vmem>>, vector<16xf32>,
      tpu.vector_store %arg4[%swap3A_91], %div3A_90 {strides = array<i32>} : memref<256xf32, #tpu.memory_space<vmem>>, vector<16xf32>,
      %get3A_93 = arith.constant 208 : index
      %get3A_94 = tpu.vector_load %arg4[%get3A_93] {strides = array<i32>} : memref<256xf32, #tpu.memory_space<vmem>>, vector<16xf32>,
      %div3A_95 = arith.constant 9.99999974E-6 : f32
      %div3A_96 = vector.broadcast %div3A_95 : f32 to vector<16xf32>
      %div3A_97 = arith.divf %get3A_94, %div3A_96 : vector<16xf32>
      %swap3A_98 = arith.constant 208 : index
      %swap3A_99 = tpu.vector_load %arg4[%swap3A_98] {strides = array<i32>} : memref<256xf32, #tpu.memory_space<vmem>>, vector<16xf32>,
      tpu.vector_store %arg4[%swap3A_98], %div3A_97 {strides = array<i32>} : memref<256xf32, #tpu.memory_space<vmem>>, vector<16xf32>,
      %get3A_100 = arith.constant 224 : index
      %get3A_101 = tpu.vector_load %arg4[%get3A_100] {strides = array<i32>} : memref<256xf32, #tpu.memory_space<vmem>>, vector<16xf32>,
      %div3A_102 = arith.constant 9.99999974E-6 : f32
      %div3A_103 = vector.broadcast %div3A_102 : f32 to vector<16xf32>
      %div3A_104 = arith.divf %get3A_101, %div3A_103 : vector<16xf32>
      %swap3A_105 = arith.constant 224 : index
      %swap3A_106 = tpu.vector_load %arg4[%swap3A_105] {strides = array<i32>} : memref<256xf32, #tpu.memory_space<vmem>>, vector<16xf32>,
      tpu.vector_store %arg4[%swap3A_105], %div3A_104 {strides = array<i32>} : memref<256xf32, #tpu.memory_space<vmem>>, vector<16xf32>,
      %get3A_107 = arith.constant 240 : index
      %get3A_108 = tpu.vector_load %arg4[%get3A_107] {strides = array<i32>} : memref<256xf32, #tpu.memory_space<vmem>>, vector<16xf32>,
      %div3A_109 = arith.constant 9.99999974E-6 : f32
      %div3A_110 = vector.broadcast %div3A_109 : f32 to vector<16xf32>
      %div3A_111 = arith.divf %get3A_108, %div3A_110 : vector<16xf32>
      %swap3A_112 = arith.constant 240 : index
      %swap3A_113 = tpu.vector_load %arg4[%swap3A_112] {strides = array<i32>} : memref<256xf32, #tpu.memory_space<vmem>>, vector<16xf32>,
      tpu.vector_store %arg4[%swap3A_112], %div3A_111 {strides = array<i32>} : memref<256xf32, #tpu.memory_space<vmem>>, vector<16xf32>,
      %get3A_114 = arith.constant 0 : index
      %get3A_115 = tpu.vector_load %arg4[%get3A_114] {strides = array<i32>} : memref<256xf32, #tpu.memory_space<vmem>>, vector<16xf32>,
      %neg3A = arith.constant 0.000000e+00 : f32
      %neg3A_116 = vector.broadcast %neg3A : f32 to vector<16xf32>
      %neg3A_117 = arith.subf %neg3A_116, %get3A_115 : vector<16xf32>
      %get3A_118 = arith.constant 16 : index
      %get3A_119 = tpu.vector_load %arg4[%get3A_118] {strides = array<i32>} : memref<256xf32, #tpu.memory_space<vmem>>, vector<16xf32>,
      %neg3A_120 = arith.constant 0.000000e+00 : f32
      %neg3A_121 = vector.broadcast %neg3A_120 : f32 to vector<16xf32>
      %neg3A_122 = arith.subf %neg3A_121, %get3A_119 : vector<16xf32>
      %get3A_123 = arith.constant 32 : index
      %get3A_124 = tpu.vector_load %arg4[%get3A_123] {strides = array<i32>} : memref<256xf32, #tpu.memory_space<vmem>>, vector<16xf32>,
      %neg3A_125 = arith.constant 0.000000e+00 : f32
      %neg3A_126 = vector.broadcast %neg3A_125 : f32 to vector<16xf32>
      %neg3A_127 = arith.subf %neg3A_126, %get3A_124 : vector<16xf32>
      %get3A_128 = arith.constant 48 : index
      %get3A_129 = tpu.vector_load %arg4[%get3A_128] {strides = array<i32>} : memref<256xf32, #tpu.memory_space<vmem>>, vector<16xf32>,
      %neg3A_130 = arith.constant 0.000000e+00 : f32
      %neg3A_131 = vector.broadcast %neg3A_130 : f32 to vector<16xf32>
      %neg3A_132 = arith.subf %neg3A_131, %get3A_129 : vector<16xf32>
      %get3A_133 = arith.constant 64 : index
      %get3A_134 = tpu.vector_load %arg4[%get3A_133] {strides = array<i32>} : memref<256xf32, #tpu.memory_space<vmem>>, vector<16xf32>,
      %neg3A_135 = arith.constant 0.000000e+00 : f32
      %neg3A_136 = vector.broadcast %neg3A_135 : f32 to vector<16xf32>
      %neg3A_137 = arith.subf %neg3A_136, %get3A_134 : vector<16xf32>
      %get3A_138 = arith.constant 80 : index
      %get3A_139 = tpu.vector_load %arg4[%get3A_138] {strides = array<i32>} : memref<256xf32, #tpu.memory_space<vmem>>, vector<16xf32>,
      %neg3A_140 = arith.constant 0.000000e+00 : f32
      %neg3A_141 = vector.broadcast %neg3A_140 : f32 to vector<16xf32>
      %neg3A_142 = arith.subf %neg3A_141, %get3A_139 : vector<16xf32>
      %get3A_143 = arith.constant 96 : index
      %get3A_144 = tpu.vector_load %arg4[%get3A_143] {strides = array<i32>} : memref<256xf32, #tpu.memory_space<vmem>>, vector<16xf32>,
      %neg3A_145 = arith.constant 0.000000e+00 : f32
      %neg3A_146 = vector.broadcast %neg3A_145 : f32 to vector<16xf32>
      %neg3A_147 = arith.subf %neg3A_146, %get3A_144 : vector<16xf32>
      %get3A_148 = arith.constant 112 : index
      %get3A_149 = tpu.vector_load %arg4[%get3A_148] {strides = array<i32>} : memref<256xf32, #tpu.memory_space<vmem>>, vector<16xf32>,
      %neg3A_150 = arith.constant 0.000000e+00 : f32
      %neg3A_151 = vector.broadcast %neg3A_150 : f32 to vector<16xf32>
      %neg3A_152 = arith.subf %neg3A_151, %get3A_149 : vector<16xf32>
      %get3A_153 = arith.constant 128 : index
      %get3A_154 = tpu.vector_load %arg4[%get3A_153] {strides = array<i32>} : memref<256xf32, #tpu.memory_space<vmem>>, vector<16xf32>,
      %neg3A_155 = arith.constant 0.000000e+00 : f32
      %neg3A_156 = vector.broadcast %neg3A_155 : f32 to vector<16xf32>
      %neg3A_157 = arith.subf %neg3A_156, %get3A_154 : vector<16xf32>
      %get3A_158 = arith.constant 144 : index
      %get3A_159 = tpu.vector_load %arg4[%get3A_158] {strides = array<i32>} : memref<256xf32, #tpu.memory_space<vmem>>, vector<16xf32>,
      %neg3A_160 = arith.constant 0.000000e+00 : f32
      %neg3A_161 = vector.broadcast %neg3A_160 : f32 to vector<16xf32>
      %neg3A_162 = arith.subf %neg3A_161, %get3A_159 : vector<16xf32>
      %get3A_163 = arith.constant 160 : index
      %get3A_164 = tpu.vector_load %arg4[%get3A_163] {strides = array<i32>} : memref<256xf32, #tpu.memory_space<vmem>>, vector<16xf32>,
      %neg3A_165 = arith.constant 0.000000e+00 : f32
      %neg3A_166 = vector.broadcast %neg3A_165 : f32 to vector<16xf32>
      %neg3A_167 = arith.subf %neg3A_166, %get3A_164 : vector<16xf32>
      %get3A_168 = arith.constant 176 : index
      %get3A_169 = tpu.vector_load %arg4[%get3A_168] {strides = array<i32>} : memref<256xf32, #tpu.memory_space<vmem>>, vector<16xf32>,
      %neg3A_170 = arith.constant 0.000000e+00 : f32
      %neg3A_171 = vector.broadcast %neg3A_170 : f32 to vector<16xf32>
      %neg3A_172 = arith.subf %neg3A_171, %get3A_169 : vector<16xf32>
      %get3A_173 = arith.constant 192 : index
      %get3A_174 = tpu.vector_load %arg4[%get3A_173] {strides = array<i32>} : memref<256xf32, #tpu.memory_space<vmem>>, vector<16xf32>,
      %neg3A_175 = arith.constant 0.000000e+00 : f32
      %neg3A_176 = vector.broadcast %neg3A_175 : f32 to vector<16xf32>
      %neg3A_177 = arith.subf %neg3A_176, %get3A_174 : vector<16xf32>
      %get3A_178 = arith.constant 208 : index
      %get3A_179 = tpu.vector_load %arg4[%get3A_178] {strides = array<i32>} : memref<256xf32, #tpu.memory_space<vmem>>, vector<16xf32>,
      %neg3A_180 = arith.constant 0.000000e+00 : f32
      %neg3A_181 = vector.broadcast %neg3A_180 : f32 to vector<16xf32>
      %neg3A_182 = arith.subf %neg3A_181, %get3A_179 : vector<16xf32>
      %get3A_183 = arith.constant 224 : index
      %get3A_184 = tpu.vector_load %arg4[%get3A_183] {strides = array<i32>} : memref<256xf32, #tpu.memory_space<vmem>>, vector<16xf32>,
      %neg3A_185 = arith.constant 0.000000e+00 : f32
      %neg3A_186 = vector.broadcast %neg3A_185 : f32 to vector<16xf32>
      %neg3A_187 = arith.subf %neg3A_186, %get3A_184 : vector<16xf32>
      %get3A_188 = arith.constant 240 : index
      %get3A_189 = tpu.vector_load %arg4[%get3A_188] {strides = array<i32>} : memref<256xf32, #tpu.memory_space<vmem>>, vector<16xf32>,
      %neg3A_190 = arith.constant 0.000000e+00 : f32
      %neg3A_191 = vector.broadcast %neg3A_190 : f32 to vector<16xf32>
      %neg3A_192 = arith.subf %neg3A_191, %get3A_189 : vector<16xf32>
      %add3A = arith.constant 0 : i32
      %add3A_193 = vector.broadcast %add3A : i32 to vector<16xi32>
      %add3A_194 = arith.addi %iota3A, %add3A_193 : vector<16xi32>
      %add3A_195 = arith.constant 16 : i32
      %add3A_196 = vector.broadcast %add3A_195 : i32 to vector<16xi32>
      %add3A_197 = arith.addi %iota3A, %add3A_196 : vector<16xi32>
      %add3A_198 = arith.constant 32 : i32
      %add3A_199 = vector.broadcast %add3A_198 : i32 to vector<16xi32>
      %add3A_200 = arith.addi %iota3A, %add3A_199 : vector<16xi32>
      %add3A_201 = arith.constant 48 : i32
      %add3A_202 = vector.broadcast %add3A_201 : i32 to vector<16xi32>
      %add3A_203 = arith.addi %iota3A, %add3A_202 : vector<16xi32>
      %add3A_204 = arith.constant 64 : i32
      %add3A_205 = vector.broadcast %add3A_204 : i32 to vector<16xi32>
      %add3A_206 = arith.addi %iota3A, %add3A_205 : vector<16xi32>
      %add3A_207 = arith.constant 80 : i32
      %add3A_208 = vector.broadcast %add3A_207 : i32 to vector<16xi32>
      %add3A_209 = arith.addi %iota3A, %add3A_208 : vector<16xi32>
      %add3A_210 = arith.constant 96 : i32
      %add3A_211 = vector.broadcast %add3A_210 : i32 to vector<16xi32>
      %add3A_212 = arith.addi %iota3A, %add3A_211 : vector<16xi32>
      %add3A_213 = arith.constant 112 : i32
      %add3A_214 = vector.broadcast %add3A_213 : i32 to vector<16xi32>
      %add3A_215 = arith.addi %iota3A, %add3A_214 : vector<16xi32>
      %add3A_216 = arith.constant 128 : i32
      %add3A_217 = vector.broadcast %add3A_216 : i32 to vector<16xi32>
      %add3A_218 = arith.addi %iota3A, %add3A_217 : vector<16xi32>
      %add3A_219 = arith.constant 144 : i32
      %add3A_220 = vector.broadcast %add3A_219 : i32 to vector<16xi32>
      %add3A_221 = arith.addi %iota3A, %add3A_220 : vector<16xi32>
      %add3A_222 = arith.constant 160 : i32
      %add3A_223 = vector.broadcast %add3A_222 : i32 to vector<16xi32>
      %add3A_224 = arith.addi %iota3A, %add3A_223 : vector<16xi32>
      %add3A_225 = arith.constant 176 : i32
      %add3A_226 = vector.broadcast %add3A_225 : i32 to vector<16xi32>
      %add3A_227 = arith.addi %iota3A, %add3A_226 : vector<16xi32>
      %add3A_228 = arith.constant 192 : i32
      %add3A_229 = vector.broadcast %add3A_228 : i32 to vector<16xi32>
      %add3A_230 = arith.addi %iota3A, %add3A_229 : vector<16xi32>
      %add3A_231 = arith.constant 208 : i32
      %add3A_232 = vector.broadcast %add3A_231 : i32 to vector<16xi32>
      %add3A_233 = arith.addi %iota3A, %add3A_232 : vector<16xi32>
      %add3A_234 = arith.constant 224 : i32
      %add3A_235 = vector.broadcast %add3A_234 : i32 to vector<16xi32>
      %add3A_236 = arith.addi %iota3A, %add3A_235 : vector<16xi32>
      %add3A_237 = arith.constant 240 : i32
      %add3A_238 = vector.broadcast %add3A_237 : i32 to vector<16xi32>
      %add3A_239 = arith.addi %iota3A, %add3A_238 : vector<16xi32>
      %masked_sort3A = arith.constant dense<true> : vector<16xi1>
      %masked_sort3A_240, %masked_sort3A_241, %masked_sort3A_242 = tpu.sort %neg3A_117, %add3A_194 masked %masked_sort3A : (vector<16xf32>, vector<16xi32>, vector<16xi1>) -> (vector<16xi1>, vector<16xf32>, vector<16xi32>)
      %masked_sort3A_243 = arith.constant dense<true> : vector<16xi1>
      %masked_sort3A_244, %masked_sort3A_245, %masked_sort3A_246 = tpu.sort %neg3A_122, %add3A_197 masked %masked_sort3A_243 : (vector<16xf32>, vector<16xi32>, vector<16xi1>) -> (vector<16xi1>, vector<16xf32>, vector<16xi32>)
      %masked_sort3A_247 = arith.constant dense<true> : vector<16xi1>
      %masked_sort3A_248, %masked_sort3A_249, %masked_sort3A_250 = tpu.sort %neg3A_127, %add3A_200 masked %masked_sort3A_247 : (vector<16xf32>, vector<16xi32>, vector<16xi1>) -> (vector<16xi1>, vector<16xf32>, vector<16xi32>)
      %masked_sort3A_251 = arith.constant dense<true> : vector<16xi1>
      %masked_sort3A_252, %masked_sort3A_253, %masked_sort3A_254 = tpu.sort %neg3A_132, %add3A_203 masked %masked_sort3A_251 : (vector<16xf32>, vector<16xi32>, vector<16xi1>) -> (vector<16xi1>, vector<16xf32>, vector<16xi32>)
      %masked_sort3A_255 = arith.constant dense<true> : vector<16xi1>
      %masked_sort3A_256, %masked_sort3A_257, %masked_sort3A_258 = tpu.sort %neg3A_137, %add3A_206 masked %masked_sort3A_255 : (vector<16xf32>, vector<16xi32>, vector<16xi1>) -> (vector<16xi1>, vector<16xf32>, vector<16xi32>)
      %masked_sort3A_259 = arith.constant dense<true> : vector<16xi1>
      %masked_sort3A_260, %masked_sort3A_261, %masked_sort3A_262 = tpu.sort %neg3A_142, %add3A_209 masked %masked_sort3A_259 : (vector<16xf32>, vector<16xi32>, vector<16xi1>) -> (vector<16xi1>, vector<16xf32>, vector<16xi32>)
      %masked_sort3A_263 = arith.constant dense<true> : vector<16xi1>
      %masked_sort3A_264, %masked_sort3A_265, %masked_sort3A_266 = tpu.sort %neg3A_147, %add3A_212 masked %masked_sort3A_263 : (vector<16xf32>, vector<16xi32>, vector<16xi1>) -> (vector<16xi1>, vector<16xf32>, vector<16xi32>)
      %masked_sort3A_267 = arith.constant dense<true> : vector<16xi1>
      %masked_sort3A_268, %masked_sort3A_269, %masked_sort3A_270 = tpu.sort %neg3A_152, %add3A_215 masked %masked_sort3A_267 : (vector<16xf32>, vector<16xi32>, vector<16xi1>) -> (vector<16xi1>, vector<16xf32>, vector<16xi32>)
      %masked_sort3A_271 = arith.constant dense<true> : vector<16xi1>
      %masked_sort3A_272, %masked_sort3A_273, %masked_sort3A_274 = tpu.sort %neg3A_157, %add3A_218 masked %masked_sort3A_271 : (vector<16xf32>, vector<16xi32>, vector<16xi1>) -> (vector<16xi1>, vector<16xf32>, vector<16xi32>)
      %masked_sort3A_275 = arith.constant dense<true> : vector<16xi1>
      %masked_sort3A_276, %masked_sort3A_277, %masked_sort3A_278 = tpu.sort %neg3A_162, %add3A_221 masked %masked_sort3A_275 : (vector<16xf32>, vector<16xi32>, vector<16xi1>) -> (vector<16xi1>, vector<16xf32>, vector<16xi32>)
      %masked_sort3A_279 = arith.constant dense<true> : vector<16xi1>
      %masked_sort3A_280, %masked_sort3A_281, %masked_sort3A_282 = tpu.sort %neg3A_167, %add3A_224 masked %masked_sort3A_279 : (vector<16xf32>, vector<16xi32>, vector<16xi1>) -> (vector<16xi1>, vector<16xf32>, vector<16xi32>)
      %masked_sort3A_283 = arith.constant dense<true> : vector<16xi1>
      %masked_sort3A_284, %masked_sort3A_285, %masked_sort3A_286 = tpu.sort %neg3A_172, %add3A_227 masked %masked_sort3A_283 : (vector<16xf32>, vector<16xi32>, vector<16xi1>) -> (vector<16xi1>, vector<16xf32>, vector<16xi32>)
      %masked_sort3A_287 = arith.constant dense<true> : vector<16xi1>
      %masked_sort3A_288, %masked_sort3A_289, %masked_sort3A_290 = tpu.sort %neg3A_177, %add3A_230 masked %masked_sort3A_287 : (vector<16xf32>, vector<16xi32>, vector<16xi1>) -> (vector<16xi1>, vector<16xf32>, vector<16xi32>)
      %masked_sort3A_291 = arith.constant dense<true> : vector<16xi1>
      %masked_sort3A_292, %masked_sort3A_293, %masked_sort3A_294 = tpu.sort %neg3A_182, %add3A_233 masked %masked_sort3A_291 : (vector<16xf32>, vector<16xi32>, vector<16xi1>) -> (vector<16xi1>, vector<16xf32>, vector<16xi32>)
      %masked_sort3A_295 = arith.constant dense<true> : vector<16xi1>
      %masked_sort3A_296, %masked_sort3A_297, %masked_sort3A_298 = tpu.sort %neg3A_187, %add3A_236 masked %masked_sort3A_295 : (vector<16xf32>, vector<16xi32>, vector<16xi1>) -> (vector<16xi1>, vector<16xf32>, vector<16xi32>)
      %masked_sort3A_299 = arith.constant dense<true> : vector<16xi1>
      %masked_sort3A_300, %masked_sort3A_301, %masked_sort3A_302 = tpu.sort %neg3A_192, %add3A_239 masked %masked_sort3A_299 : (vector<16xf32>, vector<16xi32>, vector<16xi1>) -> (vector<16xi1>, vector<16xf32>, vector<16xi32>)
      %rev3A = arith.constant 15 : i32
      %rev3A_303 = vector.broadcast %rev3A : i32 to vector<16xi32>
      %rev3A_304 = tpu.iota {dimensions = array<i32: 0>} : vector<16xi32>
      %rev3A_305 = arith.subi %rev3A_303, %rev3A_304 : vector<16xi32>
      %rev3A_306 = tpu.dynamic_gather %masked_sort3A_245[%rev3A_305] in [0] : vector<16xf32>, vector<16xi32> -> vector<16xf32>
      %rev3A_307 = arith.constant 15 : i32
      %rev3A_308 = vector.broadcast %rev3A_307 : i32 to vector<16xi32>
      %rev3A_309 = tpu.iota {dimensions = array<i32: 0>} : vector<16xi32>
      %rev3A_310 = arith.subi %rev3A_308, %rev3A_309 : vector<16xi32>
      %rev3A_311 = tpu.dynamic_gather %masked_sort3A_246[%rev3A_310] in [0] : vector<16xi32>, vector<16xi32> -> vector<16xi32>
      %le3A = arith.cmpf ole, %masked_sort3A_241, %rev3A_306 : vector<16xf32>
      %select_n3A = arith.select %le3A, %masked_sort3A_241, %rev3A_306 : vector<16xi1>, vector<16xf32>
      %select_n3A_312 = arith.select %le3A, %masked_sort3A_242, %rev3A_311 : vector<16xi1>, vector<16xi32>
      %select_n3A_313 = arith.select %le3A, %rev3A_306, %masked_sort3A_241 : vector<16xi1>, vector<16xf32>
      %select_n3A_314 = arith.select %le3A, %rev3A_311, %masked_sort3A_242 : vector<16xi1>, vector<16xi32>
      %masked_sort3A_315 = arith.constant dense<true> : vector<16xi1>
      %masked_sort3A_316, %masked_sort3A_317, %masked_sort3A_318 = tpu.sort %select_n3A, %select_n3A_312 masked %masked_sort3A_315 : (vector<16xf32>, vector<16xi32>, vector<16xi1>) -> (vector<16xi1>, vector<16xf32>, vector<16xi32>)
      %masked_sort3A_319 = arith.constant dense<true> : vector<16xi1>
      %masked_sort3A_320, %masked_sort3A_321, %masked_sort3A_322 = tpu.sort %select_n3A_313, %select_n3A_314 masked %masked_sort3A_319 : (vector<16xf32>, vector<16xi32>, vector<16xi1>) -> (vector<16xi1>, vector<16xf32>, vector<16xi32>)
      %rev3A_323 = arith.constant 15 : i32
      %rev3A_324 = vector.broadcast %rev3A_323 : i32 to vector<16xi32>
      %rev3A_325 = tpu.iota {dimensions = array<i32: 0>} : vector<16xi32>
      %rev3A_326 = arith.subi %rev3A_324, %rev3A_325 : vector<16xi32>
      %rev3A_327 = tpu.dynamic_gather %masked_sort3A_253[%rev3A_326] in [0] : vector<16xf32>, vector<16xi32> -> vector<16xf32>
      %rev3A_328 = arith.constant 15 : i32
      %rev3A_329 = vector.broadcast %rev3A_328 : i32 to vector<16xi32>
      %rev3A_330 = tpu.iota {dimensions = array<i32: 0>} : vector<16xi32>
      %rev3A_331 = arith.subi %rev3A_329, %rev3A_330 : vector<16xi32>
      %rev3A_332 = tpu.dynamic_gather %masked_sort3A_254[%rev3A_331] in [0] : vector<16xi32>, vector<16xi32> -> vector<16xi32>
      %le3A_333 = arith.cmpf ole, %masked_sort3A_249, %rev3A_327 : vector<16xf32>
      %select_n3A_334 = arith.select %le3A_333, %masked_sort3A_249, %rev3A_327 : vector<16xi1>, vector<16xf32>
      %select_n3A_335 = arith.select %le3A_333, %masked_sort3A_250, %rev3A_332 : vector<16xi1>, vector<16xi32>
      %select_n3A_336 = arith.select %le3A_333, %rev3A_327, %masked_sort3A_249 : vector<16xi1>, vector<16xf32>
      %select_n3A_337 = arith.select %le3A_333, %rev3A_332, %masked_sort3A_250 : vector<16xi1>, vector<16xi32>
      %masked_sort3A_338 = arith.constant dense<true> : vector<16xi1>
      %masked_sort3A_339, %masked_sort3A_340, %masked_sort3A_341 = tpu.sort %select_n3A_334, %select_n3A_335 masked %masked_sort3A_338 : (vector<16xf32>, vector<16xi32>, vector<16xi1>) -> (vector<16xi1>, vector<16xf32>, vector<16xi32>)
      %masked_sort3A_342 = arith.constant dense<true> : vector<16xi1>
      %masked_sort3A_343, %masked_sort3A_344, %masked_sort3A_345 = tpu.sort %select_n3A_336, %select_n3A_337 masked %masked_sort3A_342 : (vector<16xf32>, vector<16xi32>, vector<16xi1>) -> (vector<16xi1>, vector<16xf32>, vector<16xi32>)
      %rev3A_346 = arith.constant 15 : i32
      %rev3A_347 = vector.broadcast %rev3A_346 : i32 to vector<16xi32>
      %rev3A_348 = tpu.iota {dimensions = array<i32: 0>} : vector<16xi32>
      %rev3A_349 = arith.subi %rev3A_347, %rev3A_348 : vector<16xi32>
      %rev3A_350 = tpu.dynamic_gather %masked_sort3A_261[%rev3A_349] in [0] : vector<16xf32>, vector<16xi32> -> vector<16xf32>
      %rev3A_351 = arith.constant 15 : i32
      %rev3A_352 = vector.broadcast %rev3A_351 : i32 to vector<16xi32>
      %rev3A_353 = tpu.iota {dimensions = array<i32: 0>} : vector<16xi32>
      %rev3A_354 = arith.subi %rev3A_352, %rev3A_353 : vector<16xi32>
      %rev3A_355 = tpu.dynamic_gather %masked_sort3A_262[%rev3A_354] in [0] : vector<16xi32>, vector<16xi32> -> vector<16xi32>
      %le3A_356 = arith.cmpf ole, %masked_sort3A_257, %rev3A_350 : vector<16xf32>
      %select_n3A_357 = arith.select %le3A_356, %masked_sort3A_257, %rev3A_350 : vector<16xi1>, vector<16xf32>
      %select_n3A_358 = arith.select %le3A_356, %masked_sort3A_258, %rev3A_355 : vector<16xi1>, vector<16xi32>
      %select_n3A_359 = arith.select %le3A_356, %rev3A_350, %masked_sort3A_257 : vector<16xi1>, vector<16xf32>
      %select_n3A_360 = arith.select %le3A_356, %rev3A_355, %masked_sort3A_258 : vector<16xi1>, vector<16xi32>
      %masked_sort3A_361 = arith.constant dense<true> : vector<16xi1>
      %masked_sort3A_362, %masked_sort3A_363, %masked_sort3A_364 = tpu.sort %select_n3A_357, %select_n3A_358 masked %masked_sort3A_361 : (vector<16xf32>, vector<16xi32>, vector<16xi1>) -> (vector<16xi1>, vector<16xf32>, vector<16xi32>)
      %masked_sort3A_365 = arith.constant dense<true> : vector<16xi1>
      %masked_sort3A_366, %masked_sort3A_367, %masked_sort3A_368 = tpu.sort %select_n3A_359, %select_n3A_360 masked %masked_sort3A_365 : (vector<16xf32>, vector<16xi32>, vector<16xi1>) -> (vector<16xi1>, vector<16xf32>, vector<16xi32>)
      %rev3A_369 = arith.constant 15 : i32
      %rev3A_370 = vector.broadcast %rev3A_369 : i32 to vector<16xi32>
      %rev3A_371 = tpu.iota {dimensions = array<i32: 0>} : vector<16xi32>
      %rev3A_372 = arith.subi %rev3A_370, %rev3A_371 : vector<16xi32>
      %rev3A_373 = tpu.dynamic_gather %masked_sort3A_269[%rev3A_372] in [0] : vector<16xf32>, vector<16xi32> -> vector<16xf32>
      %rev3A_374 = arith.constant 15 : i32
      %rev3A_375 = vector.broadcast %rev3A_374 : i32 to vector<16xi32>
      %rev3A_376 = tpu.iota {dimensions = array<i32: 0>} : vector<16xi32>
      %rev3A_377 = arith.subi %rev3A_375, %rev3A_376 : vector<16xi32>
      %rev3A_378 = tpu.dynamic_gather %masked_sort3A_270[%rev3A_377] in [0] : vector<16xi32>, vector<16xi32> -> vector<16xi32>
      %le3A_379 = arith.cmpf ole, %masked_sort3A_265, %rev3A_373 : vector<16xf32>
      %select_n3A_380 = arith.select %le3A_379, %masked_sort3A_265, %rev3A_373 : vector<16xi1>, vector<16xf32>
      %select_n3A_381 = arith.select %le3A_379, %masked_sort3A_266, %rev3A_378 : vector<16xi1>, vector<16xi32>
      %select_n3A_382 = arith.select %le3A_379, %rev3A_373, %masked_sort3A_265 : vector<16xi1>, vector<16xf32>
      %select_n3A_383 = arith.select %le3A_379, %rev3A_378, %masked_sort3A_266 : vector<16xi1>, vector<16xi32>
      %masked_sort3A_384 = arith.constant dense<true> : vector<16xi1>
      %masked_sort3A_385, %masked_sort3A_386, %masked_sort3A_387 = tpu.sort %select_n3A_380, %select_n3A_381 masked %masked_sort3A_384 : (vector<16xf32>, vector<16xi32>, vector<16xi1>) -> (vector<16xi1>, vector<16xf32>, vector<16xi32>)
      %masked_sort3A_388 = arith.constant dense<true> : vector<16xi1>
      %masked_sort3A_389, %masked_sort3A_390, %masked_sort3A_391 = tpu.sort %select_n3A_382, %select_n3A_383 masked %masked_sort3A_388 : (vector<16xf32>, vector<16xi32>, vector<16xi1>) -> (vector<16xi1>, vector<16xf32>, vector<16xi32>)
      %rev3A_392 = arith.constant 15 : i32
      %rev3A_393 = vector.broadcast %rev3A_392 : i32 to vector<16xi32>
      %rev3A_394 = tpu.iota {dimensions = array<i32: 0>} : vector<16xi32>
      %rev3A_395 = arith.subi %rev3A_393, %rev3A_394 : vector<16xi32>
      %rev3A_396 = tpu.dynamic_gather %masked_sort3A_277[%rev3A_395] in [0] : vector<16xf32>, vector<16xi32> -> vector<16xf32>
      %rev3A_397 = arith.constant 15 : i32
      %rev3A_398 = vector.broadcast %rev3A_397 : i32 to vector<16xi32>
      %rev3A_399 = tpu.iota {dimensions = array<i32: 0>} : vector<16xi32>
      %rev3A_400 = arith.subi %rev3A_398, %rev3A_399 : vector<16xi32>
      %rev3A_401 = tpu.dynamic_gather %masked_sort3A_278[%rev3A_400] in [0] : vector<16xi32>, vector<16xi32> -> vector<16xi32>
      %le3A_402 = arith.cmpf ole, %masked_sort3A_273, %rev3A_396 : vector<16xf32>
      %select_n3A_403 = arith.select %le3A_402, %masked_sort3A_273, %rev3A_396 : vector<16xi1>, vector<16xf32>
      %select_n3A_404 = arith.select %le3A_402, %masked_sort3A_274, %rev3A_401 : vector<16xi1>, vector<16xi32>
      %select_n3A_405 = arith.select %le3A_402, %rev3A_396, %masked_sort3A_273 : vector<16xi1>, vector<16xf32>
      %select_n3A_406 = arith.select %le3A_402, %rev3A_401, %masked_sort3A_274 : vector<16xi1>, vector<16xi32>
      %masked_sort3A_407 = arith.constant dense<true> : vector<16xi1>
      %masked_sort3A_408, %masked_sort3A_409, %masked_sort3A_410 = tpu.sort %select_n3A_403, %select_n3A_404 masked %masked_sort3A_407 : (vector<16xf32>, vector<16xi32>, vector<16xi1>) -> (vector<16xi1>, vector<16xf32>, vector<16xi32>)
      %masked_sort3A_411 = arith.constant dense<true> : vector<16xi1>
      %masked_sort3A_412, %masked_sort3A_413, %masked_sort3A_414 = tpu.sort %select_n3A_405, %select_n3A_406 masked %masked_sort3A_411 : (vector<16xf32>, vector<16xi32>, vector<16xi1>) -> (vector<16xi1>, vector<16xf32>, vector<16xi32>)
      %rev3A_415 = arith.constant 15 : i32
      %rev3A_416 = vector.broadcast %rev3A_415 : i32 to vector<16xi32>
      %rev3A_417 = tpu.iota {dimensions = array<i32: 0>} : vector<16xi32>
      %rev3A_418 = arith.subi %rev3A_416, %rev3A_417 : vector<16xi32>
      %rev3A_419 = tpu.dynamic_gather %masked_sort3A_285[%rev3A_418] in [0] : vector<16xf32>, vector<16xi32> -> vector<16xf32>
      %rev3A_420 = arith.constant 15 : i32
      %rev3A_421 = vector.broadcast %rev3A_420 : i32 to vector<16xi32>
      %rev3A_422 = tpu.iota {dimensions = array<i32: 0>} : vector<16xi32>
      %rev3A_423 = arith.subi %rev3A_421, %rev3A_422 : vector<16xi32>
      %rev3A_424 = tpu.dynamic_gather %masked_sort3A_286[%rev3A_423] in [0] : vector<16xi32>, vector<16xi32> -> vector<16xi32>
      %le3A_425 = arith.cmpf ole, %masked_sort3A_281, %rev3A_419 : vector<16xf32>
      %select_n3A_426 = arith.select %le3A_425, %masked_sort3A_281, %rev3A_419 : vector<16xi1>, vector<16xf32>
      %select_n3A_427 = arith.select %le3A_425, %masked_sort3A_282, %rev3A_424 : vector<16xi1>, vector<16xi32>
      %select_n3A_428 = arith.select %le3A_425, %rev3A_419, %masked_sort3A_281 : vector<16xi1>, vector<16xf32>
      %select_n3A_429 = arith.select %le3A_425, %rev3A_424, %masked_sort3A_282 : vector<16xi1>, vector<16xi32>
      %masked_sort3A_430 = arith.constant dense<true> : vector<16xi1>
      %masked_sort3A_431, %masked_sort3A_432, %masked_sort3A_433 = tpu.sort %select_n3A_426, %select_n3A_427 masked %masked_sort3A_430 : (vector<16xf32>, vector<16xi32>, vector<16xi1>) -> (vector<16xi1>, vector<16xf32>, vector<16xi32>)
      %masked_sort3A_434 = arith.constant dense<true> : vector<16xi1>
      %masked_sort3A_435, %masked_sort3A_436, %masked_sort3A_437 = tpu.sort %select_n3A_428, %select_n3A_429 masked %masked_sort3A_434 : (vector<16xf32>, vector<16xi32>, vector<16xi1>) -> (vector<16xi1>, vector<16xf32>, vector<16xi32>)
      %rev3A_438 = arith.constant 15 : i32
      %rev3A_439 = vector.broadcast %rev3A_438 : i32 to vector<16xi32>
      %rev3A_440 = tpu.iota {dimensions = array<i32: 0>} : vector<16xi32>
      %rev3A_441 = arith.subi %rev3A_439, %rev3A_440 : vector<16xi32>
      %rev3A_442 = tpu.dynamic_gather %masked_sort3A_293[%rev3A_441] in [0] : vector<16xf32>, vector<16xi32> -> vector<16xf32>
      %rev3A_443 = arith.constant 15 : i32
      %rev3A_444 = vector.broadcast %rev3A_443 : i32 to vector<16xi32>
      %rev3A_445 = tpu.iota {dimensions = array<i32: 0>} : vector<16xi32>
      %rev3A_446 = arith.subi %rev3A_444, %rev3A_445 : vector<16xi32>
      %rev3A_447 = tpu.dynamic_gather %masked_sort3A_294[%rev3A_446] in [0] : vector<16xi32>, vector<16xi32> -> vector<16xi32>
      %le3A_448 = arith.cmpf ole, %masked_sort3A_289, %rev3A_442 : vector<16xf32>
      %select_n3A_449 = arith.select %le3A_448, %masked_sort3A_289, %rev3A_442 : vector<16xi1>, vector<16xf32>
      %select_n3A_450 = arith.select %le3A_448, %masked_sort3A_290, %rev3A_447 : vector<16xi1>, vector<16xi32>
      %select_n3A_451 = arith.select %le3A_448, %rev3A_442, %masked_sort3A_289 : vector<16xi1>, vector<16xf32>
      %select_n3A_452 = arith.select %le3A_448, %rev3A_447, %masked_sort3A_290 : vector<16xi1>, vector<16xi32>
      %masked_sort3A_453 = arith.constant dense<true> : vector<16xi1>
      %masked_sort3A_454, %masked_sort3A_455, %masked_sort3A_456 = tpu.sort %select_n3A_449, %select_n3A_450 masked %masked_sort3A_453 : (vector<16xf32>, vector<16xi32>, vector<16xi1>) -> (vector<16xi1>, vector<16xf32>, vector<16xi32>)
      %masked_sort3A_457 = arith.constant dense<true> : vector<16xi1>
      %masked_sort3A_458, %masked_sort3A_459, %masked_sort3A_460 = tpu.sort %select_n3A_451, %select_n3A_452 masked %masked_sort3A_457 : (vector<16xf32>, vector<16xi32>, vector<16xi1>) -> (vector<16xi1>, vector<16xf32>, vector<16xi32>)
      %rev3A_461 = arith.constant 15 : i32
      %rev3A_462 = vector.broadcast %rev3A_461 : i32 to vector<16xi32>
      %rev3A_463 = tpu.iota {dimensions = array<i32: 0>} : vector<16xi32>
      %rev3A_464 = arith.subi %rev3A_462, %rev3A_463 : vector<16xi32>
      %rev3A_465 = tpu.dynamic_gather %masked_sort3A_301[%rev3A_464] in [0] : vector<16xf32>, vector<16xi32> -> vector<16xf32>
      %rev3A_466 = arith.constant 15 : i32
      %rev3A_467 = vector.broadcast %rev3A_466 : i32 to vector<16xi32>
      %rev3A_468 = tpu.iota {dimensions = array<i32: 0>} : vector<16xi32>
      %rev3A_469 = arith.subi %rev3A_467, %rev3A_468 : vector<16xi32>
      %rev3A_470 = tpu.dynamic_gather %masked_sort3A_302[%rev3A_469] in [0] : vector<16xi32>, vector<16xi32> -> vector<16xi32>
      %le3A_471 = arith.cmpf ole, %masked_sort3A_297, %rev3A_465 : vector<16xf32>
      %select_n3A_472 = arith.select %le3A_471, %masked_sort3A_297, %rev3A_465 : vector<16xi1>, vector<16xf32>
      %select_n3A_473 = arith.select %le3A_471, %masked_sort3A_298, %rev3A_470 : vector<16xi1>, vector<16xi32>
      %select_n3A_474 = arith.select %le3A_471, %rev3A_465, %masked_sort3A_297 : vector<16xi1>, vector<16xf32>
      %select_n3A_475 = arith.select %le3A_471, %rev3A_470, %masked_sort3A_298 : vector<16xi1>, vector<16xi32>
      %masked_sort3A_476 = arith.constant dense<true> : vector<16xi1>
      %masked_sort3A_477, %masked_sort3A_478, %masked_sort3A_479 = tpu.sort %select_n3A_472, %select_n3A_473 masked %masked_sort3A_476 : (vector<16xf32>, vector<16xi32>, vector<16xi1>) -> (vector<16xi1>, vector<16xf32>, vector<16xi32>)
      %masked_sort3A_480 = arith.constant dense<true> : vector<16xi1>
      %masked_sort3A_481, %masked_sort3A_482, %masked_sort3A_483 = tpu.sort %select_n3A_474, %select_n3A_475 masked %masked_sort3A_480 : (vector<16xf32>, vector<16xi32>, vector<16xi1>) -> (vector<16xi1>, vector<16xf32>, vector<16xi32>)
      %rev3A_484 = arith.constant 15 : i32
      %rev3A_485 = vector.broadcast %rev3A_484 : i32 to vector<16xi32>
      %rev3A_486 = tpu.iota {dimensions = array<i32: 0>} : vector<16xi32>
      %rev3A_487 = arith.subi %rev3A_485, %rev3A_486 : vector<16xi32>
      %rev3A_488 = tpu.dynamic_gather %masked_sort3A_344[%rev3A_487] in [0] : vector<16xf32>, vector<16xi32> -> vector<16xf32>
      %rev3A_489 = arith.constant 15 : i32
      %rev3A_490 = vector.broadcast %rev3A_489 : i32 to vector<16xi32>
      %rev3A_491 = tpu.iota {dimensions = array<i32: 0>} : vector<16xi32>
      %rev3A_492 = arith.subi %rev3A_490, %rev3A_491 : vector<16xi32>
      %rev3A_493 = tpu.dynamic_gather %masked_sort3A_345[%rev3A_492] in [0] : vector<16xi32>, vector<16xi32> -> vector<16xi32>
      %rev3A_494 = arith.constant 15 : i32
      %rev3A_495 = vector.broadcast %rev3A_494 : i32 to vector<16xi32>
      %rev3A_496 = tpu.iota {dimensions = array<i32: 0>} : vector<16xi32>
      %rev3A_497 = arith.subi %rev3A_495, %rev3A_496 : vector<16xi32>
      %rev3A_498 = tpu.dynamic_gather %masked_sort3A_340[%rev3A_497] in [0] : vector<16xf32>, vector<16xi32> -> vector<16xf32>
      %rev3A_499 = arith.constant 15 : i32
      %rev3A_500 = vector.broadcast %rev3A_499 : i32 to vector<16xi32>
      %rev3A_501 = tpu.iota {dimensions = array<i32: 0>} : vector<16xi32>
      %rev3A_502 = arith.subi %rev3A_500, %rev3A_501 : vector<16xi32>
      %rev3A_503 = tpu.dynamic_gather %masked_sort3A_341[%rev3A_502] in [0] : vector<16xi32>, vector<16xi32> -> vector<16xi32>
      %le3A_504 = arith.cmpf ole, %masked_sort3A_317, %rev3A_488 : vector<16xf32>
      %select_n3A_505 = arith.select %le3A_504, %masked_sort3A_317, %rev3A_488 : vector<16xi1>, vector<16xf32>
      %select_n3A_506 = arith.select %le3A_504, %masked_sort3A_318, %rev3A_493 : vector<16xi1>, vector<16xi32>
      %select_n3A_507 = arith.select %le3A_504, %rev3A_488, %masked_sort3A_317 : vector<16xi1>, vector<16xf32>
      %select_n3A_508 = arith.select %le3A_504, %rev3A_493, %masked_sort3A_318 : vector<16xi1>, vector<16xi32>
      %le3A_509 = arith.cmpf ole, %masked_sort3A_321, %rev3A_498 : vector<16xf32>
      %select_n3A_510 = arith.select %le3A_509, %masked_sort3A_321, %rev3A_498 : vector<16xi1>, vector<16xf32>
      %select_n3A_511 = arith.select %le3A_509, %masked_sort3A_322, %rev3A_503 : vector<16xi1>, vector<16xi32>
      %select_n3A_512 = arith.select %le3A_509, %rev3A_498, %masked_sort3A_321 : vector<16xi1>, vector<16xf32>
      %select_n3A_513 = arith.select %le3A_509, %rev3A_503, %masked_sort3A_322 : vector<16xi1>, vector<16xi32>
      %le3A_514 = arith.cmpf ole, %select_n3A_505, %select_n3A_510 : vector<16xf32>
      %select_n3A_515 = arith.select %le3A_514, %select_n3A_505, %select_n3A_510 : vector<16xi1>, vector<16xf32>
      %select_n3A_516 = arith.select %le3A_514, %select_n3A_506, %select_n3A_511 : vector<16xi1>, vector<16xi32>
      %select_n3A_517 = arith.select %le3A_514, %select_n3A_510, %select_n3A_505 : vector<16xi1>, vector<16xf32>
      %select_n3A_518 = arith.select %le3A_514, %select_n3A_511, %select_n3A_506 : vector<16xi1>, vector<16xi32>
      %le3A_519 = arith.cmpf ole, %select_n3A_507, %select_n3A_512 : vector<16xf32>
      %select_n3A_520 = arith.select %le3A_519, %select_n3A_507, %select_n3A_512 : vector<16xi1>, vector<16xf32>
      %select_n3A_521 = arith.select %le3A_519, %select_n3A_508, %select_n3A_513 : vector<16xi1>, vector<16xi32>
      %select_n3A_522 = arith.select %le3A_519, %select_n3A_512, %select_n3A_507 : vector<16xi1>, vector<16xf32>
      %select_n3A_523 = arith.select %le3A_519, %select_n3A_513, %select_n3A_508 : vector<16xi1>, vector<16xi32>
      %masked_sort3A_524 = arith.constant dense<true> : vector<16xi1>
      %masked_sort3A_525, %masked_sort3A_526, %masked_sort3A_527 = tpu.sort %select_n3A_515, %select_n3A_516 masked %masked_sort3A_524 : (vector<16xf32>, vector<16xi32>, vector<16xi1>) -> (vector<16xi1>, vector<16xf32>, vector<16xi32>)
      %masked_sort3A_528 = arith.constant dense<true> : vector<16xi1>
      %masked_sort3A_529, %masked_sort3A_530, %masked_sort3A_531 = tpu.sort %select_n3A_517, %select_n3A_518 masked %masked_sort3A_528 : (vector<16xf32>, vector<16xi32>, vector<16xi1>) -> (vector<16xi1>, vector<16xf32>, vector<16xi32>)
      %masked_sort3A_532 = arith.constant dense<true> : vector<16xi1>
      %masked_sort3A_533, %masked_sort3A_534, %masked_sort3A_535 = tpu.sort %select_n3A_520, %select_n3A_521 masked %masked_sort3A_532 : (vector<16xf32>, vector<16xi32>, vector<16xi1>) -> (vector<16xi1>, vector<16xf32>, vector<16xi32>)
      %masked_sort3A_536 = arith.constant dense<true> : vector<16xi1>
      %masked_sort3A_537, %masked_sort3A_538, %masked_sort3A_539 = tpu.sort %select_n3A_522, %select_n3A_523 masked %masked_sort3A_536 : (vector<16xf32>, vector<16xi32>, vector<16xi1>) -> (vector<16xi1>, vector<16xf32>, vector<16xi32>)
      %rev3A_540 = arith.constant 15 : i32
      %rev3A_541 = vector.broadcast %rev3A_540 : i32 to vector<16xi32>
      %rev3A_542 = tpu.iota {dimensions = array<i32: 0>} : vector<16xi32>
      %rev3A_543 = arith.subi %rev3A_541, %rev3A_542 : vector<16xi32>
      %rev3A_544 = tpu.dynamic_gather %masked_sort3A_390[%rev3A_543] in [0] : vector<16xf32>, vector<16xi32> -> vector<16xf32>
      %rev3A_545 = arith.constant 15 : i32
      %rev3A_546 = vector.broadcast %rev3A_545 : i32 to vector<16xi32>
      %rev3A_547 = tpu.iota {dimensions = array<i32: 0>} : vector<16xi32>
      %rev3A_548 = arith.subi %rev3A_546, %rev3A_547 : vector<16xi32>
      %rev3A_549 = tpu.dynamic_gather %masked_sort3A_391[%rev3A_548] in [0] : vector<16xi32>, vector<16xi32> -> vector<16xi32>
      %rev3A_550 = arith.constant 15 : i32
      %rev3A_551 = vector.broadcast %rev3A_550 : i32 to vector<16xi32>
      %rev3A_552 = tpu.iota {dimensions = array<i32: 0>} : vector<16xi32>
      %rev3A_553 = arith.subi %rev3A_551, %rev3A_552 : vector<16xi32>
      %rev3A_554 = tpu.dynamic_gather %masked_sort3A_386[%rev3A_553] in [0] : vector<16xf32>, vector<16xi32> -> vector<16xf32>
      %rev3A_555 = arith.constant 15 : i32
      %rev3A_556 = vector.broadcast %rev3A_555 : i32 to vector<16xi32>
      %rev3A_557 = tpu.iota {dimensions = array<i32: 0>} : vector<16xi32>
      %rev3A_558 = arith.subi %rev3A_556, %rev3A_557 : vector<16xi32>
      %rev3A_559 = tpu.dynamic_gather %masked_sort3A_387[%rev3A_558] in [0] : vector<16xi32>, vector<16xi32> -> vector<16xi32>
      %le3A_560 = arith.cmpf ole, %masked_sort3A_363, %rev3A_544 : vector<16xf32>
      %select_n3A_561 = arith.select %le3A_560, %masked_sort3A_363, %rev3A_544 : vector<16xi1>, vector<16xf32>
      %select_n3A_562 = arith.select %le3A_560, %masked_sort3A_364, %rev3A_549 : vector<16xi1>, vector<16xi32>
      %select_n3A_563 = arith.select %le3A_560, %rev3A_544, %masked_sort3A_363 : vector<16xi1>, vector<16xf32>
      %select_n3A_564 = arith.select %le3A_560, %rev3A_549, %masked_sort3A_364 : vector<16xi1>, vector<16xi32>
      %le3A_565 = arith.cmpf ole, %masked_sort3A_367, %rev3A_554 : vector<16xf32>
      %select_n3A_566 = arith.select %le3A_565, %masked_sort3A_367, %rev3A_554 : vector<16xi1>, vector<16xf32>
      %select_n3A_567 = arith.select %le3A_565, %masked_sort3A_368, %rev3A_559 : vector<16xi1>, vector<16xi32>
      %select_n3A_568 = arith.select %le3A_565, %rev3A_554, %masked_sort3A_367 : vector<16xi1>, vector<16xf32>
      %select_n3A_569 = arith.select %le3A_565, %rev3A_559, %masked_sort3A_368 : vector<16xi1>, vector<16xi32>
      %le3A_570 = arith.cmpf ole, %select_n3A_561, %select_n3A_566 : vector<16xf32>
      %select_n3A_571 = arith.select %le3A_570, %select_n3A_561, %select_n3A_566 : vector<16xi1>, vector<16xf32>
      %select_n3A_572 = arith.select %le3A_570, %select_n3A_562, %select_n3A_567 : vector<16xi1>, vector<16xi32>
      %select_n3A_573 = arith.select %le3A_570, %select_n3A_566, %select_n3A_561 : vector<16xi1>, vector<16xf32>
      %select_n3A_574 = arith.select %le3A_570, %select_n3A_567, %select_n3A_562 : vector<16xi1>, vector<16xi32>
      %le3A_575 = arith.cmpf ole, %select_n3A_563, %select_n3A_568 : vector<16xf32>
      %select_n3A_576 = arith.select %le3A_575, %select_n3A_563, %select_n3A_568 : vector<16xi1>, vector<16xf32>
      %select_n3A_577 = arith.select %le3A_575, %select_n3A_564, %select_n3A_569 : vector<16xi1>, vector<16xi32>
      %select_n3A_578 = arith.select %le3A_575, %select_n3A_568, %select_n3A_563 : vector<16xi1>, vector<16xf32>
      %select_n3A_579 = arith.select %le3A_575, %select_n3A_569, %select_n3A_564 : vector<16xi1>, vector<16xi32>
      %masked_sort3A_580 = arith.constant dense<true> : vector<16xi1>
      %masked_sort3A_581, %masked_sort3A_582, %masked_sort3A_583 = tpu.sort %select_n3A_571, %select_n3A_572 masked %masked_sort3A_580 : (vector<16xf32>, vector<16xi32>, vector<16xi1>) -> (vector<16xi1>, vector<16xf32>, vector<16xi32>)
      %masked_sort3A_584 = arith.constant dense<true> : vector<16xi1>
      %masked_sort3A_585, %masked_sort3A_586, %masked_sort3A_587 = tpu.sort %select_n3A_573, %select_n3A_574 masked %masked_sort3A_584 : (vector<16xf32>, vector<16xi32>, vector<16xi1>) -> (vector<16xi1>, vector<16xf32>, vector<16xi32>)
      %masked_sort3A_588 = arith.constant dense<true> : vector<16xi1>
      %masked_sort3A_589, %masked_sort3A_590, %masked_sort3A_591 = tpu.sort %select_n3A_576, %select_n3A_577 masked %masked_sort3A_588 : (vector<16xf32>, vector<16xi32>, vector<16xi1>) -> (vector<16xi1>, vector<16xf32>, vector<16xi32>)
      %masked_sort3A_592 = arith.constant dense<true> : vector<16xi1>
      %masked_sort3A_593, %masked_sort3A_594, %masked_sort3A_595 = tpu.sort %select_n3A_578, %select_n3A_579 masked %masked_sort3A_592 : (vector<16xf32>, vector<16xi32>, vector<16xi1>) -> (vector<16xi1>, vector<16xf32>, vector<16xi32>)
      %rev3A_596 = arith.constant 15 : i32
      %rev3A_597 = vector.broadcast %rev3A_596 : i32 to vector<16xi32>
      %rev3A_598 = tpu.iota {dimensions = array<i32: 0>} : vector<16xi32>
      %rev3A_599 = arith.subi %rev3A_597, %rev3A_598 : vector<16xi32>
      %rev3A_600 = tpu.dynamic_gather %masked_sort3A_436[%rev3A_599] in [0] : vector<16xf32>, vector<16xi32> -> vector<16xf32>
      %rev3A_601 = arith.constant 15 : i32
      %rev3A_602 = vector.broadcast %rev3A_601 : i32 to vector<16xi32>
      %rev3A_603 = tpu.iota {dimensions = array<i32: 0>} : vector<16xi32>
      %rev3A_604 = arith.subi %rev3A_602, %rev3A_603 : vector<16xi32>
      %rev3A_605 = tpu.dynamic_gather %masked_sort3A_437[%rev3A_604] in [0] : vector<16xi32>, vector<16xi32> -> vector<16xi32>
      %rev3A_606 = arith.constant 15 : i32
      %rev3A_607 = vector.broadcast %rev3A_606 : i32 to vector<16xi32>
      %rev3A_608 = tpu.iota {dimensions = array<i32: 0>} : vector<16xi32>
      %rev3A_609 = arith.subi %rev3A_607, %rev3A_608 : vector<16xi32>
      %rev3A_610 = tpu.dynamic_gather %masked_sort3A_432[%rev3A_609] in [0] : vector<16xf32>, vector<16xi32> -> vector<16xf32>
      %rev3A_611 = arith.constant 15 : i32
      %rev3A_612 = vector.broadcast %rev3A_611 : i32 to vector<16xi32>
      %rev3A_613 = tpu.iota {dimensions = array<i32: 0>} : vector<16xi32>
      %rev3A_614 = arith.subi %rev3A_612, %rev3A_613 : vector<16xi32>
      %rev3A_615 = tpu.dynamic_gather %masked_sort3A_433[%rev3A_614] in [0] : vector<16xi32>, vector<16xi32> -> vector<16xi32>
      %le3A_616 = arith.cmpf ole, %masked_sort3A_409, %rev3A_600 : vector<16xf32>
      %select_n3A_617 = arith.select %le3A_616, %masked_sort3A_409, %rev3A_600 : vector<16xi1>, vector<16xf32>
      %select_n3A_618 = arith.select %le3A_616, %masked_sort3A_410, %rev3A_605 : vector<16xi1>, vector<16xi32>
      %select_n3A_619 = arith.select %le3A_616, %rev3A_600, %masked_sort3A_409 : vector<16xi1>, vector<16xf32>
      %select_n3A_620 = arith.select %le3A_616, %rev3A_605, %masked_sort3A_410 : vector<16xi1>, vector<16xi32>
      %le3A_621 = arith.cmpf ole, %masked_sort3A_413, %rev3A_610 : vector<16xf32>
      %select_n3A_622 = arith.select %le3A_621, %masked_sort3A_413, %rev3A_610 : vector<16xi1>, vector<16xf32>
      %select_n3A_623 = arith.select %le3A_621, %masked_sort3A_414, %rev3A_615 : vector<16xi1>, vector<16xi32>
      %select_n3A_624 = arith.select %le3A_621, %rev3A_610, %masked_sort3A_413 : vector<16xi1>, vector<16xf32>
      %select_n3A_625 = arith.select %le3A_621, %rev3A_615, %masked_sort3A_414 : vector<16xi1>, vector<16xi32>
      %le3A_626 = arith.cmpf ole, %select_n3A_617, %select_n3A_622 : vector<16xf32>
      %select_n3A_627 = arith.select %le3A_626, %select_n3A_617, %select_n3A_622 : vector<16xi1>, vector<16xf32>
      %select_n3A_628 = arith.select %le3A_626, %select_n3A_618, %select_n3A_623 : vector<16xi1>, vector<16xi32>
      %select_n3A_629 = arith.select %le3A_626, %select_n3A_622, %select_n3A_617 : vector<16xi1>, vector<16xf32>
      %select_n3A_630 = arith.select %le3A_626, %select_n3A_623, %select_n3A_618 : vector<16xi1>, vector<16xi32>
      %le3A_631 = arith.cmpf ole, %select_n3A_619, %select_n3A_624 : vector<16xf32>
      %select_n3A_632 = arith.select %le3A_631, %select_n3A_619, %select_n3A_624 : vector<16xi1>, vector<16xf32>
      %select_n3A_633 = arith.select %le3A_631, %select_n3A_620, %select_n3A_625 : vector<16xi1>, vector<16xi32>
      %select_n3A_634 = arith.select %le3A_631, %select_n3A_624, %select_n3A_619 : vector<16xi1>, vector<16xf32>
      %select_n3A_635 = arith.select %le3A_631, %select_n3A_625, %select_n3A_620 : vector<16xi1>, vector<16xi32>
      %masked_sort3A_636 = arith.constant dense<true> : vector<16xi1>
      %masked_sort3A_637, %masked_sort3A_638, %masked_sort3A_639 = tpu.sort %select_n3A_627, %select_n3A_628 masked %masked_sort3A_636 : (vector<16xf32>, vector<16xi32>, vector<16xi1>) -> (vector<16xi1>, vector<16xf32>, vector<16xi32>)
      %masked_sort3A_640 = arith.constant dense<true> : vector<16xi1>
      %masked_sort3A_641, %masked_sort3A_642, %masked_sort3A_643 = tpu.sort %select_n3A_629, %select_n3A_630 masked %masked_sort3A_640 : (vector<16xf32>, vector<16xi32>, vector<16xi1>) -> (vector<16xi1>, vector<16xf32>, vector<16xi32>)
      %masked_sort3A_644 = arith.constant dense<true> : vector<16xi1>
      %masked_sort3A_645, %masked_sort3A_646, %masked_sort3A_647 = tpu.sort %select_n3A_632, %select_n3A_633 masked %masked_sort3A_644 : (vector<16xf32>, vector<16xi32>, vector<16xi1>) -> (vector<16xi1>, vector<16xf32>, vector<16xi32>)
      %masked_sort3A_648 = arith.constant dense<true> : vector<16xi1>
      %masked_sort3A_649, %masked_sort3A_650, %masked_sort3A_651 = tpu.sort %select_n3A_634, %select_n3A_635 masked %masked_sort3A_648 : (vector<16xf32>, vector<16xi32>, vector<16xi1>) -> (vector<16xi1>, vector<16xf32>, vector<16xi32>)
      %rev3A_652 = arith.constant 15 : i32
      %rev3A_653 = vector.broadcast %rev3A_652 : i32 to vector<16xi32>
      %rev3A_654 = tpu.iota {dimensions = array<i32: 0>} : vector<16xi32>
      %rev3A_655 = arith.subi %rev3A_653, %rev3A_654 : vector<16xi32>
      %rev3A_656 = tpu.dynamic_gather %masked_sort3A_482[%rev3A_655] in [0] : vector<16xf32>, vector<16xi32> -> vector<16xf32>
      %rev3A_657 = arith.constant 15 : i32
      %rev3A_658 = vector.broadcast %rev3A_657 : i32 to vector<16xi32>
      %rev3A_659 = tpu.iota {dimensions = array<i32: 0>} : vector<16xi32>
      %rev3A_660 = arith.subi %rev3A_658, %rev3A_659 : vector<16xi32>
      %rev3A_661 = tpu.dynamic_gather %masked_sort3A_483[%rev3A_660] in [0] : vector<16xi32>, vector<16xi32> -> vector<16xi32>
      %rev3A_662 = arith.constant 15 : i32
      %rev3A_663 = vector.broadcast %rev3A_662 : i32 to vector<16xi32>
      %rev3A_664 = tpu.iota {dimensions = array<i32: 0>} : vector<16xi32>
      %rev3A_665 = arith.subi %rev3A_663, %rev3A_664 : vector<16xi32>
      %rev3A_666 = tpu.dynamic_gather %masked_sort3A_478[%rev3A_665] in [0] : vector<16xf32>, vector<16xi32> -> vector<16xf32>
      %rev3A_667 = arith.constant 15 : i32
      %rev3A_668 = vector.broadcast %rev3A_667 : i32 to vector<16xi32>
      %rev3A_669 = tpu.iota {dimensions = array<i32: 0>} : vector<16xi32>
      %rev3A_670 = arith.subi %rev3A_668, %rev3A_669 : vector<16xi32>
      %rev3A_671 = tpu.dynamic_gather %masked_sort3A_479[%rev3A_670] in [0] : vector<16xi32>, vector<16xi32> -> vector<16xi32>
      %le3A_672 = arith.cmpf ole, %masked_sort3A_455, %rev3A_656 : vector<16xf32>
      %select_n3A_673 = arith.select %le3A_672, %masked_sort3A_455, %rev3A_656 : vector<16xi1>, vector<16xf32>
      %select_n3A_674 = arith.select %le3A_672, %masked_sort3A_456, %rev3A_661 : vector<16xi1>, vector<16xi32>
      %select_n3A_675 = arith.select %le3A_672, %rev3A_656, %masked_sort3A_455 : vector<16xi1>, vector<16xf32>
      %select_n3A_676 = arith.select %le3A_672, %rev3A_661, %masked_sort3A_456 : vector<16xi1>, vector<16xi32>
      %le3A_677 = arith.cmpf ole, %masked_sort3A_459, %rev3A_666 : vector<16xf32>
      %select_n3A_678 = arith.select %le3A_677, %masked_sort3A_459, %rev3A_666 : vector<16xi1>, vector<16xf32>
      %select_n3A_679 = arith.select %le3A_677, %masked_sort3A_460, %rev3A_671 : vector<16xi1>, vector<16xi32>
      %select_n3A_680 = arith.select %le3A_677, %rev3A_666, %masked_sort3A_459 : vector<16xi1>, vector<16xf32>
      %select_n3A_681 = arith.select %le3A_677, %rev3A_671, %masked_sort3A_460 : vector<16xi1>, vector<16xi32>
      %le3A_682 = arith.cmpf ole, %select_n3A_673, %select_n3A_678 : vector<16xf32>
      %select_n3A_683 = arith.select %le3A_682, %select_n3A_673, %select_n3A_678 : vector<16xi1>, vector<16xf32>
      %select_n3A_684 = arith.select %le3A_682, %select_n3A_674, %select_n3A_679 : vector<16xi1>, vector<16xi32>
      %select_n3A_685 = arith.select %le3A_682, %select_n3A_678, %select_n3A_673 : vector<16xi1>, vector<16xf32>
      %select_n3A_686 = arith.select %le3A_682, %select_n3A_679, %select_n3A_674 : vector<16xi1>, vector<16xi32>
      %le3A_687 = arith.cmpf ole, %select_n3A_675, %select_n3A_680 : vector<16xf32>
      %select_n3A_688 = arith.select %le3A_687, %select_n3A_675, %select_n3A_680 : vector<16xi1>, vector<16xf32>
      %select_n3A_689 = arith.select %le3A_687, %select_n3A_676, %select_n3A_681 : vector<16xi1>, vector<16xi32>
      %select_n3A_690 = arith.select %le3A_687, %select_n3A_680, %select_n3A_675 : vector<16xi1>, vector<16xf32>
      %select_n3A_691 = arith.select %le3A_687, %select_n3A_681, %select_n3A_676 : vector<16xi1>, vector<16xi32>
      %masked_sort3A_692 = arith.constant dense<true> : vector<16xi1>
      %masked_sort3A_693, %masked_sort3A_694, %masked_sort3A_695 = tpu.sort %select_n3A_683, %select_n3A_684 masked %masked_sort3A_692 : (vector<16xf32>, vector<16xi32>, vector<16xi1>) -> (vector<16xi1>, vector<16xf32>, vector<16xi32>)
      %masked_sort3A_696 = arith.constant dense<true> : vector<16xi1>
      %masked_sort3A_697, %masked_sort3A_698, %masked_sort3A_699 = tpu.sort %select_n3A_685, %select_n3A_686 masked %masked_sort3A_696 : (vector<16xf32>, vector<16xi32>, vector<16xi1>) -> (vector<16xi1>, vector<16xf32>, vector<16xi32>)
      %masked_sort3A_700 = arith.constant dense<true> : vector<16xi1>
      %masked_sort3A_701, %masked_sort3A_702, %masked_sort3A_703 = tpu.sort %select_n3A_688, %select_n3A_689 masked %masked_sort3A_700 : (vector<16xf32>, vector<16xi32>, vector<16xi1>) -> (vector<16xi1>, vector<16xf32>, vector<16xi32>)
      %masked_sort3A_704 = arith.constant dense<true> : vector<16xi1>
      %masked_sort3A_705, %masked_sort3A_706, %masked_sort3A_707 = tpu.sort %select_n3A_690, %select_n3A_691 masked %masked_sort3A_704 : (vector<16xf32>, vector<16xi32>, vector<16xi1>) -> (vector<16xi1>, vector<16xf32>, vector<16xi32>)
      %rev3A_708 = arith.constant 15 : i32
      %rev3A_709 = vector.broadcast %rev3A_708 : i32 to vector<16xi32>
      %rev3A_710 = tpu.iota {dimensions = array<i32: 0>} : vector<16xi32>
      %rev3A_711 = arith.subi %rev3A_709, %rev3A_710 : vector<16xi32>
      %rev3A_712 = tpu.dynamic_gather %masked_sort3A_594[%rev3A_711] in [0] : vector<16xf32>, vector<16xi32> -> vector<16xf32>
      %rev3A_713 = arith.constant 15 : i32
      %rev3A_714 = vector.broadcast %rev3A_713 : i32 to vector<16xi32>
      %rev3A_715 = tpu.iota {dimensions = array<i32: 0>} : vector<16xi32>
      %rev3A_716 = arith.subi %rev3A_714, %rev3A_715 : vector<16xi32>
      %rev3A_717 = tpu.dynamic_gather %masked_sort3A_595[%rev3A_716] in [0] : vector<16xi32>, vector<16xi32> -> vector<16xi32>
      %rev3A_718 = arith.constant 15 : i32
      %rev3A_719 = vector.broadcast %rev3A_718 : i32 to vector<16xi32>
      %rev3A_720 = tpu.iota {dimensions = array<i32: 0>} : vector<16xi32>
      %rev3A_721 = arith.subi %rev3A_719, %rev3A_720 : vector<16xi32>
      %rev3A_722 = tpu.dynamic_gather %masked_sort3A_590[%rev3A_721] in [0] : vector<16xf32>, vector<16xi32> -> vector<16xf32>
      %rev3A_723 = arith.constant 15 : i32
      %rev3A_724 = vector.broadcast %rev3A_723 : i32 to vector<16xi32>
      %rev3A_725 = tpu.iota {dimensions = array<i32: 0>} : vector<16xi32>
      %rev3A_726 = arith.subi %rev3A_724, %rev3A_725 : vector<16xi32>
      %rev3A_727 = tpu.dynamic_gather %masked_sort3A_591[%rev3A_726] in [0] : vector<16xi32>, vector<16xi32> -> vector<16xi32>
      %rev3A_728 = arith.constant 15 : i32
      %rev3A_729 = vector.broadcast %rev3A_728 : i32 to vector<16xi32>
      %rev3A_730 = tpu.iota {dimensions = array<i32: 0>} : vector<16xi32>
      %rev3A_731 = arith.subi %rev3A_729, %rev3A_730 : vector<16xi32>
      %rev3A_732 = tpu.dynamic_gather %masked_sort3A_586[%rev3A_731] in [0] : vector<16xf32>, vector<16xi32> -> vector<16xf32>
      %rev3A_733 = arith.constant 15 : i32
      %rev3A_734 = vector.broadcast %rev3A_733 : i32 to vector<16xi32>
      %rev3A_735 = tpu.iota {dimensions = array<i32: 0>} : vector<16xi32>
      %rev3A_736 = arith.subi %rev3A_734, %rev3A_735 : vector<16xi32>
      %rev3A_737 = tpu.dynamic_gather %masked_sort3A_587[%rev3A_736] in [0] : vector<16xi32>, vector<16xi32> -> vector<16xi32>
      %rev3A_738 = arith.constant 15 : i32
      %rev3A_739 = vector.broadcast %rev3A_738 : i32 to vector<16xi32>
      %rev3A_740 = tpu.iota {dimensions = array<i32: 0>} : vector<16xi32>
      %rev3A_741 = arith.subi %rev3A_739, %rev3A_740 : vector<16xi32>
      %rev3A_742 = tpu.dynamic_gather %masked_sort3A_582[%rev3A_741] in [0] : vector<16xf32>, vector<16xi32> -> vector<16xf32>
      %rev3A_743 = arith.constant 15 : i32
      %rev3A_744 = vector.broadcast %rev3A_743 : i32 to vector<16xi32>
      %rev3A_745 = tpu.iota {dimensions = array<i32: 0>} : vector<16xi32>
      %rev3A_746 = arith.subi %rev3A_744, %rev3A_745 : vector<16xi32>
      %rev3A_747 = tpu.dynamic_gather %masked_sort3A_583[%rev3A_746] in [0] : vector<16xi32>, vector<16xi32> -> vector<16xi32>
      %le3A_748 = arith.cmpf ole, %masked_sort3A_526, %rev3A_712 : vector<16xf32>
      %select_n3A_749 = arith.select %le3A_748, %masked_sort3A_526, %rev3A_712 : vector<16xi1>, vector<16xf32>
      %select_n3A_750 = arith.select %le3A_748, %masked_sort3A_527, %rev3A_717 : vector<16xi1>, vector<16xi32>
      %select_n3A_751 = arith.select %le3A_748, %rev3A_712, %masked_sort3A_526 : vector<16xi1>, vector<16xf32>
      %select_n3A_752 = arith.select %le3A_748, %rev3A_717, %masked_sort3A_527 : vector<16xi1>, vector<16xi32>
      %le3A_753 = arith.cmpf ole, %masked_sort3A_530, %rev3A_722 : vector<16xf32>
      %select_n3A_754 = arith.select %le3A_753, %masked_sort3A_530, %rev3A_722 : vector<16xi1>, vector<16xf32>
      %select_n3A_755 = arith.select %le3A_753, %masked_sort3A_531, %rev3A_727 : vector<16xi1>, vector<16xi32>
      %select_n3A_756 = arith.select %le3A_753, %rev3A_722, %masked_sort3A_530 : vector<16xi1>, vector<16xf32>
      %select_n3A_757 = arith.select %le3A_753, %rev3A_727, %masked_sort3A_531 : vector<16xi1>, vector<16xi32>
      %le3A_758 = arith.cmpf ole, %masked_sort3A_534, %rev3A_732 : vector<16xf32>
      %select_n3A_759 = arith.select %le3A_758, %masked_sort3A_534, %rev3A_732 : vector<16xi1>, vector<16xf32>
      %select_n3A_760 = arith.select %le3A_758, %masked_sort3A_535, %rev3A_737 : vector<16xi1>, vector<16xi32>
      %select_n3A_761 = arith.select %le3A_758, %rev3A_732, %masked_sort3A_534 : vector<16xi1>, vector<16xf32>
      %select_n3A_762 = arith.select %le3A_758, %rev3A_737, %masked_sort3A_535 : vector<16xi1>, vector<16xi32>
      %le3A_763 = arith.cmpf ole, %masked_sort3A_538, %rev3A_742 : vector<16xf32>
      %select_n3A_764 = arith.select %le3A_763, %masked_sort3A_538, %rev3A_742 : vector<16xi1>, vector<16xf32>
      %select_n3A_765 = arith.select %le3A_763, %masked_sort3A_539, %rev3A_747 : vector<16xi1>, vector<16xi32>
      %select_n3A_766 = arith.select %le3A_763, %rev3A_742, %masked_sort3A_538 : vector<16xi1>, vector<16xf32>
      %select_n3A_767 = arith.select %le3A_763, %rev3A_747, %masked_sort3A_539 : vector<16xi1>, vector<16xi32>
      %le3A_768 = arith.cmpf ole, %select_n3A_749, %select_n3A_759 : vector<16xf32>
      %select_n3A_769 = arith.select %le3A_768, %select_n3A_749, %select_n3A_759 : vector<16xi1>, vector<16xf32>
      %select_n3A_770 = arith.select %le3A_768, %select_n3A_750, %select_n3A_760 : vector<16xi1>, vector<16xi32>
      %select_n3A_771 = arith.select %le3A_768, %select_n3A_759, %select_n3A_749 : vector<16xi1>, vector<16xf32>
      %select_n3A_772 = arith.select %le3A_768, %select_n3A_760, %select_n3A_750 : vector<16xi1>, vector<16xi32>
      %le3A_773 = arith.cmpf ole, %select_n3A_754, %select_n3A_764 : vector<16xf32>
      %select_n3A_774 = arith.select %le3A_773, %select_n3A_754, %select_n3A_764 : vector<16xi1>, vector<16xf32>
      %select_n3A_775 = arith.select %le3A_773, %select_n3A_755, %select_n3A_765 : vector<16xi1>, vector<16xi32>
      %select_n3A_776 = arith.select %le3A_773, %select_n3A_764, %select_n3A_754 : vector<16xi1>, vector<16xf32>
      %select_n3A_777 = arith.select %le3A_773, %select_n3A_765, %select_n3A_755 : vector<16xi1>, vector<16xi32>
      %le3A_778 = arith.cmpf ole, %select_n3A_751, %select_n3A_761 : vector<16xf32>
      %select_n3A_779 = arith.select %le3A_778, %select_n3A_751, %select_n3A_761 : vector<16xi1>, vector<16xf32>
      %select_n3A_780 = arith.select %le3A_778, %select_n3A_752, %select_n3A_762 : vector<16xi1>, vector<16xi32>
      %select_n3A_781 = arith.select %le3A_778, %select_n3A_761, %select_n3A_751 : vector<16xi1>, vector<16xf32>
      %select_n3A_782 = arith.select %le3A_778, %select_n3A_762, %select_n3A_752 : vector<16xi1>, vector<16xi32>
      %le3A_783 = arith.cmpf ole, %select_n3A_756, %select_n3A_766 : vector<16xf32>
      %select_n3A_784 = arith.select %le3A_783, %select_n3A_756, %select_n3A_766 : vector<16xi1>, vector<16xf32>
      %select_n3A_785 = arith.select %le3A_783, %select_n3A_757, %select_n3A_767 : vector<16xi1>, vector<16xi32>
      %select_n3A_786 = arith.select %le3A_783, %select_n3A_766, %select_n3A_756 : vector<16xi1>, vector<16xf32>
      %select_n3A_787 = arith.select %le3A_783, %select_n3A_767, %select_n3A_757 : vector<16xi1>, vector<16xi32>
      %le3A_788 = arith.cmpf ole, %select_n3A_769, %select_n3A_774 : vector<16xf32>
      %select_n3A_789 = arith.select %le3A_788, %select_n3A_769, %select_n3A_774 : vector<16xi1>, vector<16xf32>
      %select_n3A_790 = arith.select %le3A_788, %select_n3A_770, %select_n3A_775 : vector<16xi1>, vector<16xi32>
      %select_n3A_791 = arith.select %le3A_788, %select_n3A_774, %select_n3A_769 : vector<16xi1>, vector<16xf32>
      %select_n3A_792 = arith.select %le3A_788, %select_n3A_775, %select_n3A_770 : vector<16xi1>, vector<16xi32>
      %le3A_793 = arith.cmpf ole, %select_n3A_771, %select_n3A_776 : vector<16xf32>
      %select_n3A_794 = arith.select %le3A_793, %select_n3A_771, %select_n3A_776 : vector<16xi1>, vector<16xf32>
      %select_n3A_795 = arith.select %le3A_793, %select_n3A_772, %select_n3A_777 : vector<16xi1>, vector<16xi32>
      %select_n3A_796 = arith.select %le3A_793, %select_n3A_776, %select_n3A_771 : vector<16xi1>, vector<16xf32>
      %select_n3A_797 = arith.select %le3A_793, %select_n3A_777, %select_n3A_772 : vector<16xi1>, vector<16xi32>
      %le3A_798 = arith.cmpf ole, %select_n3A_779, %select_n3A_784 : vector<16xf32>
      %select_n3A_799 = arith.select %le3A_798, %select_n3A_779, %select_n3A_784 : vector<16xi1>, vector<16xf32>
      %select_n3A_800 = arith.select %le3A_798, %select_n3A_780, %select_n3A_785 : vector<16xi1>, vector<16xi32>
      %select_n3A_801 = arith.select %le3A_798, %select_n3A_784, %select_n3A_779 : vector<16xi1>, vector<16xf32>
      %select_n3A_802 = arith.select %le3A_798, %select_n3A_785, %select_n3A_780 : vector<16xi1>, vector<16xi32>
      %le3A_803 = arith.cmpf ole, %select_n3A_781, %select_n3A_786 : vector<16xf32>
      %select_n3A_804 = arith.select %le3A_803, %select_n3A_781, %select_n3A_786 : vector<16xi1>, vector<16xf32>
      %select_n3A_805 = arith.select %le3A_803, %select_n3A_782, %select_n3A_787 : vector<16xi1>, vector<16xi32>
      %select_n3A_806 = arith.select %le3A_803, %select_n3A_786, %select_n3A_781 : vector<16xi1>, vector<16xf32>
      %select_n3A_807 = arith.select %le3A_803, %select_n3A_787, %select_n3A_782 : vector<16xi1>, vector<16xi32>
      %masked_sort3A_808 = arith.constant dense<true> : vector<16xi1>
      %masked_sort3A_809, %masked_sort3A_810, %masked_sort3A_811 = tpu.sort %select_n3A_789, %select_n3A_790 masked %masked_sort3A_808 : (vector<16xf32>, vector<16xi32>, vector<16xi1>) -> (vector<16xi1>, vector<16xf32>, vector<16xi32>)
      %masked_sort3A_812 = arith.constant dense<true> : vector<16xi1>
      %masked_sort3A_813, %masked_sort3A_814, %masked_sort3A_815 = tpu.sort %select_n3A_791, %select_n3A_792 masked %masked_sort3A_812 : (vector<16xf32>, vector<16xi32>, vector<16xi1>) -> (vector<16xi1>, vector<16xf32>, vector<16xi32>)
      %masked_sort3A_816 = arith.constant dense<true> : vector<16xi1>
      %masked_sort3A_817, %masked_sort3A_818, %masked_sort3A_819 = tpu.sort %select_n3A_794, %select_n3A_795 masked %masked_sort3A_816 : (vector<16xf32>, vector<16xi32>, vector<16xi1>) -> (vector<16xi1>, vector<16xf32>, vector<16xi32>)
      %masked_sort3A_820 = arith.constant dense<true> : vector<16xi1>
      %masked_sort3A_821, %masked_sort3A_822, %masked_sort3A_823 = tpu.sort %select_n3A_796, %select_n3A_797 masked %masked_sort3A_820 : (vector<16xf32>, vector<16xi32>, vector<16xi1>) -> (vector<16xi1>, vector<16xf32>, vector<16xi32>)
      %masked_sort3A_824 = arith.constant dense<true> : vector<16xi1>
      %masked_sort3A_825, %masked_sort3A_826, %masked_sort3A_827 = tpu.sort %select_n3A_799, %select_n3A_800 masked %masked_sort3A_824 : (vector<16xf32>, vector<16xi32>, vector<16xi1>) -> (vector<16xi1>, vector<16xf32>, vector<16xi32>)
      %masked_sort3A_828 = arith.constant dense<true> : vector<16xi1>
      %masked_sort3A_829, %masked_sort3A_830, %masked_sort3A_831 = tpu.sort %select_n3A_801, %select_n3A_802 masked %masked_sort3A_828 : (vector<16xf32>, vector<16xi32>, vector<16xi1>) -> (vector<16xi1>, vector<16xf32>, vector<16xi32>)
      %masked_sort3A_832 = arith.constant dense<true> : vector<16xi1>
      %masked_sort3A_833, %masked_sort3A_834, %masked_sort3A_835 = tpu.sort %select_n3A_804, %select_n3A_805 masked %masked_sort3A_832 : (vector<16xf32>, vector<16xi32>, vector<16xi1>) -> (vector<16xi1>, vector<16xf32>, vector<16xi32>)
      %masked_sort3A_836 = arith.constant dense<true> : vector<16xi1>
      %masked_sort3A_837, %masked_sort3A_838, %masked_sort3A_839 = tpu.sort %select_n3A_806, %select_n3A_807 masked %masked_sort3A_836 : (vector<16xf32>, vector<16xi32>, vector<16xi1>) -> (vector<16xi1>, vector<16xf32>, vector<16xi32>)
      %rev3A_840 = arith.constant 15 : i32
      %rev3A_841 = vector.broadcast %rev3A_840 : i32 to vector<16xi32>
      %rev3A_842 = tpu.iota {dimensions = array<i32: 0>} : vector<16xi32>
      %rev3A_843 = arith.subi %rev3A_841, %rev3A_842 : vector<16xi32>
      %rev3A_844 = tpu.dynamic_gather %masked_sort3A_706[%rev3A_843] in [0] : vector<16xf32>, vector<16xi32> -> vector<16xf32>
      %rev3A_845 = arith.constant 15 : i32
      %rev3A_846 = vector.broadcast %rev3A_845 : i32 to vector<16xi32>
      %rev3A_847 = tpu.iota {dimensions = array<i32: 0>} : vector<16xi32>
      %rev3A_848 = arith.subi %rev3A_846, %rev3A_847 : vector<16xi32>
      %rev3A_849 = tpu.dynamic_gather %masked_sort3A_707[%rev3A_848] in [0] : vector<16xi32>, vector<16xi32> -> vector<16xi32>
      %rev3A_850 = arith.constant 15 : i32
      %rev3A_851 = vector.broadcast %rev3A_850 : i32 to vector<16xi32>
      %rev3A_852 = tpu.iota {dimensions = array<i32: 0>} : vector<16xi32>
      %rev3A_853 = arith.subi %rev3A_851, %rev3A_852 : vector<16xi32>
      %rev3A_854 = tpu.dynamic_gather %masked_sort3A_702[%rev3A_853] in [0] : vector<16xf32>, vector<16xi32> -> vector<16xf32>
      %rev3A_855 = arith.constant 15 : i32
      %rev3A_856 = vector.broadcast %rev3A_855 : i32 to vector<16xi32>
      %rev3A_857 = tpu.iota {dimensions = array<i32: 0>} : vector<16xi32>
      %rev3A_858 = arith.subi %rev3A_856, %rev3A_857 : vector<16xi32>
      %rev3A_859 = tpu.dynamic_gather %masked_sort3A_703[%rev3A_858] in [0] : vector<16xi32>, vector<16xi32> -> vector<16xi32>
      %rev3A_860 = arith.constant 15 : i32
      %rev3A_861 = vector.broadcast %rev3A_860 : i32 to vector<16xi32>
      %rev3A_862 = tpu.iota {dimensions = array<i32: 0>} : vector<16xi32>
      %rev3A_863 = arith.subi %rev3A_861, %rev3A_862 : vector<16xi32>
      %rev3A_864 = tpu.dynamic_gather %masked_sort3A_698[%rev3A_863] in [0] : vector<16xf32>, vector<16xi32> -> vector<16xf32>
      %rev3A_865 = arith.constant 15 : i32
      %rev3A_866 = vector.broadcast %rev3A_865 : i32 to vector<16xi32>
      %rev3A_867 = tpu.iota {dimensions = array<i32: 0>} : vector<16xi32>
      %rev3A_868 = arith.subi %rev3A_866, %rev3A_867 : vector<16xi32>
      %rev3A_869 = tpu.dynamic_gather %masked_sort3A_699[%rev3A_868] in [0] : vector<16xi32>, vector<16xi32> -> vector<16xi32>
      %rev3A_870 = arith.constant 15 : i32
      %rev3A_871 = vector.broadcast %rev3A_870 : i32 to vector<16xi32>
      %rev3A_872 = tpu.iota {dimensions = array<i32: 0>} : vector<16xi32>
      %rev3A_873 = arith.subi %rev3A_871, %rev3A_872 : vector<16xi32>
      %rev3A_874 = tpu.dynamic_gather %masked_sort3A_694[%rev3A_873] in [0] : vector<16xf32>, vector<16xi32> -> vector<16xf32>
      %rev3A_875 = arith.constant 15 : i32
      %rev3A_876 = vector.broadcast %rev3A_875 : i32 to vector<16xi32>
      %rev3A_877 = tpu.iota {dimensions = array<i32: 0>} : vector<16xi32>
      %rev3A_878 = arith.subi %rev3A_876, %rev3A_877 : vector<16xi32>
      %rev3A_879 = tpu.dynamic_gather %masked_sort3A_695[%rev3A_878] in [0] : vector<16xi32>, vector<16xi32> -> vector<16xi32>
      %le3A_880 = arith.cmpf ole, %masked_sort3A_638, %rev3A_844 : vector<16xf32>
      %select_n3A_881 = arith.select %le3A_880, %masked_sort3A_638, %rev3A_844 : vector<16xi1>, vector<16xf32>
      %select_n3A_882 = arith.select %le3A_880, %masked_sort3A_639, %rev3A_849 : vector<16xi1>, vector<16xi32>
      %select_n3A_883 = arith.select %le3A_880, %rev3A_844, %masked_sort3A_638 : vector<16xi1>, vector<16xf32>
      %select_n3A_884 = arith.select %le3A_880, %rev3A_849, %masked_sort3A_639 : vector<16xi1>, vector<16xi32>
      %le3A_885 = arith.cmpf ole, %masked_sort3A_642, %rev3A_854 : vector<16xf32>
      %select_n3A_886 = arith.select %le3A_885, %masked_sort3A_642, %rev3A_854 : vector<16xi1>, vector<16xf32>
      %select_n3A_887 = arith.select %le3A_885, %masked_sort3A_643, %rev3A_859 : vector<16xi1>, vector<16xi32>
      %select_n3A_888 = arith.select %le3A_885, %rev3A_854, %masked_sort3A_642 : vector<16xi1>, vector<16xf32>
      %select_n3A_889 = arith.select %le3A_885, %rev3A_859, %masked_sort3A_643 : vector<16xi1>, vector<16xi32>
      %le3A_890 = arith.cmpf ole, %masked_sort3A_646, %rev3A_864 : vector<16xf32>
      %select_n3A_891 = arith.select %le3A_890, %masked_sort3A_646, %rev3A_864 : vector<16xi1>, vector<16xf32>
      %select_n3A_892 = arith.select %le3A_890, %masked_sort3A_647, %rev3A_869 : vector<16xi1>, vector<16xi32>
      %select_n3A_893 = arith.select %le3A_890, %rev3A_864, %masked_sort3A_646 : vector<16xi1>, vector<16xf32>
      %select_n3A_894 = arith.select %le3A_890, %rev3A_869, %masked_sort3A_647 : vector<16xi1>, vector<16xi32>
      %le3A_895 = arith.cmpf ole, %masked_sort3A_650, %rev3A_874 : vector<16xf32>
      %select_n3A_896 = arith.select %le3A_895, %masked_sort3A_650, %rev3A_874 : vector<16xi1>, vector<16xf32>
      %select_n3A_897 = arith.select %le3A_895, %masked_sort3A_651, %rev3A_879 : vector<16xi1>, vector<16xi32>
      %select_n3A_898 = arith.select %le3A_895, %rev3A_874, %masked_sort3A_650 : vector<16xi1>, vector<16xf32>
      %select_n3A_899 = arith.select %le3A_895, %rev3A_879, %masked_sort3A_651 : vector<16xi1>, vector<16xi32>
      %le3A_900 = arith.cmpf ole, %select_n3A_881, %select_n3A_891 : vector<16xf32>
      %select_n3A_901 = arith.select %le3A_900, %select_n3A_881, %select_n3A_891 : vector<16xi1>, vector<16xf32>
      %select_n3A_902 = arith.select %le3A_900, %select_n3A_882, %select_n3A_892 : vector<16xi1>, vector<16xi32>
      %select_n3A_903 = arith.select %le3A_900, %select_n3A_891, %select_n3A_881 : vector<16xi1>, vector<16xf32>
      %select_n3A_904 = arith.select %le3A_900, %select_n3A_892, %select_n3A_882 : vector<16xi1>, vector<16xi32>
      %le3A_905 = arith.cmpf ole, %select_n3A_886, %select_n3A_896 : vector<16xf32>
      %select_n3A_906 = arith.select %le3A_905, %select_n3A_886, %select_n3A_896 : vector<16xi1>, vector<16xf32>
      %select_n3A_907 = arith.select %le3A_905, %select_n3A_887, %select_n3A_897 : vector<16xi1>, vector<16xi32>
      %select_n3A_908 = arith.select %le3A_905, %select_n3A_896, %select_n3A_886 : vector<16xi1>, vector<16xf32>
      %select_n3A_909 = arith.select %le3A_905, %select_n3A_897, %select_n3A_887 : vector<16xi1>, vector<16xi32>
      %le3A_910 = arith.cmpf ole, %select_n3A_883, %select_n3A_893 : vector<16xf32>
      %select_n3A_911 = arith.select %le3A_910, %select_n3A_883, %select_n3A_893 : vector<16xi1>, vector<16xf32>
      %select_n3A_912 = arith.select %le3A_910, %select_n3A_884, %select_n3A_894 : vector<16xi1>, vector<16xi32>
      %select_n3A_913 = arith.select %le3A_910, %select_n3A_893, %select_n3A_883 : vector<16xi1>, vector<16xf32>
      %select_n3A_914 = arith.select %le3A_910, %select_n3A_894, %select_n3A_884 : vector<16xi1>, vector<16xi32>
      %le3A_915 = arith.cmpf ole, %select_n3A_888, %select_n3A_898 : vector<16xf32>
      %select_n3A_916 = arith.select %le3A_915, %select_n3A_888, %select_n3A_898 : vector<16xi1>, vector<16xf32>
      %select_n3A_917 = arith.select %le3A_915, %select_n3A_889, %select_n3A_899 : vector<16xi1>, vector<16xi32>
      %select_n3A_918 = arith.select %le3A_915, %select_n3A_898, %select_n3A_888 : vector<16xi1>, vector<16xf32>
      %select_n3A_919 = arith.select %le3A_915, %select_n3A_899, %select_n3A_889 : vector<16xi1>, vector<16xi32>
      %le3A_920 = arith.cmpf ole, %select_n3A_901, %select_n3A_906 : vector<16xf32>
      %select_n3A_921 = arith.select %le3A_920, %select_n3A_901, %select_n3A_906 : vector<16xi1>, vector<16xf32>
      %select_n3A_922 = arith.select %le3A_920, %select_n3A_902, %select_n3A_907 : vector<16xi1>, vector<16xi32>
      %select_n3A_923 = arith.select %le3A_920, %select_n3A_906, %select_n3A_901 : vector<16xi1>, vector<16xf32>
      %select_n3A_924 = arith.select %le3A_920, %select_n3A_907, %select_n3A_902 : vector<16xi1>, vector<16xi32>
      %le3A_925 = arith.cmpf ole, %select_n3A_903, %select_n3A_908 : vector<16xf32>
      %select_n3A_926 = arith.select %le3A_925, %select_n3A_903, %select_n3A_908 : vector<16xi1>, vector<16xf32>
      %select_n3A_927 = arith.select %le3A_925, %select_n3A_904, %select_n3A_909 : vector<16xi1>, vector<16xi32>
      %select_n3A_928 = arith.select %le3A_925, %select_n3A_908, %select_n3A_903 : vector<16xi1>, vector<16xf32>
      %select_n3A_929 = arith.select %le3A_925, %select_n3A_909, %select_n3A_904 : vector<16xi1>, vector<16xi32>
      %le3A_930 = arith.cmpf ole, %select_n3A_911, %select_n3A_916 : vector<16xf32>
      %select_n3A_931 = arith.select %le3A_930, %select_n3A_911, %select_n3A_916 : vector<16xi1>, vector<16xf32>
      %select_n3A_932 = arith.select %le3A_930, %select_n3A_912, %select_n3A_917 : vector<16xi1>, vector<16xi32>
      %select_n3A_933 = arith.select %le3A_930, %select_n3A_916, %select_n3A_911 : vector<16xi1>, vector<16xf32>
      %select_n3A_934 = arith.select %le3A_930, %select_n3A_917, %select_n3A_912 : vector<16xi1>, vector<16xi32>
      %le3A_935 = arith.cmpf ole, %select_n3A_913, %select_n3A_918 : vector<16xf32>
      %select_n3A_936 = arith.select %le3A_935, %select_n3A_913, %select_n3A_918 : vector<16xi1>, vector<16xf32>
      %select_n3A_937 = arith.select %le3A_935, %select_n3A_914, %select_n3A_919 : vector<16xi1>, vector<16xi32>
      %select_n3A_938 = arith.select %le3A_935, %select_n3A_918, %select_n3A_913 : vector<16xi1>, vector<16xf32>
      %select_n3A_939 = arith.select %le3A_935, %select_n3A_919, %select_n3A_914 : vector<16xi1>, vector<16xi32>
      %masked_sort3A_940 = arith.constant dense<true> : vector<16xi1>
      %masked_sort3A_941, %masked_sort3A_942, %masked_sort3A_943 = tpu.sort %select_n3A_921, %select_n3A_922 masked %masked_sort3A_940 : (vector<16xf32>, vector<16xi32>, vector<16xi1>) -> (vector<16xi1>, vector<16xf32>, vector<16xi32>)
      %masked_sort3A_944 = arith.constant dense<true> : vector<16xi1>
      %masked_sort3A_945, %masked_sort3A_946, %masked_sort3A_947 = tpu.sort %select_n3A_923, %select_n3A_924 masked %masked_sort3A_944 : (vector<16xf32>, vector<16xi32>, vector<16xi1>) -> (vector<16xi1>, vector<16xf32>, vector<16xi32>)
      %masked_sort3A_948 = arith.constant dense<true> : vector<16xi1>
      %masked_sort3A_949, %masked_sort3A_950, %masked_sort3A_951 = tpu.sort %select_n3A_926, %select_n3A_927 masked %masked_sort3A_948 : (vector<16xf32>, vector<16xi32>, vector<16xi1>) -> (vector<16xi1>, vector<16xf32>, vector<16xi32>)
      %masked_sort3A_952 = arith.constant dense<true> : vector<16xi1>
      %masked_sort3A_953, %masked_sort3A_954, %masked_sort3A_955 = tpu.sort %select_n3A_928, %select_n3A_929 masked %masked_sort3A_952 : (vector<16xf32>, vector<16xi32>, vector<16xi1>) -> (vector<16xi1>, vector<16xf32>, vector<16xi32>)
      %masked_sort3A_956 = arith.constant dense<true> : vector<16xi1>
      %masked_sort3A_957, %masked_sort3A_958, %masked_sort3A_959 = tpu.sort %select_n3A_931, %select_n3A_932 masked %masked_sort3A_956 : (vector<16xf32>, vector<16xi32>, vector<16xi1>) -> (vector<16xi1>, vector<16xf32>, vector<16xi32>)
      %masked_sort3A_960 = arith.constant dense<true> : vector<16xi1>
      %masked_sort3A_961, %masked_sort3A_962, %masked_sort3A_963 = tpu.sort %select_n3A_933, %select_n3A_934 masked %masked_sort3A_960 : (vector<16xf32>, vector<16xi32>, vector<16xi1>) -> (vector<16xi1>, vector<16xf32>, vector<16xi32>)
      %masked_sort3A_964 = arith.constant dense<true> : vector<16xi1>
      %masked_sort3A_965, %masked_sort3A_966, %masked_sort3A_967 = tpu.sort %select_n3A_936, %select_n3A_937 masked %masked_sort3A_964 : (vector<16xf32>, vector<16xi32>, vector<16xi1>) -> (vector<16xi1>, vector<16xf32>, vector<16xi32>)
      %masked_sort3A_968 = arith.constant dense<true> : vector<16xi1>
      %masked_sort3A_969, %masked_sort3A_970, %masked_sort3A_971 = tpu.sort %select_n3A_938, %select_n3A_939 masked %masked_sort3A_968 : (vector<16xf32>, vector<16xi32>, vector<16xi1>) -> (vector<16xi1>, vector<16xf32>, vector<16xi32>)
      %rev3A_972 = arith.constant 15 : i32
      %rev3A_973 = vector.broadcast %rev3A_972 : i32 to vector<16xi32>
      %rev3A_974 = tpu.iota {dimensions = array<i32: 0>} : vector<16xi32>
      %rev3A_975 = arith.subi %rev3A_973, %rev3A_974 : vector<16xi32>
      %rev3A_976 = tpu.dynamic_gather %masked_sort3A_970[%rev3A_975] in [0] : vector<16xf32>, vector<16xi32> -> vector<16xf32>
      %rev3A_977 = arith.constant 15 : i32
      %rev3A_978 = vector.broadcast %rev3A_977 : i32 to vector<16xi32>
      %rev3A_979 = tpu.iota {dimensions = array<i32: 0>} : vector<16xi32>
      %rev3A_980 = arith.subi %rev3A_978, %rev3A_979 : vector<16xi32>
      %rev3A_981 = tpu.dynamic_gather %masked_sort3A_971[%rev3A_980] in [0] : vector<16xi32>, vector<16xi32> -> vector<16xi32>
      %rev3A_982 = arith.constant 15 : i32
      %rev3A_983 = vector.broadcast %rev3A_982 : i32 to vector<16xi32>
      %rev3A_984 = tpu.iota {dimensions = array<i32: 0>} : vector<16xi32>
      %rev3A_985 = arith.subi %rev3A_983, %rev3A_984 : vector<16xi32>
      %rev3A_986 = tpu.dynamic_gather %masked_sort3A_966[%rev3A_985] in [0] : vector<16xf32>, vector<16xi32> -> vector<16xf32>
      %rev3A_987 = arith.constant 15 : i32
      %rev3A_988 = vector.broadcast %rev3A_987 : i32 to vector<16xi32>
      %rev3A_989 = tpu.iota {dimensions = array<i32: 0>} : vector<16xi32>
      %rev3A_990 = arith.subi %rev3A_988, %rev3A_989 : vector<16xi32>
      %rev3A_991 = tpu.dynamic_gather %masked_sort3A_967[%rev3A_990] in [0] : vector<16xi32>, vector<16xi32> -> vector<16xi32>
      %rev3A_992 = arith.constant 15 : i32
      %rev3A_993 = vector.broadcast %rev3A_992 : i32 to vector<16xi32>
      %rev3A_994 = tpu.iota {dimensions = array<i32: 0>} : vector<16xi32>
      %rev3A_995 = arith.subi %rev3A_993, %rev3A_994 : vector<16xi32>
      %rev3A_996 = tpu.dynamic_gather %masked_sort3A_962[%rev3A_995] in [0] : vector<16xf32>, vector<16xi32> -> vector<16xf32>
      %rev3A_997 = arith.constant 15 : i32
      %rev3A_998 = vector.broadcast %rev3A_997 : i32 to vector<16xi32>
      %rev3A_999 = tpu.iota {dimensions = array<i32: 0>} : vector<16xi32>
      %rev3A_1000 = arith.subi %rev3A_998, %rev3A_999 : vector<16xi32>
      %rev3A_1001 = tpu.dynamic_gather %masked_sort3A_963[%rev3A_1000] in [0] : vector<16xi32>, vector<16xi32> -> vector<16xi32>
      %rev3A_1002 = arith.constant 15 : i32
      %rev3A_1003 = vector.broadcast %rev3A_1002 : i32 to vector<16xi32>
      %rev3A_1004 = tpu.iota {dimensions = array<i32: 0>} : vector<16xi32>
      %rev3A_1005 = arith.subi %rev3A_1003, %rev3A_1004 : vector<16xi32>
      %rev3A_1006 = tpu.dynamic_gather %masked_sort3A_958[%rev3A_1005] in [0] : vector<16xf32>, vector<16xi32> -> vector<16xf32>
      %rev3A_1007 = arith.constant 15 : i32
      %rev3A_1008 = vector.broadcast %rev3A_1007 : i32 to vector<16xi32>
      %rev3A_1009 = tpu.iota {dimensions = array<i32: 0>} : vector<16xi32>
      %rev3A_1010 = arith.subi %rev3A_1008, %rev3A_1009 : vector<16xi32>
      %rev3A_1011 = tpu.dynamic_gather %masked_sort3A_959[%rev3A_1010] in [0] : vector<16xi32>, vector<16xi32> -> vector<16xi32>
      %rev3A_1012 = arith.constant 15 : i32
      %rev3A_1013 = vector.broadcast %rev3A_1012 : i32 to vector<16xi32>
      %rev3A_1014 = tpu.iota {dimensions = array<i32: 0>} : vector<16xi32>
      %rev3A_1015 = arith.subi %rev3A_1013, %rev3A_1014 : vector<16xi32>
      %rev3A_1016 = tpu.dynamic_gather %masked_sort3A_954[%rev3A_1015] in [0] : vector<16xf32>, vector<16xi32> -> vector<16xf32>
      %rev3A_1017 = arith.constant 15 : i32
      %rev3A_1018 = vector.broadcast %rev3A_1017 : i32 to vector<16xi32>
      %rev3A_1019 = tpu.iota {dimensions = array<i32: 0>} : vector<16xi32>
      %rev3A_1020 = arith.subi %rev3A_1018, %rev3A_1019 : vector<16xi32>
      %rev3A_1021 = tpu.dynamic_gather %masked_sort3A_955[%rev3A_1020] in [0] : vector<16xi32>, vector<16xi32> -> vector<16xi32>
      %rev3A_1022 = arith.constant 15 : i32
      %rev3A_1023 = vector.broadcast %rev3A_1022 : i32 to vector<16xi32>
      %rev3A_1024 = tpu.iota {dimensions = array<i32: 0>} : vector<16xi32>
      %rev3A_1025 = arith.subi %rev3A_1023, %rev3A_1024 : vector<16xi32>
      %rev3A_1026 = tpu.dynamic_gather %masked_sort3A_950[%rev3A_1025] in [0] : vector<16xf32>, vector<16xi32> -> vector<16xf32>
      %rev3A_1027 = arith.constant 15 : i32
      %rev3A_1028 = vector.broadcast %rev3A_1027 : i32 to vector<16xi32>
      %rev3A_1029 = tpu.iota {dimensions = array<i32: 0>} : vector<16xi32>
      %rev3A_1030 = arith.subi %rev3A_1028, %rev3A_1029 : vector<16xi32>
      %rev3A_1031 = tpu.dynamic_gather %masked_sort3A_951[%rev3A_1030] in [0] : vector<16xi32>, vector<16xi32> -> vector<16xi32>
      %rev3A_1032 = arith.constant 15 : i32
      %rev3A_1033 = vector.broadcast %rev3A_1032 : i32 to vector<16xi32>
      %rev3A_1034 = tpu.iota {dimensions = array<i32: 0>} : vector<16xi32>
      %rev3A_1035 = arith.subi %rev3A_1033, %rev3A_1034 : vector<16xi32>
      %rev3A_1036 = tpu.dynamic_gather %masked_sort3A_946[%rev3A_1035] in [0] : vector<16xf32>, vector<16xi32> -> vector<16xf32>
      %rev3A_1037 = arith.constant 15 : i32
      %rev3A_1038 = vector.broadcast %rev3A_1037 : i32 to vector<16xi32>
      %rev3A_1039 = tpu.iota {dimensions = array<i32: 0>} : vector<16xi32>
      %rev3A_1040 = arith.subi %rev3A_1038, %rev3A_1039 : vector<16xi32>
      %rev3A_1041 = tpu.dynamic_gather %masked_sort3A_947[%rev3A_1040] in [0] : vector<16xi32>, vector<16xi32> -> vector<16xi32>
      %rev3A_1042 = arith.constant 15 : i32
      %rev3A_1043 = vector.broadcast %rev3A_1042 : i32 to vector<16xi32>
      %rev3A_1044 = tpu.iota {dimensions = array<i32: 0>} : vector<16xi32>
      %rev3A_1045 = arith.subi %rev3A_1043, %rev3A_1044 : vector<16xi32>
      %rev3A_1046 = tpu.dynamic_gather %masked_sort3A_942[%rev3A_1045] in [0] : vector<16xf32>, vector<16xi32> -> vector<16xf32>
      %rev3A_1047 = arith.constant 15 : i32
      %rev3A_1048 = vector.broadcast %rev3A_1047 : i32 to vector<16xi32>
      %rev3A_1049 = tpu.iota {dimensions = array<i32: 0>} : vector<16xi32>
      %rev3A_1050 = arith.subi %rev3A_1048, %rev3A_1049 : vector<16xi32>
      %rev3A_1051 = tpu.dynamic_gather %masked_sort3A_943[%rev3A_1050] in [0] : vector<16xi32>, vector<16xi32> -> vector<16xi32>
      %le3A_1052 = arith.cmpf ole, %masked_sort3A_810, %rev3A_976 : vector<16xf32>
      %select_n3A_1053 = arith.select %le3A_1052, %masked_sort3A_810, %rev3A_976 : vector<16xi1>, vector<16xf32>
      %select_n3A_1054 = arith.select %le3A_1052, %masked_sort3A_811, %rev3A_981 : vector<16xi1>, vector<16xi32>
      %select_n3A_1055 = arith.select %le3A_1052, %rev3A_976, %masked_sort3A_810 : vector<16xi1>, vector<16xf32>
      %select_n3A_1056 = arith.select %le3A_1052, %rev3A_981, %masked_sort3A_811 : vector<16xi1>, vector<16xi32>
      %le3A_1057 = arith.cmpf ole, %masked_sort3A_814, %rev3A_986 : vector<16xf32>
      %select_n3A_1058 = arith.select %le3A_1057, %masked_sort3A_814, %rev3A_986 : vector<16xi1>, vector<16xf32>
      %select_n3A_1059 = arith.select %le3A_1057, %masked_sort3A_815, %rev3A_991 : vector<16xi1>, vector<16xi32>
      %select_n3A_1060 = arith.select %le3A_1057, %rev3A_986, %masked_sort3A_814 : vector<16xi1>, vector<16xf32>
      %select_n3A_1061 = arith.select %le3A_1057, %rev3A_991, %masked_sort3A_815 : vector<16xi1>, vector<16xi32>
      %le3A_1062 = arith.cmpf ole, %masked_sort3A_818, %rev3A_996 : vector<16xf32>
      %select_n3A_1063 = arith.select %le3A_1062, %masked_sort3A_818, %rev3A_996 : vector<16xi1>, vector<16xf32>
      %select_n3A_1064 = arith.select %le3A_1062, %masked_sort3A_819, %rev3A_1001 : vector<16xi1>, vector<16xi32>
      %select_n3A_1065 = arith.select %le3A_1062, %rev3A_996, %masked_sort3A_818 : vector<16xi1>, vector<16xf32>
      %select_n3A_1066 = arith.select %le3A_1062, %rev3A_1001, %masked_sort3A_819 : vector<16xi1>, vector<16xi32>
      %le3A_1067 = arith.cmpf ole, %masked_sort3A_822, %rev3A_1006 : vector<16xf32>
      %select_n3A_1068 = arith.select %le3A_1067, %masked_sort3A_822, %rev3A_1006 : vector<16xi1>, vector<16xf32>
      %select_n3A_1069 = arith.select %le3A_1067, %masked_sort3A_823, %rev3A_1011 : vector<16xi1>, vector<16xi32>
      %select_n3A_1070 = arith.select %le3A_1067, %rev3A_1006, %masked_sort3A_822 : vector<16xi1>, vector<16xf32>
      %select_n3A_1071 = arith.select %le3A_1067, %rev3A_1011, %masked_sort3A_823 : vector<16xi1>, vector<16xi32>
      %le3A_1072 = arith.cmpf ole, %masked_sort3A_826, %rev3A_1016 : vector<16xf32>
      %select_n3A_1073 = arith.select %le3A_1072, %masked_sort3A_826, %rev3A_1016 : vector<16xi1>, vector<16xf32>
      %select_n3A_1074 = arith.select %le3A_1072, %masked_sort3A_827, %rev3A_1021 : vector<16xi1>, vector<16xi32>
      %select_n3A_1075 = arith.select %le3A_1072, %rev3A_1016, %masked_sort3A_826 : vector<16xi1>, vector<16xf32>
      %select_n3A_1076 = arith.select %le3A_1072, %rev3A_1021, %masked_sort3A_827 : vector<16xi1>, vector<16xi32>
      %le3A_1077 = arith.cmpf ole, %masked_sort3A_830, %rev3A_1026 : vector<16xf32>
      %select_n3A_1078 = arith.select %le3A_1077, %masked_sort3A_830, %rev3A_1026 : vector<16xi1>, vector<16xf32>
      %select_n3A_1079 = arith.select %le3A_1077, %masked_sort3A_831, %rev3A_1031 : vector<16xi1>, vector<16xi32>
      %select_n3A_1080 = arith.select %le3A_1077, %rev3A_1026, %masked_sort3A_830 : vector<16xi1>, vector<16xf32>
      %select_n3A_1081 = arith.select %le3A_1077, %rev3A_1031, %masked_sort3A_831 : vector<16xi1>, vector<16xi32>
      %le3A_1082 = arith.cmpf ole, %masked_sort3A_834, %rev3A_1036 : vector<16xf32>
      %select_n3A_1083 = arith.select %le3A_1082, %masked_sort3A_834, %rev3A_1036 : vector<16xi1>, vector<16xf32>
      %select_n3A_1084 = arith.select %le3A_1082, %masked_sort3A_835, %rev3A_1041 : vector<16xi1>, vector<16xi32>
      %select_n3A_1085 = arith.select %le3A_1082, %rev3A_1036, %masked_sort3A_834 : vector<16xi1>, vector<16xf32>
      %select_n3A_1086 = arith.select %le3A_1082, %rev3A_1041, %masked_sort3A_835 : vector<16xi1>, vector<16xi32>
      %le3A_1087 = arith.cmpf ole, %masked_sort3A_838, %rev3A_1046 : vector<16xf32>
      %select_n3A_1088 = arith.select %le3A_1087, %masked_sort3A_838, %rev3A_1046 : vector<16xi1>, vector<16xf32>
      %select_n3A_1089 = arith.select %le3A_1087, %masked_sort3A_839, %rev3A_1051 : vector<16xi1>, vector<16xi32>
      %select_n3A_1090 = arith.select %le3A_1087, %rev3A_1046, %masked_sort3A_838 : vector<16xi1>, vector<16xf32>
      %select_n3A_1091 = arith.select %le3A_1087, %rev3A_1051, %masked_sort3A_839 : vector<16xi1>, vector<16xi32>
      %le3A_1092 = arith.cmpf ole, %select_n3A_1053, %select_n3A_1073 : vector<16xf32>
      %select_n3A_1093 = arith.select %le3A_1092, %select_n3A_1053, %select_n3A_1073 : vector<16xi1>, vector<16xf32>
      %select_n3A_1094 = arith.select %le3A_1092, %select_n3A_1054, %select_n3A_1074 : vector<16xi1>, vector<16xi32>
      %select_n3A_1095 = arith.select %le3A_1092, %select_n3A_1073, %select_n3A_1053 : vector<16xi1>, vector<16xf32>
      %select_n3A_1096 = arith.select %le3A_1092, %select_n3A_1074, %select_n3A_1054 : vector<16xi1>, vector<16xi32>
      %le3A_1097 = arith.cmpf ole, %select_n3A_1058, %select_n3A_1078 : vector<16xf32>
      %select_n3A_1098 = arith.select %le3A_1097, %select_n3A_1058, %select_n3A_1078 : vector<16xi1>, vector<16xf32>
      %select_n3A_1099 = arith.select %le3A_1097, %select_n3A_1059, %select_n3A_1079 : vector<16xi1>, vector<16xi32>
      %select_n3A_1100 = arith.select %le3A_1097, %select_n3A_1078, %select_n3A_1058 : vector<16xi1>, vector<16xf32>
      %select_n3A_1101 = arith.select %le3A_1097, %select_n3A_1079, %select_n3A_1059 : vector<16xi1>, vector<16xi32>
      %le3A_1102 = arith.cmpf ole, %select_n3A_1063, %select_n3A_1083 : vector<16xf32>
      %select_n3A_1103 = arith.select %le3A_1102, %select_n3A_1063, %select_n3A_1083 : vector<16xi1>, vector<16xf32>
      %select_n3A_1104 = arith.select %le3A_1102, %select_n3A_1064, %select_n3A_1084 : vector<16xi1>, vector<16xi32>
      %select_n3A_1105 = arith.select %le3A_1102, %select_n3A_1083, %select_n3A_1063 : vector<16xi1>, vector<16xf32>
      %select_n3A_1106 = arith.select %le3A_1102, %select_n3A_1084, %select_n3A_1064 : vector<16xi1>, vector<16xi32>
      %le3A_1107 = arith.cmpf ole, %select_n3A_1068, %select_n3A_1088 : vector<16xf32>
      %select_n3A_1108 = arith.select %le3A_1107, %select_n3A_1068, %select_n3A_1088 : vector<16xi1>, vector<16xf32>
      %select_n3A_1109 = arith.select %le3A_1107, %select_n3A_1069, %select_n3A_1089 : vector<16xi1>, vector<16xi32>
      %select_n3A_1110 = arith.select %le3A_1107, %select_n3A_1088, %select_n3A_1068 : vector<16xi1>, vector<16xf32>
      %select_n3A_1111 = arith.select %le3A_1107, %select_n3A_1089, %select_n3A_1069 : vector<16xi1>, vector<16xi32>
      %le3A_1112 = arith.cmpf ole, %select_n3A_1055, %select_n3A_1075 : vector<16xf32>
      %select_n3A_1113 = arith.select %le3A_1112, %select_n3A_1055, %select_n3A_1075 : vector<16xi1>, vector<16xf32>
      %select_n3A_1114 = arith.select %le3A_1112, %select_n3A_1056, %select_n3A_1076 : vector<16xi1>, vector<16xi32>
      %select_n3A_1115 = arith.select %le3A_1112, %select_n3A_1075, %select_n3A_1055 : vector<16xi1>, vector<16xf32>
      %select_n3A_1116 = arith.select %le3A_1112, %select_n3A_1076, %select_n3A_1056 : vector<16xi1>, vector<16xi32>
      %le3A_1117 = arith.cmpf ole, %select_n3A_1060, %select_n3A_1080 : vector<16xf32>
      %select_n3A_1118 = arith.select %le3A_1117, %select_n3A_1060, %select_n3A_1080 : vector<16xi1>, vector<16xf32>
      %select_n3A_1119 = arith.select %le3A_1117, %select_n3A_1061, %select_n3A_1081 : vector<16xi1>, vector<16xi32>
      %select_n3A_1120 = arith.select %le3A_1117, %select_n3A_1080, %select_n3A_1060 : vector<16xi1>, vector<16xf32>
      %select_n3A_1121 = arith.select %le3A_1117, %select_n3A_1081, %select_n3A_1061 : vector<16xi1>, vector<16xi32>
      %le3A_1122 = arith.cmpf ole, %select_n3A_1065, %select_n3A_1085 : vector<16xf32>
      %select_n3A_1123 = arith.select %le3A_1122, %select_n3A_1065, %select_n3A_1085 : vector<16xi1>, vector<16xf32>
      %select_n3A_1124 = arith.select %le3A_1122, %select_n3A_1066, %select_n3A_1086 : vector<16xi1>, vector<16xi32>
      %select_n3A_1125 = arith.select %le3A_1122, %select_n3A_1085, %select_n3A_1065 : vector<16xi1>, vector<16xf32>
      %select_n3A_1126 = arith.select %le3A_1122, %select_n3A_1086, %select_n3A_1066 : vector<16xi1>, vector<16xi32>
      %le3A_1127 = arith.cmpf ole, %select_n3A_1070, %select_n3A_1090 : vector<16xf32>
      %select_n3A_1128 = arith.select %le3A_1127, %select_n3A_1070, %select_n3A_1090 : vector<16xi1>, vector<16xf32>
      %select_n3A_1129 = arith.select %le3A_1127, %select_n3A_1071, %select_n3A_1091 : vector<16xi1>, vector<16xi32>
      %select_n3A_1130 = arith.select %le3A_1127, %select_n3A_1090, %select_n3A_1070 : vector<16xi1>, vector<16xf32>
      %select_n3A_1131 = arith.select %le3A_1127, %select_n3A_1091, %select_n3A_1071 : vector<16xi1>, vector<16xi32>
      %le3A_1132 = arith.cmpf ole, %select_n3A_1093, %select_n3A_1103 : vector<16xf32>
      %select_n3A_1133 = arith.select %le3A_1132, %select_n3A_1093, %select_n3A_1103 : vector<16xi1>, vector<16xf32>
      %select_n3A_1134 = arith.select %le3A_1132, %select_n3A_1094, %select_n3A_1104 : vector<16xi1>, vector<16xi32>
      %select_n3A_1135 = arith.select %le3A_1132, %select_n3A_1103, %select_n3A_1093 : vector<16xi1>, vector<16xf32>
      %select_n3A_1136 = arith.select %le3A_1132, %select_n3A_1104, %select_n3A_1094 : vector<16xi1>, vector<16xi32>
      %le3A_1137 = arith.cmpf ole, %select_n3A_1098, %select_n3A_1108 : vector<16xf32>
      %select_n3A_1138 = arith.select %le3A_1137, %select_n3A_1098, %select_n3A_1108 : vector<16xi1>, vector<16xf32>
      %select_n3A_1139 = arith.select %le3A_1137, %select_n3A_1099, %select_n3A_1109 : vector<16xi1>, vector<16xi32>
      %select_n3A_1140 = arith.select %le3A_1137, %select_n3A_1108, %select_n3A_1098 : vector<16xi1>, vector<16xf32>
      %select_n3A_1141 = arith.select %le3A_1137, %select_n3A_1109, %select_n3A_1099 : vector<16xi1>, vector<16xi32>
      %le3A_1142 = arith.cmpf ole, %select_n3A_1095, %select_n3A_1105 : vector<16xf32>
      %select_n3A_1143 = arith.select %le3A_1142, %select_n3A_1095, %select_n3A_1105 : vector<16xi1>, vector<16xf32>
      %select_n3A_1144 = arith.select %le3A_1142, %select_n3A_1096, %select_n3A_1106 : vector<16xi1>, vector<16xi32>
      %select_n3A_1145 = arith.select %le3A_1142, %select_n3A_1105, %select_n3A_1095 : vector<16xi1>, vector<16xf32>
      %select_n3A_1146 = arith.select %le3A_1142, %select_n3A_1106, %select_n3A_1096 : vector<16xi1>, vector<16xi32>
      %le3A_1147 = arith.cmpf ole, %select_n3A_1100, %select_n3A_1110 : vector<16xf32>
      %select_n3A_1148 = arith.select %le3A_1147, %select_n3A_1100, %select_n3A_1110 : vector<16xi1>, vector<16xf32>
      %select_n3A_1149 = arith.select %le3A_1147, %select_n3A_1101, %select_n3A_1111 : vector<16xi1>, vector<16xi32>
      %select_n3A_1150 = arith.select %le3A_1147, %select_n3A_1110, %select_n3A_1100 : vector<16xi1>, vector<16xf32>
      %select_n3A_1151 = arith.select %le3A_1147, %select_n3A_1111, %select_n3A_1101 : vector<16xi1>, vector<16xi32>
      %le3A_1152 = arith.cmpf ole, %select_n3A_1113, %select_n3A_1123 : vector<16xf32>
      %select_n3A_1153 = arith.select %le3A_1152, %select_n3A_1113, %select_n3A_1123 : vector<16xi1>, vector<16xf32>
      %select_n3A_1154 = arith.select %le3A_1152, %select_n3A_1114, %select_n3A_1124 : vector<16xi1>, vector<16xi32>
      %select_n3A_1155 = arith.select %le3A_1152, %select_n3A_1123, %select_n3A_1113 : vector<16xi1>, vector<16xf32>
      %select_n3A_1156 = arith.select %le3A_1152, %select_n3A_1124, %select_n3A_1114 : vector<16xi1>, vector<16xi32>
      %le3A_1157 = arith.cmpf ole, %select_n3A_1118, %select_n3A_1128 : vector<16xf32>
      %select_n3A_1158 = arith.select %le3A_1157, %select_n3A_1118, %select_n3A_1128 : vector<16xi1>, vector<16xf32>
      %select_n3A_1159 = arith.select %le3A_1157, %select_n3A_1119, %select_n3A_1129 : vector<16xi1>, vector<16xi32>
      %select_n3A_1160 = arith.select %le3A_1157, %select_n3A_1128, %select_n3A_1118 : vector<16xi1>, vector<16xf32>
      %select_n3A_1161 = arith.select %le3A_1157, %select_n3A_1129, %select_n3A_1119 : vector<16xi1>, vector<16xi32>
      %le3A_1162 = arith.cmpf ole, %select_n3A_1115, %select_n3A_1125 : vector<16xf32>
      %select_n3A_1163 = arith.select %le3A_1162, %select_n3A_1115, %select_n3A_1125 : vector<16xi1>, vector<16xf32>
      %select_n3A_1164 = arith.select %le3A_1162, %select_n3A_1116, %select_n3A_1126 : vector<16xi1>, vector<16xi32>
      %select_n3A_1165 = arith.select %le3A_1162, %select_n3A_1125, %select_n3A_1115 : vector<16xi1>, vector<16xf32>
      %select_n3A_1166 = arith.select %le3A_1162, %select_n3A_1126, %select_n3A_1116 : vector<16xi1>, vector<16xi32>
      %le3A_1167 = arith.cmpf ole, %select_n3A_1120, %select_n3A_1130 : vector<16xf32>
      %select_n3A_1168 = arith.select %le3A_1167, %select_n3A_1120, %select_n3A_1130 : vector<16xi1>, vector<16xf32>
      %select_n3A_1169 = arith.select %le3A_1167, %select_n3A_1121, %select_n3A_1131 : vector<16xi1>, vector<16xi32>
      %select_n3A_1170 = arith.select %le3A_1167, %select_n3A_1130, %select_n3A_1120 : vector<16xi1>, vector<16xf32>
      %select_n3A_1171 = arith.select %le3A_1167, %select_n3A_1131, %select_n3A_1121 : vector<16xi1>, vector<16xi32>
      %le3A_1172 = arith.cmpf ole, %select_n3A_1133, %select_n3A_1138 : vector<16xf32>
      %select_n3A_1173 = arith.select %le3A_1172, %select_n3A_1133, %select_n3A_1138 : vector<16xi1>, vector<16xf32>
      %select_n3A_1174 = arith.select %le3A_1172, %select_n3A_1134, %select_n3A_1139 : vector<16xi1>, vector<16xi32>
      %select_n3A_1175 = arith.select %le3A_1172, %select_n3A_1138, %select_n3A_1133 : vector<16xi1>, vector<16xf32>
      %select_n3A_1176 = arith.select %le3A_1172, %select_n3A_1139, %select_n3A_1134 : vector<16xi1>, vector<16xi32>
      %le3A_1177 = arith.cmpf ole, %select_n3A_1135, %select_n3A_1140 : vector<16xf32>
      %select_n3A_1178 = arith.select %le3A_1177, %select_n3A_1135, %select_n3A_1140 : vector<16xi1>, vector<16xf32>
      %select_n3A_1179 = arith.select %le3A_1177, %select_n3A_1136, %select_n3A_1141 : vector<16xi1>, vector<16xi32>
      %select_n3A_1180 = arith.select %le3A_1177, %select_n3A_1140, %select_n3A_1135 : vector<16xi1>, vector<16xf32>
      %select_n3A_1181 = arith.select %le3A_1177, %select_n3A_1141, %select_n3A_1136 : vector<16xi1>, vector<16xi32>
      %le3A_1182 = arith.cmpf ole, %select_n3A_1143, %select_n3A_1148 : vector<16xf32>
      %select_n3A_1183 = arith.select %le3A_1182, %select_n3A_1143, %select_n3A_1148 : vector<16xi1>, vector<16xf32>
      %select_n3A_1184 = arith.select %le3A_1182, %select_n3A_1144, %select_n3A_1149 : vector<16xi1>, vector<16xi32>
      %select_n3A_1185 = arith.select %le3A_1182, %select_n3A_1148, %select_n3A_1143 : vector<16xi1>, vector<16xf32>
      %select_n3A_1186 = arith.select %le3A_1182, %select_n3A_1149, %select_n3A_1144 : vector<16xi1>, vector<16xi32>
      %le3A_1187 = arith.cmpf ole, %select_n3A_1145, %select_n3A_1150 : vector<16xf32>
      %select_n3A_1188 = arith.select %le3A_1187, %select_n3A_1145, %select_n3A_1150 : vector<16xi1>, vector<16xf32>
      %select_n3A_1189 = arith.select %le3A_1187, %select_n3A_1146, %select_n3A_1151 : vector<16xi1>, vector<16xi32>
      %select_n3A_1190 = arith.select %le3A_1187, %select_n3A_1150, %select_n3A_1145 : vector<16xi1>, vector<16xf32>
      %select_n3A_1191 = arith.select %le3A_1187, %select_n3A_1151, %select_n3A_1146 : vector<16xi1>, vector<16xi32>
      %le3A_1192 = arith.cmpf ole, %select_n3A_1153, %select_n3A_1158 : vector<16xf32>
      %select_n3A_1193 = arith.select %le3A_1192, %select_n3A_1153, %select_n3A_1158 : vector<16xi1>, vector<16xf32>
      %select_n3A_1194 = arith.select %le3A_1192, %select_n3A_1154, %select_n3A_1159 : vector<16xi1>, vector<16xi32>
      %select_n3A_1195 = arith.select %le3A_1192, %select_n3A_1158, %select_n3A_1153 : vector<16xi1>, vector<16xf32>
      %select_n3A_1196 = arith.select %le3A_1192, %select_n3A_1159, %select_n3A_1154 : vector<16xi1>, vector<16xi32>
      %le3A_1197 = arith.cmpf ole, %select_n3A_1155, %select_n3A_1160 : vector<16xf32>
      %select_n3A_1198 = arith.select %le3A_1197, %select_n3A_1155, %select_n3A_1160 : vector<16xi1>, vector<16xf32>
      %select_n3A_1199 = arith.select %le3A_1197, %select_n3A_1156, %select_n3A_1161 : vector<16xi1>, vector<16xi32>
      %select_n3A_1200 = arith.select %le3A_1197, %select_n3A_1160, %select_n3A_1155 : vector<16xi1>, vector<16xf32>
      %select_n3A_1201 = arith.select %le3A_1197, %select_n3A_1161, %select_n3A_1156 : vector<16xi1>, vector<16xi32>
      %le3A_1202 = arith.cmpf ole, %select_n3A_1163, %select_n3A_1168 : vector<16xf32>
      %select_n3A_1203 = arith.select %le3A_1202, %select_n3A_1163, %select_n3A_1168 : vector<16xi1>, vector<16xf32>
      %select_n3A_1204 = arith.select %le3A_1202, %select_n3A_1164, %select_n3A_1169 : vector<16xi1>, vector<16xi32>
      %select_n3A_1205 = arith.select %le3A_1202, %select_n3A_1168, %select_n3A_1163 : vector<16xi1>, vector<16xf32>
      %select_n3A_1206 = arith.select %le3A_1202, %select_n3A_1169, %select_n3A_1164 : vector<16xi1>, vector<16xi32>
      %le3A_1207 = arith.cmpf ole, %select_n3A_1165, %select_n3A_1170 : vector<16xf32>
      %select_n3A_1208 = arith.select %le3A_1207, %select_n3A_1165, %select_n3A_1170 : vector<16xi1>, vector<16xf32>
      %select_n3A_1209 = arith.select %le3A_1207, %select_n3A_1166, %select_n3A_1171 : vector<16xi1>, vector<16xi32>
      %select_n3A_1210 = arith.select %le3A_1207, %select_n3A_1170, %select_n3A_1165 : vector<16xi1>, vector<16xf32>
      %select_n3A_1211 = arith.select %le3A_1207, %select_n3A_1171, %select_n3A_1166 : vector<16xi1>, vector<16xi32>
      %masked_sort3A_1212 = arith.constant dense<true> : vector<16xi1>
      %masked_sort3A_1213, %masked_sort3A_1214, %masked_sort3A_1215 = tpu.sort %select_n3A_1173, %select_n3A_1174 masked %masked_sort3A_1212 : (vector<16xf32>, vector<16xi32>, vector<16xi1>) -> (vector<16xi1>, vector<16xf32>, vector<16xi32>)
      %masked_sort3A_1216 = arith.constant dense<true> : vector<16xi1>
      %masked_sort3A_1217, %masked_sort3A_1218, %masked_sort3A_1219 = tpu.sort %select_n3A_1175, %select_n3A_1176 masked %masked_sort3A_1216 : (vector<16xf32>, vector<16xi32>, vector<16xi1>) -> (vector<16xi1>, vector<16xf32>, vector<16xi32>)
      %masked_sort3A_1220 = arith.constant dense<true> : vector<16xi1>
      %masked_sort3A_1221, %masked_sort3A_1222, %masked_sort3A_1223 = tpu.sort %select_n3A_1178, %select_n3A_1179 masked %masked_sort3A_1220 : (vector<16xf32>, vector<16xi32>, vector<16xi1>) -> (vector<16xi1>, vector<16xf32>, vector<16xi32>)
      %masked_sort3A_1224 = arith.constant dense<true> : vector<16xi1>
      %masked_sort3A_1225, %masked_sort3A_1226, %masked_sort3A_1227 = tpu.sort %select_n3A_1180, %select_n3A_1181 masked %masked_sort3A_1224 : (vector<16xf32>, vector<16xi32>, vector<16xi1>) -> (vector<16xi1>, vector<16xf32>, vector<16xi32>)
      %masked_sort3A_1228 = arith.constant dense<true> : vector<16xi1>
      %masked_sort3A_1229, %masked_sort3A_1230, %masked_sort3A_1231 = tpu.sort %select_n3A_1183, %select_n3A_1184 masked %masked_sort3A_1228 : (vector<16xf32>, vector<16xi32>, vector<16xi1>) -> (vector<16xi1>, vector<16xf32>, vector<16xi32>)
      %masked_sort3A_1232 = arith.constant dense<true> : vector<16xi1>
      %masked_sort3A_1233, %masked_sort3A_1234, %masked_sort3A_1235 = tpu.sort %select_n3A_1185, %select_n3A_1186 masked %masked_sort3A_1232 : (vector<16xf32>, vector<16xi32>, vector<16xi1>) -> (vector<16xi1>, vector<16xf32>, vector<16xi32>)
      %masked_sort3A_1236 = arith.constant dense<true> : vector<16xi1>
      %masked_sort3A_1237, %masked_sort3A_1238, %masked_sort3A_1239 = tpu.sort %select_n3A_1188, %select_n3A_1189 masked %masked_sort3A_1236 : (vector<16xf32>, vector<16xi32>, vector<16xi1>) -> (vector<16xi1>, vector<16xf32>, vector<16xi32>)
      %masked_sort3A_1240 = arith.constant dense<true> : vector<16xi1>
      %masked_sort3A_1241, %masked_sort3A_1242, %masked_sort3A_1243 = tpu.sort %select_n3A_1190, %select_n3A_1191 masked %masked_sort3A_1240 : (vector<16xf32>, vector<16xi32>, vector<16xi1>) -> (vector<16xi1>, vector<16xf32>, vector<16xi32>)
      %masked_sort3A_1244 = arith.constant dense<true> : vector<16xi1>
      %masked_sort3A_1245, %masked_sort3A_1246, %masked_sort3A_1247 = tpu.sort %select_n3A_1193, %select_n3A_1194 masked %masked_sort3A_1244 : (vector<16xf32>, vector<16xi32>, vector<16xi1>) -> (vector<16xi1>, vector<16xf32>, vector<16xi32>)
      %masked_sort3A_1248 = arith.constant dense<true> : vector<16xi1>
      %masked_sort3A_1249, %masked_sort3A_1250, %masked_sort3A_1251 = tpu.sort %select_n3A_1195, %select_n3A_1196 masked %masked_sort3A_1248 : (vector<16xf32>, vector<16xi32>, vector<16xi1>) -> (vector<16xi1>, vector<16xf32>, vector<16xi32>)
      %masked_sort3A_1252 = arith.constant dense<true> : vector<16xi1>
      %masked_sort3A_1253, %masked_sort3A_1254, %masked_sort3A_1255 = tpu.sort %select_n3A_1198, %select_n3A_1199 masked %masked_sort3A_1252 : (vector<16xf32>, vector<16xi32>, vector<16xi1>) -> (vector<16xi1>, vector<16xf32>, vector<16xi32>)
      %masked_sort3A_1256 = arith.constant dense<true> : vector<16xi1>
      %masked_sort3A_1257, %masked_sort3A_1258, %masked_sort3A_1259 = tpu.sort %select_n3A_1200, %select_n3A_1201 masked %masked_sort3A_1256 : (vector<16xf32>, vector<16xi32>, vector<16xi1>) -> (vector<16xi1>, vector<16xf32>, vector<16xi32>)
      %masked_sort3A_1260 = arith.constant dense<true> : vector<16xi1>
      %masked_sort3A_1261, %masked_sort3A_1262, %masked_sort3A_1263 = tpu.sort %select_n3A_1203, %select_n3A_1204 masked %masked_sort3A_1260 : (vector<16xf32>, vector<16xi32>, vector<16xi1>) -> (vector<16xi1>, vector<16xf32>, vector<16xi32>)
      %masked_sort3A_1264 = arith.constant dense<true> : vector<16xi1>
      %masked_sort3A_1265, %masked_sort3A_1266, %masked_sort3A_1267 = tpu.sort %select_n3A_1205, %select_n3A_1206 masked %masked_sort3A_1264 : (vector<16xf32>, vector<16xi32>, vector<16xi1>) -> (vector<16xi1>, vector<16xf32>, vector<16xi32>)
      %masked_sort3A_1268 = arith.constant dense<true> : vector<16xi1>
      %masked_sort3A_1269, %masked_sort3A_1270, %masked_sort3A_1271 = tpu.sort %select_n3A_1208, %select_n3A_1209 masked %masked_sort3A_1268 : (vector<16xf32>, vector<16xi32>, vector<16xi1>) -> (vector<16xi1>, vector<16xf32>, vector<16xi32>)
      %masked_sort3A_1272 = arith.constant dense<true> : vector<16xi1>
      %masked_sort3A_1273, %masked_sort3A_1274, %masked_sort3A_1275 = tpu.sort %select_n3A_1210, %select_n3A_1211 masked %masked_sort3A_1272 : (vector<16xf32>, vector<16xi32>, vector<16xi1>) -> (vector<16xi1>, vector<16xf32>, vector<16xi32>)
      %sub3A = arith.constant 2.560000e+02 : f32
      %sub3A_1276 = vector.broadcast %sub3A : f32 to vector<16xf32>
      %sub3A_1277 = arith.subf %sub3A_1276, %convert_element_type3A_4 : vector<16xf32>
      tpu.vector_store_idx %arg5[%masked_sort3A_1215], %sub3A_1277 : memref<256xf32, #tpu.memory_space<vmem>>[vector<16xi32>], vector<16xf32>,
      %sub3A_1278 = arith.constant 2.400000e+02 : f32
      %sub3A_1279 = vector.broadcast %sub3A_1278 : f32 to vector<16xf32>
      %sub3A_1280 = arith.subf %sub3A_1279, %convert_element_type3A_4 : vector<16xf32>
      tpu.vector_store_idx %arg5[%masked_sort3A_1219], %sub3A_1280 : memref<256xf32, #tpu.memory_space<vmem>>[vector<16xi32>], vector<16xf32>,
      %sub3A_1281 = arith.constant 2.240000e+02 : f32
      %sub3A_1282 = vector.broadcast %sub3A_1281 : f32 to vector<16xf32>
      %sub3A_1283 = arith.subf %sub3A_1282, %convert_element_type3A_4 : vector<16xf32>
      tpu.vector_store_idx %arg5[%masked_sort3A_1223], %sub3A_1283 : memref<256xf32, #tpu.memory_space<vmem>>[vector<16xi32>], vector<16xf32>,
      %sub3A_1284 = arith.constant 2.080000e+02 : f32
      %sub3A_1285 = vector.broadcast %sub3A_1284 : f32 to vector<16xf32>
      %sub3A_1286 = arith.subf %sub3A_1285, %convert_element_type3A_4 : vector<16xf32>
      tpu.vector_store_idx %arg5[%masked_sort3A_1227], %sub3A_1286 : memref<256xf32, #tpu.memory_space<vmem>>[vector<16xi32>], vector<16xf32>,
      %sub3A_1287 = arith.constant 1.920000e+02 : f32
      %sub3A_1288 = vector.broadcast %sub3A_1287 : f32 to vector<16xf32>
      %sub3A_1289 = arith.subf %sub3A_1288, %convert_element_type3A_4 : vector<16xf32>
      tpu.vector_store_idx %arg5[%masked_sort3A_1231], %sub3A_1289 : memref<256xf32, #tpu.memory_space<vmem>>[vector<16xi32>], vector<16xf32>,
      %sub3A_1290 = arith.constant 1.760000e+02 : f32
      %sub3A_1291 = vector.broadcast %sub3A_1290 : f32 to vector<16xf32>
      %sub3A_1292 = arith.subf %sub3A_1291, %convert_element_type3A_4 : vector<16xf32>
      tpu.vector_store_idx %arg5[%masked_sort3A_1235], %sub3A_1292 : memref<256xf32, #tpu.memory_space<vmem>>[vector<16xi32>], vector<16xf32>,
      %sub3A_1293 = arith.constant 1.600000e+02 : f32
      %sub3A_1294 = vector.broadcast %sub3A_1293 : f32 to vector<16xf32>
      %sub3A_1295 = arith.subf %sub3A_1294, %convert_element_type3A_4 : vector<16xf32>
      tpu.vector_store_idx %arg5[%masked_sort3A_1239], %sub3A_1295 : memref<256xf32, #tpu.memory_space<vmem>>[vector<16xi32>], vector<16xf32>,
      %sub3A_1296 = arith.constant 1.440000e+02 : f32
      %sub3A_1297 = vector.broadcast %sub3A_1296 : f32 to vector<16xf32>
      %sub3A_1298 = arith.subf %sub3A_1297, %convert_element_type3A_4 : vector<16xf32>
      tpu.vector_store_idx %arg5[%masked_sort3A_1243], %sub3A_1298 : memref<256xf32, #tpu.memory_space<vmem>>[vector<16xi32>], vector<16xf32>,
      %sub3A_1299 = arith.constant 1.280000e+02 : f32
      %sub3A_1300 = vector.broadcast %sub3A_1299 : f32 to vector<16xf32>
      %sub3A_1301 = arith.subf %sub3A_1300, %convert_element_type3A_4 : vector<16xf32>
      tpu.vector_store_idx %arg5[%masked_sort3A_1247], %sub3A_1301 : memref<256xf32, #tpu.memory_space<vmem>>[vector<16xi32>], vector<16xf32>,
      %sub3A_1302 = arith.constant 1.120000e+02 : f32
      %sub3A_1303 = vector.broadcast %sub3A_1302 : f32 to vector<16xf32>
      %sub3A_1304 = arith.subf %sub3A_1303, %convert_element_type3A_4 : vector<16xf32>
      tpu.vector_store_idx %arg5[%masked_sort3A_1251], %sub3A_1304 : memref<256xf32, #tpu.memory_space<vmem>>[vector<16xi32>], vector<16xf32>,
      %sub3A_1305 = arith.constant 9.600000e+01 : f32
      %sub3A_1306 = vector.broadcast %sub3A_1305 : f32 to vector<16xf32>
      %sub3A_1307 = arith.subf %sub3A_1306, %convert_element_type3A_4 : vector<16xf32>
      tpu.vector_store_idx %arg5[%masked_sort3A_1255], %sub3A_1307 : memref<256xf32, #tpu.memory_space<vmem>>[vector<16xi32>], vector<16xf32>,
      %sub3A_1308 = arith.constant 8.000000e+01 : f32
      %sub3A_1309 = vector.broadcast %sub3A_1308 : f32 to vector<16xf32>
      %sub3A_1310 = arith.subf %sub3A_1309, %convert_element_type3A_4 : vector<16xf32>
      tpu.vector_store_idx %arg5[%masked_sort3A_1259], %sub3A_1310 : memref<256xf32, #tpu.memory_space<vmem>>[vector<16xi32>], vector<16xf32>,
      %sub3A_1311 = arith.constant 6.400000e+01 : f32
      %sub3A_1312 = vector.broadcast %sub3A_1311 : f32 to vector<16xf32>
      %sub3A_1313 = arith.subf %sub3A_1312, %convert_element_type3A_4 : vector<16xf32>
      tpu.vector_store_idx %arg5[%masked_sort3A_1263], %sub3A_1313 : memref<256xf32, #tpu.memory_space<vmem>>[vector<16xi32>], vector<16xf32>,
      %sub3A_1314 = arith.constant 4.800000e+01 : f32
      %sub3A_1315 = vector.broadcast %sub3A_1314 : f32 to vector<16xf32>
      %sub3A_1316 = arith.subf %sub3A_1315, %convert_element_type3A_4 : vector<16xf32>
      tpu.vector_store_idx %arg5[%masked_sort3A_1267], %sub3A_1316 : memref<256xf32, #tpu.memory_space<vmem>>[vector<16xi32>], vector<16xf32>,
      %sub3A_1317 = arith.constant 3.200000e+01 : f32
      %sub3A_1318 = vector.broadcast %sub3A_1317 : f32 to vector<16xf32>
      %sub3A_1319 = arith.subf %sub3A_1318, %convert_element_type3A_4 : vector<16xf32>
      tpu.vector_store_idx %arg5[%masked_sort3A_1271], %sub3A_1319 : memref<256xf32, #tpu.memory_space<vmem>>[vector<16xi32>], vector<16xf32>,
      %sub3A_1320 = arith.constant 1.600000e+01 : f32
      %sub3A_1321 = vector.broadcast %sub3A_1320 : f32 to vector<16xf32>
      %sub3A_1322 = arith.subf %sub3A_1321, %convert_element_type3A_4 : vector<16xf32>
      tpu.vector_store_idx %arg5[%masked_sort3A_1275], %sub3A_1322 : memref<256xf32, #tpu.memory_space<vmem>>[vector<16xi32>], vector<16xf32>,
      %while3A = arith.constant 0 : i32
      %while3A_1323 = arith.constant false
      %while3A_1324:2 = scf.while (%while3A_1325 = %while3A, %while3A_1326 = %while3A_1323) : (i32, i1) -> (i32, i1) {
        %lt3A = arith.constant 100 : i32
        %lt3A_1327 = arith.cmpi slt, %while3A_1325, %lt3A : i32
        %not3A = arith.constant true
        %not3A_1328 = arith.xori %while3A_1326, %not3A : i1
        %and3A_1329 = arith.andi %lt3A_1327, %not3A_1328 : i1
        scf.condition(%and3A_1329) %while3A_1325, %while3A_1326 : i32, i1
      } do {
      ^bb0(%while3A_1325: i32, %while3A_1326: i1):
        %get3A_1327 = arith.constant 0 : index
        %get3A_1328 = tpu.vector_load %arg5[%get3A_1327] {strides = array<i32>} : memref<256xf32, #tpu.memory_space<vmem>>, vector<16xf32>,
        %get3A_1329 = arith.constant 0 : index
        %get3A_1330 = tpu.vector_load %arg4[%get3A_1329] {strides = array<i32>} : memref<256xf32, #tpu.memory_space<vmem>>, vector<16xf32>,
        %sub3A_1331 = arith.subf %get3A_1328, %get3A_1330 : vector<16xf32>
        %get3A_1332 = arith.constant 16 : index
        %get3A_1333 = tpu.vector_load %arg5[%get3A_1332] {strides = array<i32>} : memref<256xf32, #tpu.memory_space<vmem>>, vector<16xf32>,
        %get3A_1334 = arith.constant 16 : index
        %get3A_1335 = tpu.vector_load %arg4[%get3A_1334] {strides = array<i32>} : memref<256xf32, #tpu.memory_space<vmem>>, vector<16xf32>,
        %sub3A_1336 = arith.subf %get3A_1333, %get3A_1335 : vector<16xf32>
        %get3A_1337 = arith.constant 32 : index
        %get3A_1338 = tpu.vector_load %arg5[%get3A_1337] {strides = array<i32>} : memref<256xf32, #tpu.memory_space<vmem>>, vector<16xf32>,
        %get3A_1339 = arith.constant 32 : index
        %get3A_1340 = tpu.vector_load %arg4[%get3A_1339] {strides = array<i32>} : memref<256xf32, #tpu.memory_space<vmem>>, vector<16xf32>,
        %sub3A_1341 = arith.subf %get3A_1338, %get3A_1340 : vector<16xf32>
        %get3A_1342 = arith.constant 48 : index
        %get3A_1343 = tpu.vector_load %arg5[%get3A_1342] {strides = array<i32>} : memref<256xf32, #tpu.memory_space<vmem>>, vector<16xf32>,
        %get3A_1344 = arith.constant 48 : index
        %get3A_1345 = tpu.vector_load %arg4[%get3A_1344] {strides = array<i32>} : memref<256xf32, #tpu.memory_space<vmem>>, vector<16xf32>,
        %sub3A_1346 = arith.subf %get3A_1343, %get3A_1345 : vector<16xf32>
        %get3A_1347 = arith.constant 64 : index
        %get3A_1348 = tpu.vector_load %arg5[%get3A_1347] {strides = array<i32>} : memref<256xf32, #tpu.memory_space<vmem>>, vector<16xf32>,
        %get3A_1349 = arith.constant 64 : index
        %get3A_1350 = tpu.vector_load %arg4[%get3A_1349] {strides = array<i32>} : memref<256xf32, #tpu.memory_space<vmem>>, vector<16xf32>,
        %sub3A_1351 = arith.subf %get3A_1348, %get3A_1350 : vector<16xf32>
        %get3A_1352 = arith.constant 80 : index
        %get3A_1353 = tpu.vector_load %arg5[%get3A_1352] {strides = array<i32>} : memref<256xf32, #tpu.memory_space<vmem>>, vector<16xf32>,
        %get3A_1354 = arith.constant 80 : index
        %get3A_1355 = tpu.vector_load %arg4[%get3A_1354] {strides = array<i32>} : memref<256xf32, #tpu.memory_space<vmem>>, vector<16xf32>,
        %sub3A_1356 = arith.subf %get3A_1353, %get3A_1355 : vector<16xf32>
        %get3A_1357 = arith.constant 96 : index
        %get3A_1358 = tpu.vector_load %arg5[%get3A_1357] {strides = array<i32>} : memref<256xf32, #tpu.memory_space<vmem>>, vector<16xf32>,
        %get3A_1359 = arith.constant 96 : index
        %get3A_1360 = tpu.vector_load %arg4[%get3A_1359] {strides = array<i32>} : memref<256xf32, #tpu.memory_space<vmem>>, vector<16xf32>,
        %sub3A_1361 = arith.subf %get3A_1358, %get3A_1360 : vector<16xf32>
        %get3A_1362 = arith.constant 112 : index
        %get3A_1363 = tpu.vector_load %arg5[%get3A_1362] {strides = array<i32>} : memref<256xf32, #tpu.memory_space<vmem>>, vector<16xf32>,
        %get3A_1364 = arith.constant 112 : index
        %get3A_1365 = tpu.vector_load %arg4[%get3A_1364] {strides = array<i32>} : memref<256xf32, #tpu.memory_space<vmem>>, vector<16xf32>,
        %sub3A_1366 = arith.subf %get3A_1363, %get3A_1365 : vector<16xf32>
        %get3A_1367 = arith.constant 128 : index
        %get3A_1368 = tpu.vector_load %arg5[%get3A_1367] {strides = array<i32>} : memref<256xf32, #tpu.memory_space<vmem>>, vector<16xf32>,
        %get3A_1369 = arith.constant 128 : index
        %get3A_1370 = tpu.vector_load %arg4[%get3A_1369] {strides = array<i32>} : memref<256xf32, #tpu.memory_space<vmem>>, vector<16xf32>,
        %sub3A_1371 = arith.subf %get3A_1368, %get3A_1370 : vector<16xf32>
        %get3A_1372 = arith.constant 144 : index
        %get3A_1373 = tpu.vector_load %arg5[%get3A_1372] {strides = array<i32>} : memref<256xf32, #tpu.memory_space<vmem>>, vector<16xf32>,
        %get3A_1374 = arith.constant 144 : index
        %get3A_1375 = tpu.vector_load %arg4[%get3A_1374] {strides = array<i32>} : memref<256xf32, #tpu.memory_space<vmem>>, vector<16xf32>,
        %sub3A_1376 = arith.subf %get3A_1373, %get3A_1375 : vector<16xf32>
        %get3A_1377 = arith.constant 160 : index
        %get3A_1378 = tpu.vector_load %arg5[%get3A_1377] {strides = array<i32>} : memref<256xf32, #tpu.memory_space<vmem>>, vector<16xf32>,
        %get3A_1379 = arith.constant 160 : index
        %get3A_1380 = tpu.vector_load %arg4[%get3A_1379] {strides = array<i32>} : memref<256xf32, #tpu.memory_space<vmem>>, vector<16xf32>,
        %sub3A_1381 = arith.subf %get3A_1378, %get3A_1380 : vector<16xf32>
        %get3A_1382 = arith.constant 176 : index
        %get3A_1383 = tpu.vector_load %arg5[%get3A_1382] {strides = array<i32>} : memref<256xf32, #tpu.memory_space<vmem>>, vector<16xf32>,
        %get3A_1384 = arith.constant 176 : index
        %get3A_1385 = tpu.vector_load %arg4[%get3A_1384] {strides = array<i32>} : memref<256xf32, #tpu.memory_space<vmem>>, vector<16xf32>,
        %sub3A_1386 = arith.subf %get3A_1383, %get3A_1385 : vector<16xf32>
        %get3A_1387 = arith.constant 192 : index
        %get3A_1388 = tpu.vector_load %arg5[%get3A_1387] {strides = array<i32>} : memref<256xf32, #tpu.memory_space<vmem>>, vector<16xf32>,
        %get3A_1389 = arith.constant 192 : index
        %get3A_1390 = tpu.vector_load %arg4[%get3A_1389] {strides = array<i32>} : memref<256xf32, #tpu.memory_space<vmem>>, vector<16xf32>,
        %sub3A_1391 = arith.subf %get3A_1388, %get3A_1390 : vector<16xf32>
        %get3A_1392 = arith.constant 208 : index
        %get3A_1393 = tpu.vector_load %arg5[%get3A_1392] {strides = array<i32>} : memref<256xf32, #tpu.memory_space<vmem>>, vector<16xf32>,
        %get3A_1394 = arith.constant 208 : index
        %get3A_1395 = tpu.vector_load %arg4[%get3A_1394] {strides = array<i32>} : memref<256xf32, #tpu.memory_space<vmem>>, vector<16xf32>,
        %sub3A_1396 = arith.subf %get3A_1393, %get3A_1395 : vector<16xf32>
        %get3A_1397 = arith.constant 224 : index
        %get3A_1398 = tpu.vector_load %arg5[%get3A_1397] {strides = array<i32>} : memref<256xf32, #tpu.memory_space<vmem>>, vector<16xf32>,
        %get3A_1399 = arith.constant 224 : index
        %get3A_1400 = tpu.vector_load %arg4[%get3A_1399] {strides = array<i32>} : memref<256xf32, #tpu.memory_space<vmem>>, vector<16xf32>,
        %sub3A_1401 = arith.subf %get3A_1398, %get3A_1400 : vector<16xf32>
        %get3A_1402 = arith.constant 240 : index
        %get3A_1403 = tpu.vector_load %arg5[%get3A_1402] {strides = array<i32>} : memref<256xf32, #tpu.memory_space<vmem>>, vector<16xf32>,
        %get3A_1404 = arith.constant 240 : index
        %get3A_1405 = tpu.vector_load %arg4[%get3A_1404] {strides = array<i32>} : memref<256xf32, #tpu.memory_space<vmem>>, vector<16xf32>,
        %sub3A_1406 = arith.subf %get3A_1403, %get3A_1405 : vector<16xf32>
        %add3A_1407 = arith.constant 0 : i32
        %add3A_1408 = vector.broadcast %add3A_1407 : i32 to vector<16xi32>
        %add3A_1409 = arith.addi %iota3A, %add3A_1408 : vector<16xi32>
        %add3A_1410 = arith.constant 16 : i32
        %add3A_1411 = vector.broadcast %add3A_1410 : i32 to vector<16xi32>
        %add3A_1412 = arith.addi %iota3A, %add3A_1411 : vector<16xi32>
        %add3A_1413 = arith.constant 32 : i32
        %add3A_1414 = vector.broadcast %add3A_1413 : i32 to vector<16xi32>
        %add3A_1415 = arith.addi %iota3A, %add3A_1414 : vector<16xi32>
        %add3A_1416 = arith.constant 48 : i32
        %add3A_1417 = vector.broadcast %add3A_1416 : i32 to vector<16xi32>
        %add3A_1418 = arith.addi %iota3A, %add3A_1417 : vector<16xi32>
        %add3A_1419 = arith.constant 64 : i32
        %add3A_1420 = vector.broadcast %add3A_1419 : i32 to vector<16xi32>
        %add3A_1421 = arith.addi %iota3A, %add3A_1420 : vector<16xi32>
        %add3A_1422 = arith.constant 80 : i32
        %add3A_1423 = vector.broadcast %add3A_1422 : i32 to vector<16xi32>
        %add3A_1424 = arith.addi %iota3A, %add3A_1423 : vector<16xi32>
        %add3A_1425 = arith.constant 96 : i32
        %add3A_1426 = vector.broadcast %add3A_1425 : i32 to vector<16xi32>
        %add3A_1427 = arith.addi %iota3A, %add3A_1426 : vector<16xi32>
        %add3A_1428 = arith.constant 112 : i32
        %add3A_1429 = vector.broadcast %add3A_1428 : i32 to vector<16xi32>
        %add3A_1430 = arith.addi %iota3A, %add3A_1429 : vector<16xi32>
        %add3A_1431 = arith.constant 128 : i32
        %add3A_1432 = vector.broadcast %add3A_1431 : i32 to vector<16xi32>
        %add3A_1433 = arith.addi %iota3A, %add3A_1432 : vector<16xi32>
        %add3A_1434 = arith.constant 144 : i32
        %add3A_1435 = vector.broadcast %add3A_1434 : i32 to vector<16xi32>
        %add3A_1436 = arith.addi %iota3A, %add3A_1435 : vector<16xi32>
        %add3A_1437 = arith.constant 160 : i32
        %add3A_1438 = vector.broadcast %add3A_1437 : i32 to vector<16xi32>
        %add3A_1439 = arith.addi %iota3A, %add3A_1438 : vector<16xi32>
        %add3A_1440 = arith.constant 176 : i32
        %add3A_1441 = vector.broadcast %add3A_1440 : i32 to vector<16xi32>
        %add3A_1442 = arith.addi %iota3A, %add3A_1441 : vector<16xi32>
        %add3A_1443 = arith.constant 192 : i32
        %add3A_1444 = vector.broadcast %add3A_1443 : i32 to vector<16xi32>
        %add3A_1445 = arith.addi %iota3A, %add3A_1444 : vector<16xi32>
        %add3A_1446 = arith.constant 208 : i32
        %add3A_1447 = vector.broadcast %add3A_1446 : i32 to vector<16xi32>
        %add3A_1448 = arith.addi %iota3A, %add3A_1447 : vector<16xi32>
        %add3A_1449 = arith.constant 224 : i32
        %add3A_1450 = vector.broadcast %add3A_1449 : i32 to vector<16xi32>
        %add3A_1451 = arith.addi %iota3A, %add3A_1450 : vector<16xi32>
        %add3A_1452 = arith.constant 240 : i32
        %add3A_1453 = vector.broadcast %add3A_1452 : i32 to vector<16xi32>
        %add3A_1454 = arith.addi %iota3A, %add3A_1453 : vector<16xi32>
        %masked_sort3A_1455 = arith.constant dense<true> : vector<16xi1>
        %masked_sort3A_1456, %masked_sort3A_1457, %masked_sort3A_1458 = tpu.sort %sub3A_1331, %add3A_1409 masked %masked_sort3A_1455 : (vector<16xf32>, vector<16xi32>, vector<16xi1>) -> (vector<16xi1>, vector<16xf32>, vector<16xi32>)
        %masked_sort3A_1459 = arith.constant dense<true> : vector<16xi1>
        %masked_sort3A_1460, %masked_sort3A_1461, %masked_sort3A_1462 = tpu.sort %sub3A_1336, %add3A_1412 masked %masked_sort3A_1459 : (vector<16xf32>, vector<16xi32>, vector<16xi1>) -> (vector<16xi1>, vector<16xf32>, vector<16xi32>)
        %masked_sort3A_1463 = arith.constant dense<true> : vector<16xi1>
        %masked_sort3A_1464, %masked_sort3A_1465, %masked_sort3A_1466 = tpu.sort %sub3A_1341, %add3A_1415 masked %masked_sort3A_1463 : (vector<16xf32>, vector<16xi32>, vector<16xi1>) -> (vector<16xi1>, vector<16xf32>, vector<16xi32>)
        %masked_sort3A_1467 = arith.constant dense<true> : vector<16xi1>
        %masked_sort3A_1468, %masked_sort3A_1469, %masked_sort3A_1470 = tpu.sort %sub3A_1346, %add3A_1418 masked %masked_sort3A_1467 : (vector<16xf32>, vector<16xi32>, vector<16xi1>) -> (vector<16xi1>, vector<16xf32>, vector<16xi32>)
        %masked_sort3A_1471 = arith.constant dense<true> : vector<16xi1>
        %masked_sort3A_1472, %masked_sort3A_1473, %masked_sort3A_1474 = tpu.sort %sub3A_1351, %add3A_1421 masked %masked_sort3A_1471 : (vector<16xf32>, vector<16xi32>, vector<16xi1>) -> (vector<16xi1>, vector<16xf32>, vector<16xi32>)
        %masked_sort3A_1475 = arith.constant dense<true> : vector<16xi1>
        %masked_sort3A_1476, %masked_sort3A_1477, %masked_sort3A_1478 = tpu.sort %sub3A_1356, %add3A_1424 masked %masked_sort3A_1475 : (vector<16xf32>, vector<16xi32>, vector<16xi1>) -> (vector<16xi1>, vector<16xf32>, vector<16xi32>)
        %masked_sort3A_1479 = arith.constant dense<true> : vector<16xi1>
        %masked_sort3A_1480, %masked_sort3A_1481, %masked_sort3A_1482 = tpu.sort %sub3A_1361, %add3A_1427 masked %masked_sort3A_1479 : (vector<16xf32>, vector<16xi32>, vector<16xi1>) -> (vector<16xi1>, vector<16xf32>, vector<16xi32>)
        %masked_sort3A_1483 = arith.constant dense<true> : vector<16xi1>
        %masked_sort3A_1484, %masked_sort3A_1485, %masked_sort3A_1486 = tpu.sort %sub3A_1366, %add3A_1430 masked %masked_sort3A_1483 : (vector<16xf32>, vector<16xi32>, vector<16xi1>) -> (vector<16xi1>, vector<16xf32>, vector<16xi32>)
        %masked_sort3A_1487 = arith.constant dense<true> : vector<16xi1>
        %masked_sort3A_1488, %masked_sort3A_1489, %masked_sort3A_1490 = tpu.sort %sub3A_1371, %add3A_1433 masked %masked_sort3A_1487 : (vector<16xf32>, vector<16xi32>, vector<16xi1>) -> (vector<16xi1>, vector<16xf32>, vector<16xi32>)
        %masked_sort3A_1491 = arith.constant dense<true> : vector<16xi1>
        %masked_sort3A_1492, %masked_sort3A_1493, %masked_sort3A_1494 = tpu.sort %sub3A_1376, %add3A_1436 masked %masked_sort3A_1491 : (vector<16xf32>, vector<16xi32>, vector<16xi1>) -> (vector<16xi1>, vector<16xf32>, vector<16xi32>)
        %masked_sort3A_1495 = arith.constant dense<true> : vector<16xi1>
        %masked_sort3A_1496, %masked_sort3A_1497, %masked_sort3A_1498 = tpu.sort %sub3A_1381, %add3A_1439 masked %masked_sort3A_1495 : (vector<16xf32>, vector<16xi32>, vector<16xi1>) -> (vector<16xi1>, vector<16xf32>, vector<16xi32>)
        %masked_sort3A_1499 = arith.constant dense<true> : vector<16xi1>
        %masked_sort3A_1500, %masked_sort3A_1501, %masked_sort3A_1502 = tpu.sort %sub3A_1386, %add3A_1442 masked %masked_sort3A_1499 : (vector<16xf32>, vector<16xi32>, vector<16xi1>) -> (vector<16xi1>, vector<16xf32>, vector<16xi32>)
        %masked_sort3A_1503 = arith.constant dense<true> : vector<16xi1>
        %masked_sort3A_1504, %masked_sort3A_1505, %masked_sort3A_1506 = tpu.sort %sub3A_1391, %add3A_1445 masked %masked_sort3A_1503 : (vector<16xf32>, vector<16xi32>, vector<16xi1>) -> (vector<16xi1>, vector<16xf32>, vector<16xi32>)
        %masked_sort3A_1507 = arith.constant dense<true> : vector<16xi1>
        %masked_sort3A_1508, %masked_sort3A_1509, %masked_sort3A_1510 = tpu.sort %sub3A_1396, %add3A_1448 masked %masked_sort3A_1507 : (vector<16xf32>, vector<16xi32>, vector<16xi1>) -> (vector<16xi1>, vector<16xf32>, vector<16xi32>)
        %masked_sort3A_1511 = arith.constant dense<true> : vector<16xi1>
        %masked_sort3A_1512, %masked_sort3A_1513, %masked_sort3A_1514 = tpu.sort %sub3A_1401, %add3A_1451 masked %masked_sort3A_1511 : (vector<16xf32>, vector<16xi32>, vector<16xi1>) -> (vector<16xi1>, vector<16xf32>, vector<16xi32>)
        %masked_sort3A_1515 = arith.constant dense<true> : vector<16xi1>
        %masked_sort3A_1516, %masked_sort3A_1517, %masked_sort3A_1518 = tpu.sort %sub3A_1406, %add3A_1454 masked %masked_sort3A_1515 : (vector<16xf32>, vector<16xi32>, vector<16xi1>) -> (vector<16xi1>, vector<16xf32>, vector<16xi32>)
        %rev3A_1519 = arith.constant 15 : i32
        %rev3A_1520 = vector.broadcast %rev3A_1519 : i32 to vector<16xi32>
        %rev3A_1521 = tpu.iota {dimensions = array<i32: 0>} : vector<16xi32>
        %rev3A_1522 = arith.subi %rev3A_1520, %rev3A_1521 : vector<16xi32>
        %rev3A_1523 = tpu.dynamic_gather %masked_sort3A_1461[%rev3A_1522] in [0] : vector<16xf32>, vector<16xi32> -> vector<16xf32>
        %rev3A_1524 = arith.constant 15 : i32
        %rev3A_1525 = vector.broadcast %rev3A_1524 : i32 to vector<16xi32>
        %rev3A_1526 = tpu.iota {dimensions = array<i32: 0>} : vector<16xi32>
        %rev3A_1527 = arith.subi %rev3A_1525, %rev3A_1526 : vector<16xi32>
        %rev3A_1528 = tpu.dynamic_gather %masked_sort3A_1462[%rev3A_1527] in [0] : vector<16xi32>, vector<16xi32> -> vector<16xi32>
        %le3A_1529 = arith.cmpf ole, %masked_sort3A_1457, %rev3A_1523 : vector<16xf32>
        %select_n3A_1530 = arith.select %le3A_1529, %masked_sort3A_1457, %rev3A_1523 : vector<16xi1>, vector<16xf32>
        %select_n3A_1531 = arith.select %le3A_1529, %masked_sort3A_1458, %rev3A_1528 : vector<16xi1>, vector<16xi32>
        %select_n3A_1532 = arith.select %le3A_1529, %rev3A_1523, %masked_sort3A_1457 : vector<16xi1>, vector<16xf32>
        %select_n3A_1533 = arith.select %le3A_1529, %rev3A_1528, %masked_sort3A_1458 : vector<16xi1>, vector<16xi32>
        %masked_sort3A_1534 = arith.constant dense<true> : vector<16xi1>
        %masked_sort3A_1535, %masked_sort3A_1536, %masked_sort3A_1537 = tpu.sort %select_n3A_1530, %select_n3A_1531 masked %masked_sort3A_1534 : (vector<16xf32>, vector<16xi32>, vector<16xi1>) -> (vector<16xi1>, vector<16xf32>, vector<16xi32>)
        %masked_sort3A_1538 = arith.constant dense<true> : vector<16xi1>
        %masked_sort3A_1539, %masked_sort3A_1540, %masked_sort3A_1541 = tpu.sort %select_n3A_1532, %select_n3A_1533 masked %masked_sort3A_1538 : (vector<16xf32>, vector<16xi32>, vector<16xi1>) -> (vector<16xi1>, vector<16xf32>, vector<16xi32>)
        %rev3A_1542 = arith.constant 15 : i32
        %rev3A_1543 = vector.broadcast %rev3A_1542 : i32 to vector<16xi32>
        %rev3A_1544 = tpu.iota {dimensions = array<i32: 0>} : vector<16xi32>
        %rev3A_1545 = arith.subi %rev3A_1543, %rev3A_1544 : vector<16xi32>
        %rev3A_1546 = tpu.dynamic_gather %masked_sort3A_1469[%rev3A_1545] in [0] : vector<16xf32>, vector<16xi32> -> vector<16xf32>
        %rev3A_1547 = arith.constant 15 : i32
        %rev3A_1548 = vector.broadcast %rev3A_1547 : i32 to vector<16xi32>
        %rev3A_1549 = tpu.iota {dimensions = array<i32: 0>} : vector<16xi32>
        %rev3A_1550 = arith.subi %rev3A_1548, %rev3A_1549 : vector<16xi32>
        %rev3A_1551 = tpu.dynamic_gather %masked_sort3A_1470[%rev3A_1550] in [0] : vector<16xi32>, vector<16xi32> -> vector<16xi32>
        %le3A_1552 = arith.cmpf ole, %masked_sort3A_1465, %rev3A_1546 : vector<16xf32>
        %select_n3A_1553 = arith.select %le3A_1552, %masked_sort3A_1465, %rev3A_1546 : vector<16xi1>, vector<16xf32>
        %select_n3A_1554 = arith.select %le3A_1552, %masked_sort3A_1466, %rev3A_1551 : vector<16xi1>, vector<16xi32>
        %select_n3A_1555 = arith.select %le3A_1552, %rev3A_1546, %masked_sort3A_1465 : vector<16xi1>, vector<16xf32>
        %select_n3A_1556 = arith.select %le3A_1552, %rev3A_1551, %masked_sort3A_1466 : vector<16xi1>, vector<16xi32>
        %masked_sort3A_1557 = arith.constant dense<true> : vector<16xi1>
        %masked_sort3A_1558, %masked_sort3A_1559, %masked_sort3A_1560 = tpu.sort %select_n3A_1553, %select_n3A_1554 masked %masked_sort3A_1557 : (vector<16xf32>, vector<16xi32>, vector<16xi1>) -> (vector<16xi1>, vector<16xf32>, vector<16xi32>)
        %masked_sort3A_1561 = arith.constant dense<true> : vector<16xi1>
        %masked_sort3A_1562, %masked_sort3A_1563, %masked_sort3A_1564 = tpu.sort %select_n3A_1555, %select_n3A_1556 masked %masked_sort3A_1561 : (vector<16xf32>, vector<16xi32>, vector<16xi1>) -> (vector<16xi1>, vector<16xf32>, vector<16xi32>)
        %rev3A_1565 = arith.constant 15 : i32
        %rev3A_1566 = vector.broadcast %rev3A_1565 : i32 to vector<16xi32>
        %rev3A_1567 = tpu.iota {dimensions = array<i32: 0>} : vector<16xi32>
        %rev3A_1568 = arith.subi %rev3A_1566, %rev3A_1567 : vector<16xi32>
        %rev3A_1569 = tpu.dynamic_gather %masked_sort3A_1477[%rev3A_1568] in [0] : vector<16xf32>, vector<16xi32> -> vector<16xf32>
        %rev3A_1570 = arith.constant 15 : i32
        %rev3A_1571 = vector.broadcast %rev3A_1570 : i32 to vector<16xi32>
        %rev3A_1572 = tpu.iota {dimensions = array<i32: 0>} : vector<16xi32>
        %rev3A_1573 = arith.subi %rev3A_1571, %rev3A_1572 : vector<16xi32>
        %rev3A_1574 = tpu.dynamic_gather %masked_sort3A_1478[%rev3A_1573] in [0] : vector<16xi32>, vector<16xi32> -> vector<16xi32>
        %le3A_1575 = arith.cmpf ole, %masked_sort3A_1473, %rev3A_1569 : vector<16xf32>
        %select_n3A_1576 = arith.select %le3A_1575, %masked_sort3A_1473, %rev3A_1569 : vector<16xi1>, vector<16xf32>
        %select_n3A_1577 = arith.select %le3A_1575, %masked_sort3A_1474, %rev3A_1574 : vector<16xi1>, vector<16xi32>
        %select_n3A_1578 = arith.select %le3A_1575, %rev3A_1569, %masked_sort3A_1473 : vector<16xi1>, vector<16xf32>
        %select_n3A_1579 = arith.select %le3A_1575, %rev3A_1574, %masked_sort3A_1474 : vector<16xi1>, vector<16xi32>
        %masked_sort3A_1580 = arith.constant dense<true> : vector<16xi1>
        %masked_sort3A_1581, %masked_sort3A_1582, %masked_sort3A_1583 = tpu.sort %select_n3A_1576, %select_n3A_1577 masked %masked_sort3A_1580 : (vector<16xf32>, vector<16xi32>, vector<16xi1>) -> (vector<16xi1>, vector<16xf32>, vector<16xi32>)
        %masked_sort3A_1584 = arith.constant dense<true> : vector<16xi1>
        %masked_sort3A_1585, %masked_sort3A_1586, %masked_sort3A_1587 = tpu.sort %select_n3A_1578, %select_n3A_1579 masked %masked_sort3A_1584 : (vector<16xf32>, vector<16xi32>, vector<16xi1>) -> (vector<16xi1>, vector<16xf32>, vector<16xi32>)
        %rev3A_1588 = arith.constant 15 : i32
        %rev3A_1589 = vector.broadcast %rev3A_1588 : i32 to vector<16xi32>
        %rev3A_1590 = tpu.iota {dimensions = array<i32: 0>} : vector<16xi32>
        %rev3A_1591 = arith.subi %rev3A_1589, %rev3A_1590 : vector<16xi32>
        %rev3A_1592 = tpu.dynamic_gather %masked_sort3A_1485[%rev3A_1591] in [0] : vector<16xf32>, vector<16xi32> -> vector<16xf32>
        %rev3A_1593 = arith.constant 15 : i32
        %rev3A_1594 = vector.broadcast %rev3A_1593 : i32 to vector<16xi32>
        %rev3A_1595 = tpu.iota {dimensions = array<i32: 0>} : vector<16xi32>
        %rev3A_1596 = arith.subi %rev3A_1594, %rev3A_1595 : vector<16xi32>
        %rev3A_1597 = tpu.dynamic_gather %masked_sort3A_1486[%rev3A_1596] in [0] : vector<16xi32>, vector<16xi32> -> vector<16xi32>
        %le3A_1598 = arith.cmpf ole, %masked_sort3A_1481, %rev3A_1592 : vector<16xf32>
        %select_n3A_1599 = arith.select %le3A_1598, %masked_sort3A_1481, %rev3A_1592 : vector<16xi1>, vector<16xf32>
        %select_n3A_1600 = arith.select %le3A_1598, %masked_sort3A_1482, %rev3A_1597 : vector<16xi1>, vector<16xi32>
        %select_n3A_1601 = arith.select %le3A_1598, %rev3A_1592, %masked_sort3A_1481 : vector<16xi1>, vector<16xf32>
        %select_n3A_1602 = arith.select %le3A_1598, %rev3A_1597, %masked_sort3A_1482 : vector<16xi1>, vector<16xi32>
        %masked_sort3A_1603 = arith.constant dense<true> : vector<16xi1>
        %masked_sort3A_1604, %masked_sort3A_1605, %masked_sort3A_1606 = tpu.sort %select_n3A_1599, %select_n3A_1600 masked %masked_sort3A_1603 : (vector<16xf32>, vector<16xi32>, vector<16xi1>) -> (vector<16xi1>, vector<16xf32>, vector<16xi32>)
        %masked_sort3A_1607 = arith.constant dense<true> : vector<16xi1>
        %masked_sort3A_1608, %masked_sort3A_1609, %masked_sort3A_1610 = tpu.sort %select_n3A_1601, %select_n3A_1602 masked %masked_sort3A_1607 : (vector<16xf32>, vector<16xi32>, vector<16xi1>) -> (vector<16xi1>, vector<16xf32>, vector<16xi32>)
        %rev3A_1611 = arith.constant 15 : i32
        %rev3A_1612 = vector.broadcast %rev3A_1611 : i32 to vector<16xi32>
        %rev3A_1613 = tpu.iota {dimensions = array<i32: 0>} : vector<16xi32>
        %rev3A_1614 = arith.subi %rev3A_1612, %rev3A_1613 : vector<16xi32>
        %rev3A_1615 = tpu.dynamic_gather %masked_sort3A_1493[%rev3A_1614] in [0] : vector<16xf32>, vector<16xi32> -> vector<16xf32>
        %rev3A_1616 = arith.constant 15 : i32
        %rev3A_1617 = vector.broadcast %rev3A_1616 : i32 to vector<16xi32>
        %rev3A_1618 = tpu.iota {dimensions = array<i32: 0>} : vector<16xi32>
        %rev3A_1619 = arith.subi %rev3A_1617, %rev3A_1618 : vector<16xi32>
        %rev3A_1620 = tpu.dynamic_gather %masked_sort3A_1494[%rev3A_1619] in [0] : vector<16xi32>, vector<16xi32> -> vector<16xi32>
        %le3A_1621 = arith.cmpf ole, %masked_sort3A_1489, %rev3A_1615 : vector<16xf32>
        %select_n3A_1622 = arith.select %le3A_1621, %masked_sort3A_1489, %rev3A_1615 : vector<16xi1>, vector<16xf32>
        %select_n3A_1623 = arith.select %le3A_1621, %masked_sort3A_1490, %rev3A_1620 : vector<16xi1>, vector<16xi32>
        %select_n3A_1624 = arith.select %le3A_1621, %rev3A_1615, %masked_sort3A_1489 : vector<16xi1>, vector<16xf32>
        %select_n3A_1625 = arith.select %le3A_1621, %rev3A_1620, %masked_sort3A_1490 : vector<16xi1>, vector<16xi32>
        %masked_sort3A_1626 = arith.constant dense<true> : vector<16xi1>
        %masked_sort3A_1627, %masked_sort3A_1628, %masked_sort3A_1629 = tpu.sort %select_n3A_1622, %select_n3A_1623 masked %masked_sort3A_1626 : (vector<16xf32>, vector<16xi32>, vector<16xi1>) -> (vector<16xi1>, vector<16xf32>, vector<16xi32>)
        %masked_sort3A_1630 = arith.constant dense<true> : vector<16xi1>
        %masked_sort3A_1631, %masked_sort3A_1632, %masked_sort3A_1633 = tpu.sort %select_n3A_1624, %select_n3A_1625 masked %masked_sort3A_1630 : (vector<16xf32>, vector<16xi32>, vector<16xi1>) -> (vector<16xi1>, vector<16xf32>, vector<16xi32>)
        %rev3A_1634 = arith.constant 15 : i32
        %rev3A_1635 = vector.broadcast %rev3A_1634 : i32 to vector<16xi32>
        %rev3A_1636 = tpu.iota {dimensions = array<i32: 0>} : vector<16xi32>
        %rev3A_1637 = arith.subi %rev3A_1635, %rev3A_1636 : vector<16xi32>
        %rev3A_1638 = tpu.dynamic_gather %masked_sort3A_1501[%rev3A_1637] in [0] : vector<16xf32>, vector<16xi32> -> vector<16xf32>
        %rev3A_1639 = arith.constant 15 : i32
        %rev3A_1640 = vector.broadcast %rev3A_1639 : i32 to vector<16xi32>
        %rev3A_1641 = tpu.iota {dimensions = array<i32: 0>} : vector<16xi32>
        %rev3A_1642 = arith.subi %rev3A_1640, %rev3A_1641 : vector<16xi32>
        %rev3A_1643 = tpu.dynamic_gather %masked_sort3A_1502[%rev3A_1642] in [0] : vector<16xi32>, vector<16xi32> -> vector<16xi32>
        %le3A_1644 = arith.cmpf ole, %masked_sort3A_1497, %rev3A_1638 : vector<16xf32>
        %select_n3A_1645 = arith.select %le3A_1644, %masked_sort3A_1497, %rev3A_1638 : vector<16xi1>, vector<16xf32>
        %select_n3A_1646 = arith.select %le3A_1644, %masked_sort3A_1498, %rev3A_1643 : vector<16xi1>, vector<16xi32>
        %select_n3A_1647 = arith.select %le3A_1644, %rev3A_1638, %masked_sort3A_1497 : vector<16xi1>, vector<16xf32>
        %select_n3A_1648 = arith.select %le3A_1644, %rev3A_1643, %masked_sort3A_1498 : vector<16xi1>, vector<16xi32>
        %masked_sort3A_1649 = arith.constant dense<true> : vector<16xi1>
        %masked_sort3A_1650, %masked_sort3A_1651, %masked_sort3A_1652 = tpu.sort %select_n3A_1645, %select_n3A_1646 masked %masked_sort3A_1649 : (vector<16xf32>, vector<16xi32>, vector<16xi1>) -> (vector<16xi1>, vector<16xf32>, vector<16xi32>)
        %masked_sort3A_1653 = arith.constant dense<true> : vector<16xi1>
        %masked_sort3A_1654, %masked_sort3A_1655, %masked_sort3A_1656 = tpu.sort %select_n3A_1647, %select_n3A_1648 masked %masked_sort3A_1653 : (vector<16xf32>, vector<16xi32>, vector<16xi1>) -> (vector<16xi1>, vector<16xf32>, vector<16xi32>)
        %rev3A_1657 = arith.constant 15 : i32
        %rev3A_1658 = vector.broadcast %rev3A_1657 : i32 to vector<16xi32>
        %rev3A_1659 = tpu.iota {dimensions = array<i32: 0>} : vector<16xi32>
        %rev3A_1660 = arith.subi %rev3A_1658, %rev3A_1659 : vector<16xi32>
        %rev3A_1661 = tpu.dynamic_gather %masked_sort3A_1509[%rev3A_1660] in [0] : vector<16xf32>, vector<16xi32> -> vector<16xf32>
        %rev3A_1662 = arith.constant 15 : i32
        %rev3A_1663 = vector.broadcast %rev3A_1662 : i32 to vector<16xi32>
        %rev3A_1664 = tpu.iota {dimensions = array<i32: 0>} : vector<16xi32>
        %rev3A_1665 = arith.subi %rev3A_1663, %rev3A_1664 : vector<16xi32>
        %rev3A_1666 = tpu.dynamic_gather %masked_sort3A_1510[%rev3A_1665] in [0] : vector<16xi32>, vector<16xi32> -> vector<16xi32>
        %le3A_1667 = arith.cmpf ole, %masked_sort3A_1505, %rev3A_1661 : vector<16xf32>
        %select_n3A_1668 = arith.select %le3A_1667, %masked_sort3A_1505, %rev3A_1661 : vector<16xi1>, vector<16xf32>
        %select_n3A_1669 = arith.select %le3A_1667, %masked_sort3A_1506, %rev3A_1666 : vector<16xi1>, vector<16xi32>
        %select_n3A_1670 = arith.select %le3A_1667, %rev3A_1661, %masked_sort3A_1505 : vector<16xi1>, vector<16xf32>
        %select_n3A_1671 = arith.select %le3A_1667, %rev3A_1666, %masked_sort3A_1506 : vector<16xi1>, vector<16xi32>
        %masked_sort3A_1672 = arith.constant dense<true> : vector<16xi1>
        %masked_sort3A_1673, %masked_sort3A_1674, %masked_sort3A_1675 = tpu.sort %select_n3A_1668, %select_n3A_1669 masked %masked_sort3A_1672 : (vector<16xf32>, vector<16xi32>, vector<16xi1>) -> (vector<16xi1>, vector<16xf32>, vector<16xi32>)
        %masked_sort3A_1676 = arith.constant dense<true> : vector<16xi1>
        %masked_sort3A_1677, %masked_sort3A_1678, %masked_sort3A_1679 = tpu.sort %select_n3A_1670, %select_n3A_1671 masked %masked_sort3A_1676 : (vector<16xf32>, vector<16xi32>, vector<16xi1>) -> (vector<16xi1>, vector<16xf32>, vector<16xi32>)
        %rev3A_1680 = arith.constant 15 : i32
        %rev3A_1681 = vector.broadcast %rev3A_1680 : i32 to vector<16xi32>
        %rev3A_1682 = tpu.iota {dimensions = array<i32: 0>} : vector<16xi32>
        %rev3A_1683 = arith.subi %rev3A_1681, %rev3A_1682 : vector<16xi32>
        %rev3A_1684 = tpu.dynamic_gather %masked_sort3A_1517[%rev3A_1683] in [0] : vector<16xf32>, vector<16xi32> -> vector<16xf32>
        %rev3A_1685 = arith.constant 15 : i32
        %rev3A_1686 = vector.broadcast %rev3A_1685 : i32 to vector<16xi32>
        %rev3A_1687 = tpu.iota {dimensions = array<i32: 0>} : vector<16xi32>
        %rev3A_1688 = arith.subi %rev3A_1686, %rev3A_1687 : vector<16xi32>
        %rev3A_1689 = tpu.dynamic_gather %masked_sort3A_1518[%rev3A_1688] in [0] : vector<16xi32>, vector<16xi32> -> vector<16xi32>
        %le3A_1690 = arith.cmpf ole, %masked_sort3A_1513, %rev3A_1684 : vector<16xf32>
        %select_n3A_1691 = arith.select %le3A_1690, %masked_sort3A_1513, %rev3A_1684 : vector<16xi1>, vector<16xf32>
        %select_n3A_1692 = arith.select %le3A_1690, %masked_sort3A_1514, %rev3A_1689 : vector<16xi1>, vector<16xi32>
        %select_n3A_1693 = arith.select %le3A_1690, %rev3A_1684, %masked_sort3A_1513 : vector<16xi1>, vector<16xf32>
        %select_n3A_1694 = arith.select %le3A_1690, %rev3A_1689, %masked_sort3A_1514 : vector<16xi1>, vector<16xi32>
        %masked_sort3A_1695 = arith.constant dense<true> : vector<16xi1>
        %masked_sort3A_1696, %masked_sort3A_1697, %masked_sort3A_1698 = tpu.sort %select_n3A_1691, %select_n3A_1692 masked %masked_sort3A_1695 : (vector<16xf32>, vector<16xi32>, vector<16xi1>) -> (vector<16xi1>, vector<16xf32>, vector<16xi32>)
        %masked_sort3A_1699 = arith.constant dense<true> : vector<16xi1>
        %masked_sort3A_1700, %masked_sort3A_1701, %masked_sort3A_1702 = tpu.sort %select_n3A_1693, %select_n3A_1694 masked %masked_sort3A_1699 : (vector<16xf32>, vector<16xi32>, vector<16xi1>) -> (vector<16xi1>, vector<16xf32>, vector<16xi32>)
        %rev3A_1703 = arith.constant 15 : i32
        %rev3A_1704 = vector.broadcast %rev3A_1703 : i32 to vector<16xi32>
        %rev3A_1705 = tpu.iota {dimensions = array<i32: 0>} : vector<16xi32>
        %rev3A_1706 = arith.subi %rev3A_1704, %rev3A_1705 : vector<16xi32>
        %rev3A_1707 = tpu.dynamic_gather %masked_sort3A_1563[%rev3A_1706] in [0] : vector<16xf32>, vector<16xi32> -> vector<16xf32>
        %rev3A_1708 = arith.constant 15 : i32
        %rev3A_1709 = vector.broadcast %rev3A_1708 : i32 to vector<16xi32>
        %rev3A_1710 = tpu.iota {dimensions = array<i32: 0>} : vector<16xi32>
        %rev3A_1711 = arith.subi %rev3A_1709, %rev3A_1710 : vector<16xi32>
        %rev3A_1712 = tpu.dynamic_gather %masked_sort3A_1564[%rev3A_1711] in [0] : vector<16xi32>, vector<16xi32> -> vector<16xi32>
        %rev3A_1713 = arith.constant 15 : i32
        %rev3A_1714 = vector.broadcast %rev3A_1713 : i32 to vector<16xi32>
        %rev3A_1715 = tpu.iota {dimensions = array<i32: 0>} : vector<16xi32>
        %rev3A_1716 = arith.subi %rev3A_1714, %rev3A_1715 : vector<16xi32>
        %rev3A_1717 = tpu.dynamic_gather %masked_sort3A_1559[%rev3A_1716] in [0] : vector<16xf32>, vector<16xi32> -> vector<16xf32>
        %rev3A_1718 = arith.constant 15 : i32
        %rev3A_1719 = vector.broadcast %rev3A_1718 : i32 to vector<16xi32>
        %rev3A_1720 = tpu.iota {dimensions = array<i32: 0>} : vector<16xi32>
        %rev3A_1721 = arith.subi %rev3A_1719, %rev3A_1720 : vector<16xi32>
        %rev3A_1722 = tpu.dynamic_gather %masked_sort3A_1560[%rev3A_1721] in [0] : vector<16xi32>, vector<16xi32> -> vector<16xi32>
        %le3A_1723 = arith.cmpf ole, %masked_sort3A_1536, %rev3A_1707 : vector<16xf32>
        %select_n3A_1724 = arith.select %le3A_1723, %masked_sort3A_1536, %rev3A_1707 : vector<16xi1>, vector<16xf32>
        %select_n3A_1725 = arith.select %le3A_1723, %masked_sort3A_1537, %rev3A_1712 : vector<16xi1>, vector<16xi32>
        %select_n3A_1726 = arith.select %le3A_1723, %rev3A_1707, %masked_sort3A_1536 : vector<16xi1>, vector<16xf32>
        %select_n3A_1727 = arith.select %le3A_1723, %rev3A_1712, %masked_sort3A_1537 : vector<16xi1>, vector<16xi32>
        %le3A_1728 = arith.cmpf ole, %masked_sort3A_1540, %rev3A_1717 : vector<16xf32>
        %select_n3A_1729 = arith.select %le3A_1728, %masked_sort3A_1540, %rev3A_1717 : vector<16xi1>, vector<16xf32>
        %select_n3A_1730 = arith.select %le3A_1728, %masked_sort3A_1541, %rev3A_1722 : vector<16xi1>, vector<16xi32>
        %select_n3A_1731 = arith.select %le3A_1728, %rev3A_1717, %masked_sort3A_1540 : vector<16xi1>, vector<16xf32>
        %select_n3A_1732 = arith.select %le3A_1728, %rev3A_1722, %masked_sort3A_1541 : vector<16xi1>, vector<16xi32>
        %le3A_1733 = arith.cmpf ole, %select_n3A_1724, %select_n3A_1729 : vector<16xf32>
        %select_n3A_1734 = arith.select %le3A_1733, %select_n3A_1724, %select_n3A_1729 : vector<16xi1>, vector<16xf32>
        %select_n3A_1735 = arith.select %le3A_1733, %select_n3A_1725, %select_n3A_1730 : vector<16xi1>, vector<16xi32>
        %select_n3A_1736 = arith.select %le3A_1733, %select_n3A_1729, %select_n3A_1724 : vector<16xi1>, vector<16xf32>
        %select_n3A_1737 = arith.select %le3A_1733, %select_n3A_1730, %select_n3A_1725 : vector<16xi1>, vector<16xi32>
        %le3A_1738 = arith.cmpf ole, %select_n3A_1726, %select_n3A_1731 : vector<16xf32>
        %select_n3A_1739 = arith.select %le3A_1738, %select_n3A_1726, %select_n3A_1731 : vector<16xi1>, vector<16xf32>
        %select_n3A_1740 = arith.select %le3A_1738, %select_n3A_1727, %select_n3A_1732 : vector<16xi1>, vector<16xi32>
        %select_n3A_1741 = arith.select %le3A_1738, %select_n3A_1731, %select_n3A_1726 : vector<16xi1>, vector<16xf32>
        %select_n3A_1742 = arith.select %le3A_1738, %select_n3A_1732, %select_n3A_1727 : vector<16xi1>, vector<16xi32>
        %masked_sort3A_1743 = arith.constant dense<true> : vector<16xi1>
        %masked_sort3A_1744, %masked_sort3A_1745, %masked_sort3A_1746 = tpu.sort %select_n3A_1734, %select_n3A_1735 masked %masked_sort3A_1743 : (vector<16xf32>, vector<16xi32>, vector<16xi1>) -> (vector<16xi1>, vector<16xf32>, vector<16xi32>)
        %masked_sort3A_1747 = arith.constant dense<true> : vector<16xi1>
        %masked_sort3A_1748, %masked_sort3A_1749, %masked_sort3A_1750 = tpu.sort %select_n3A_1736, %select_n3A_1737 masked %masked_sort3A_1747 : (vector<16xf32>, vector<16xi32>, vector<16xi1>) -> (vector<16xi1>, vector<16xf32>, vector<16xi32>)
        %masked_sort3A_1751 = arith.constant dense<true> : vector<16xi1>
        %masked_sort3A_1752, %masked_sort3A_1753, %masked_sort3A_1754 = tpu.sort %select_n3A_1739, %select_n3A_1740 masked %masked_sort3A_1751 : (vector<16xf32>, vector<16xi32>, vector<16xi1>) -> (vector<16xi1>, vector<16xf32>, vector<16xi32>)
        %masked_sort3A_1755 = arith.constant dense<true> : vector<16xi1>
        %masked_sort3A_1756, %masked_sort3A_1757, %masked_sort3A_1758 = tpu.sort %select_n3A_1741, %select_n3A_1742 masked %masked_sort3A_1755 : (vector<16xf32>, vector<16xi32>, vector<16xi1>) -> (vector<16xi1>, vector<16xf32>, vector<16xi32>)
        %rev3A_1759 = arith.constant 15 : i32
        %rev3A_1760 = vector.broadcast %rev3A_1759 : i32 to vector<16xi32>
        %rev3A_1761 = tpu.iota {dimensions = array<i32: 0>} : vector<16xi32>
        %rev3A_1762 = arith.subi %rev3A_1760, %rev3A_1761 : vector<16xi32>
        %rev3A_1763 = tpu.dynamic_gather %masked_sort3A_1609[%rev3A_1762] in [0] : vector<16xf32>, vector<16xi32> -> vector<16xf32>
        %rev3A_1764 = arith.constant 15 : i32
        %rev3A_1765 = vector.broadcast %rev3A_1764 : i32 to vector<16xi32>
        %rev3A_1766 = tpu.iota {dimensions = array<i32: 0>} : vector<16xi32>
        %rev3A_1767 = arith.subi %rev3A_1765, %rev3A_1766 : vector<16xi32>
        %rev3A_1768 = tpu.dynamic_gather %masked_sort3A_1610[%rev3A_1767] in [0] : vector<16xi32>, vector<16xi32> -> vector<16xi32>
        %rev3A_1769 = arith.constant 15 : i32
        %rev3A_1770 = vector.broadcast %rev3A_1769 : i32 to vector<16xi32>
        %rev3A_1771 = tpu.iota {dimensions = array<i32: 0>} : vector<16xi32>
        %rev3A_1772 = arith.subi %rev3A_1770, %rev3A_1771 : vector<16xi32>
        %rev3A_1773 = tpu.dynamic_gather %masked_sort3A_1605[%rev3A_1772] in [0] : vector<16xf32>, vector<16xi32> -> vector<16xf32>
        %rev3A_1774 = arith.constant 15 : i32
        %rev3A_1775 = vector.broadcast %rev3A_1774 : i32 to vector<16xi32>
        %rev3A_1776 = tpu.iota {dimensions = array<i32: 0>} : vector<16xi32>
        %rev3A_1777 = arith.subi %rev3A_1775, %rev3A_1776 : vector<16xi32>
        %rev3A_1778 = tpu.dynamic_gather %masked_sort3A_1606[%rev3A_1777] in [0] : vector<16xi32>, vector<16xi32> -> vector<16xi32>
        %le3A_1779 = arith.cmpf ole, %masked_sort3A_1582, %rev3A_1763 : vector<16xf32>
        %select_n3A_1780 = arith.select %le3A_1779, %masked_sort3A_1582, %rev3A_1763 : vector<16xi1>, vector<16xf32>
        %select_n3A_1781 = arith.select %le3A_1779, %masked_sort3A_1583, %rev3A_1768 : vector<16xi1>, vector<16xi32>
        %select_n3A_1782 = arith.select %le3A_1779, %rev3A_1763, %masked_sort3A_1582 : vector<16xi1>, vector<16xf32>
        %select_n3A_1783 = arith.select %le3A_1779, %rev3A_1768, %masked_sort3A_1583 : vector<16xi1>, vector<16xi32>
        %le3A_1784 = arith.cmpf ole, %masked_sort3A_1586, %rev3A_1773 : vector<16xf32>
        %select_n3A_1785 = arith.select %le3A_1784, %masked_sort3A_1586, %rev3A_1773 : vector<16xi1>, vector<16xf32>
        %select_n3A_1786 = arith.select %le3A_1784, %masked_sort3A_1587, %rev3A_1778 : vector<16xi1>, vector<16xi32>
        %select_n3A_1787 = arith.select %le3A_1784, %rev3A_1773, %masked_sort3A_1586 : vector<16xi1>, vector<16xf32>
        %select_n3A_1788 = arith.select %le3A_1784, %rev3A_1778, %masked_sort3A_1587 : vector<16xi1>, vector<16xi32>
        %le3A_1789 = arith.cmpf ole, %select_n3A_1780, %select_n3A_1785 : vector<16xf32>
        %select_n3A_1790 = arith.select %le3A_1789, %select_n3A_1780, %select_n3A_1785 : vector<16xi1>, vector<16xf32>
        %select_n3A_1791 = arith.select %le3A_1789, %select_n3A_1781, %select_n3A_1786 : vector<16xi1>, vector<16xi32>
        %select_n3A_1792 = arith.select %le3A_1789, %select_n3A_1785, %select_n3A_1780 : vector<16xi1>, vector<16xf32>
        %select_n3A_1793 = arith.select %le3A_1789, %select_n3A_1786, %select_n3A_1781 : vector<16xi1>, vector<16xi32>
        %le3A_1794 = arith.cmpf ole, %select_n3A_1782, %select_n3A_1787 : vector<16xf32>
        %select_n3A_1795 = arith.select %le3A_1794, %select_n3A_1782, %select_n3A_1787 : vector<16xi1>, vector<16xf32>
        %select_n3A_1796 = arith.select %le3A_1794, %select_n3A_1783, %select_n3A_1788 : vector<16xi1>, vector<16xi32>
        %select_n3A_1797 = arith.select %le3A_1794, %select_n3A_1787, %select_n3A_1782 : vector<16xi1>, vector<16xf32>
        %select_n3A_1798 = arith.select %le3A_1794, %select_n3A_1788, %select_n3A_1783 : vector<16xi1>, vector<16xi32>
        %masked_sort3A_1799 = arith.constant dense<true> : vector<16xi1>
        %masked_sort3A_1800, %masked_sort3A_1801, %masked_sort3A_1802 = tpu.sort %select_n3A_1790, %select_n3A_1791 masked %masked_sort3A_1799 : (vector<16xf32>, vector<16xi32>, vector<16xi1>) -> (vector<16xi1>, vector<16xf32>, vector<16xi32>)
        %masked_sort3A_1803 = arith.constant dense<true> : vector<16xi1>
        %masked_sort3A_1804, %masked_sort3A_1805, %masked_sort3A_1806 = tpu.sort %select_n3A_1792, %select_n3A_1793 masked %masked_sort3A_1803 : (vector<16xf32>, vector<16xi32>, vector<16xi1>) -> (vector<16xi1>, vector<16xf32>, vector<16xi32>)
        %masked_sort3A_1807 = arith.constant dense<true> : vector<16xi1>
        %masked_sort3A_1808, %masked_sort3A_1809, %masked_sort3A_1810 = tpu.sort %select_n3A_1795, %select_n3A_1796 masked %masked_sort3A_1807 : (vector<16xf32>, vector<16xi32>, vector<16xi1>) -> (vector<16xi1>, vector<16xf32>, vector<16xi32>)
        %masked_sort3A_1811 = arith.constant dense<true> : vector<16xi1>
        %masked_sort3A_1812, %masked_sort3A_1813, %masked_sort3A_1814 = tpu.sort %select_n3A_1797, %select_n3A_1798 masked %masked_sort3A_1811 : (vector<16xf32>, vector<16xi32>, vector<16xi1>) -> (vector<16xi1>, vector<16xf32>, vector<16xi32>)
        %rev3A_1815 = arith.constant 15 : i32
        %rev3A_1816 = vector.broadcast %rev3A_1815 : i32 to vector<16xi32>
        %rev3A_1817 = tpu.iota {dimensions = array<i32: 0>} : vector<16xi32>
        %rev3A_1818 = arith.subi %rev3A_1816, %rev3A_1817 : vector<16xi32>
        %rev3A_1819 = tpu.dynamic_gather %masked_sort3A_1655[%rev3A_1818] in [0] : vector<16xf32>, vector<16xi32> -> vector<16xf32>
        %rev3A_1820 = arith.constant 15 : i32
        %rev3A_1821 = vector.broadcast %rev3A_1820 : i32 to vector<16xi32>
        %rev3A_1822 = tpu.iota {dimensions = array<i32: 0>} : vector<16xi32>
        %rev3A_1823 = arith.subi %rev3A_1821, %rev3A_1822 : vector<16xi32>
        %rev3A_1824 = tpu.dynamic_gather %masked_sort3A_1656[%rev3A_1823] in [0] : vector<16xi32>, vector<16xi32> -> vector<16xi32>
        %rev3A_1825 = arith.constant 15 : i32
        %rev3A_1826 = vector.broadcast %rev3A_1825 : i32 to vector<16xi32>
        %rev3A_1827 = tpu.iota {dimensions = array<i32: 0>} : vector<16xi32>
        %rev3A_1828 = arith.subi %rev3A_1826, %rev3A_1827 : vector<16xi32>
        %rev3A_1829 = tpu.dynamic_gather %masked_sort3A_1651[%rev3A_1828] in [0] : vector<16xf32>, vector<16xi32> -> vector<16xf32>
        %rev3A_1830 = arith.constant 15 : i32
        %rev3A_1831 = vector.broadcast %rev3A_1830 : i32 to vector<16xi32>
        %rev3A_1832 = tpu.iota {dimensions = array<i32: 0>} : vector<16xi32>
        %rev3A_1833 = arith.subi %rev3A_1831, %rev3A_1832 : vector<16xi32>
        %rev3A_1834 = tpu.dynamic_gather %masked_sort3A_1652[%rev3A_1833] in [0] : vector<16xi32>, vector<16xi32> -> vector<16xi32>
        %le3A_1835 = arith.cmpf ole, %masked_sort3A_1628, %rev3A_1819 : vector<16xf32>
        %select_n3A_1836 = arith.select %le3A_1835, %masked_sort3A_1628, %rev3A_1819 : vector<16xi1>, vector<16xf32>
        %select_n3A_1837 = arith.select %le3A_1835, %masked_sort3A_1629, %rev3A_1824 : vector<16xi1>, vector<16xi32>
        %select_n3A_1838 = arith.select %le3A_1835, %rev3A_1819, %masked_sort3A_1628 : vector<16xi1>, vector<16xf32>
        %select_n3A_1839 = arith.select %le3A_1835, %rev3A_1824, %masked_sort3A_1629 : vector<16xi1>, vector<16xi32>
        %le3A_1840 = arith.cmpf ole, %masked_sort3A_1632, %rev3A_1829 : vector<16xf32>
        %select_n3A_1841 = arith.select %le3A_1840, %masked_sort3A_1632, %rev3A_1829 : vector<16xi1>, vector<16xf32>
        %select_n3A_1842 = arith.select %le3A_1840, %masked_sort3A_1633, %rev3A_1834 : vector<16xi1>, vector<16xi32>
        %select_n3A_1843 = arith.select %le3A_1840, %rev3A_1829, %masked_sort3A_1632 : vector<16xi1>, vector<16xf32>
        %select_n3A_1844 = arith.select %le3A_1840, %rev3A_1834, %masked_sort3A_1633 : vector<16xi1>, vector<16xi32>
        %le3A_1845 = arith.cmpf ole, %select_n3A_1836, %select_n3A_1841 : vector<16xf32>
        %select_n3A_1846 = arith.select %le3A_1845, %select_n3A_1836, %select_n3A_1841 : vector<16xi1>, vector<16xf32>
        %select_n3A_1847 = arith.select %le3A_1845, %select_n3A_1837, %select_n3A_1842 : vector<16xi1>, vector<16xi32>
        %select_n3A_1848 = arith.select %le3A_1845, %select_n3A_1841, %select_n3A_1836 : vector<16xi1>, vector<16xf32>
        %select_n3A_1849 = arith.select %le3A_1845, %select_n3A_1842, %select_n3A_1837 : vector<16xi1>, vector<16xi32>
        %le3A_1850 = arith.cmpf ole, %select_n3A_1838, %select_n3A_1843 : vector<16xf32>
        %select_n3A_1851 = arith.select %le3A_1850, %select_n3A_1838, %select_n3A_1843 : vector<16xi1>, vector<16xf32>
        %select_n3A_1852 = arith.select %le3A_1850, %select_n3A_1839, %select_n3A_1844 : vector<16xi1>, vector<16xi32>
        %select_n3A_1853 = arith.select %le3A_1850, %select_n3A_1843, %select_n3A_1838 : vector<16xi1>, vector<16xf32>
        %select_n3A_1854 = arith.select %le3A_1850, %select_n3A_1844, %select_n3A_1839 : vector<16xi1>, vector<16xi32>
        %masked_sort3A_1855 = arith.constant dense<true> : vector<16xi1>
        %masked_sort3A_1856, %masked_sort3A_1857, %masked_sort3A_1858 = tpu.sort %select_n3A_1846, %select_n3A_1847 masked %masked_sort3A_1855 : (vector<16xf32>, vector<16xi32>, vector<16xi1>) -> (vector<16xi1>, vector<16xf32>, vector<16xi32>)
        %masked_sort3A_1859 = arith.constant dense<true> : vector<16xi1>
        %masked_sort3A_1860, %masked_sort3A_1861, %masked_sort3A_1862 = tpu.sort %select_n3A_1848, %select_n3A_1849 masked %masked_sort3A_1859 : (vector<16xf32>, vector<16xi32>, vector<16xi1>) -> (vector<16xi1>, vector<16xf32>, vector<16xi32>)
        %masked_sort3A_1863 = arith.constant dense<true> : vector<16xi1>
        %masked_sort3A_1864, %masked_sort3A_1865, %masked_sort3A_1866 = tpu.sort %select_n3A_1851, %select_n3A_1852 masked %masked_sort3A_1863 : (vector<16xf32>, vector<16xi32>, vector<16xi1>) -> (vector<16xi1>, vector<16xf32>, vector<16xi32>)
        %masked_sort3A_1867 = arith.constant dense<true> : vector<16xi1>
        %masked_sort3A_1868, %masked_sort3A_1869, %masked_sort3A_1870 = tpu.sort %select_n3A_1853, %select_n3A_1854 masked %masked_sort3A_1867 : (vector<16xf32>, vector<16xi32>, vector<16xi1>) -> (vector<16xi1>, vector<16xf32>, vector<16xi32>)
        %rev3A_1871 = arith.constant 15 : i32
        %rev3A_1872 = vector.broadcast %rev3A_1871 : i32 to vector<16xi32>
        %rev3A_1873 = tpu.iota {dimensions = array<i32: 0>} : vector<16xi32>
        %rev3A_1874 = arith.subi %rev3A_1872, %rev3A_1873 : vector<16xi32>
        %rev3A_1875 = tpu.dynamic_gather %masked_sort3A_1701[%rev3A_1874] in [0] : vector<16xf32>, vector<16xi32> -> vector<16xf32>
        %rev3A_1876 = arith.constant 15 : i32
        %rev3A_1877 = vector.broadcast %rev3A_1876 : i32 to vector<16xi32>
        %rev3A_1878 = tpu.iota {dimensions = array<i32: 0>} : vector<16xi32>
        %rev3A_1879 = arith.subi %rev3A_1877, %rev3A_1878 : vector<16xi32>
        %rev3A_1880 = tpu.dynamic_gather %masked_sort3A_1702[%rev3A_1879] in [0] : vector<16xi32>, vector<16xi32> -> vector<16xi32>
        %rev3A_1881 = arith.constant 15 : i32
        %rev3A_1882 = vector.broadcast %rev3A_1881 : i32 to vector<16xi32>
        %rev3A_1883 = tpu.iota {dimensions = array<i32: 0>} : vector<16xi32>
        %rev3A_1884 = arith.subi %rev3A_1882, %rev3A_1883 : vector<16xi32>
        %rev3A_1885 = tpu.dynamic_gather %masked_sort3A_1697[%rev3A_1884] in [0] : vector<16xf32>, vector<16xi32> -> vector<16xf32>
        %rev3A_1886 = arith.constant 15 : i32
        %rev3A_1887 = vector.broadcast %rev3A_1886 : i32 to vector<16xi32>
        %rev3A_1888 = tpu.iota {dimensions = array<i32: 0>} : vector<16xi32>
        %rev3A_1889 = arith.subi %rev3A_1887, %rev3A_1888 : vector<16xi32>
        %rev3A_1890 = tpu.dynamic_gather %masked_sort3A_1698[%rev3A_1889] in [0] : vector<16xi32>, vector<16xi32> -> vector<16xi32>
        %le3A_1891 = arith.cmpf ole, %masked_sort3A_1674, %rev3A_1875 : vector<16xf32>
        %select_n3A_1892 = arith.select %le3A_1891, %masked_sort3A_1674, %rev3A_1875 : vector<16xi1>, vector<16xf32>
        %select_n3A_1893 = arith.select %le3A_1891, %masked_sort3A_1675, %rev3A_1880 : vector<16xi1>, vector<16xi32>
        %select_n3A_1894 = arith.select %le3A_1891, %rev3A_1875, %masked_sort3A_1674 : vector<16xi1>, vector<16xf32>
        %select_n3A_1895 = arith.select %le3A_1891, %rev3A_1880, %masked_sort3A_1675 : vector<16xi1>, vector<16xi32>
        %le3A_1896 = arith.cmpf ole, %masked_sort3A_1678, %rev3A_1885 : vector<16xf32>
        %select_n3A_1897 = arith.select %le3A_1896, %masked_sort3A_1678, %rev3A_1885 : vector<16xi1>, vector<16xf32>
        %select_n3A_1898 = arith.select %le3A_1896, %masked_sort3A_1679, %rev3A_1890 : vector<16xi1>, vector<16xi32>
        %select_n3A_1899 = arith.select %le3A_1896, %rev3A_1885, %masked_sort3A_1678 : vector<16xi1>, vector<16xf32>
        %select_n3A_1900 = arith.select %le3A_1896, %rev3A_1890, %masked_sort3A_1679 : vector<16xi1>, vector<16xi32>
        %le3A_1901 = arith.cmpf ole, %select_n3A_1892, %select_n3A_1897 : vector<16xf32>
        %select_n3A_1902 = arith.select %le3A_1901, %select_n3A_1892, %select_n3A_1897 : vector<16xi1>, vector<16xf32>
        %select_n3A_1903 = arith.select %le3A_1901, %select_n3A_1893, %select_n3A_1898 : vector<16xi1>, vector<16xi32>
        %select_n3A_1904 = arith.select %le3A_1901, %select_n3A_1897, %select_n3A_1892 : vector<16xi1>, vector<16xf32>
        %select_n3A_1905 = arith.select %le3A_1901, %select_n3A_1898, %select_n3A_1893 : vector<16xi1>, vector<16xi32>
        %le3A_1906 = arith.cmpf ole, %select_n3A_1894, %select_n3A_1899 : vector<16xf32>
        %select_n3A_1907 = arith.select %le3A_1906, %select_n3A_1894, %select_n3A_1899 : vector<16xi1>, vector<16xf32>
        %select_n3A_1908 = arith.select %le3A_1906, %select_n3A_1895, %select_n3A_1900 : vector<16xi1>, vector<16xi32>
        %select_n3A_1909 = arith.select %le3A_1906, %select_n3A_1899, %select_n3A_1894 : vector<16xi1>, vector<16xf32>
        %select_n3A_1910 = arith.select %le3A_1906, %select_n3A_1900, %select_n3A_1895 : vector<16xi1>, vector<16xi32>
        %masked_sort3A_1911 = arith.constant dense<true> : vector<16xi1>
        %masked_sort3A_1912, %masked_sort3A_1913, %masked_sort3A_1914 = tpu.sort %select_n3A_1902, %select_n3A_1903 masked %masked_sort3A_1911 : (vector<16xf32>, vector<16xi32>, vector<16xi1>) -> (vector<16xi1>, vector<16xf32>, vector<16xi32>)
        %masked_sort3A_1915 = arith.constant dense<true> : vector<16xi1>
        %masked_sort3A_1916, %masked_sort3A_1917, %masked_sort3A_1918 = tpu.sort %select_n3A_1904, %select_n3A_1905 masked %masked_sort3A_1915 : (vector<16xf32>, vector<16xi32>, vector<16xi1>) -> (vector<16xi1>, vector<16xf32>, vector<16xi32>)
        %masked_sort3A_1919 = arith.constant dense<true> : vector<16xi1>
        %masked_sort3A_1920, %masked_sort3A_1921, %masked_sort3A_1922 = tpu.sort %select_n3A_1907, %select_n3A_1908 masked %masked_sort3A_1919 : (vector<16xf32>, vector<16xi32>, vector<16xi1>) -> (vector<16xi1>, vector<16xf32>, vector<16xi32>)
        %masked_sort3A_1923 = arith.constant dense<true> : vector<16xi1>
        %masked_sort3A_1924, %masked_sort3A_1925, %masked_sort3A_1926 = tpu.sort %select_n3A_1909, %select_n3A_1910 masked %masked_sort3A_1923 : (vector<16xf32>, vector<16xi32>, vector<16xi1>) -> (vector<16xi1>, vector<16xf32>, vector<16xi32>)
        %rev3A_1927 = arith.constant 15 : i32
        %rev3A_1928 = vector.broadcast %rev3A_1927 : i32 to vector<16xi32>
        %rev3A_1929 = tpu.iota {dimensions = array<i32: 0>} : vector<16xi32>
        %rev3A_1930 = arith.subi %rev3A_1928, %rev3A_1929 : vector<16xi32>
        %rev3A_1931 = tpu.dynamic_gather %masked_sort3A_1813[%rev3A_1930] in [0] : vector<16xf32>, vector<16xi32> -> vector<16xf32>
        %rev3A_1932 = arith.constant 15 : i32
        %rev3A_1933 = vector.broadcast %rev3A_1932 : i32 to vector<16xi32>
        %rev3A_1934 = tpu.iota {dimensions = array<i32: 0>} : vector<16xi32>
        %rev3A_1935 = arith.subi %rev3A_1933, %rev3A_1934 : vector<16xi32>
        %rev3A_1936 = tpu.dynamic_gather %masked_sort3A_1814[%rev3A_1935] in [0] : vector<16xi32>, vector<16xi32> -> vector<16xi32>
        %rev3A_1937 = arith.constant 15 : i32
        %rev3A_1938 = vector.broadcast %rev3A_1937 : i32 to vector<16xi32>
        %rev3A_1939 = tpu.iota {dimensions = array<i32: 0>} : vector<16xi32>
        %rev3A_1940 = arith.subi %rev3A_1938, %rev3A_1939 : vector<16xi32>
        %rev3A_1941 = tpu.dynamic_gather %masked_sort3A_1809[%rev3A_1940] in [0] : vector<16xf32>, vector<16xi32> -> vector<16xf32>
        %rev3A_1942 = arith.constant 15 : i32
        %rev3A_1943 = vector.broadcast %rev3A_1942 : i32 to vector<16xi32>
        %rev3A_1944 = tpu.iota {dimensions = array<i32: 0>} : vector<16xi32>
        %rev3A_1945 = arith.subi %rev3A_1943, %rev3A_1944 : vector<16xi32>
        %rev3A_1946 = tpu.dynamic_gather %masked_sort3A_1810[%rev3A_1945] in [0] : vector<16xi32>, vector<16xi32> -> vector<16xi32>
        %rev3A_1947 = arith.constant 15 : i32
        %rev3A_1948 = vector.broadcast %rev3A_1947 : i32 to vector<16xi32>
        %rev3A_1949 = tpu.iota {dimensions = array<i32: 0>} : vector<16xi32>
        %rev3A_1950 = arith.subi %rev3A_1948, %rev3A_1949 : vector<16xi32>
        %rev3A_1951 = tpu.dynamic_gather %masked_sort3A_1805[%rev3A_1950] in [0] : vector<16xf32>, vector<16xi32> -> vector<16xf32>
        %rev3A_1952 = arith.constant 15 : i32
        %rev3A_1953 = vector.broadcast %rev3A_1952 : i32 to vector<16xi32>
        %rev3A_1954 = tpu.iota {dimensions = array<i32: 0>} : vector<16xi32>
        %rev3A_1955 = arith.subi %rev3A_1953, %rev3A_1954 : vector<16xi32>
        %rev3A_1956 = tpu.dynamic_gather %masked_sort3A_1806[%rev3A_1955] in [0] : vector<16xi32>, vector<16xi32> -> vector<16xi32>
        %rev3A_1957 = arith.constant 15 : i32
        %rev3A_1958 = vector.broadcast %rev3A_1957 : i32 to vector<16xi32>
        %rev3A_1959 = tpu.iota {dimensions = array<i32: 0>} : vector<16xi32>
        %rev3A_1960 = arith.subi %rev3A_1958, %rev3A_1959 : vector<16xi32>
        %rev3A_1961 = tpu.dynamic_gather %masked_sort3A_1801[%rev3A_1960] in [0] : vector<16xf32>, vector<16xi32> -> vector<16xf32>
        %rev3A_1962 = arith.constant 15 : i32
        %rev3A_1963 = vector.broadcast %rev3A_1962 : i32 to vector<16xi32>
        %rev3A_1964 = tpu.iota {dimensions = array<i32: 0>} : vector<16xi32>
        %rev3A_1965 = arith.subi %rev3A_1963, %rev3A_1964 : vector<16xi32>
        %rev3A_1966 = tpu.dynamic_gather %masked_sort3A_1802[%rev3A_1965] in [0] : vector<16xi32>, vector<16xi32> -> vector<16xi32>
        %le3A_1967 = arith.cmpf ole, %masked_sort3A_1745, %rev3A_1931 : vector<16xf32>
        %select_n3A_1968 = arith.select %le3A_1967, %masked_sort3A_1745, %rev3A_1931 : vector<16xi1>, vector<16xf32>
        %select_n3A_1969 = arith.select %le3A_1967, %masked_sort3A_1746, %rev3A_1936 : vector<16xi1>, vector<16xi32>
        %select_n3A_1970 = arith.select %le3A_1967, %rev3A_1931, %masked_sort3A_1745 : vector<16xi1>, vector<16xf32>
        %select_n3A_1971 = arith.select %le3A_1967, %rev3A_1936, %masked_sort3A_1746 : vector<16xi1>, vector<16xi32>
        %le3A_1972 = arith.cmpf ole, %masked_sort3A_1749, %rev3A_1941 : vector<16xf32>
        %select_n3A_1973 = arith.select %le3A_1972, %masked_sort3A_1749, %rev3A_1941 : vector<16xi1>, vector<16xf32>
        %select_n3A_1974 = arith.select %le3A_1972, %masked_sort3A_1750, %rev3A_1946 : vector<16xi1>, vector<16xi32>
        %select_n3A_1975 = arith.select %le3A_1972, %rev3A_1941, %masked_sort3A_1749 : vector<16xi1>, vector<16xf32>
        %select_n3A_1976 = arith.select %le3A_1972, %rev3A_1946, %masked_sort3A_1750 : vector<16xi1>, vector<16xi32>
        %le3A_1977 = arith.cmpf ole, %masked_sort3A_1753, %rev3A_1951 : vector<16xf32>
        %select_n3A_1978 = arith.select %le3A_1977, %masked_sort3A_1753, %rev3A_1951 : vector<16xi1>, vector<16xf32>
        %select_n3A_1979 = arith.select %le3A_1977, %masked_sort3A_1754, %rev3A_1956 : vector<16xi1>, vector<16xi32>
        %select_n3A_1980 = arith.select %le3A_1977, %rev3A_1951, %masked_sort3A_1753 : vector<16xi1>, vector<16xf32>
        %select_n3A_1981 = arith.select %le3A_1977, %rev3A_1956, %masked_sort3A_1754 : vector<16xi1>, vector<16xi32>
        %le3A_1982 = arith.cmpf ole, %masked_sort3A_1757, %rev3A_1961 : vector<16xf32>
        %select_n3A_1983 = arith.select %le3A_1982, %masked_sort3A_1757, %rev3A_1961 : vector<16xi1>, vector<16xf32>
        %select_n3A_1984 = arith.select %le3A_1982, %masked_sort3A_1758, %rev3A_1966 : vector<16xi1>, vector<16xi32>
        %select_n3A_1985 = arith.select %le3A_1982, %rev3A_1961, %masked_sort3A_1757 : vector<16xi1>, vector<16xf32>
        %select_n3A_1986 = arith.select %le3A_1982, %rev3A_1966, %masked_sort3A_1758 : vector<16xi1>, vector<16xi32>
        %le3A_1987 = arith.cmpf ole, %select_n3A_1968, %select_n3A_1978 : vector<16xf32>
        %select_n3A_1988 = arith.select %le3A_1987, %select_n3A_1968, %select_n3A_1978 : vector<16xi1>, vector<16xf32>
        %select_n3A_1989 = arith.select %le3A_1987, %select_n3A_1969, %select_n3A_1979 : vector<16xi1>, vector<16xi32>
        %select_n3A_1990 = arith.select %le3A_1987, %select_n3A_1978, %select_n3A_1968 : vector<16xi1>, vector<16xf32>
        %select_n3A_1991 = arith.select %le3A_1987, %select_n3A_1979, %select_n3A_1969 : vector<16xi1>, vector<16xi32>
        %le3A_1992 = arith.cmpf ole, %select_n3A_1973, %select_n3A_1983 : vector<16xf32>
        %select_n3A_1993 = arith.select %le3A_1992, %select_n3A_1973, %select_n3A_1983 : vector<16xi1>, vector<16xf32>
        %select_n3A_1994 = arith.select %le3A_1992, %select_n3A_1974, %select_n3A_1984 : vector<16xi1>, vector<16xi32>
        %select_n3A_1995 = arith.select %le3A_1992, %select_n3A_1983, %select_n3A_1973 : vector<16xi1>, vector<16xf32>
        %select_n3A_1996 = arith.select %le3A_1992, %select_n3A_1984, %select_n3A_1974 : vector<16xi1>, vector<16xi32>
        %le3A_1997 = arith.cmpf ole, %select_n3A_1970, %select_n3A_1980 : vector<16xf32>
        %select_n3A_1998 = arith.select %le3A_1997, %select_n3A_1970, %select_n3A_1980 : vector<16xi1>, vector<16xf32>
        %select_n3A_1999 = arith.select %le3A_1997, %select_n3A_1971, %select_n3A_1981 : vector<16xi1>, vector<16xi32>
        %select_n3A_2000 = arith.select %le3A_1997, %select_n3A_1980, %select_n3A_1970 : vector<16xi1>, vector<16xf32>
        %select_n3A_2001 = arith.select %le3A_1997, %select_n3A_1981, %select_n3A_1971 : vector<16xi1>, vector<16xi32>
        %le3A_2002 = arith.cmpf ole, %select_n3A_1975, %select_n3A_1985 : vector<16xf32>
        %select_n3A_2003 = arith.select %le3A_2002, %select_n3A_1975, %select_n3A_1985 : vector<16xi1>, vector<16xf32>
        %select_n3A_2004 = arith.select %le3A_2002, %select_n3A_1976, %select_n3A_1986 : vector<16xi1>, vector<16xi32>
        %select_n3A_2005 = arith.select %le3A_2002, %select_n3A_1985, %select_n3A_1975 : vector<16xi1>, vector<16xf32>
        %select_n3A_2006 = arith.select %le3A_2002, %select_n3A_1986, %select_n3A_1976 : vector<16xi1>, vector<16xi32>
        %le3A_2007 = arith.cmpf ole, %select_n3A_1988, %select_n3A_1993 : vector<16xf32>
        %select_n3A_2008 = arith.select %le3A_2007, %select_n3A_1988, %select_n3A_1993 : vector<16xi1>, vector<16xf32>
        %select_n3A_2009 = arith.select %le3A_2007, %select_n3A_1989, %select_n3A_1994 : vector<16xi1>, vector<16xi32>
        %select_n3A_2010 = arith.select %le3A_2007, %select_n3A_1993, %select_n3A_1988 : vector<16xi1>, vector<16xf32>
        %select_n3A_2011 = arith.select %le3A_2007, %select_n3A_1994, %select_n3A_1989 : vector<16xi1>, vector<16xi32>
        %le3A_2012 = arith.cmpf ole, %select_n3A_1990, %select_n3A_1995 : vector<16xf32>
        %select_n3A_2013 = arith.select %le3A_2012, %select_n3A_1990, %select_n3A_1995 : vector<16xi1>, vector<16xf32>
        %select_n3A_2014 = arith.select %le3A_2012, %select_n3A_1991, %select_n3A_1996 : vector<16xi1>, vector<16xi32>
        %select_n3A_2015 = arith.select %le3A_2012, %select_n3A_1995, %select_n3A_1990 : vector<16xi1>, vector<16xf32>
        %select_n3A_2016 = arith.select %le3A_2012, %select_n3A_1996, %select_n3A_1991 : vector<16xi1>, vector<16xi32>
        %le3A_2017 = arith.cmpf ole, %select_n3A_1998, %select_n3A_2003 : vector<16xf32>
        %select_n3A_2018 = arith.select %le3A_2017, %select_n3A_1998, %select_n3A_2003 : vector<16xi1>, vector<16xf32>
        %select_n3A_2019 = arith.select %le3A_2017, %select_n3A_1999, %select_n3A_2004 : vector<16xi1>, vector<16xi32>
        %select_n3A_2020 = arith.select %le3A_2017, %select_n3A_2003, %select_n3A_1998 : vector<16xi1>, vector<16xf32>
        %select_n3A_2021 = arith.select %le3A_2017, %select_n3A_2004, %select_n3A_1999 : vector<16xi1>, vector<16xi32>
        %le3A_2022 = arith.cmpf ole, %select_n3A_2000, %select_n3A_2005 : vector<16xf32>
        %select_n3A_2023 = arith.select %le3A_2022, %select_n3A_2000, %select_n3A_2005 : vector<16xi1>, vector<16xf32>
        %select_n3A_2024 = arith.select %le3A_2022, %select_n3A_2001, %select_n3A_2006 : vector<16xi1>, vector<16xi32>
        %select_n3A_2025 = arith.select %le3A_2022, %select_n3A_2005, %select_n3A_2000 : vector<16xi1>, vector<16xf32>
        %select_n3A_2026 = arith.select %le3A_2022, %select_n3A_2006, %select_n3A_2001 : vector<16xi1>, vector<16xi32>
        %masked_sort3A_2027 = arith.constant dense<true> : vector<16xi1>
        %masked_sort3A_2028, %masked_sort3A_2029, %masked_sort3A_2030 = tpu.sort %select_n3A_2008, %select_n3A_2009 masked %masked_sort3A_2027 : (vector<16xf32>, vector<16xi32>, vector<16xi1>) -> (vector<16xi1>, vector<16xf32>, vector<16xi32>)
        %masked_sort3A_2031 = arith.constant dense<true> : vector<16xi1>
        %masked_sort3A_2032, %masked_sort3A_2033, %masked_sort3A_2034 = tpu.sort %select_n3A_2010, %select_n3A_2011 masked %masked_sort3A_2031 : (vector<16xf32>, vector<16xi32>, vector<16xi1>) -> (vector<16xi1>, vector<16xf32>, vector<16xi32>)
        %masked_sort3A_2035 = arith.constant dense<true> : vector<16xi1>
        %masked_sort3A_2036, %masked_sort3A_2037, %masked_sort3A_2038 = tpu.sort %select_n3A_2013, %select_n3A_2014 masked %masked_sort3A_2035 : (vector<16xf32>, vector<16xi32>, vector<16xi1>) -> (vector<16xi1>, vector<16xf32>, vector<16xi32>)
        %masked_sort3A_2039 = arith.constant dense<true> : vector<16xi1>
        %masked_sort3A_2040, %masked_sort3A_2041, %masked_sort3A_2042 = tpu.sort %select_n3A_2015, %select_n3A_2016 masked %masked_sort3A_2039 : (vector<16xf32>, vector<16xi32>, vector<16xi1>) -> (vector<16xi1>, vector<16xf32>, vector<16xi32>)
        %masked_sort3A_2043 = arith.constant dense<true> : vector<16xi1>
        %masked_sort3A_2044, %masked_sort3A_2045, %masked_sort3A_2046 = tpu.sort %select_n3A_2018, %select_n3A_2019 masked %masked_sort3A_2043 : (vector<16xf32>, vector<16xi32>, vector<16xi1>) -> (vector<16xi1>, vector<16xf32>, vector<16xi32>)
        %masked_sort3A_2047 = arith.constant dense<true> : vector<16xi1>
        %masked_sort3A_2048, %masked_sort3A_2049, %masked_sort3A_2050 = tpu.sort %select_n3A_2020, %select_n3A_2021 masked %masked_sort3A_2047 : (vector<16xf32>, vector<16xi32>, vector<16xi1>) -> (vector<16xi1>, vector<16xf32>, vector<16xi32>)
        %masked_sort3A_2051 = arith.constant dense<true> : vector<16xi1>
        %masked_sort3A_2052, %masked_sort3A_2053, %masked_sort3A_2054 = tpu.sort %select_n3A_2023, %select_n3A_2024 masked %masked_sort3A_2051 : (vector<16xf32>, vector<16xi32>, vector<16xi1>) -> (vector<16xi1>, vector<16xf32>, vector<16xi32>)
        %masked_sort3A_2055 = arith.constant dense<true> : vector<16xi1>
        %masked_sort3A_2056, %masked_sort3A_2057, %masked_sort3A_2058 = tpu.sort %select_n3A_2025, %select_n3A_2026 masked %masked_sort3A_2055 : (vector<16xf32>, vector<16xi32>, vector<16xi1>) -> (vector<16xi1>, vector<16xf32>, vector<16xi32>)
        %rev3A_2059 = arith.constant 15 : i32
        %rev3A_2060 = vector.broadcast %rev3A_2059 : i32 to vector<16xi32>
        %rev3A_2061 = tpu.iota {dimensions = array<i32: 0>} : vector<16xi32>
        %rev3A_2062 = arith.subi %rev3A_2060, %rev3A_2061 : vector<16xi32>
        %rev3A_2063 = tpu.dynamic_gather %masked_sort3A_1925[%rev3A_2062] in [0] : vector<16xf32>, vector<16xi32> -> vector<16xf32>
        %rev3A_2064 = arith.constant 15 : i32
        %rev3A_2065 = vector.broadcast %rev3A_2064 : i32 to vector<16xi32>
        %rev3A_2066 = tpu.iota {dimensions = array<i32: 0>} : vector<16xi32>
        %rev3A_2067 = arith.subi %rev3A_2065, %rev3A_2066 : vector<16xi32>
        %rev3A_2068 = tpu.dynamic_gather %masked_sort3A_1926[%rev3A_2067] in [0] : vector<16xi32>, vector<16xi32> -> vector<16xi32>
        %rev3A_2069 = arith.constant 15 : i32
        %rev3A_2070 = vector.broadcast %rev3A_2069 : i32 to vector<16xi32>
        %rev3A_2071 = tpu.iota {dimensions = array<i32: 0>} : vector<16xi32>
        %rev3A_2072 = arith.subi %rev3A_2070, %rev3A_2071 : vector<16xi32>
        %rev3A_2073 = tpu.dynamic_gather %masked_sort3A_1921[%rev3A_2072] in [0] : vector<16xf32>, vector<16xi32> -> vector<16xf32>
        %rev3A_2074 = arith.constant 15 : i32
        %rev3A_2075 = vector.broadcast %rev3A_2074 : i32 to vector<16xi32>
        %rev3A_2076 = tpu.iota {dimensions = array<i32: 0>} : vector<16xi32>
        %rev3A_2077 = arith.subi %rev3A_2075, %rev3A_2076 : vector<16xi32>
        %rev3A_2078 = tpu.dynamic_gather %masked_sort3A_1922[%rev3A_2077] in [0] : vector<16xi32>, vector<16xi32> -> vector<16xi32>
        %rev3A_2079 = arith.constant 15 : i32
        %rev3A_2080 = vector.broadcast %rev3A_2079 : i32 to vector<16xi32>
        %rev3A_2081 = tpu.iota {dimensions = array<i32: 0>} : vector<16xi32>
        %rev3A_2082 = arith.subi %rev3A_2080, %rev3A_2081 : vector<16xi32>
        %rev3A_2083 = tpu.dynamic_gather %masked_sort3A_1917[%rev3A_2082] in [0] : vector<16xf32>, vector<16xi32> -> vector<16xf32>
        %rev3A_2084 = arith.constant 15 : i32
        %rev3A_2085 = vector.broadcast %rev3A_2084 : i32 to vector<16xi32>
        %rev3A_2086 = tpu.iota {dimensions = array<i32: 0>} : vector<16xi32>
        %rev3A_2087 = arith.subi %rev3A_2085, %rev3A_2086 : vector<16xi32>
        %rev3A_2088 = tpu.dynamic_gather %masked_sort3A_1918[%rev3A_2087] in [0] : vector<16xi32>, vector<16xi32> -> vector<16xi32>
        %rev3A_2089 = arith.constant 15 : i32
        %rev3A_2090 = vector.broadcast %rev3A_2089 : i32 to vector<16xi32>
        %rev3A_2091 = tpu.iota {dimensions = array<i32: 0>} : vector<16xi32>
        %rev3A_2092 = arith.subi %rev3A_2090, %rev3A_2091 : vector<16xi32>
        %rev3A_2093 = tpu.dynamic_gather %masked_sort3A_1913[%rev3A_2092] in [0] : vector<16xf32>, vector<16xi32> -> vector<16xf32>
        %rev3A_2094 = arith.constant 15 : i32
        %rev3A_2095 = vector.broadcast %rev3A_2094 : i32 to vector<16xi32>
        %rev3A_2096 = tpu.iota {dimensions = array<i32: 0>} : vector<16xi32>
        %rev3A_2097 = arith.subi %rev3A_2095, %rev3A_2096 : vector<16xi32>
        %rev3A_2098 = tpu.dynamic_gather %masked_sort3A_1914[%rev3A_2097] in [0] : vector<16xi32>, vector<16xi32> -> vector<16xi32>
        %le3A_2099 = arith.cmpf ole, %masked_sort3A_1857, %rev3A_2063 : vector<16xf32>
        %select_n3A_2100 = arith.select %le3A_2099, %masked_sort3A_1857, %rev3A_2063 : vector<16xi1>, vector<16xf32>
        %select_n3A_2101 = arith.select %le3A_2099, %masked_sort3A_1858, %rev3A_2068 : vector<16xi1>, vector<16xi32>
        %select_n3A_2102 = arith.select %le3A_2099, %rev3A_2063, %masked_sort3A_1857 : vector<16xi1>, vector<16xf32>
        %select_n3A_2103 = arith.select %le3A_2099, %rev3A_2068, %masked_sort3A_1858 : vector<16xi1>, vector<16xi32>
        %le3A_2104 = arith.cmpf ole, %masked_sort3A_1861, %rev3A_2073 : vector<16xf32>
        %select_n3A_2105 = arith.select %le3A_2104, %masked_sort3A_1861, %rev3A_2073 : vector<16xi1>, vector<16xf32>
        %select_n3A_2106 = arith.select %le3A_2104, %masked_sort3A_1862, %rev3A_2078 : vector<16xi1>, vector<16xi32>
        %select_n3A_2107 = arith.select %le3A_2104, %rev3A_2073, %masked_sort3A_1861 : vector<16xi1>, vector<16xf32>
        %select_n3A_2108 = arith.select %le3A_2104, %rev3A_2078, %masked_sort3A_1862 : vector<16xi1>, vector<16xi32>
        %le3A_2109 = arith.cmpf ole, %masked_sort3A_1865, %rev3A_2083 : vector<16xf32>
        %select_n3A_2110 = arith.select %le3A_2109, %masked_sort3A_1865, %rev3A_2083 : vector<16xi1>, vector<16xf32>
        %select_n3A_2111 = arith.select %le3A_2109, %masked_sort3A_1866, %rev3A_2088 : vector<16xi1>, vector<16xi32>
        %select_n3A_2112 = arith.select %le3A_2109, %rev3A_2083, %masked_sort3A_1865 : vector<16xi1>, vector<16xf32>
        %select_n3A_2113 = arith.select %le3A_2109, %rev3A_2088, %masked_sort3A_1866 : vector<16xi1>, vector<16xi32>
        %le3A_2114 = arith.cmpf ole, %masked_sort3A_1869, %rev3A_2093 : vector<16xf32>
        %select_n3A_2115 = arith.select %le3A_2114, %masked_sort3A_1869, %rev3A_2093 : vector<16xi1>, vector<16xf32>
        %select_n3A_2116 = arith.select %le3A_2114, %masked_sort3A_1870, %rev3A_2098 : vector<16xi1>, vector<16xi32>
        %select_n3A_2117 = arith.select %le3A_2114, %rev3A_2093, %masked_sort3A_1869 : vector<16xi1>, vector<16xf32>
        %select_n3A_2118 = arith.select %le3A_2114, %rev3A_2098, %masked_sort3A_1870 : vector<16xi1>, vector<16xi32>
        %le3A_2119 = arith.cmpf ole, %select_n3A_2100, %select_n3A_2110 : vector<16xf32>
        %select_n3A_2120 = arith.select %le3A_2119, %select_n3A_2100, %select_n3A_2110 : vector<16xi1>, vector<16xf32>
        %select_n3A_2121 = arith.select %le3A_2119, %select_n3A_2101, %select_n3A_2111 : vector<16xi1>, vector<16xi32>
        %select_n3A_2122 = arith.select %le3A_2119, %select_n3A_2110, %select_n3A_2100 : vector<16xi1>, vector<16xf32>
        %select_n3A_2123 = arith.select %le3A_2119, %select_n3A_2111, %select_n3A_2101 : vector<16xi1>, vector<16xi32>
        %le3A_2124 = arith.cmpf ole, %select_n3A_2105, %select_n3A_2115 : vector<16xf32>
        %select_n3A_2125 = arith.select %le3A_2124, %select_n3A_2105, %select_n3A_2115 : vector<16xi1>, vector<16xf32>
        %select_n3A_2126 = arith.select %le3A_2124, %select_n3A_2106, %select_n3A_2116 : vector<16xi1>, vector<16xi32>
        %select_n3A_2127 = arith.select %le3A_2124, %select_n3A_2115, %select_n3A_2105 : vector<16xi1>, vector<16xf32>
        %select_n3A_2128 = arith.select %le3A_2124, %select_n3A_2116, %select_n3A_2106 : vector<16xi1>, vector<16xi32>
        %le3A_2129 = arith.cmpf ole, %select_n3A_2102, %select_n3A_2112 : vector<16xf32>
        %select_n3A_2130 = arith.select %le3A_2129, %select_n3A_2102, %select_n3A_2112 : vector<16xi1>, vector<16xf32>
        %select_n3A_2131 = arith.select %le3A_2129, %select_n3A_2103, %select_n3A_2113 : vector<16xi1>, vector<16xi32>
        %select_n3A_2132 = arith.select %le3A_2129, %select_n3A_2112, %select_n3A_2102 : vector<16xi1>, vector<16xf32>
        %select_n3A_2133 = arith.select %le3A_2129, %select_n3A_2113, %select_n3A_2103 : vector<16xi1>, vector<16xi32>
        %le3A_2134 = arith.cmpf ole, %select_n3A_2107, %select_n3A_2117 : vector<16xf32>
        %select_n3A_2135 = arith.select %le3A_2134, %select_n3A_2107, %select_n3A_2117 : vector<16xi1>, vector<16xf32>
        %select_n3A_2136 = arith.select %le3A_2134, %select_n3A_2108, %select_n3A_2118 : vector<16xi1>, vector<16xi32>
        %select_n3A_2137 = arith.select %le3A_2134, %select_n3A_2117, %select_n3A_2107 : vector<16xi1>, vector<16xf32>
        %select_n3A_2138 = arith.select %le3A_2134, %select_n3A_2118, %select_n3A_2108 : vector<16xi1>, vector<16xi32>
        %le3A_2139 = arith.cmpf ole, %select_n3A_2120, %select_n3A_2125 : vector<16xf32>
        %select_n3A_2140 = arith.select %le3A_2139, %select_n3A_2120, %select_n3A_2125 : vector<16xi1>, vector<16xf32>
        %select_n3A_2141 = arith.select %le3A_2139, %select_n3A_2121, %select_n3A_2126 : vector<16xi1>, vector<16xi32>
        %select_n3A_2142 = arith.select %le3A_2139, %select_n3A_2125, %select_n3A_2120 : vector<16xi1>, vector<16xf32>
        %select_n3A_2143 = arith.select %le3A_2139, %select_n3A_2126, %select_n3A_2121 : vector<16xi1>, vector<16xi32>
        %le3A_2144 = arith.cmpf ole, %select_n3A_2122, %select_n3A_2127 : vector<16xf32>
        %select_n3A_2145 = arith.select %le3A_2144, %select_n3A_2122, %select_n3A_2127 : vector<16xi1>, vector<16xf32>
        %select_n3A_2146 = arith.select %le3A_2144, %select_n3A_2123, %select_n3A_2128 : vector<16xi1>, vector<16xi32>
        %select_n3A_2147 = arith.select %le3A_2144, %select_n3A_2127, %select_n3A_2122 : vector<16xi1>, vector<16xf32>
        %select_n3A_2148 = arith.select %le3A_2144, %select_n3A_2128, %select_n3A_2123 : vector<16xi1>, vector<16xi32>
        %le3A_2149 = arith.cmpf ole, %select_n3A_2130, %select_n3A_2135 : vector<16xf32>
        %select_n3A_2150 = arith.select %le3A_2149, %select_n3A_2130, %select_n3A_2135 : vector<16xi1>, vector<16xf32>
        %select_n3A_2151 = arith.select %le3A_2149, %select_n3A_2131, %select_n3A_2136 : vector<16xi1>, vector<16xi32>
        %select_n3A_2152 = arith.select %le3A_2149, %select_n3A_2135, %select_n3A_2130 : vector<16xi1>, vector<16xf32>
        %select_n3A_2153 = arith.select %le3A_2149, %select_n3A_2136, %select_n3A_2131 : vector<16xi1>, vector<16xi32>
        %le3A_2154 = arith.cmpf ole, %select_n3A_2132, %select_n3A_2137 : vector<16xf32>
        %select_n3A_2155 = arith.select %le3A_2154, %select_n3A_2132, %select_n3A_2137 : vector<16xi1>, vector<16xf32>
        %select_n3A_2156 = arith.select %le3A_2154, %select_n3A_2133, %select_n3A_2138 : vector<16xi1>, vector<16xi32>
        %select_n3A_2157 = arith.select %le3A_2154, %select_n3A_2137, %select_n3A_2132 : vector<16xi1>, vector<16xf32>
        %select_n3A_2158 = arith.select %le3A_2154, %select_n3A_2138, %select_n3A_2133 : vector<16xi1>, vector<16xi32>
        %masked_sort3A_2159 = arith.constant dense<true> : vector<16xi1>
        %masked_sort3A_2160, %masked_sort3A_2161, %masked_sort3A_2162 = tpu.sort %select_n3A_2140, %select_n3A_2141 masked %masked_sort3A_2159 : (vector<16xf32>, vector<16xi32>, vector<16xi1>) -> (vector<16xi1>, vector<16xf32>, vector<16xi32>)
        %masked_sort3A_2163 = arith.constant dense<true> : vector<16xi1>
        %masked_sort3A_2164, %masked_sort3A_2165, %masked_sort3A_2166 = tpu.sort %select_n3A_2142, %select_n3A_2143 masked %masked_sort3A_2163 : (vector<16xf32>, vector<16xi32>, vector<16xi1>) -> (vector<16xi1>, vector<16xf32>, vector<16xi32>)
        %masked_sort3A_2167 = arith.constant dense<true> : vector<16xi1>
        %masked_sort3A_2168, %masked_sort3A_2169, %masked_sort3A_2170 = tpu.sort %select_n3A_2145, %select_n3A_2146 masked %masked_sort3A_2167 : (vector<16xf32>, vector<16xi32>, vector<16xi1>) -> (vector<16xi1>, vector<16xf32>, vector<16xi32>)
        %masked_sort3A_2171 = arith.constant dense<true> : vector<16xi1>
        %masked_sort3A_2172, %masked_sort3A_2173, %masked_sort3A_2174 = tpu.sort %select_n3A_2147, %select_n3A_2148 masked %masked_sort3A_2171 : (vector<16xf32>, vector<16xi32>, vector<16xi1>) -> (vector<16xi1>, vector<16xf32>, vector<16xi32>)
        %masked_sort3A_2175 = arith.constant dense<true> : vector<16xi1>
        %masked_sort3A_2176, %masked_sort3A_2177, %masked_sort3A_2178 = tpu.sort %select_n3A_2150, %select_n3A_2151 masked %masked_sort3A_2175 : (vector<16xf32>, vector<16xi32>, vector<16xi1>) -> (vector<16xi1>, vector<16xf32>, vector<16xi32>)
        %masked_sort3A_2179 = arith.constant dense<true> : vector<16xi1>
        %masked_sort3A_2180, %masked_sort3A_2181, %masked_sort3A_2182 = tpu.sort %select_n3A_2152, %select_n3A_2153 masked %masked_sort3A_2179 : (vector<16xf32>, vector<16xi32>, vector<16xi1>) -> (vector<16xi1>, vector<16xf32>, vector<16xi32>)
        %masked_sort3A_2183 = arith.constant dense<true> : vector<16xi1>
        %masked_sort3A_2184, %masked_sort3A_2185, %masked_sort3A_2186 = tpu.sort %select_n3A_2155, %select_n3A_2156 masked %masked_sort3A_2183 : (vector<16xf32>, vector<16xi32>, vector<16xi1>) -> (vector<16xi1>, vector<16xf32>, vector<16xi32>)
        %masked_sort3A_2187 = arith.constant dense<true> : vector<16xi1>
        %masked_sort3A_2188, %masked_sort3A_2189, %masked_sort3A_2190 = tpu.sort %select_n3A_2157, %select_n3A_2158 masked %masked_sort3A_2187 : (vector<16xf32>, vector<16xi32>, vector<16xi1>) -> (vector<16xi1>, vector<16xf32>, vector<16xi32>)
        %rev3A_2191 = arith.constant 15 : i32
        %rev3A_2192 = vector.broadcast %rev3A_2191 : i32 to vector<16xi32>
        %rev3A_2193 = tpu.iota {dimensions = array<i32: 0>} : vector<16xi32>
        %rev3A_2194 = arith.subi %rev3A_2192, %rev3A_2193 : vector<16xi32>
        %rev3A_2195 = tpu.dynamic_gather %masked_sort3A_2189[%rev3A_2194] in [0] : vector<16xf32>, vector<16xi32> -> vector<16xf32>
        %rev3A_2196 = arith.constant 15 : i32
        %rev3A_2197 = vector.broadcast %rev3A_2196 : i32 to vector<16xi32>
        %rev3A_2198 = tpu.iota {dimensions = array<i32: 0>} : vector<16xi32>
        %rev3A_2199 = arith.subi %rev3A_2197, %rev3A_2198 : vector<16xi32>
        %rev3A_2200 = tpu.dynamic_gather %masked_sort3A_2190[%rev3A_2199] in [0] : vector<16xi32>, vector<16xi32> -> vector<16xi32>
        %rev3A_2201 = arith.constant 15 : i32
        %rev3A_2202 = vector.broadcast %rev3A_2201 : i32 to vector<16xi32>
        %rev3A_2203 = tpu.iota {dimensions = array<i32: 0>} : vector<16xi32>
        %rev3A_2204 = arith.subi %rev3A_2202, %rev3A_2203 : vector<16xi32>
        %rev3A_2205 = tpu.dynamic_gather %masked_sort3A_2185[%rev3A_2204] in [0] : vector<16xf32>, vector<16xi32> -> vector<16xf32>
        %rev3A_2206 = arith.constant 15 : i32
        %rev3A_2207 = vector.broadcast %rev3A_2206 : i32 to vector<16xi32>
        %rev3A_2208 = tpu.iota {dimensions = array<i32: 0>} : vector<16xi32>
        %rev3A_2209 = arith.subi %rev3A_2207, %rev3A_2208 : vector<16xi32>
        %rev3A_2210 = tpu.dynamic_gather %masked_sort3A_2186[%rev3A_2209] in [0] : vector<16xi32>, vector<16xi32> -> vector<16xi32>
        %rev3A_2211 = arith.constant 15 : i32
        %rev3A_2212 = vector.broadcast %rev3A_2211 : i32 to vector<16xi32>
        %rev3A_2213 = tpu.iota {dimensions = array<i32: 0>} : vector<16xi32>
        %rev3A_2214 = arith.subi %rev3A_2212, %rev3A_2213 : vector<16xi32>
        %rev3A_2215 = tpu.dynamic_gather %masked_sort3A_2181[%rev3A_2214] in [0] : vector<16xf32>, vector<16xi32> -> vector<16xf32>
        %rev3A_2216 = arith.constant 15 : i32
        %rev3A_2217 = vector.broadcast %rev3A_2216 : i32 to vector<16xi32>
        %rev3A_2218 = tpu.iota {dimensions = array<i32: 0>} : vector<16xi32>
        %rev3A_2219 = arith.subi %rev3A_2217, %rev3A_2218 : vector<16xi32>
        %rev3A_2220 = tpu.dynamic_gather %masked_sort3A_2182[%rev3A_2219] in [0] : vector<16xi32>, vector<16xi32> -> vector<16xi32>
        %rev3A_2221 = arith.constant 15 : i32
        %rev3A_2222 = vector.broadcast %rev3A_2221 : i32 to vector<16xi32>
        %rev3A_2223 = tpu.iota {dimensions = array<i32: 0>} : vector<16xi32>
        %rev3A_2224 = arith.subi %rev3A_2222, %rev3A_2223 : vector<16xi32>
        %rev3A_2225 = tpu.dynamic_gather %masked_sort3A_2177[%rev3A_2224] in [0] : vector<16xf32>, vector<16xi32> -> vector<16xf32>
        %rev3A_2226 = arith.constant 15 : i32
        %rev3A_2227 = vector.broadcast %rev3A_2226 : i32 to vector<16xi32>
        %rev3A_2228 = tpu.iota {dimensions = array<i32: 0>} : vector<16xi32>
        %rev3A_2229 = arith.subi %rev3A_2227, %rev3A_2228 : vector<16xi32>
        %rev3A_2230 = tpu.dynamic_gather %masked_sort3A_2178[%rev3A_2229] in [0] : vector<16xi32>, vector<16xi32> -> vector<16xi32>
        %rev3A_2231 = arith.constant 15 : i32
        %rev3A_2232 = vector.broadcast %rev3A_2231 : i32 to vector<16xi32>
        %rev3A_2233 = tpu.iota {dimensions = array<i32: 0>} : vector<16xi32>
        %rev3A_2234 = arith.subi %rev3A_2232, %rev3A_2233 : vector<16xi32>
        %rev3A_2235 = tpu.dynamic_gather %masked_sort3A_2173[%rev3A_2234] in [0] : vector<16xf32>, vector<16xi32> -> vector<16xf32>
        %rev3A_2236 = arith.constant 15 : i32
        %rev3A_2237 = vector.broadcast %rev3A_2236 : i32 to vector<16xi32>
        %rev3A_2238 = tpu.iota {dimensions = array<i32: 0>} : vector<16xi32>
        %rev3A_2239 = arith.subi %rev3A_2237, %rev3A_2238 : vector<16xi32>
        %rev3A_2240 = tpu.dynamic_gather %masked_sort3A_2174[%rev3A_2239] in [0] : vector<16xi32>, vector<16xi32> -> vector<16xi32>
        %rev3A_2241 = arith.constant 15 : i32
        %rev3A_2242 = vector.broadcast %rev3A_2241 : i32 to vector<16xi32>
        %rev3A_2243 = tpu.iota {dimensions = array<i32: 0>} : vector<16xi32>
        %rev3A_2244 = arith.subi %rev3A_2242, %rev3A_2243 : vector<16xi32>
        %rev3A_2245 = tpu.dynamic_gather %masked_sort3A_2169[%rev3A_2244] in [0] : vector<16xf32>, vector<16xi32> -> vector<16xf32>
        %rev3A_2246 = arith.constant 15 : i32
        %rev3A_2247 = vector.broadcast %rev3A_2246 : i32 to vector<16xi32>
        %rev3A_2248 = tpu.iota {dimensions = array<i32: 0>} : vector<16xi32>
        %rev3A_2249 = arith.subi %rev3A_2247, %rev3A_2248 : vector<16xi32>
        %rev3A_2250 = tpu.dynamic_gather %masked_sort3A_2170[%rev3A_2249] in [0] : vector<16xi32>, vector<16xi32> -> vector<16xi32>
        %rev3A_2251 = arith.constant 15 : i32
        %rev3A_2252 = vector.broadcast %rev3A_2251 : i32 to vector<16xi32>
        %rev3A_2253 = tpu.iota {dimensions = array<i32: 0>} : vector<16xi32>
        %rev3A_2254 = arith.subi %rev3A_2252, %rev3A_2253 : vector<16xi32>
        %rev3A_2255 = tpu.dynamic_gather %masked_sort3A_2165[%rev3A_2254] in [0] : vector<16xf32>, vector<16xi32> -> vector<16xf32>
        %rev3A_2256 = arith.constant 15 : i32
        %rev3A_2257 = vector.broadcast %rev3A_2256 : i32 to vector<16xi32>
        %rev3A_2258 = tpu.iota {dimensions = array<i32: 0>} : vector<16xi32>
        %rev3A_2259 = arith.subi %rev3A_2257, %rev3A_2258 : vector<16xi32>
        %rev3A_2260 = tpu.dynamic_gather %masked_sort3A_2166[%rev3A_2259] in [0] : vector<16xi32>, vector<16xi32> -> vector<16xi32>
        %rev3A_2261 = arith.constant 15 : i32
        %rev3A_2262 = vector.broadcast %rev3A_2261 : i32 to vector<16xi32>
        %rev3A_2263 = tpu.iota {dimensions = array<i32: 0>} : vector<16xi32>
        %rev3A_2264 = arith.subi %rev3A_2262, %rev3A_2263 : vector<16xi32>
        %rev3A_2265 = tpu.dynamic_gather %masked_sort3A_2161[%rev3A_2264] in [0] : vector<16xf32>, vector<16xi32> -> vector<16xf32>
        %rev3A_2266 = arith.constant 15 : i32
        %rev3A_2267 = vector.broadcast %rev3A_2266 : i32 to vector<16xi32>
        %rev3A_2268 = tpu.iota {dimensions = array<i32: 0>} : vector<16xi32>
        %rev3A_2269 = arith.subi %rev3A_2267, %rev3A_2268 : vector<16xi32>
        %rev3A_2270 = tpu.dynamic_gather %masked_sort3A_2162[%rev3A_2269] in [0] : vector<16xi32>, vector<16xi32> -> vector<16xi32>
        %le3A_2271 = arith.cmpf ole, %masked_sort3A_2029, %rev3A_2195 : vector<16xf32>
        %select_n3A_2272 = arith.select %le3A_2271, %masked_sort3A_2029, %rev3A_2195 : vector<16xi1>, vector<16xf32>
        %select_n3A_2273 = arith.select %le3A_2271, %masked_sort3A_2030, %rev3A_2200 : vector<16xi1>, vector<16xi32>
        %select_n3A_2274 = arith.select %le3A_2271, %rev3A_2195, %masked_sort3A_2029 : vector<16xi1>, vector<16xf32>
        %select_n3A_2275 = arith.select %le3A_2271, %rev3A_2200, %masked_sort3A_2030 : vector<16xi1>, vector<16xi32>
        %le3A_2276 = arith.cmpf ole, %masked_sort3A_2033, %rev3A_2205 : vector<16xf32>
        %select_n3A_2277 = arith.select %le3A_2276, %masked_sort3A_2033, %rev3A_2205 : vector<16xi1>, vector<16xf32>
        %select_n3A_2278 = arith.select %le3A_2276, %masked_sort3A_2034, %rev3A_2210 : vector<16xi1>, vector<16xi32>
        %select_n3A_2279 = arith.select %le3A_2276, %rev3A_2205, %masked_sort3A_2033 : vector<16xi1>, vector<16xf32>
        %select_n3A_2280 = arith.select %le3A_2276, %rev3A_2210, %masked_sort3A_2034 : vector<16xi1>, vector<16xi32>
        %le3A_2281 = arith.cmpf ole, %masked_sort3A_2037, %rev3A_2215 : vector<16xf32>
        %select_n3A_2282 = arith.select %le3A_2281, %masked_sort3A_2037, %rev3A_2215 : vector<16xi1>, vector<16xf32>
        %select_n3A_2283 = arith.select %le3A_2281, %masked_sort3A_2038, %rev3A_2220 : vector<16xi1>, vector<16xi32>
        %select_n3A_2284 = arith.select %le3A_2281, %rev3A_2215, %masked_sort3A_2037 : vector<16xi1>, vector<16xf32>
        %select_n3A_2285 = arith.select %le3A_2281, %rev3A_2220, %masked_sort3A_2038 : vector<16xi1>, vector<16xi32>
        %le3A_2286 = arith.cmpf ole, %masked_sort3A_2041, %rev3A_2225 : vector<16xf32>
        %select_n3A_2287 = arith.select %le3A_2286, %masked_sort3A_2041, %rev3A_2225 : vector<16xi1>, vector<16xf32>
        %select_n3A_2288 = arith.select %le3A_2286, %masked_sort3A_2042, %rev3A_2230 : vector<16xi1>, vector<16xi32>
        %select_n3A_2289 = arith.select %le3A_2286, %rev3A_2225, %masked_sort3A_2041 : vector<16xi1>, vector<16xf32>
        %select_n3A_2290 = arith.select %le3A_2286, %rev3A_2230, %masked_sort3A_2042 : vector<16xi1>, vector<16xi32>
        %le3A_2291 = arith.cmpf ole, %masked_sort3A_2045, %rev3A_2235 : vector<16xf32>
        %select_n3A_2292 = arith.select %le3A_2291, %masked_sort3A_2045, %rev3A_2235 : vector<16xi1>, vector<16xf32>
        %select_n3A_2293 = arith.select %le3A_2291, %masked_sort3A_2046, %rev3A_2240 : vector<16xi1>, vector<16xi32>
        %select_n3A_2294 = arith.select %le3A_2291, %rev3A_2235, %masked_sort3A_2045 : vector<16xi1>, vector<16xf32>
        %select_n3A_2295 = arith.select %le3A_2291, %rev3A_2240, %masked_sort3A_2046 : vector<16xi1>, vector<16xi32>
        %le3A_2296 = arith.cmpf ole, %masked_sort3A_2049, %rev3A_2245 : vector<16xf32>
        %select_n3A_2297 = arith.select %le3A_2296, %masked_sort3A_2049, %rev3A_2245 : vector<16xi1>, vector<16xf32>
        %select_n3A_2298 = arith.select %le3A_2296, %masked_sort3A_2050, %rev3A_2250 : vector<16xi1>, vector<16xi32>
        %select_n3A_2299 = arith.select %le3A_2296, %rev3A_2245, %masked_sort3A_2049 : vector<16xi1>, vector<16xf32>
        %select_n3A_2300 = arith.select %le3A_2296, %rev3A_2250, %masked_sort3A_2050 : vector<16xi1>, vector<16xi32>
        %le3A_2301 = arith.cmpf ole, %masked_sort3A_2053, %rev3A_2255 : vector<16xf32>
        %select_n3A_2302 = arith.select %le3A_2301, %masked_sort3A_2053, %rev3A_2255 : vector<16xi1>, vector<16xf32>
        %select_n3A_2303 = arith.select %le3A_2301, %masked_sort3A_2054, %rev3A_2260 : vector<16xi1>, vector<16xi32>
        %select_n3A_2304 = arith.select %le3A_2301, %rev3A_2255, %masked_sort3A_2053 : vector<16xi1>, vector<16xf32>
        %select_n3A_2305 = arith.select %le3A_2301, %rev3A_2260, %masked_sort3A_2054 : vector<16xi1>, vector<16xi32>
        %le3A_2306 = arith.cmpf ole, %masked_sort3A_2057, %rev3A_2265 : vector<16xf32>
        %select_n3A_2307 = arith.select %le3A_2306, %masked_sort3A_2057, %rev3A_2265 : vector<16xi1>, vector<16xf32>
        %select_n3A_2308 = arith.select %le3A_2306, %masked_sort3A_2058, %rev3A_2270 : vector<16xi1>, vector<16xi32>
        %select_n3A_2309 = arith.select %le3A_2306, %rev3A_2265, %masked_sort3A_2057 : vector<16xi1>, vector<16xf32>
        %select_n3A_2310 = arith.select %le3A_2306, %rev3A_2270, %masked_sort3A_2058 : vector<16xi1>, vector<16xi32>
        %le3A_2311 = arith.cmpf ole, %select_n3A_2272, %select_n3A_2292 : vector<16xf32>
        %select_n3A_2312 = arith.select %le3A_2311, %select_n3A_2272, %select_n3A_2292 : vector<16xi1>, vector<16xf32>
        %select_n3A_2313 = arith.select %le3A_2311, %select_n3A_2273, %select_n3A_2293 : vector<16xi1>, vector<16xi32>
        %select_n3A_2314 = arith.select %le3A_2311, %select_n3A_2292, %select_n3A_2272 : vector<16xi1>, vector<16xf32>
        %select_n3A_2315 = arith.select %le3A_2311, %select_n3A_2293, %select_n3A_2273 : vector<16xi1>, vector<16xi32>
        %le3A_2316 = arith.cmpf ole, %select_n3A_2277, %select_n3A_2297 : vector<16xf32>
        %select_n3A_2317 = arith.select %le3A_2316, %select_n3A_2277, %select_n3A_2297 : vector<16xi1>, vector<16xf32>
        %select_n3A_2318 = arith.select %le3A_2316, %select_n3A_2278, %select_n3A_2298 : vector<16xi1>, vector<16xi32>
        %select_n3A_2319 = arith.select %le3A_2316, %select_n3A_2297, %select_n3A_2277 : vector<16xi1>, vector<16xf32>
        %select_n3A_2320 = arith.select %le3A_2316, %select_n3A_2298, %select_n3A_2278 : vector<16xi1>, vector<16xi32>
        %le3A_2321 = arith.cmpf ole, %select_n3A_2282, %select_n3A_2302 : vector<16xf32>
        %select_n3A_2322 = arith.select %le3A_2321, %select_n3A_2282, %select_n3A_2302 : vector<16xi1>, vector<16xf32>
        %select_n3A_2323 = arith.select %le3A_2321, %select_n3A_2283, %select_n3A_2303 : vector<16xi1>, vector<16xi32>
        %select_n3A_2324 = arith.select %le3A_2321, %select_n3A_2302, %select_n3A_2282 : vector<16xi1>, vector<16xf32>
        %select_n3A_2325 = arith.select %le3A_2321, %select_n3A_2303, %select_n3A_2283 : vector<16xi1>, vector<16xi32>
        %le3A_2326 = arith.cmpf ole, %select_n3A_2287, %select_n3A_2307 : vector<16xf32>
        %select_n3A_2327 = arith.select %le3A_2326, %select_n3A_2287, %select_n3A_2307 : vector<16xi1>, vector<16xf32>
        %select_n3A_2328 = arith.select %le3A_2326, %select_n3A_2288, %select_n3A_2308 : vector<16xi1>, vector<16xi32>
        %select_n3A_2329 = arith.select %le3A_2326, %select_n3A_2307, %select_n3A_2287 : vector<16xi1>, vector<16xf32>
        %select_n3A_2330 = arith.select %le3A_2326, %select_n3A_2308, %select_n3A_2288 : vector<16xi1>, vector<16xi32>
        %le3A_2331 = arith.cmpf ole, %select_n3A_2274, %select_n3A_2294 : vector<16xf32>
        %select_n3A_2332 = arith.select %le3A_2331, %select_n3A_2274, %select_n3A_2294 : vector<16xi1>, vector<16xf32>
        %select_n3A_2333 = arith.select %le3A_2331, %select_n3A_2275, %select_n3A_2295 : vector<16xi1>, vector<16xi32>
        %select_n3A_2334 = arith.select %le3A_2331, %select_n3A_2294, %select_n3A_2274 : vector<16xi1>, vector<16xf32>
        %select_n3A_2335 = arith.select %le3A_2331, %select_n3A_2295, %select_n3A_2275 : vector<16xi1>, vector<16xi32>
        %le3A_2336 = arith.cmpf ole, %select_n3A_2279, %select_n3A_2299 : vector<16xf32>
        %select_n3A_2337 = arith.select %le3A_2336, %select_n3A_2279, %select_n3A_2299 : vector<16xi1>, vector<16xf32>
        %select_n3A_2338 = arith.select %le3A_2336, %select_n3A_2280, %select_n3A_2300 : vector<16xi1>, vector<16xi32>
        %select_n3A_2339 = arith.select %le3A_2336, %select_n3A_2299, %select_n3A_2279 : vector<16xi1>, vector<16xf32>
        %select_n3A_2340 = arith.select %le3A_2336, %select_n3A_2300, %select_n3A_2280 : vector<16xi1>, vector<16xi32>
        %le3A_2341 = arith.cmpf ole, %select_n3A_2284, %select_n3A_2304 : vector<16xf32>
        %select_n3A_2342 = arith.select %le3A_2341, %select_n3A_2284, %select_n3A_2304 : vector<16xi1>, vector<16xf32>
        %select_n3A_2343 = arith.select %le3A_2341, %select_n3A_2285, %select_n3A_2305 : vector<16xi1>, vector<16xi32>
        %select_n3A_2344 = arith.select %le3A_2341, %select_n3A_2304, %select_n3A_2284 : vector<16xi1>, vector<16xf32>
        %select_n3A_2345 = arith.select %le3A_2341, %select_n3A_2305, %select_n3A_2285 : vector<16xi1>, vector<16xi32>
        %le3A_2346 = arith.cmpf ole, %select_n3A_2289, %select_n3A_2309 : vector<16xf32>
        %select_n3A_2347 = arith.select %le3A_2346, %select_n3A_2289, %select_n3A_2309 : vector<16xi1>, vector<16xf32>
        %select_n3A_2348 = arith.select %le3A_2346, %select_n3A_2290, %select_n3A_2310 : vector<16xi1>, vector<16xi32>
        %select_n3A_2349 = arith.select %le3A_2346, %select_n3A_2309, %select_n3A_2289 : vector<16xi1>, vector<16xf32>
        %select_n3A_2350 = arith.select %le3A_2346, %select_n3A_2310, %select_n3A_2290 : vector<16xi1>, vector<16xi32>
        %le3A_2351 = arith.cmpf ole, %select_n3A_2312, %select_n3A_2322 : vector<16xf32>
        %select_n3A_2352 = arith.select %le3A_2351, %select_n3A_2312, %select_n3A_2322 : vector<16xi1>, vector<16xf32>
        %select_n3A_2353 = arith.select %le3A_2351, %select_n3A_2313, %select_n3A_2323 : vector<16xi1>, vector<16xi32>
        %select_n3A_2354 = arith.select %le3A_2351, %select_n3A_2322, %select_n3A_2312 : vector<16xi1>, vector<16xf32>
        %select_n3A_2355 = arith.select %le3A_2351, %select_n3A_2323, %select_n3A_2313 : vector<16xi1>, vector<16xi32>
        %le3A_2356 = arith.cmpf ole, %select_n3A_2317, %select_n3A_2327 : vector<16xf32>
        %select_n3A_2357 = arith.select %le3A_2356, %select_n3A_2317, %select_n3A_2327 : vector<16xi1>, vector<16xf32>
        %select_n3A_2358 = arith.select %le3A_2356, %select_n3A_2318, %select_n3A_2328 : vector<16xi1>, vector<16xi32>
        %select_n3A_2359 = arith.select %le3A_2356, %select_n3A_2327, %select_n3A_2317 : vector<16xi1>, vector<16xf32>
        %select_n3A_2360 = arith.select %le3A_2356, %select_n3A_2328, %select_n3A_2318 : vector<16xi1>, vector<16xi32>
        %le3A_2361 = arith.cmpf ole, %select_n3A_2314, %select_n3A_2324 : vector<16xf32>
        %select_n3A_2362 = arith.select %le3A_2361, %select_n3A_2314, %select_n3A_2324 : vector<16xi1>, vector<16xf32>
        %select_n3A_2363 = arith.select %le3A_2361, %select_n3A_2315, %select_n3A_2325 : vector<16xi1>, vector<16xi32>
        %select_n3A_2364 = arith.select %le3A_2361, %select_n3A_2324, %select_n3A_2314 : vector<16xi1>, vector<16xf32>
        %select_n3A_2365 = arith.select %le3A_2361, %select_n3A_2325, %select_n3A_2315 : vector<16xi1>, vector<16xi32>
        %le3A_2366 = arith.cmpf ole, %select_n3A_2319, %select_n3A_2329 : vector<16xf32>
        %select_n3A_2367 = arith.select %le3A_2366, %select_n3A_2319, %select_n3A_2329 : vector<16xi1>, vector<16xf32>
        %select_n3A_2368 = arith.select %le3A_2366, %select_n3A_2320, %select_n3A_2330 : vector<16xi1>, vector<16xi32>
        %select_n3A_2369 = arith.select %le3A_2366, %select_n3A_2329, %select_n3A_2319 : vector<16xi1>, vector<16xf32>
        %select_n3A_2370 = arith.select %le3A_2366, %select_n3A_2330, %select_n3A_2320 : vector<16xi1>, vector<16xi32>
        %le3A_2371 = arith.cmpf ole, %select_n3A_2332, %select_n3A_2342 : vector<16xf32>
        %select_n3A_2372 = arith.select %le3A_2371, %select_n3A_2332, %select_n3A_2342 : vector<16xi1>, vector<16xf32>
        %select_n3A_2373 = arith.select %le3A_2371, %select_n3A_2333, %select_n3A_2343 : vector<16xi1>, vector<16xi32>
        %select_n3A_2374 = arith.select %le3A_2371, %select_n3A_2342, %select_n3A_2332 : vector<16xi1>, vector<16xf32>
        %select_n3A_2375 = arith.select %le3A_2371, %select_n3A_2343, %select_n3A_2333 : vector<16xi1>, vector<16xi32>
        %le3A_2376 = arith.cmpf ole, %select_n3A_2337, %select_n3A_2347 : vector<16xf32>
        %select_n3A_2377 = arith.select %le3A_2376, %select_n3A_2337, %select_n3A_2347 : vector<16xi1>, vector<16xf32>
        %select_n3A_2378 = arith.select %le3A_2376, %select_n3A_2338, %select_n3A_2348 : vector<16xi1>, vector<16xi32>
        %select_n3A_2379 = arith.select %le3A_2376, %select_n3A_2347, %select_n3A_2337 : vector<16xi1>, vector<16xf32>
        %select_n3A_2380 = arith.select %le3A_2376, %select_n3A_2348, %select_n3A_2338 : vector<16xi1>, vector<16xi32>
        %le3A_2381 = arith.cmpf ole, %select_n3A_2334, %select_n3A_2344 : vector<16xf32>
        %select_n3A_2382 = arith.select %le3A_2381, %select_n3A_2334, %select_n3A_2344 : vector<16xi1>, vector<16xf32>
        %select_n3A_2383 = arith.select %le3A_2381, %select_n3A_2335, %select_n3A_2345 : vector<16xi1>, vector<16xi32>
        %select_n3A_2384 = arith.select %le3A_2381, %select_n3A_2344, %select_n3A_2334 : vector<16xi1>, vector<16xf32>
        %select_n3A_2385 = arith.select %le3A_2381, %select_n3A_2345, %select_n3A_2335 : vector<16xi1>, vector<16xi32>
        %le3A_2386 = arith.cmpf ole, %select_n3A_2339, %select_n3A_2349 : vector<16xf32>
        %select_n3A_2387 = arith.select %le3A_2386, %select_n3A_2339, %select_n3A_2349 : vector<16xi1>, vector<16xf32>
        %select_n3A_2388 = arith.select %le3A_2386, %select_n3A_2340, %select_n3A_2350 : vector<16xi1>, vector<16xi32>
        %select_n3A_2389 = arith.select %le3A_2386, %select_n3A_2349, %select_n3A_2339 : vector<16xi1>, vector<16xf32>
        %select_n3A_2390 = arith.select %le3A_2386, %select_n3A_2350, %select_n3A_2340 : vector<16xi1>, vector<16xi32>
        %le3A_2391 = arith.cmpf ole, %select_n3A_2352, %select_n3A_2357 : vector<16xf32>
        %select_n3A_2392 = arith.select %le3A_2391, %select_n3A_2352, %select_n3A_2357 : vector<16xi1>, vector<16xf32>
        %select_n3A_2393 = arith.select %le3A_2391, %select_n3A_2353, %select_n3A_2358 : vector<16xi1>, vector<16xi32>
        %select_n3A_2394 = arith.select %le3A_2391, %select_n3A_2357, %select_n3A_2352 : vector<16xi1>, vector<16xf32>
        %select_n3A_2395 = arith.select %le3A_2391, %select_n3A_2358, %select_n3A_2353 : vector<16xi1>, vector<16xi32>
        %le3A_2396 = arith.cmpf ole, %select_n3A_2354, %select_n3A_2359 : vector<16xf32>
        %select_n3A_2397 = arith.select %le3A_2396, %select_n3A_2354, %select_n3A_2359 : vector<16xi1>, vector<16xf32>
        %select_n3A_2398 = arith.select %le3A_2396, %select_n3A_2355, %select_n3A_2360 : vector<16xi1>, vector<16xi32>
        %select_n3A_2399 = arith.select %le3A_2396, %select_n3A_2359, %select_n3A_2354 : vector<16xi1>, vector<16xf32>
        %select_n3A_2400 = arith.select %le3A_2396, %select_n3A_2360, %select_n3A_2355 : vector<16xi1>, vector<16xi32>
        %le3A_2401 = arith.cmpf ole, %select_n3A_2362, %select_n3A_2367 : vector<16xf32>
        %select_n3A_2402 = arith.select %le3A_2401, %select_n3A_2362, %select_n3A_2367 : vector<16xi1>, vector<16xf32>
        %select_n3A_2403 = arith.select %le3A_2401, %select_n3A_2363, %select_n3A_2368 : vector<16xi1>, vector<16xi32>
        %select_n3A_2404 = arith.select %le3A_2401, %select_n3A_2367, %select_n3A_2362 : vector<16xi1>, vector<16xf32>
        %select_n3A_2405 = arith.select %le3A_2401, %select_n3A_2368, %select_n3A_2363 : vector<16xi1>, vector<16xi32>
        %le3A_2406 = arith.cmpf ole, %select_n3A_2364, %select_n3A_2369 : vector<16xf32>
        %select_n3A_2407 = arith.select %le3A_2406, %select_n3A_2364, %select_n3A_2369 : vector<16xi1>, vector<16xf32>
        %select_n3A_2408 = arith.select %le3A_2406, %select_n3A_2365, %select_n3A_2370 : vector<16xi1>, vector<16xi32>
        %select_n3A_2409 = arith.select %le3A_2406, %select_n3A_2369, %select_n3A_2364 : vector<16xi1>, vector<16xf32>
        %select_n3A_2410 = arith.select %le3A_2406, %select_n3A_2370, %select_n3A_2365 : vector<16xi1>, vector<16xi32>
        %le3A_2411 = arith.cmpf ole, %select_n3A_2372, %select_n3A_2377 : vector<16xf32>
        %select_n3A_2412 = arith.select %le3A_2411, %select_n3A_2372, %select_n3A_2377 : vector<16xi1>, vector<16xf32>
        %select_n3A_2413 = arith.select %le3A_2411, %select_n3A_2373, %select_n3A_2378 : vector<16xi1>, vector<16xi32>
        %select_n3A_2414 = arith.select %le3A_2411, %select_n3A_2377, %select_n3A_2372 : vector<16xi1>, vector<16xf32>
        %select_n3A_2415 = arith.select %le3A_2411, %select_n3A_2378, %select_n3A_2373 : vector<16xi1>, vector<16xi32>
        %le3A_2416 = arith.cmpf ole, %select_n3A_2374, %select_n3A_2379 : vector<16xf32>
        %select_n3A_2417 = arith.select %le3A_2416, %select_n3A_2374, %select_n3A_2379 : vector<16xi1>, vector<16xf32>
        %select_n3A_2418 = arith.select %le3A_2416, %select_n3A_2375, %select_n3A_2380 : vector<16xi1>, vector<16xi32>
        %select_n3A_2419 = arith.select %le3A_2416, %select_n3A_2379, %select_n3A_2374 : vector<16xi1>, vector<16xf32>
        %select_n3A_2420 = arith.select %le3A_2416, %select_n3A_2380, %select_n3A_2375 : vector<16xi1>, vector<16xi32>
        %le3A_2421 = arith.cmpf ole, %select_n3A_2382, %select_n3A_2387 : vector<16xf32>
        %select_n3A_2422 = arith.select %le3A_2421, %select_n3A_2382, %select_n3A_2387 : vector<16xi1>, vector<16xf32>
        %select_n3A_2423 = arith.select %le3A_2421, %select_n3A_2383, %select_n3A_2388 : vector<16xi1>, vector<16xi32>
        %select_n3A_2424 = arith.select %le3A_2421, %select_n3A_2387, %select_n3A_2382 : vector<16xi1>, vector<16xf32>
        %select_n3A_2425 = arith.select %le3A_2421, %select_n3A_2388, %select_n3A_2383 : vector<16xi1>, vector<16xi32>
        %le3A_2426 = arith.cmpf ole, %select_n3A_2384, %select_n3A_2389 : vector<16xf32>
        %select_n3A_2427 = arith.select %le3A_2426, %select_n3A_2384, %select_n3A_2389 : vector<16xi1>, vector<16xf32>
        %select_n3A_2428 = arith.select %le3A_2426, %select_n3A_2385, %select_n3A_2390 : vector<16xi1>, vector<16xi32>
        %select_n3A_2429 = arith.select %le3A_2426, %select_n3A_2389, %select_n3A_2384 : vector<16xi1>, vector<16xf32>
        %select_n3A_2430 = arith.select %le3A_2426, %select_n3A_2390, %select_n3A_2385 : vector<16xi1>, vector<16xi32>
        %masked_sort3A_2431 = arith.constant dense<true> : vector<16xi1>
        %masked_sort3A_2432, %masked_sort3A_2433, %masked_sort3A_2434 = tpu.sort %select_n3A_2392, %select_n3A_2393 masked %masked_sort3A_2431 : (vector<16xf32>, vector<16xi32>, vector<16xi1>) -> (vector<16xi1>, vector<16xf32>, vector<16xi32>)
        %masked_sort3A_2435 = arith.constant dense<true> : vector<16xi1>
        %masked_sort3A_2436, %masked_sort3A_2437, %masked_sort3A_2438 = tpu.sort %select_n3A_2394, %select_n3A_2395 masked %masked_sort3A_2435 : (vector<16xf32>, vector<16xi32>, vector<16xi1>) -> (vector<16xi1>, vector<16xf32>, vector<16xi32>)
        %masked_sort3A_2439 = arith.constant dense<true> : vector<16xi1>
        %masked_sort3A_2440, %masked_sort3A_2441, %masked_sort3A_2442 = tpu.sort %select_n3A_2397, %select_n3A_2398 masked %masked_sort3A_2439 : (vector<16xf32>, vector<16xi32>, vector<16xi1>) -> (vector<16xi1>, vector<16xf32>, vector<16xi32>)
        %masked_sort3A_2443 = arith.constant dense<true> : vector<16xi1>
        %masked_sort3A_2444, %masked_sort3A_2445, %masked_sort3A_2446 = tpu.sort %select_n3A_2399, %select_n3A_2400 masked %masked_sort3A_2443 : (vector<16xf32>, vector<16xi32>, vector<16xi1>) -> (vector<16xi1>, vector<16xf32>, vector<16xi32>)
        %masked_sort3A_2447 = arith.constant dense<true> : vector<16xi1>
        %masked_sort3A_2448, %masked_sort3A_2449, %masked_sort3A_2450 = tpu.sort %select_n3A_2402, %select_n3A_2403 masked %masked_sort3A_2447 : (vector<16xf32>, vector<16xi32>, vector<16xi1>) -> (vector<16xi1>, vector<16xf32>, vector<16xi32>)
        %masked_sort3A_2451 = arith.constant dense<true> : vector<16xi1>
        %masked_sort3A_2452, %masked_sort3A_2453, %masked_sort3A_2454 = tpu.sort %select_n3A_2404, %select_n3A_2405 masked %masked_sort3A_2451 : (vector<16xf32>, vector<16xi32>, vector<16xi1>) -> (vector<16xi1>, vector<16xf32>, vector<16xi32>)
        %masked_sort3A_2455 = arith.constant dense<true> : vector<16xi1>
        %masked_sort3A_2456, %masked_sort3A_2457, %masked_sort3A_2458 = tpu.sort %select_n3A_2407, %select_n3A_2408 masked %masked_sort3A_2455 : (vector<16xf32>, vector<16xi32>, vector<16xi1>) -> (vector<16xi1>, vector<16xf32>, vector<16xi32>)
        %masked_sort3A_2459 = arith.constant dense<true> : vector<16xi1>
        %masked_sort3A_2460, %masked_sort3A_2461, %masked_sort3A_2462 = tpu.sort %select_n3A_2409, %select_n3A_2410 masked %masked_sort3A_2459 : (vector<16xf32>, vector<16xi32>, vector<16xi1>) -> (vector<16xi1>, vector<16xf32>, vector<16xi32>)
        %masked_sort3A_2463 = arith.constant dense<true> : vector<16xi1>
        %masked_sort3A_2464, %masked_sort3A_2465, %masked_sort3A_2466 = tpu.sort %select_n3A_2412, %select_n3A_2413 masked %masked_sort3A_2463 : (vector<16xf32>, vector<16xi32>, vector<16xi1>) -> (vector<16xi1>, vector<16xf32>, vector<16xi32>)
        %masked_sort3A_2467 = arith.constant dense<true> : vector<16xi1>
        %masked_sort3A_2468, %masked_sort3A_2469, %masked_sort3A_2470 = tpu.sort %select_n3A_2414, %select_n3A_2415 masked %masked_sort3A_2467 : (vector<16xf32>, vector<16xi32>, vector<16xi1>) -> (vector<16xi1>, vector<16xf32>, vector<16xi32>)
        %masked_sort3A_2471 = arith.constant dense<true> : vector<16xi1>
        %masked_sort3A_2472, %masked_sort3A_2473, %masked_sort3A_2474 = tpu.sort %select_n3A_2417, %select_n3A_2418 masked %masked_sort3A_2471 : (vector<16xf32>, vector<16xi32>, vector<16xi1>) -> (vector<16xi1>, vector<16xf32>, vector<16xi32>)
        %masked_sort3A_2475 = arith.constant dense<true> : vector<16xi1>
        %masked_sort3A_2476, %masked_sort3A_2477, %masked_sort3A_2478 = tpu.sort %select_n3A_2419, %select_n3A_2420 masked %masked_sort3A_2475 : (vector<16xf32>, vector<16xi32>, vector<16xi1>) -> (vector<16xi1>, vector<16xf32>, vector<16xi32>)
        %masked_sort3A_2479 = arith.constant dense<true> : vector<16xi1>
        %masked_sort3A_2480, %masked_sort3A_2481, %masked_sort3A_2482 = tpu.sort %select_n3A_2422, %select_n3A_2423 masked %masked_sort3A_2479 : (vector<16xf32>, vector<16xi32>, vector<16xi1>) -> (vector<16xi1>, vector<16xf32>, vector<16xi32>)
        %masked_sort3A_2483 = arith.constant dense<true> : vector<16xi1>
        %masked_sort3A_2484, %masked_sort3A_2485, %masked_sort3A_2486 = tpu.sort %select_n3A_2424, %select_n3A_2425 masked %masked_sort3A_2483 : (vector<16xf32>, vector<16xi32>, vector<16xi1>) -> (vector<16xi1>, vector<16xf32>, vector<16xi32>)
        %masked_sort3A_2487 = arith.constant dense<true> : vector<16xi1>
        %masked_sort3A_2488, %masked_sort3A_2489, %masked_sort3A_2490 = tpu.sort %select_n3A_2427, %select_n3A_2428 masked %masked_sort3A_2487 : (vector<16xf32>, vector<16xi32>, vector<16xi1>) -> (vector<16xi1>, vector<16xf32>, vector<16xi32>)
        %masked_sort3A_2491 = arith.constant dense<true> : vector<16xi1>
        %masked_sort3A_2492, %masked_sort3A_2493, %masked_sort3A_2494 = tpu.sort %select_n3A_2429, %select_n3A_2430 masked %masked_sort3A_2491 : (vector<16xf32>, vector<16xi32>, vector<16xi1>) -> (vector<16xi1>, vector<16xf32>, vector<16xi32>)
        %sub3A_2495 = arith.constant 2.560000e+02 : f32
        %sub3A_2496 = vector.broadcast %sub3A_2495 : f32 to vector<16xf32>
        %sub3A_2497 = arith.subf %sub3A_2496, %convert_element_type3A_4 : vector<16xf32>
        tpu.vector_store_idx %arg6[%masked_sort3A_2434], %sub3A_2497 : memref<256xf32, #tpu.memory_space<vmem>>[vector<16xi32>], vector<16xf32>,
        %sub3A_2498 = arith.constant 2.400000e+02 : f32
        %sub3A_2499 = vector.broadcast %sub3A_2498 : f32 to vector<16xf32>
        %sub3A_2500 = arith.subf %sub3A_2499, %convert_element_type3A_4 : vector<16xf32>
        tpu.vector_store_idx %arg6[%masked_sort3A_2438], %sub3A_2500 : memref<256xf32, #tpu.memory_space<vmem>>[vector<16xi32>], vector<16xf32>,
        %sub3A_2501 = arith.constant 2.240000e+02 : f32
        %sub3A_2502 = vector.broadcast %sub3A_2501 : f32 to vector<16xf32>
        %sub3A_2503 = arith.subf %sub3A_2502, %convert_element_type3A_4 : vector<16xf32>
        tpu.vector_store_idx %arg6[%masked_sort3A_2442], %sub3A_2503 : memref<256xf32, #tpu.memory_space<vmem>>[vector<16xi32>], vector<16xf32>,
        %sub3A_2504 = arith.constant 2.080000e+02 : f32
        %sub3A_2505 = vector.broadcast %sub3A_2504 : f32 to vector<16xf32>
        %sub3A_2506 = arith.subf %sub3A_2505, %convert_element_type3A_4 : vector<16xf32>
        tpu.vector_store_idx %arg6[%masked_sort3A_2446], %sub3A_2506 : memref<256xf32, #tpu.memory_space<vmem>>[vector<16xi32>], vector<16xf32>,
        %sub3A_2507 = arith.constant 1.920000e+02 : f32
        %sub3A_2508 = vector.broadcast %sub3A_2507 : f32 to vector<16xf32>
        %sub3A_2509 = arith.subf %sub3A_2508, %convert_element_type3A_4 : vector<16xf32>
        tpu.vector_store_idx %arg6[%masked_sort3A_2450], %sub3A_2509 : memref<256xf32, #tpu.memory_space<vmem>>[vector<16xi32>], vector<16xf32>,
        %sub3A_2510 = arith.constant 1.760000e+02 : f32
        %sub3A_2511 = vector.broadcast %sub3A_2510 : f32 to vector<16xf32>
        %sub3A_2512 = arith.subf %sub3A_2511, %convert_element_type3A_4 : vector<16xf32>
        tpu.vector_store_idx %arg6[%masked_sort3A_2454], %sub3A_2512 : memref<256xf32, #tpu.memory_space<vmem>>[vector<16xi32>], vector<16xf32>,
        %sub3A_2513 = arith.constant 1.600000e+02 : f32
        %sub3A_2514 = vector.broadcast %sub3A_2513 : f32 to vector<16xf32>
        %sub3A_2515 = arith.subf %sub3A_2514, %convert_element_type3A_4 : vector<16xf32>
        tpu.vector_store_idx %arg6[%masked_sort3A_2458], %sub3A_2515 : memref<256xf32, #tpu.memory_space<vmem>>[vector<16xi32>], vector<16xf32>,
        %sub3A_2516 = arith.constant 1.440000e+02 : f32
        %sub3A_2517 = vector.broadcast %sub3A_2516 : f32 to vector<16xf32>
        %sub3A_2518 = arith.subf %sub3A_2517, %convert_element_type3A_4 : vector<16xf32>
        tpu.vector_store_idx %arg6[%masked_sort3A_2462], %sub3A_2518 : memref<256xf32, #tpu.memory_space<vmem>>[vector<16xi32>], vector<16xf32>,
        %sub3A_2519 = arith.constant 1.280000e+02 : f32
        %sub3A_2520 = vector.broadcast %sub3A_2519 : f32 to vector<16xf32>
        %sub3A_2521 = arith.subf %sub3A_2520, %convert_element_type3A_4 : vector<16xf32>
        tpu.vector_store_idx %arg6[%masked_sort3A_2466], %sub3A_2521 : memref<256xf32, #tpu.memory_space<vmem>>[vector<16xi32>], vector<16xf32>,
        %sub3A_2522 = arith.constant 1.120000e+02 : f32
        %sub3A_2523 = vector.broadcast %sub3A_2522 : f32 to vector<16xf32>
        %sub3A_2524 = arith.subf %sub3A_2523, %convert_element_type3A_4 : vector<16xf32>
        tpu.vector_store_idx %arg6[%masked_sort3A_2470], %sub3A_2524 : memref<256xf32, #tpu.memory_space<vmem>>[vector<16xi32>], vector<16xf32>,
        %sub3A_2525 = arith.constant 9.600000e+01 : f32
        %sub3A_2526 = vector.broadcast %sub3A_2525 : f32 to vector<16xf32>
        %sub3A_2527 = arith.subf %sub3A_2526, %convert_element_type3A_4 : vector<16xf32>
        tpu.vector_store_idx %arg6[%masked_sort3A_2474], %sub3A_2527 : memref<256xf32, #tpu.memory_space<vmem>>[vector<16xi32>], vector<16xf32>,
        %sub3A_2528 = arith.constant 8.000000e+01 : f32
        %sub3A_2529 = vector.broadcast %sub3A_2528 : f32 to vector<16xf32>
        %sub3A_2530 = arith.subf %sub3A_2529, %convert_element_type3A_4 : vector<16xf32>
        tpu.vector_store_idx %arg6[%masked_sort3A_2478], %sub3A_2530 : memref<256xf32, #tpu.memory_space<vmem>>[vector<16xi32>], vector<16xf32>,
        %sub3A_2531 = arith.constant 6.400000e+01 : f32
        %sub3A_2532 = vector.broadcast %sub3A_2531 : f32 to vector<16xf32>
        %sub3A_2533 = arith.subf %sub3A_2532, %convert_element_type3A_4 : vector<16xf32>
        tpu.vector_store_idx %arg6[%masked_sort3A_2482], %sub3A_2533 : memref<256xf32, #tpu.memory_space<vmem>>[vector<16xi32>], vector<16xf32>,
        %sub3A_2534 = arith.constant 4.800000e+01 : f32
        %sub3A_2535 = vector.broadcast %sub3A_2534 : f32 to vector<16xf32>
        %sub3A_2536 = arith.subf %sub3A_2535, %convert_element_type3A_4 : vector<16xf32>
        tpu.vector_store_idx %arg6[%masked_sort3A_2486], %sub3A_2536 : memref<256xf32, #tpu.memory_space<vmem>>[vector<16xi32>], vector<16xf32>,
        %sub3A_2537 = arith.constant 3.200000e+01 : f32
        %sub3A_2538 = vector.broadcast %sub3A_2537 : f32 to vector<16xf32>
        %sub3A_2539 = arith.subf %sub3A_2538, %convert_element_type3A_4 : vector<16xf32>
        tpu.vector_store_idx %arg6[%masked_sort3A_2490], %sub3A_2539 : memref<256xf32, #tpu.memory_space<vmem>>[vector<16xi32>], vector<16xf32>,
        %sub3A_2540 = arith.constant 1.600000e+01 : f32
        %sub3A_2541 = vector.broadcast %sub3A_2540 : f32 to vector<16xf32>
        %sub3A_2542 = arith.subf %sub3A_2541, %convert_element_type3A_4 : vector<16xf32>
        tpu.vector_store_idx %arg6[%masked_sort3A_2494], %sub3A_2542 : memref<256xf32, #tpu.memory_space<vmem>>[vector<16xi32>], vector<16xf32>,
        %broadcast_in_dim3A = arith.constant 0.000000e+00 : f32
        %broadcast_in_dim3A_2543 = vector.broadcast %broadcast_in_dim3A : f32 to vector<16xf32>
        %broadcast_in_dim3A_2544 = arith.constant 0.000000e+00 : f32
        %broadcast_in_dim3A_2545 = vector.broadcast %broadcast_in_dim3A_2544 : f32 to vector<16xf32>
        %get3A_2546 = arith.constant 0 : index
        %get3A_2547 = tpu.vector_load %arg5[%get3A_2546] {strides = array<i32>} : memref<256xf32, #tpu.memory_space<vmem>>, vector<16xf32>,
        %get3A_2548 = arith.constant 0 : index
        %get3A_2549 = tpu.vector_load %arg4[%get3A_2548] {strides = array<i32>} : memref<256xf32, #tpu.memory_space<vmem>>, vector<16xf32>,
        %sub3A_2550 = arith.subf %get3A_2547, %get3A_2549 : vector<16xf32>
        %get3A_2551 = arith.constant 0 : index
        %get3A_2552 = tpu.vector_load %arg6[%get3A_2551] {strides = array<i32>} : memref<256xf32, #tpu.memory_space<vmem>>, vector<16xf32>,
        %get3A_2553 = arith.constant 0 : index
        %get3A_2554 = tpu.vector_load %arg5[%get3A_2553] {strides = array<i32>} : memref<256xf32, #tpu.memory_space<vmem>>, vector<16xf32>,
        %sub3A_2555 = arith.subf %get3A_2552, %get3A_2554 : vector<16xf32>
        %mul3A = arith.mulf %sub3A_2550, %sub3A_2555 : vector<16xf32>
        %add3A_2556 = arith.addf %broadcast_in_dim3A_2543, %mul3A : vector<16xf32>
        %mul3A_2557 = arith.mulf %sub3A_2555, %sub3A_2555 : vector<16xf32>
        %add3A_2558 = arith.addf %broadcast_in_dim3A_2545, %mul3A_2557 : vector<16xf32>
        %get3A_2559 = arith.constant 16 : index
        %get3A_2560 = tpu.vector_load %arg5[%get3A_2559] {strides = array<i32>} : memref<256xf32, #tpu.memory_space<vmem>>, vector<16xf32>,
        %get3A_2561 = arith.constant 16 : index
        %get3A_2562 = tpu.vector_load %arg4[%get3A_2561] {strides = array<i32>} : memref<256xf32, #tpu.memory_space<vmem>>, vector<16xf32>,
        %sub3A_2563 = arith.subf %get3A_2560, %get3A_2562 : vector<16xf32>
        %get3A_2564 = arith.constant 16 : index
        %get3A_2565 = tpu.vector_load %arg6[%get3A_2564] {strides = array<i32>} : memref<256xf32, #tpu.memory_space<vmem>>, vector<16xf32>,
        %get3A_2566 = arith.constant 16 : index
        %get3A_2567 = tpu.vector_load %arg5[%get3A_2566] {strides = array<i32>} : memref<256xf32, #tpu.memory_space<vmem>>, vector<16xf32>,
        %sub3A_2568 = arith.subf %get3A_2565, %get3A_2567 : vector<16xf32>
        %mul3A_2569 = arith.mulf %sub3A_2563, %sub3A_2568 : vector<16xf32>
        %add3A_2570 = arith.addf %add3A_2556, %mul3A_2569 : vector<16xf32>
        %mul3A_2571 = arith.mulf %sub3A_2568, %sub3A_2568 : vector<16xf32>
        %add3A_2572 = arith.addf %add3A_2558, %mul3A_2571 : vector<16xf32>
        %get3A_2573 = arith.constant 32 : index
        %get3A_2574 = tpu.vector_load %arg5[%get3A_2573] {strides = array<i32>} : memref<256xf32, #tpu.memory_space<vmem>>, vector<16xf32>,
        %get3A_2575 = arith.constant 32 : index
        %get3A_2576 = tpu.vector_load %arg4[%get3A_2575] {strides = array<i32>} : memref<256xf32, #tpu.memory_space<vmem>>, vector<16xf32>,
        %sub3A_2577 = arith.subf %get3A_2574, %get3A_2576 : vector<16xf32>
        %get3A_2578 = arith.constant 32 : index
        %get3A_2579 = tpu.vector_load %arg6[%get3A_2578] {strides = array<i32>} : memref<256xf32, #tpu.memory_space<vmem>>, vector<16xf32>,
        %get3A_2580 = arith.constant 32 : index
        %get3A_2581 = tpu.vector_load %arg5[%get3A_2580] {strides = array<i32>} : memref<256xf32, #tpu.memory_space<vmem>>, vector<16xf32>,
        %sub3A_2582 = arith.subf %get3A_2579, %get3A_2581 : vector<16xf32>
        %mul3A_2583 = arith.mulf %sub3A_2577, %sub3A_2582 : vector<16xf32>
        %add3A_2584 = arith.addf %add3A_2570, %mul3A_2583 : vector<16xf32>
        %mul3A_2585 = arith.mulf %sub3A_2582, %sub3A_2582 : vector<16xf32>
        %add3A_2586 = arith.addf %add3A_2572, %mul3A_2585 : vector<16xf32>
        %get3A_2587 = arith.constant 48 : index
        %get3A_2588 = tpu.vector_load %arg5[%get3A_2587] {strides = array<i32>} : memref<256xf32, #tpu.memory_space<vmem>>, vector<16xf32>,
        %get3A_2589 = arith.constant 48 : index
        %get3A_2590 = tpu.vector_load %arg4[%get3A_2589] {strides = array<i32>} : memref<256xf32, #tpu.memory_space<vmem>>, vector<16xf32>,
        %sub3A_2591 = arith.subf %get3A_2588, %get3A_2590 : vector<16xf32>
        %get3A_2592 = arith.constant 48 : index
        %get3A_2593 = tpu.vector_load %arg6[%get3A_2592] {strides = array<i32>} : memref<256xf32, #tpu.memory_space<vmem>>, vector<16xf32>,
        %get3A_2594 = arith.constant 48 : index
        %get3A_2595 = tpu.vector_load %arg5[%get3A_2594] {strides = array<i32>} : memref<256xf32, #tpu.memory_space<vmem>>, vector<16xf32>,
        %sub3A_2596 = arith.subf %get3A_2593, %get3A_2595 : vector<16xf32>
        %mul3A_2597 = arith.mulf %sub3A_2591, %sub3A_2596 : vector<16xf32>
        %add3A_2598 = arith.addf %add3A_2584, %mul3A_2597 : vector<16xf32>
        %mul3A_2599 = arith.mulf %sub3A_2596, %sub3A_2596 : vector<16xf32>
        %add3A_2600 = arith.addf %add3A_2586, %mul3A_2599 : vector<16xf32>
        %get3A_2601 = arith.constant 64 : index
        %get3A_2602 = tpu.vector_load %arg5[%get3A_2601] {strides = array<i32>} : memref<256xf32, #tpu.memory_space<vmem>>, vector<16xf32>,
        %get3A_2603 = arith.constant 64 : index
        %get3A_2604 = tpu.vector_load %arg4[%get3A_2603] {strides = array<i32>} : memref<256xf32, #tpu.memory_space<vmem>>, vector<16xf32>,
        %sub3A_2605 = arith.subf %get3A_2602, %get3A_2604 : vector<16xf32>
        %get3A_2606 = arith.constant 64 : index
        %get3A_2607 = tpu.vector_load %arg6[%get3A_2606] {strides = array<i32>} : memref<256xf32, #tpu.memory_space<vmem>>, vector<16xf32>,
        %get3A_2608 = arith.constant 64 : index
        %get3A_2609 = tpu.vector_load %arg5[%get3A_2608] {strides = array<i32>} : memref<256xf32, #tpu.memory_space<vmem>>, vector<16xf32>,
        %sub3A_2610 = arith.subf %get3A_2607, %get3A_2609 : vector<16xf32>
        %mul3A_2611 = arith.mulf %sub3A_2605, %sub3A_2610 : vector<16xf32>
        %add3A_2612 = arith.addf %add3A_2598, %mul3A_2611 : vector<16xf32>
        %mul3A_2613 = arith.mulf %sub3A_2610, %sub3A_2610 : vector<16xf32>
        %add3A_2614 = arith.addf %add3A_2600, %mul3A_2613 : vector<16xf32>
        %get3A_2615 = arith.constant 80 : index
        %get3A_2616 = tpu.vector_load %arg5[%get3A_2615] {strides = array<i32>} : memref<256xf32, #tpu.memory_space<vmem>>, vector<16xf32>,
        %get3A_2617 = arith.constant 80 : index
        %get3A_2618 = tpu.vector_load %arg4[%get3A_2617] {strides = array<i32>} : memref<256xf32, #tpu.memory_space<vmem>>, vector<16xf32>,
        %sub3A_2619 = arith.subf %get3A_2616, %get3A_2618 : vector<16xf32>
        %get3A_2620 = arith.constant 80 : index
        %get3A_2621 = tpu.vector_load %arg6[%get3A_2620] {strides = array<i32>} : memref<256xf32, #tpu.memory_space<vmem>>, vector<16xf32>,
        %get3A_2622 = arith.constant 80 : index
        %get3A_2623 = tpu.vector_load %arg5[%get3A_2622] {strides = array<i32>} : memref<256xf32, #tpu.memory_space<vmem>>, vector<16xf32>,
        %sub3A_2624 = arith.subf %get3A_2621, %get3A_2623 : vector<16xf32>
        %mul3A_2625 = arith.mulf %sub3A_2619, %sub3A_2624 : vector<16xf32>
        %add3A_2626 = arith.addf %add3A_2612, %mul3A_2625 : vector<16xf32>
        %mul3A_2627 = arith.mulf %sub3A_2624, %sub3A_2624 : vector<16xf32>
        %add3A_2628 = arith.addf %add3A_2614, %mul3A_2627 : vector<16xf32>
        %get3A_2629 = arith.constant 96 : index
        %get3A_2630 = tpu.vector_load %arg5[%get3A_2629] {strides = array<i32>} : memref<256xf32, #tpu.memory_space<vmem>>, vector<16xf32>,
        %get3A_2631 = arith.constant 96 : index
        %get3A_2632 = tpu.vector_load %arg4[%get3A_2631] {strides = array<i32>} : memref<256xf32, #tpu.memory_space<vmem>>, vector<16xf32>,
        %sub3A_2633 = arith.subf %get3A_2630, %get3A_2632 : vector<16xf32>
        %get3A_2634 = arith.constant 96 : index
        %get3A_2635 = tpu.vector_load %arg6[%get3A_2634] {strides = array<i32>} : memref<256xf32, #tpu.memory_space<vmem>>, vector<16xf32>,
        %get3A_2636 = arith.constant 96 : index
        %get3A_2637 = tpu.vector_load %arg5[%get3A_2636] {strides = array<i32>} : memref<256xf32, #tpu.memory_space<vmem>>, vector<16xf32>,
        %sub3A_2638 = arith.subf %get3A_2635, %get3A_2637 : vector<16xf32>
        %mul3A_2639 = arith.mulf %sub3A_2633, %sub3A_2638 : vector<16xf32>
        %add3A_2640 = arith.addf %add3A_2626, %mul3A_2639 : vector<16xf32>
        %mul3A_2641 = arith.mulf %sub3A_2638, %sub3A_2638 : vector<16xf32>
        %add3A_2642 = arith.addf %add3A_2628, %mul3A_2641 : vector<16xf32>
        %get3A_2643 = arith.constant 112 : index
        %get3A_2644 = tpu.vector_load %arg5[%get3A_2643] {strides = array<i32>} : memref<256xf32, #tpu.memory_space<vmem>>, vector<16xf32>,
        %get3A_2645 = arith.constant 112 : index
        %get3A_2646 = tpu.vector_load %arg4[%get3A_2645] {strides = array<i32>} : memref<256xf32, #tpu.memory_space<vmem>>, vector<16xf32>,
        %sub3A_2647 = arith.subf %get3A_2644, %get3A_2646 : vector<16xf32>
        %get3A_2648 = arith.constant 112 : index
        %get3A_2649 = tpu.vector_load %arg6[%get3A_2648] {strides = array<i32>} : memref<256xf32, #tpu.memory_space<vmem>>, vector<16xf32>,
        %get3A_2650 = arith.constant 112 : index
        %get3A_2651 = tpu.vector_load %arg5[%get3A_2650] {strides = array<i32>} : memref<256xf32, #tpu.memory_space<vmem>>, vector<16xf32>,
        %sub3A_2652 = arith.subf %get3A_2649, %get3A_2651 : vector<16xf32>
        %mul3A_2653 = arith.mulf %sub3A_2647, %sub3A_2652 : vector<16xf32>
        %add3A_2654 = arith.addf %add3A_2640, %mul3A_2653 : vector<16xf32>
        %mul3A_2655 = arith.mulf %sub3A_2652, %sub3A_2652 : vector<16xf32>
        %add3A_2656 = arith.addf %add3A_2642, %mul3A_2655 : vector<16xf32>
        %get3A_2657 = arith.constant 128 : index
        %get3A_2658 = tpu.vector_load %arg5[%get3A_2657] {strides = array<i32>} : memref<256xf32, #tpu.memory_space<vmem>>, vector<16xf32>,
        %get3A_2659 = arith.constant 128 : index
        %get3A_2660 = tpu.vector_load %arg4[%get3A_2659] {strides = array<i32>} : memref<256xf32, #tpu.memory_space<vmem>>, vector<16xf32>,
        %sub3A_2661 = arith.subf %get3A_2658, %get3A_2660 : vector<16xf32>
        %get3A_2662 = arith.constant 128 : index
        %get3A_2663 = tpu.vector_load %arg6[%get3A_2662] {strides = array<i32>} : memref<256xf32, #tpu.memory_space<vmem>>, vector<16xf32>,
        %get3A_2664 = arith.constant 128 : index
        %get3A_2665 = tpu.vector_load %arg5[%get3A_2664] {strides = array<i32>} : memref<256xf32, #tpu.memory_space<vmem>>, vector<16xf32>,
        %sub3A_2666 = arith.subf %get3A_2663, %get3A_2665 : vector<16xf32>
        %mul3A_2667 = arith.mulf %sub3A_2661, %sub3A_2666 : vector<16xf32>
        %add3A_2668 = arith.addf %add3A_2654, %mul3A_2667 : vector<16xf32>
        %mul3A_2669 = arith.mulf %sub3A_2666, %sub3A_2666 : vector<16xf32>
        %add3A_2670 = arith.addf %add3A_2656, %mul3A_2669 : vector<16xf32>
        %get3A_2671 = arith.constant 144 : index
        %get3A_2672 = tpu.vector_load %arg5[%get3A_2671] {strides = array<i32>} : memref<256xf32, #tpu.memory_space<vmem>>, vector<16xf32>,
        %get3A_2673 = arith.constant 144 : index
        %get3A_2674 = tpu.vector_load %arg4[%get3A_2673] {strides = array<i32>} : memref<256xf32, #tpu.memory_space<vmem>>, vector<16xf32>,
        %sub3A_2675 = arith.subf %get3A_2672, %get3A_2674 : vector<16xf32>
        %get3A_2676 = arith.constant 144 : index
        %get3A_2677 = tpu.vector_load %arg6[%get3A_2676] {strides = array<i32>} : memref<256xf32, #tpu.memory_space<vmem>>, vector<16xf32>,
        %get3A_2678 = arith.constant 144 : index
        %get3A_2679 = tpu.vector_load %arg5[%get3A_2678] {strides = array<i32>} : memref<256xf32, #tpu.memory_space<vmem>>, vector<16xf32>,
        %sub3A_2680 = arith.subf %get3A_2677, %get3A_2679 : vector<16xf32>
        %mul3A_2681 = arith.mulf %sub3A_2675, %sub3A_2680 : vector<16xf32>
        %add3A_2682 = arith.addf %add3A_2668, %mul3A_2681 : vector<16xf32>
        %mul3A_2683 = arith.mulf %sub3A_2680, %sub3A_2680 : vector<16xf32>
        %add3A_2684 = arith.addf %add3A_2670, %mul3A_2683 : vector<16xf32>
        %get3A_2685 = arith.constant 160 : index
        %get3A_2686 = tpu.vector_load %arg5[%get3A_2685] {strides = array<i32>} : memref<256xf32, #tpu.memory_space<vmem>>, vector<16xf32>,
        %get3A_2687 = arith.constant 160 : index
        %get3A_2688 = tpu.vector_load %arg4[%get3A_2687] {strides = array<i32>} : memref<256xf32, #tpu.memory_space<vmem>>, vector<16xf32>,
        %sub3A_2689 = arith.subf %get3A_2686, %get3A_2688 : vector<16xf32>
        %get3A_2690 = arith.constant 160 : index
        %get3A_2691 = tpu.vector_load %arg6[%get3A_2690] {strides = array<i32>} : memref<256xf32, #tpu.memory_space<vmem>>, vector<16xf32>,
        %get3A_2692 = arith.constant 160 : index
        %get3A_2693 = tpu.vector_load %arg5[%get3A_2692] {strides = array<i32>} : memref<256xf32, #tpu.memory_space<vmem>>, vector<16xf32>,
        %sub3A_2694 = arith.subf %get3A_2691, %get3A_2693 : vector<16xf32>
        %mul3A_2695 = arith.mulf %sub3A_2689, %sub3A_2694 : vector<16xf32>
        %add3A_2696 = arith.addf %add3A_2682, %mul3A_2695 : vector<16xf32>
        %mul3A_2697 = arith.mulf %sub3A_2694, %sub3A_2694 : vector<16xf32>
        %add3A_2698 = arith.addf %add3A_2684, %mul3A_2697 : vector<16xf32>
        %get3A_2699 = arith.constant 176 : index
        %get3A_2700 = tpu.vector_load %arg5[%get3A_2699] {strides = array<i32>} : memref<256xf32, #tpu.memory_space<vmem>>, vector<16xf32>,
        %get3A_2701 = arith.constant 176 : index
        %get3A_2702 = tpu.vector_load %arg4[%get3A_2701] {strides = array<i32>} : memref<256xf32, #tpu.memory_space<vmem>>, vector<16xf32>,
        %sub3A_2703 = arith.subf %get3A_2700, %get3A_2702 : vector<16xf32>
        %get3A_2704 = arith.constant 176 : index
        %get3A_2705 = tpu.vector_load %arg6[%get3A_2704] {strides = array<i32>} : memref<256xf32, #tpu.memory_space<vmem>>, vector<16xf32>,
        %get3A_2706 = arith.constant 176 : index
        %get3A_2707 = tpu.vector_load %arg5[%get3A_2706] {strides = array<i32>} : memref<256xf32, #tpu.memory_space<vmem>>, vector<16xf32>,
        %sub3A_2708 = arith.subf %get3A_2705, %get3A_2707 : vector<16xf32>
        %mul3A_2709 = arith.mulf %sub3A_2703, %sub3A_2708 : vector<16xf32>
        %add3A_2710 = arith.addf %add3A_2696, %mul3A_2709 : vector<16xf32>
        %mul3A_2711 = arith.mulf %sub3A_2708, %sub3A_2708 : vector<16xf32>
        %add3A_2712 = arith.addf %add3A_2698, %mul3A_2711 : vector<16xf32>
        %get3A_2713 = arith.constant 192 : index
        %get3A_2714 = tpu.vector_load %arg5[%get3A_2713] {strides = array<i32>} : memref<256xf32, #tpu.memory_space<vmem>>, vector<16xf32>,
        %get3A_2715 = arith.constant 192 : index
        %get3A_2716 = tpu.vector_load %arg4[%get3A_2715] {strides = array<i32>} : memref<256xf32, #tpu.memory_space<vmem>>, vector<16xf32>,
        %sub3A_2717 = arith.subf %get3A_2714, %get3A_2716 : vector<16xf32>
        %get3A_2718 = arith.constant 192 : index
        %get3A_2719 = tpu.vector_load %arg6[%get3A_2718] {strides = array<i32>} : memref<256xf32, #tpu.memory_space<vmem>>, vector<16xf32>,
        %get3A_2720 = arith.constant 192 : index
        %get3A_2721 = tpu.vector_load %arg5[%get3A_2720] {strides = array<i32>} : memref<256xf32, #tpu.memory_space<vmem>>, vector<16xf32>,
        %sub3A_2722 = arith.subf %get3A_2719, %get3A_2721 : vector<16xf32>
        %mul3A_2723 = arith.mulf %sub3A_2717, %sub3A_2722 : vector<16xf32>
        %add3A_2724 = arith.addf %add3A_2710, %mul3A_2723 : vector<16xf32>
        %mul3A_2725 = arith.mulf %sub3A_2722, %sub3A_2722 : vector<16xf32>
        %add3A_2726 = arith.addf %add3A_2712, %mul3A_2725 : vector<16xf32>
        %get3A_2727 = arith.constant 208 : index
        %get3A_2728 = tpu.vector_load %arg5[%get3A_2727] {strides = array<i32>} : memref<256xf32, #tpu.memory_space<vmem>>, vector<16xf32>,
        %get3A_2729 = arith.constant 208 : index
        %get3A_2730 = tpu.vector_load %arg4[%get3A_2729] {strides = array<i32>} : memref<256xf32, #tpu.memory_space<vmem>>, vector<16xf32>,
        %sub3A_2731 = arith.subf %get3A_2728, %get3A_2730 : vector<16xf32>
        %get3A_2732 = arith.constant 208 : index
        %get3A_2733 = tpu.vector_load %arg6[%get3A_2732] {strides = array<i32>} : memref<256xf32, #tpu.memory_space<vmem>>, vector<16xf32>,
        %get3A_2734 = arith.constant 208 : index
        %get3A_2735 = tpu.vector_load %arg5[%get3A_2734] {strides = array<i32>} : memref<256xf32, #tpu.memory_space<vmem>>, vector<16xf32>,
        %sub3A_2736 = arith.subf %get3A_2733, %get3A_2735 : vector<16xf32>
        %mul3A_2737 = arith.mulf %sub3A_2731, %sub3A_2736 : vector<16xf32>
        %add3A_2738 = arith.addf %add3A_2724, %mul3A_2737 : vector<16xf32>
        %mul3A_2739 = arith.mulf %sub3A_2736, %sub3A_2736 : vector<16xf32>
        %add3A_2740 = arith.addf %add3A_2726, %mul3A_2739 : vector<16xf32>
        %get3A_2741 = arith.constant 224 : index
        %get3A_2742 = tpu.vector_load %arg5[%get3A_2741] {strides = array<i32>} : memref<256xf32, #tpu.memory_space<vmem>>, vector<16xf32>,
        %get3A_2743 = arith.constant 224 : index
        %get3A_2744 = tpu.vector_load %arg4[%get3A_2743] {strides = array<i32>} : memref<256xf32, #tpu.memory_space<vmem>>, vector<16xf32>,
        %sub3A_2745 = arith.subf %get3A_2742, %get3A_2744 : vector<16xf32>
        %get3A_2746 = arith.constant 224 : index
        %get3A_2747 = tpu.vector_load %arg6[%get3A_2746] {strides = array<i32>} : memref<256xf32, #tpu.memory_space<vmem>>, vector<16xf32>,
        %get3A_2748 = arith.constant 224 : index
        %get3A_2749 = tpu.vector_load %arg5[%get3A_2748] {strides = array<i32>} : memref<256xf32, #tpu.memory_space<vmem>>, vector<16xf32>,
        %sub3A_2750 = arith.subf %get3A_2747, %get3A_2749 : vector<16xf32>
        %mul3A_2751 = arith.mulf %sub3A_2745, %sub3A_2750 : vector<16xf32>
        %add3A_2752 = arith.addf %add3A_2738, %mul3A_2751 : vector<16xf32>
        %mul3A_2753 = arith.mulf %sub3A_2750, %sub3A_2750 : vector<16xf32>
        %add3A_2754 = arith.addf %add3A_2740, %mul3A_2753 : vector<16xf32>
        %get3A_2755 = arith.constant 240 : index
        %get3A_2756 = tpu.vector_load %arg5[%get3A_2755] {strides = array<i32>} : memref<256xf32, #tpu.memory_space<vmem>>, vector<16xf32>,
        %get3A_2757 = arith.constant 240 : index
        %get3A_2758 = tpu.vector_load %arg4[%get3A_2757] {strides = array<i32>} : memref<256xf32, #tpu.memory_space<vmem>>, vector<16xf32>,
        %sub3A_2759 = arith.subf %get3A_2756, %get3A_2758 : vector<16xf32>
        %get3A_2760 = arith.constant 240 : index
        %get3A_2761 = tpu.vector_load %arg6[%get3A_2760] {strides = array<i32>} : memref<256xf32, #tpu.memory_space<vmem>>, vector<16xf32>,
        %get3A_2762 = arith.constant 240 : index
        %get3A_2763 = tpu.vector_load %arg5[%get3A_2762] {strides = array<i32>} : memref<256xf32, #tpu.memory_space<vmem>>, vector<16xf32>,
        %sub3A_2764 = arith.subf %get3A_2761, %get3A_2763 : vector<16xf32>
        %mul3A_2765 = arith.mulf %sub3A_2759, %sub3A_2764 : vector<16xf32>
        %add3A_2766 = arith.addf %add3A_2752, %mul3A_2765 : vector<16xf32>
        %mul3A_2767 = arith.mulf %sub3A_2764, %sub3A_2764 : vector<16xf32>
        %add3A_2768 = arith.addf %add3A_2754, %mul3A_2767 : vector<16xf32>
        %reduce_sum3A = arith.constant true
        %reduce_sum3A_2769 = vector.broadcast %reduce_sum3A : i1 to vector<16xi1>
        %reduce_sum3A_2770 = tpu.scan <sum>, %add3A_2766 masked %reduce_sum3A_2769 : vector<16xf32>, vector<16xi1> -> vector<16xf32>
        %reduce_sum3A_2771 = vector.extract %reduce_sum3A_2770[15] : f32 from vector<16xf32>
        %neg3A_2772 = arith.constant 0.000000e+00 : f32
        %neg3A_2773 = arith.subf %neg3A_2772, %reduce_sum3A_2771 : f32
        %reduce_sum3A_2774 = arith.constant true
        %reduce_sum3A_2775 = vector.broadcast %reduce_sum3A_2774 : i1 to vector<16xi1>
        %reduce_sum3A_2776 = tpu.scan <sum>, %add3A_2768 masked %reduce_sum3A_2775 : vector<16xf32>, vector<16xi1> -> vector<16xf32>
        %reduce_sum3A_2777 = vector.extract %reduce_sum3A_2776[15] : f32 from vector<16xf32>
        %broadcast_in_dim3A_2778 = vector.broadcast %neg3A_2773 : f32 to vector<16xf32>
        %broadcast_in_dim3A_2779 = vector.broadcast %reduce_sum3A_2777 : f32 to vector<16xf32>
        %gt3A = arith.constant 0.000000e+00 : f32
        %gt3A_2780 = vector.broadcast %gt3A : f32 to vector<16xf32>
        %gt3A_2781 = arith.cmpf ogt, %broadcast_in_dim3A_2779, %gt3A_2780 : vector<16xf32>
        %div3A_2782 = arith.divf %broadcast_in_dim3A_2778, %broadcast_in_dim3A_2779 : vector<16xf32>
        %jit3A = arith.constant 0.000000e+00 : f32
        %jit3A_2783 = arith.constant 1.000000e+00 : f32
        %max3A = vector.broadcast %jit3A : f32 to vector<16xf32>
        %max3A_2784 = arith.maximumf %max3A, %div3A_2782 : vector<16xf32>
        %min3A = vector.broadcast %jit3A_2783 : f32 to vector<16xf32>
        %min3A_2785 = arith.minimumf %min3A, %max3A_2784 : vector<16xf32>
        %broadcast_in_dim3A_2786 = arith.constant 0.000000e+00 : f32
        %broadcast_in_dim3A_2787 = vector.broadcast %broadcast_in_dim3A_2786 : f32 to vector<16xf32>
        %select_n3A_2788 = arith.select %gt3A_2781, %min3A_2785, %broadcast_in_dim3A_2787 : vector<16xi1>, vector<16xf32>
        %get3A_2789 = arith.constant 0 : index
        %get3A_2790 = tpu.vector_load %arg5[%get3A_2789] {strides = array<i32>} : memref<256xf32, #tpu.memory_space<vmem>>, vector<16xf32>,
        %get3A_2791 = arith.constant 0 : index
        %get3A_2792 = tpu.vector_load %arg6[%get3A_2791] {strides = array<i32>} : memref<256xf32, #tpu.memory_space<vmem>>, vector<16xf32>,
        %get3A_2793 = arith.constant 0 : index
        %get3A_2794 = tpu.vector_load %arg5[%get3A_2793] {strides = array<i32>} : memref<256xf32, #tpu.memory_space<vmem>>, vector<16xf32>,
        %sub3A_2795 = arith.subf %get3A_2792, %get3A_2794 : vector<16xf32>
        %mul3A_2796 = arith.mulf %select_n3A_2788, %sub3A_2795 : vector<16xf32>
        %add3A_2797 = arith.addf %get3A_2790, %mul3A_2796 : vector<16xf32>
        %swap3A_2798 = arith.constant 0 : index
        %swap3A_2799 = tpu.vector_load %arg5[%swap3A_2798] {strides = array<i32>} : memref<256xf32, #tpu.memory_space<vmem>>, vector<16xf32>,
        tpu.vector_store %arg5[%swap3A_2798], %add3A_2797 {strides = array<i32>} : memref<256xf32, #tpu.memory_space<vmem>>, vector<16xf32>,
        %get3A_2800 = arith.constant 16 : index
        %get3A_2801 = tpu.vector_load %arg5[%get3A_2800] {strides = array<i32>} : memref<256xf32, #tpu.memory_space<vmem>>, vector<16xf32>,
        %get3A_2802 = arith.constant 16 : index
        %get3A_2803 = tpu.vector_load %arg6[%get3A_2802] {strides = array<i32>} : memref<256xf32, #tpu.memory_space<vmem>>, vector<16xf32>,
        %get3A_2804 = arith.constant 16 : index
        %get3A_2805 = tpu.vector_load %arg5[%get3A_2804] {strides = array<i32>} : memref<256xf32, #tpu.memory_space<vmem>>, vector<16xf32>,
        %sub3A_2806 = arith.subf %get3A_2803, %get3A_2805 : vector<16xf32>
        %mul3A_2807 = arith.mulf %select_n3A_2788, %sub3A_2806 : vector<16xf32>
        %add3A_2808 = arith.addf %get3A_2801, %mul3A_2807 : vector<16xf32>
        %swap3A_2809 = arith.constant 16 : index
        %swap3A_2810 = tpu.vector_load %arg5[%swap3A_2809] {strides = array<i32>} : memref<256xf32, #tpu.memory_space<vmem>>, vector<16xf32>,
        tpu.vector_store %arg5[%swap3A_2809], %add3A_2808 {strides = array<i32>} : memref<256xf32, #tpu.memory_space<vmem>>, vector<16xf32>,
        %get3A_2811 = arith.constant 32 : index
        %get3A_2812 = tpu.vector_load %arg5[%get3A_2811] {strides = array<i32>} : memref<256xf32, #tpu.memory_space<vmem>>, vector<16xf32>,
        %get3A_2813 = arith.constant 32 : index
        %get3A_2814 = tpu.vector_load %arg6[%get3A_2813] {strides = array<i32>} : memref<256xf32, #tpu.memory_space<vmem>>, vector<16xf32>,
        %get3A_2815 = arith.constant 32 : index
        %get3A_2816 = tpu.vector_load %arg5[%get3A_2815] {strides = array<i32>} : memref<256xf32, #tpu.memory_space<vmem>>, vector<16xf32>,
        %sub3A_2817 = arith.subf %get3A_2814, %get3A_2816 : vector<16xf32>
        %mul3A_2818 = arith.mulf %select_n3A_2788, %sub3A_2817 : vector<16xf32>
        %add3A_2819 = arith.addf %get3A_2812, %mul3A_2818 : vector<16xf32>
        %swap3A_2820 = arith.constant 32 : index
        %swap3A_2821 = tpu.vector_load %arg5[%swap3A_2820] {strides = array<i32>} : memref<256xf32, #tpu.memory_space<vmem>>, vector<16xf32>,
        tpu.vector_store %arg5[%swap3A_2820], %add3A_2819 {strides = array<i32>} : memref<256xf32, #tpu.memory_space<vmem>>, vector<16xf32>,
        %get3A_2822 = arith.constant 48 : index
        %get3A_2823 = tpu.vector_load %arg5[%get3A_2822] {strides = array<i32>} : memref<256xf32, #tpu.memory_space<vmem>>, vector<16xf32>,
        %get3A_2824 = arith.constant 48 : index
        %get3A_2825 = tpu.vector_load %arg6[%get3A_2824] {strides = array<i32>} : memref<256xf32, #tpu.memory_space<vmem>>, vector<16xf32>,
        %get3A_2826 = arith.constant 48 : index
        %get3A_2827 = tpu.vector_load %arg5[%get3A_2826] {strides = array<i32>} : memref<256xf32, #tpu.memory_space<vmem>>, vector<16xf32>,
        %sub3A_2828 = arith.subf %get3A_2825, %get3A_2827 : vector<16xf32>
        %mul3A_2829 = arith.mulf %select_n3A_2788, %sub3A_2828 : vector<16xf32>
        %add3A_2830 = arith.addf %get3A_2823, %mul3A_2829 : vector<16xf32>
        %swap3A_2831 = arith.constant 48 : index
        %swap3A_2832 = tpu.vector_load %arg5[%swap3A_2831] {strides = array<i32>} : memref<256xf32, #tpu.memory_space<vmem>>, vector<16xf32>,
        tpu.vector_store %arg5[%swap3A_2831], %add3A_2830 {strides = array<i32>} : memref<256xf32, #tpu.memory_space<vmem>>, vector<16xf32>,
        %get3A_2833 = arith.constant 64 : index
        %get3A_2834 = tpu.vector_load %arg5[%get3A_2833] {strides = array<i32>} : memref<256xf32, #tpu.memory_space<vmem>>, vector<16xf32>,
        %get3A_2835 = arith.constant 64 : index
        %get3A_2836 = tpu.vector_load %arg6[%get3A_2835] {strides = array<i32>} : memref<256xf32, #tpu.memory_space<vmem>>, vector<16xf32>,
        %get3A_2837 = arith.constant 64 : index
        %get3A_2838 = tpu.vector_load %arg5[%get3A_2837] {strides = array<i32>} : memref<256xf32, #tpu.memory_space<vmem>>, vector<16xf32>,
        %sub3A_2839 = arith.subf %get3A_2836, %get3A_2838 : vector<16xf32>
        %mul3A_2840 = arith.mulf %select_n3A_2788, %sub3A_2839 : vector<16xf32>
        %add3A_2841 = arith.addf %get3A_2834, %mul3A_2840 : vector<16xf32>
        %swap3A_2842 = arith.constant 64 : index
        %swap3A_2843 = tpu.vector_load %arg5[%swap3A_2842] {strides = array<i32>} : memref<256xf32, #tpu.memory_space<vmem>>, vector<16xf32>,
        tpu.vector_store %arg5[%swap3A_2842], %add3A_2841 {strides = array<i32>} : memref<256xf32, #tpu.memory_space<vmem>>, vector<16xf32>,
        %get3A_2844 = arith.constant 80 : index
        %get3A_2845 = tpu.vector_load %arg5[%get3A_2844] {strides = array<i32>} : memref<256xf32, #tpu.memory_space<vmem>>, vector<16xf32>,
        %get3A_2846 = arith.constant 80 : index
        %get3A_2847 = tpu.vector_load %arg6[%get3A_2846] {strides = array<i32>} : memref<256xf32, #tpu.memory_space<vmem>>, vector<16xf32>,
        %get3A_2848 = arith.constant 80 : index
        %get3A_2849 = tpu.vector_load %arg5[%get3A_2848] {strides = array<i32>} : memref<256xf32, #tpu.memory_space<vmem>>, vector<16xf32>,
        %sub3A_2850 = arith.subf %get3A_2847, %get3A_2849 : vector<16xf32>
        %mul3A_2851 = arith.mulf %select_n3A_2788, %sub3A_2850 : vector<16xf32>
        %add3A_2852 = arith.addf %get3A_2845, %mul3A_2851 : vector<16xf32>
        %swap3A_2853 = arith.constant 80 : index
        %swap3A_2854 = tpu.vector_load %arg5[%swap3A_2853] {strides = array<i32>} : memref<256xf32, #tpu.memory_space<vmem>>, vector<16xf32>,
        tpu.vector_store %arg5[%swap3A_2853], %add3A_2852 {strides = array<i32>} : memref<256xf32, #tpu.memory_space<vmem>>, vector<16xf32>,
        %get3A_2855 = arith.constant 96 : index
        %get3A_2856 = tpu.vector_load %arg5[%get3A_2855] {strides = array<i32>} : memref<256xf32, #tpu.memory_space<vmem>>, vector<16xf32>,
        %get3A_2857 = arith.constant 96 : index
        %get3A_2858 = tpu.vector_load %arg6[%get3A_2857] {strides = array<i32>} : memref<256xf32, #tpu.memory_space<vmem>>, vector<16xf32>,
        %get3A_2859 = arith.constant 96 : index
        %get3A_2860 = tpu.vector_load %arg5[%get3A_2859] {strides = array<i32>} : memref<256xf32, #tpu.memory_space<vmem>>, vector<16xf32>,
        %sub3A_2861 = arith.subf %get3A_2858, %get3A_2860 : vector<16xf32>
        %mul3A_2862 = arith.mulf %select_n3A_2788, %sub3A_2861 : vector<16xf32>
        %add3A_2863 = arith.addf %get3A_2856, %mul3A_2862 : vector<16xf32>
        %swap3A_2864 = arith.constant 96 : index
        %swap3A_2865 = tpu.vector_load %arg5[%swap3A_2864] {strides = array<i32>} : memref<256xf32, #tpu.memory_space<vmem>>, vector<16xf32>,
        tpu.vector_store %arg5[%swap3A_2864], %add3A_2863 {strides = array<i32>} : memref<256xf32, #tpu.memory_space<vmem>>, vector<16xf32>,
        %get3A_2866 = arith.constant 112 : index
        %get3A_2867 = tpu.vector_load %arg5[%get3A_2866] {strides = array<i32>} : memref<256xf32, #tpu.memory_space<vmem>>, vector<16xf32>,
        %get3A_2868 = arith.constant 112 : index
        %get3A_2869 = tpu.vector_load %arg6[%get3A_2868] {strides = array<i32>} : memref<256xf32, #tpu.memory_space<vmem>>, vector<16xf32>,
        %get3A_2870 = arith.constant 112 : index
        %get3A_2871 = tpu.vector_load %arg5[%get3A_2870] {strides = array<i32>} : memref<256xf32, #tpu.memory_space<vmem>>, vector<16xf32>,
        %sub3A_2872 = arith.subf %get3A_2869, %get3A_2871 : vector<16xf32>
        %mul3A_2873 = arith.mulf %select_n3A_2788, %sub3A_2872 : vector<16xf32>
        %add3A_2874 = arith.addf %get3A_2867, %mul3A_2873 : vector<16xf32>
        %swap3A_2875 = arith.constant 112 : index
        %swap3A_2876 = tpu.vector_load %arg5[%swap3A_2875] {strides = array<i32>} : memref<256xf32, #tpu.memory_space<vmem>>, vector<16xf32>,
        tpu.vector_store %arg5[%swap3A_2875], %add3A_2874 {strides = array<i32>} : memref<256xf32, #tpu.memory_space<vmem>>, vector<16xf32>,
        %get3A_2877 = arith.constant 128 : index
        %get3A_2878 = tpu.vector_load %arg5[%get3A_2877] {strides = array<i32>} : memref<256xf32, #tpu.memory_space<vmem>>, vector<16xf32>,
        %get3A_2879 = arith.constant 128 : index
        %get3A_2880 = tpu.vector_load %arg6[%get3A_2879] {strides = array<i32>} : memref<256xf32, #tpu.memory_space<vmem>>, vector<16xf32>,
        %get3A_2881 = arith.constant 128 : index
        %get3A_2882 = tpu.vector_load %arg5[%get3A_2881] {strides = array<i32>} : memref<256xf32, #tpu.memory_space<vmem>>, vector<16xf32>,
        %sub3A_2883 = arith.subf %get3A_2880, %get3A_2882 : vector<16xf32>
        %mul3A_2884 = arith.mulf %select_n3A_2788, %sub3A_2883 : vector<16xf32>
        %add3A_2885 = arith.addf %get3A_2878, %mul3A_2884 : vector<16xf32>
        %swap3A_2886 = arith.constant 128 : index
        %swap3A_2887 = tpu.vector_load %arg5[%swap3A_2886] {strides = array<i32>} : memref<256xf32, #tpu.memory_space<vmem>>, vector<16xf32>,
        tpu.vector_store %arg5[%swap3A_2886], %add3A_2885 {strides = array<i32>} : memref<256xf32, #tpu.memory_space<vmem>>, vector<16xf32>,
        %get3A_2888 = arith.constant 144 : index
        %get3A_2889 = tpu.vector_load %arg5[%get3A_2888] {strides = array<i32>} : memref<256xf32, #tpu.memory_space<vmem>>, vector<16xf32>,
        %get3A_2890 = arith.constant 144 : index
        %get3A_2891 = tpu.vector_load %arg6[%get3A_2890] {strides = array<i32>} : memref<256xf32, #tpu.memory_space<vmem>>, vector<16xf32>,
        %get3A_2892 = arith.constant 144 : index
        %get3A_2893 = tpu.vector_load %arg5[%get3A_2892] {strides = array<i32>} : memref<256xf32, #tpu.memory_space<vmem>>, vector<16xf32>,
        %sub3A_2894 = arith.subf %get3A_2891, %get3A_2893 : vector<16xf32>
        %mul3A_2895 = arith.mulf %select_n3A_2788, %sub3A_2894 : vector<16xf32>
        %add3A_2896 = arith.addf %get3A_2889, %mul3A_2895 : vector<16xf32>
        %swap3A_2897 = arith.constant 144 : index
        %swap3A_2898 = tpu.vector_load %arg5[%swap3A_2897] {strides = array<i32>} : memref<256xf32, #tpu.memory_space<vmem>>, vector<16xf32>,
        tpu.vector_store %arg5[%swap3A_2897], %add3A_2896 {strides = array<i32>} : memref<256xf32, #tpu.memory_space<vmem>>, vector<16xf32>,
        %get3A_2899 = arith.constant 160 : index
        %get3A_2900 = tpu.vector_load %arg5[%get3A_2899] {strides = array<i32>} : memref<256xf32, #tpu.memory_space<vmem>>, vector<16xf32>,
        %get3A_2901 = arith.constant 160 : index
        %get3A_2902 = tpu.vector_load %arg6[%get3A_2901] {strides = array<i32>} : memref<256xf32, #tpu.memory_space<vmem>>, vector<16xf32>,
        %get3A_2903 = arith.constant 160 : index
        %get3A_2904 = tpu.vector_load %arg5[%get3A_2903] {strides = array<i32>} : memref<256xf32, #tpu.memory_space<vmem>>, vector<16xf32>,
        %sub3A_2905 = arith.subf %get3A_2902, %get3A_2904 : vector<16xf32>
        %mul3A_2906 = arith.mulf %select_n3A_2788, %sub3A_2905 : vector<16xf32>
        %add3A_2907 = arith.addf %get3A_2900, %mul3A_2906 : vector<16xf32>
        %swap3A_2908 = arith.constant 160 : index
        %swap3A_2909 = tpu.vector_load %arg5[%swap3A_2908] {strides = array<i32>} : memref<256xf32, #tpu.memory_space<vmem>>, vector<16xf32>,
        tpu.vector_store %arg5[%swap3A_2908], %add3A_2907 {strides = array<i32>} : memref<256xf32, #tpu.memory_space<vmem>>, vector<16xf32>,
        %get3A_2910 = arith.constant 176 : index
        %get3A_2911 = tpu.vector_load %arg5[%get3A_2910] {strides = array<i32>} : memref<256xf32, #tpu.memory_space<vmem>>, vector<16xf32>,
        %get3A_2912 = arith.constant 176 : index
        %get3A_2913 = tpu.vector_load %arg6[%get3A_2912] {strides = array<i32>} : memref<256xf32, #tpu.memory_space<vmem>>, vector<16xf32>,
        %get3A_2914 = arith.constant 176 : index
        %get3A_2915 = tpu.vector_load %arg5[%get3A_2914] {strides = array<i32>} : memref<256xf32, #tpu.memory_space<vmem>>, vector<16xf32>,
        %sub3A_2916 = arith.subf %get3A_2913, %get3A_2915 : vector<16xf32>
        %mul3A_2917 = arith.mulf %select_n3A_2788, %sub3A_2916 : vector<16xf32>
        %add3A_2918 = arith.addf %get3A_2911, %mul3A_2917 : vector<16xf32>
        %swap3A_2919 = arith.constant 176 : index
        %swap3A_2920 = tpu.vector_load %arg5[%swap3A_2919] {strides = array<i32>} : memref<256xf32, #tpu.memory_space<vmem>>, vector<16xf32>,
        tpu.vector_store %arg5[%swap3A_2919], %add3A_2918 {strides = array<i32>} : memref<256xf32, #tpu.memory_space<vmem>>, vector<16xf32>,
        %get3A_2921 = arith.constant 192 : index
        %get3A_2922 = tpu.vector_load %arg5[%get3A_2921] {strides = array<i32>} : memref<256xf32, #tpu.memory_space<vmem>>, vector<16xf32>,
        %get3A_2923 = arith.constant 192 : index
        %get3A_2924 = tpu.vector_load %arg6[%get3A_2923] {strides = array<i32>} : memref<256xf32, #tpu.memory_space<vmem>>, vector<16xf32>,
        %get3A_2925 = arith.constant 192 : index
        %get3A_2926 = tpu.vector_load %arg5[%get3A_2925] {strides = array<i32>} : memref<256xf32, #tpu.memory_space<vmem>>, vector<16xf32>,
        %sub3A_2927 = arith.subf %get3A_2924, %get3A_2926 : vector<16xf32>
        %mul3A_2928 = arith.mulf %select_n3A_2788, %sub3A_2927 : vector<16xf32>
        %add3A_2929 = arith.addf %get3A_2922, %mul3A_2928 : vector<16xf32>
        %swap3A_2930 = arith.constant 192 : index
        %swap3A_2931 = tpu.vector_load %arg5[%swap3A_2930] {strides = array<i32>} : memref<256xf32, #tpu.memory_space<vmem>>, vector<16xf32>,
        tpu.vector_store %arg5[%swap3A_2930], %add3A_2929 {strides = array<i32>} : memref<256xf32, #tpu.memory_space<vmem>>, vector<16xf32>,
        %get3A_2932 = arith.constant 208 : index
        %get3A_2933 = tpu.vector_load %arg5[%get3A_2932] {strides = array<i32>} : memref<256xf32, #tpu.memory_space<vmem>>, vector<16xf32>,
        %get3A_2934 = arith.constant 208 : index
        %get3A_2935 = tpu.vector_load %arg6[%get3A_2934] {strides = array<i32>} : memref<256xf32, #tpu.memory_space<vmem>>, vector<16xf32>,
        %get3A_2936 = arith.constant 208 : index
        %get3A_2937 = tpu.vector_load %arg5[%get3A_2936] {strides = array<i32>} : memref<256xf32, #tpu.memory_space<vmem>>, vector<16xf32>,
        %sub3A_2938 = arith.subf %get3A_2935, %get3A_2937 : vector<16xf32>
        %mul3A_2939 = arith.mulf %select_n3A_2788, %sub3A_2938 : vector<16xf32>
        %add3A_2940 = arith.addf %get3A_2933, %mul3A_2939 : vector<16xf32>
        %swap3A_2941 = arith.constant 208 : index
        %swap3A_2942 = tpu.vector_load %arg5[%swap3A_2941] {strides = array<i32>} : memref<256xf32, #tpu.memory_space<vmem>>, vector<16xf32>,
        tpu.vector_store %arg5[%swap3A_2941], %add3A_2940 {strides = array<i32>} : memref<256xf32, #tpu.memory_space<vmem>>, vector<16xf32>,
        %get3A_2943 = arith.constant 224 : index
        %get3A_2944 = tpu.vector_load %arg5[%get3A_2943] {strides = array<i32>} : memref<256xf32, #tpu.memory_space<vmem>>, vector<16xf32>,
        %get3A_2945 = arith.constant 224 : index
        %get3A_2946 = tpu.vector_load %arg6[%get3A_2945] {strides = array<i32>} : memref<256xf32, #tpu.memory_space<vmem>>, vector<16xf32>,
        %get3A_2947 = arith.constant 224 : index
        %get3A_2948 = tpu.vector_load %arg5[%get3A_2947] {strides = array<i32>} : memref<256xf32, #tpu.memory_space<vmem>>, vector<16xf32>,
        %sub3A_2949 = arith.subf %get3A_2946, %get3A_2948 : vector<16xf32>
        %mul3A_2950 = arith.mulf %select_n3A_2788, %sub3A_2949 : vector<16xf32>
        %add3A_2951 = arith.addf %get3A_2944, %mul3A_2950 : vector<16xf32>
        %swap3A_2952 = arith.constant 224 : index
        %swap3A_2953 = tpu.vector_load %arg5[%swap3A_2952] {strides = array<i32>} : memref<256xf32, #tpu.memory_space<vmem>>, vector<16xf32>,
        tpu.vector_store %arg5[%swap3A_2952], %add3A_2951 {strides = array<i32>} : memref<256xf32, #tpu.memory_space<vmem>>, vector<16xf32>,
        %get3A_2954 = arith.constant 240 : index
        %get3A_2955 = tpu.vector_load %arg5[%get3A_2954] {strides = array<i32>} : memref<256xf32, #tpu.memory_space<vmem>>, vector<16xf32>,
        %get3A_2956 = arith.constant 240 : index
        %get3A_2957 = tpu.vector_load %arg6[%get3A_2956] {strides = array<i32>} : memref<256xf32, #tpu.memory_space<vmem>>, vector<16xf32>,
        %get3A_2958 = arith.constant 240 : index
        %get3A_2959 = tpu.vector_load %arg5[%get3A_2958] {strides = array<i32>} : memref<256xf32, #tpu.memory_space<vmem>>, vector<16xf32>,
        %sub3A_2960 = arith.subf %get3A_2957, %get3A_2959 : vector<16xf32>
        %mul3A_2961 = arith.mulf %select_n3A_2788, %sub3A_2960 : vector<16xf32>
        %add3A_2962 = arith.addf %get3A_2955, %mul3A_2961 : vector<16xf32>
        %swap3A_2963 = arith.constant 240 : index
        %swap3A_2964 = tpu.vector_load %arg5[%swap3A_2963] {strides = array<i32>} : memref<256xf32, #tpu.memory_space<vmem>>, vector<16xf32>,
        tpu.vector_store %arg5[%swap3A_2963], %add3A_2962 {strides = array<i32>} : memref<256xf32, #tpu.memory_space<vmem>>, vector<16xf32>,
        %add3A_2965 = arith.constant 1 : i32
        %add3A_2966 = arith.addi %while3A_1325, %add3A_2965 : i32
        %le3A_2967 = arith.constant 0.000000e+00 : f32
        %le3A_2968 = arith.cmpf ole, %neg3A_2773, %le3A_2967 : f32
        scf.yield %add3A_2966, %le3A_2968 : i32, i1
      }
      "tpu.region"() ({
        %run_scoped3A = tpu.sem_alloc : memref<!tpu.dma_semaphore, #tpu.memory_space<semaphore_mem>>
        tpu.enqueue_dma source(%arg5 : memref<256xf32, #tpu.memory_space<vmem>>) target(%arg3 : memref<256xf32, #tpu.memory_space<hbm>>) target_semaphore(%run_scoped3A : memref<!tpu.dma_semaphore, #tpu.memory_space<semaphore_mem>>)
        tpu.wait_dma2 semaphore(%run_scoped3A : memref<!tpu.dma_semaphore, #tpu.memory_space<semaphore_mem>>) src(%arg5 : memref<256xf32, #tpu.memory_space<vmem>>) dst(%arg3 : memref<256xf32, #tpu.memory_space<hbm>>)
        tpu.yield
      }) : () -> ()
    } else {
    }
    return
  }
}

</mosaic_0001>

<sc_bundles>
// kernel: kernel.3.cloned.1.call-start
scs
__scs_entry_jumppad:
0x0: {  	(pc) =	sbr.rel $0x88, $3  }
0x1: {  	(tag) =	ssettag $0x0;
	lr =	simm.s32 $0x1  }
0x2: {  	[smem:$0x3FA0] =	sst lr;
	_ =	strace $0xD0000000  }
0x3: {  	_ = 	snop  }
0x4: {  	_ = 	snop  }
0x5: {  	_ = 	snop  }
0x6: {  	_ = 	snop  }
0x7: {  	_ = 	snop  }
__scs_overlays_trampoline_lowered:
0x8: {  	[smem:$0x3FAF] =	sst s0  }
0x9: {  	[smem:$0x3FB0] =	sst s1  }
0xa: {  	[smem:$0x3FB1] =	sst s2  }
0xb: {  	[smem:$0x3FB2] =	sst s3  }
0xc: {  	[smem:$0x3FB3] =	sst s4  }
0xd: {  	[smem:$0x3FB4] =	sst s5  }
0xe: {  	[smem:$0x3FB5] =	sst s6  }
0xf: {  	[smem:$0x3FB6] =	sst s7  }
0x10: {  	[smem:$0x3FB7] =	sst s8  }
0x11: {  	[smem:$0x3FB8] =	sst s9;
	s0 =	simm.s32 @!p0 $0x0  }
0x12: {  	s1 =	sld [smem:$0x3F9E];
	s0 =	simm.s32 @p0 $0x1  }
0x13: {  	[smem:$0x3FB9] =	sst s0;
	s0 =	simm.s32 @!p1 $0x0  }
0x14: {  	s2 =	sld [smem:$0x3F9D];
	s0 =	simm.s32 @p1 $0x1  }
0x15: {  	[smem:$0x3FBA] =	sst s0;
	s0 =	simm.s32 @!p2 $0x0  }
0x16: {  	s3 =	sld [smem:$0x3FDB];
	s0 =	simm.s32 @p2 $0x1  }
0x17: {  	s4 =	simm.s32 $0x1BF5;
	[smem:$0x3FBC] =	sst s0  }
0x18: {  	s0 =	sld [smem:$0x3F9F];
	_ =	swait.ge [sflag:s4], $0x0  }
0x19: {  	s7 =	sld [smem:$0x3FA0]  }
0x1a: {  	s8 =	sadd.s32 $0xFFFFE003, lr  }
0x1b: {  	s9 =	sadd.s32 $0xFFFFFEF7, lr;
	s5 =	simm.s32 $0xFFFFFFFF;
	p2 =	slt.u32 s8, $0xFFFFF086  }
0x1c: {  	p1 =	slt.u32 s9, $0xF7A;
	s5 =	simm.s32 @!p2 $0x0  }
0x1d: {  	s5 =	simm.s32 @p1 $0x1;
	p0 =	seq.s32 s7, s2  }
0x1e: {  	s7 =	smul.u32 @!p0 $0xF7A, s2;
	p2 =	seq.s32 @!p0 s5, $0x0  }
0x1f: {  	s9 =	smul.u32 $0xF7A, s1;
	s8 =	simm.s32 @!p0 $0x1BF5;
	p2 =	por !p2, p0  }
0x20: {  	[sflag:s8] =	ssyncset.s32 @!p0 $0xFFFFF086;
	s6 =	sadd.s32 @!p0 s3, s7;
	s7 =	simm.s32 @!p0 $0x108  }
0x21: {  	s3 =	sadd.s32 s3, s9;
	s6 =	sadd.s32 @!p0 $0x88, s6;
	s7 =	simm.s32 @p2 $0x1082  }
0x22: {  	[simem:s7], [sflag:s8] =	dma.local @!p0 [hbm:s6], $0xF7A  }
0x23: {  	s9 =	sor.u32 $0xD0000000, s2;
	s6 =	simm.s32 $0x108;
	_ =	swait.ge @!p0 [sflag:s8], $0x0  }
0x24: {  	s3 =	sadd.s32 $0x88, s3;
	s6 =	simm.s32 @!p1 $0x1082;
	[sflag:s4] =	ssyncset.s32 $0xFFFFF086  }
0x25: {  	[simem:s6], [sflag:s4] =	dma.local [hbm:s3], $0xF7A  }
0x26: {  	[smem:$0x3FA0] =	sst s1;
	(tag) =	ssettag s2;
	_ =	strace s9  }
0x27: {  	s1 =	sld [smem:$0x3FB0]  }
0x28: {  	s2 =	sld [smem:$0x3FB1]  }
0x29: {  	s4 =	sld [smem:$0x3FB3]  }
0x2a: {  	p0 =	seq.s32 s5, $0x0;
	s5 =	sld [smem:$0x3FB4]  }
0x2b: {  	s6 =	sld [smem:$0x3FB5]  }
0x2c: {  	s7 =	sld [smem:$0x3FB6]  }
0x2d: {  	s3 =	simm.s32 $0x108;
	s8 =	sld [smem:$0x3FB7]  }
0x2e: {  	s3 =	simm.s32 @!p0 $0x1082;
	s9 =	sld [smem:$0x3FB8]  }
0x2f: {  	lr =	sadd.s32 s0, s3;
	s0 =	sld [smem:$0x3FAF]  }
0x30: {  	s3 =	sld [smem:$0x3FB2]  }
0x31: {  	[smem:$0x3FBB] =	sst s10  }
0x32: {  	s10 =	sld [smem:$0x3FB9];
	_ =	sdelay $0x3  }
0x33: {  	p0 =	seq.s32 s10, $0x1;
	s10 =	sld [smem:$0x3FBB];
	_ =	sdelay $0x3  }
0x34: {  	[smem:$0x3FBB] =	sst s10  }
0x35: {  	s10 =	sld [smem:$0x3FBA];
	_ =	sdelay $0x3  }
0x36: {  	p1 =	seq.s32 s10, $0x1;
	s10 =	sld [smem:$0x3FBB];
	_ =	sdelay $0x3  }
0x37: {  	[smem:$0x3FBB] =	sst s10  }
0x38: {  	s10 =	sld [smem:$0x3FBC]  }
0x39: {  	_ = 	snop;
	(pc) =	sbr.ind lr, $3  }
0x3a: {  	_ = 	snop  }
0x3b: {  	_ = 	snop  }
0x3c: {  	p2 =	seq.s32 s10, $0x1;
	s10 =	sld [smem:$0x3FBB]  }
0x3d: {  	_ =	shalt  }
0x3e: {  	_ =	shalt  }
0x3f: {  	_ =	shalt  }
0x40: {  	_ =	shalt  }
0x41: {  	_ =	shalt  }
0x42: {  	_ =	shalt  }
0x43: {  	_ =	shalt  }
0x44: {  	_ =	shalt  }
0x45: {  	_ =	shalt  }
0x46: {  	_ =	shalt  }
0x47: {  	_ =	shalt  }
0x48: {  	_ =	shalt  }
0x49: {  	_ =	shalt  }
0x4a: {  	_ =	shalt  }
0x4b: {  	_ =	shalt  }
0x4c: {  	_ =	shalt  }
0x4d: {  	_ =	shalt  }
0x4e: {  	_ =	shalt  }
0x4f: {  	_ =	shalt  }
0x50: {  	_ =	shalt  }
0x51: {  	_ =	shalt  }
0x52: {  	_ =	shalt  }
0x53: {  	_ =	shalt  }
0x54: {  	_ =	shalt  }
0x55: {  	_ =	shalt  }
0x56: {  	_ =	shalt  }
0x57: {  	_ =	shalt  }
0x58: {  	_ =	shalt  }
0x59: {  	_ =	shalt  }
0x5a: {  	_ =	shalt  }
0x5b: {  	_ =	shalt  }
0x5c: {  	_ =	shalt  }
0x5d: {  	_ =	shalt  }
0x5e: {  	_ =	shalt  }
0x5f: {  	_ =	shalt  }
0x60: {  	_ =	shalt  }
0x61: {  	_ =	shalt  }
0x62: {  	_ =	shalt  }
0x63: {  	_ =	shalt  }
0x64: {  	_ =	shalt  }
0x65: {  	_ =	shalt  }
0x66: {  	_ =	shalt  }
0x67: {  	_ =	shalt  }
0x68: {  	_ =	shalt  }
0x69: {  	_ =	shalt  }
0x6a: {  	_ =	shalt  }
0x6b: {  	_ =	shalt  }
0x6c: {  	_ =	shalt  }
0x6d: {  	_ =	shalt  }
0x6e: {  	_ =	shalt  }
0x6f: {  	_ =	shalt  }
0x70: {  	_ =	shalt  }
0x71: {  	_ =	shalt  }
0x72: {  	_ =	shalt  }
0x73: {  	_ =	shalt  }
0x74: {  	_ =	shalt  }
0x75: {  	_ =	shalt  }
0x76: {  	_ =	shalt  }
0x77: {  	_ =	shalt  }
0x78: {  	_ =	shalt  }
0x79: {  	_ =	shalt  }
0x7a: {  	_ =	shalt  }
0x7b: {  	_ =	shalt  }
0x7c: {  	_ =	shalt  }
0x7d: {  	_ =	shalt  }
0x7e: {  	_ =	shalt  }
0x7f: {  	_ =	shalt  }
0x80: {  	_ =	shalt  }
0x81: {  	_ =	shalt  }
0x82: {  	_ =	shalt  }
0x83: {  	_ =	shalt  }
0x84: {  	_ =	shalt  }
0x85: {  	_ =	shalt  }
0x86: {  	_ =	shalt  }
0x87: {  	_ =	shalt  }
.Lfunc_end0:
.L_simem_size_0:
called_computation_lowered:
.L_overlay_start_0:
0x88: {  	s0 =	sld [smem:$0x3FD9]  }
0x89: {  	s1 =	sld [smem:$0x3FFE];
	_ =	sdelay $0x3  }
0x8a: {  	s0 =	sadd.s32 s1, s0  }
0x8b: {  	[smem:$0x3FC7] =	sst s0  }
0x8c: {  	_ = 	snop  }
0x8d: {  	s0 =	sld [smem:$0x3FC9]  }
0x8e: {  	s17 =	sld [smem:$0x3FD0];
	(tm) =	ssettm $0x1  }
0x8f: {  	s2 =	sld [smem:$0x3FFB];
	_ =	sdelay $0x3  }
0x90: {  	_ =	strace s2  }
0x91: {  	s2 =	sld [smem:$0x3FFC];
	_ =	sdelay $0x3  }
0x92: {  	_ =	strace s2  }
0x93: {  	s2 =	sld [smem:$0x3FFD];
	_ =	sdelay $0x3  }
0x94: {  	_ =	strace s2  }
0x95: {  	_ =	strace $0x8FFFFFFF  }
0x96: {  	s18 =	sld [smem:$0x3FDB];
	_ =	sdelay $0x1  }
0x97: {  	s3 =	simm.s32 $_scs_section_size  }
0x98: {  	s4 =	simm.s32 $_size__tile_overlayer_lowered;
	s5 =	simm.s32 $_tile_overlayer_lowered  }
0x99: {  	s21 =	simm.s32 $0x1BFF;
	s20 =	sshll.u32 s5, $0x1;
	s2 =	sadd.s32 s3, s18  }
0x9a: {  	s6 =	simm.s32 $0x0;
	s19 =	sshll.u32 s4, $0x1;
	s4 =	sadd.s32 s20, s2  }
0x9b: {  	[timem:s6], [sflag:s21] =	dma.local [hbm:s4], s19  }
0x9c: {  	_ =	swait.ge [sflag:s21], s19  }
0x9d: {  	s3 =	ssub.s32 $0x0, s19;
	[sflag:s21] =	ssyncset.done $0x0  }
0x9e: {  	[sflag:s21] =	ssyncadd.s32 s3;
	_ =	sdelay $0x1  }
0x9f: {  	s22 =	simm.s32 $0x1B8B  }
0xa0: {  	_ =	swait.ge [sflag:s22], $0x1  }
0xa1: {  	[sflag:s22] =	ssyncset.done $0x0  }
0xa2: {  	s23 =	simm.s32 $0x1B8E;
	[sflag:s22] =	ssyncadd.s32 $0xFFFFFFFF  }
0xa3: {  	s24 =	simm.s32 $execute0_lowered;
	[smem:$0x3FD2] =	sst s23  }
0xa4: {  	s3 =	sshll.u32 s24, $0x1;
	_ =	strace $0x80000046;
	[dreg:$0x1] =	wrdreg $0xFFFFFFFF  }
0xa5: {  	s25 =	simm.s32 $_size_execute0_lowered;
	s2 =	sadd.s32 s2, s3;
	[dreg:$0x0] =	wrdreg $0x0  }
0xa6: {  	s3 =	sshll.u32 s25, $0x1;
	[dreg:$0x2] =	wrdreg s2  }
0xa7: {  	[dreg:$0x3] =	wrdreg s3  }
0xa8: {  	[dreg:$0x4] =	wrdreg $0xC0  }
0xa9: {  	_ =	task [dreg:s6], $0x5FFFF  }
0xaa: {  	[dreg:$0x1] =	wrdreg $0xFFFFFFFF  }
0xab: {  	[dreg:$0x0] =	wrdreg $0x60  }
0xac: {  	[dreg:$0x2] =	wrdreg s0  }
0xad: {  	[dreg:$0x3] =	wrdreg s17  }
0xae: {  	[dreg:$0x4] =	wrdreg $0x9  }
0xaf: {  	_ =	task.clear_ibuf [dreg:s6], $0x5FFFF;
	_ =	strace $0x90000046  }
0xb0: {  	s26 =	simm.s32 $0x9;
	_ =	strace $0x80000048  }
0xb1: {  	_ =	swait.ge [sflag:s26], $0x1  }
0xb2: {  	[sflag:s26] =	ssyncadd.s32 $0xFFFFFFFF  }
0xb3: {  	_ =	strace $0x90000048  }
0xb4: {  	_ =	sfence  }
0xb5: {  	s28 =	sld [smem:$0x0];
	_ =	sdelay $0x1  }
0xb6: {  	s29 =	srdreg.scid  }
0xb7: {  	s30 =	sshll.u32 s29, $0xD;
	s31 =	sshrl.u32 s29, $0x2  }
0xb8: {  	s1 =	sand.u32 $0x1, s29;
	s2 =	sand.u32 $0x4000, s30;
	s0 =	sadd.s32 s31, s28  }
0xb9: {  	s1 =	sor.u32 s2, s1;
	s0 =	sshll.u32 s0, $0x11  }
0xba: {  	s0 =	sor.u32 s0, s1  }
0xbb: {  	s0 =	sadd.s32 $0x8F2B, s0  }
0xbc: {  	[sflag:s0] =	ssyncadd.remote.s32 $0x1  }
0xbd: {  	_ =	sfence.sel $0xFFFF  }
0xbe: {  	[dreg:$0x0] =	wrdreg $0xFFFFFFFF;
	(pc) =	sbr.abs _section_cstart, $3  }
0xbf: {  	[dreg:$0x1] =	wrdreg $0xFFFFFFFF  }
0xc0: {  	_ =	task.clear_ibuf [dreg:s6], $0x2FFFF;
	_ =	strace $0x9FFFFFFF  }
0xc1: {  	(tm) =	ssettm $0x7FFFFFFF  }
tec
execute0_lowered:
.L_overlay_start_1:
0x0: {  	(tag) =	ssettag $0x1  }
0x1: {  	s2 =	stileid.u32  }
0x2: {  	p0 =	sne.s32 s2, $0x0  }
.Ltmp0:
0x3: {  	_ = 	snop;
	(pc) =	sbr.rel @p0 .LBB2_4-.Ltmp0, $4  }
0x4: {  	_ = 	snop  }
0x5: {  	s3 =	rddreg [dreg:$0x0]  }
0x6: {  	s1 =	rddreg [dreg:$0x1]  }
0x7: {  	s0 =	rddreg [dreg:$0x2];
	_ =	strace $0x80000047  }
0x8: {  	v0 =	vimm.f32 $9.999999740e-06  }
0x9: {  	(erf) = vrcp.f32 v0;
	_ =	sdelay $0x7  }
0xa: {  	s2 =	simm.s32 $0x0;
	s30 =	simm.s32 $0x1  }
0xb: {  	[tilespmem:s2], [sflag:$0x1] =	stream.linear.gather [hbm4b:s3+s2], $0x100, $0x38;
	v11 =	vpop (erf);
	[tilespmem:$0x300] =	vst v63  }
0xc: {  	_ =	swait.ge [sflag:s30], $0x100  }
0xd: {  	[sflag:s30] =	ssyncset.done $0x0  }
0xe: {  	[sflag:s30] =	ssyncadd.s32 $0xFFFFFF00  }
0xf: {  	v54 =	vld [tilespmem:$0x0];
	_ =	sdelay $0x1  }
0x10: {  	v1 =	vld [tilespmem:$0x10]  }
0x11: {  	v2 =	vld [tilespmem:$0x20]  }
0x12: {  	v3 =	vld [tilespmem:$0x30]  }
0x13: {  	v6 =	vmul.f32 v54, v11  }
0x14: {  	v4 =	vld [tilespmem:$0x40]  }
0x15: {  	v5 =	vld [tilespmem:$0x50];
	v55 =	vmul.f32 v1, v11;
	v56 =	vsub.f32 $0.0e+00, v6  }
0x16: {  	v59 =	vlaneseq.u32;
	v57 =	vld [tilespmem:$0x60];
	v9 =	vmul.f32 v2, v11  }
0x17: {  	v7 =	vld [tilespmem:$0x70];
	v10 =	vmul.f32 v3, v11;
	v58 =	vsub.f32 $0.0e+00, v55;
	(xrf1) =	vsort.ascd.msk.f32 $0xffff, v56, v59  }
0x18: {  	v22 =	vor.u32 $0x10, v59;
	v8 =	vld [tilespmem:$0x80];
	v23 =	vsub.f32 $0.0e+00, v9  }
0x19: {  	v27 =	vor.u32 $0x20, v59;
	v25 =	vld [tilespmem:$0x90];
	v24 =	vmul.f32 v4, v11;
	v26 =	vsub.f32 $0.0e+00, v10;
	(xrf1) =	vsort.ascd.msk.f32 $0xffff, v58, v22  }
0x1a: {  	v29 =	vor.u32 $0x30, v59;
	v28 =	vld [tilespmem:$0xA0];
	v14 =	vmul.f32 v5, v11;
	(xrf1) =	vsort.ascd.msk.f32 $0xffff, v23, v27  }
0x1b: {  	v32 =	vor.u32 $0x40, v59;
	v33 =	vor.u32 $0x50, v59;
	v12 =	vld [tilespmem:$0xB0];
	v30 =	vsub.f32 $0.0e+00, v24;
	(xrf1) =	vsort.ascd.msk.f32 $0xffff, v26, v29  }
0x1c: {  	v42 =	vor.u32 $0x60, v59;
	v13 =	vld [tilespmem:$0xC0];
	v37 =	vmul.f32 v57, v11;
	v31 =	vsub.f32 $0.0e+00, v14  }
0x1d: {  	v44 =	vor.u32 $0x70, v59;
	[tilespmem:$0x1FDA0] =	vst v22;
	v15 =	vld [tilespmem:$0xE0];
	v38 =	vmul.f32 v7, v11;
	(xrf1) =	vsort.ascd.msk.f32 $0xffff, v30, v32  }
0x1e: {  	v49 =	vor.u32 $0x80, v59;
	[tilespmem:$0x1FDB0] =	vst v27;
	v16 =	vld [tilespmem:$0xF0];
	v34 =	vsub.f32 $0.0e+00, v37;
	(xrf1) =	vsort.ascd.msk.f32 $0xffff, v31, v33  }
0x1f: {  	v50 =	vor.u32 $0x90, v59;
	v40 =	vmul.f32 v8, v11;
	[tilespmem:$0x1FEE0] =	vst v14;
	v14 =	vld [tilespmem:$0xD0];
	v35 =	vsub.f32 $0.0e+00, v38  }
0x20: {  	v51 =	vor.u32 $0xA0, v59;
	[tilespmem:$0x1FDD0] =	vst v32;
	v39 =	vmul.f32 v25, v11;
	(xrf1) =	vsort.ascd.msk.f32 $0xffff, v34, v42  }
0x21: {  	[tilespmem:$0x1FDE0] =	vst v33;
	v43 =	vmul.f32 v28, v11;
	v46 =	vsub.f32 $0.0e+00, v40;
	(xrf1) =	vsort.ascd.msk.f32 $0xffff, v35, v44  }
0x22: {  	v53 =	vor.u32 $0xB0, v59;
	[tilespmem:$0x1FDF0] =	vst v42;
	v36 =	vmul.f32 v12, v11;
	v48 =	vsub.f32 $0.0e+00, v39  }
0x23: {  	v45 =	vmul.f32 v13, v11;
	v63 =	vmul.f32 v15, v11;
	v12 =	vsub.f32 $0.0e+00, v43;
	(xrf1) =	vsort.ascd.msk.f32 $0xffff, v46, v49  }
0x24: {  	v52 =	vmul.f32 v16, v11;
	v13 =	vsub.f32 $0.0e+00, v36;
	v47 =	vmul.f32 v14, v11;
	(xrf1) =	vsort.ascd.msk.f32 $0xffff, v48, v50  }
0x25: {  	v57 =	vor.u32 $0xE0, v59;
	v15 =	vsub.f32 $0.0e+00, v45;
	v14 =	vmul.u32 $0xFFFFFFFF, v59;
	v17, v18, _ =	vpop (xrf1);
	(xrf1) =	vsort.ascd.msk.f32 $0xffff, v12, v51  }
0x26: {  	[tilespmem:$0x1FEA0] =	vst v55;
	v55 =	vor.u32 $0xC0, v59;
	v54 =	vsub.f32 $0.0e+00, v47;
	(xrf1) =	vsort.ascd.msk.f32 $0xffff, v13, v53  }
0x27: {  	v21 =	vsub.f32 $0.0e+00, v63;
	v56 =	vor.u32 $0xD0, v59;
	v19, v20, _ =	vpop (xrf1);
	v13 =	vadd.s32 $0xF, v14;
	(xrf1) =	vsort.ascd.msk.f32 $0xffff, v15, v55  }
0x28: {  	[tilespmem:$0x1FED0] =	vst v24;
	v22 =	vsub.f32 $0.0e+00, v52;
	v19 =	vperm.xlane v19, v13;
	v23, v24, _ =	vpop (xrf1);
	(xrf1) =	vsort.ascd.msk.f32 $0xffff, v54, v56  }
0x29: {  	v0 =	vor.u32 $0xF0, v59;
	[tilespmem:$0x1FE00] =	vst v44;
	v20 =	vperm.xlane v20, v13;
	v25, v26, _ =	vpop (xrf1);
	(xrf1) =	vsort.ascd.msk.f32 $0xffff, v21, v57  }
0x2a: {  	[tilespmem:$0x1FE10] =	vst v49;
	vm0 =	vle.f32 v17, v19;
	v59 =	vperm.xlane v25, v13;
	(xrf1) =	vsort.ascd.msk.f32 $0xffff, v22, v0  }
0x2b: {  	[tilespmem:$0x1FE20] =	vst v50;
	v60, v27, _ =	vpop (xrf1);
	v58 =	vsel vm0, v17, v19;
	v28 =	vsel vm0, v18, v20;
	v17 =	vsel vm0, v19, v17  }
0x2c: {  	[tilespmem:$0x1FE80] =	vst v0;
	v18 =	vsel vm0, v20, v18;
	v61, v62, _ =	vpop (xrf1);
	v0 =	vperm.xlane v26, v13;
	(xrf1) =	vsort.ascd.msk.f32 $0xffff, v58, v28  }
0x2d: {  	[tilespmem:$0x1FE30] =	vst v51;
	vm8 =	vle.f32 v23, v59;
	v2 =	vperm.xlane v61, v13;
	v8 =	vperm.xlane v62, v13  }
0x2e: {  	[tilespmem:$0x1FE40] =	vst v53;
	v4, v3, _ =	vpop (xrf1);
	(xrf1) =	vsort.ascd.msk.f32 $0xffff, v17, v18;
	v1 =	vsel vm8, v23, v59;
	v5 =	vsel vm8, v24, v0  }
0x2f: {  	[tilespmem:$0x1FE90] =	vst v6;
	v22 =	vsel vm8, v59, v23;
	v21 =	vsel vm8, v0, v24;
	v6, v7, _ =	vpop (xrf1);
	(xrf1) =	vsort.ascd.msk.f32 $0xffff, v1, v5  }
0x30: {  	[tilespmem:$0x1FEC0] =	vst v10;
	vm9 =	vle.f32 v60, v2;
	v10 =	vperm.xlane v6, v13;
	v42 =	vperm.xlane v7, v13  }
0x31: {  	[tilespmem:$0x1FEB0] =	vst v9;
	v32, v33, _ =	vpop (xrf1);
	(xrf1) =	vsort.ascd.msk.f32 $0xffff, v22, v21;
	v9 =	vsel vm9, v60, v2;
	v34 =	vsel vm9, v27, v8  }
0x32: {  	[tilespmem:$0x1FE70] =	vst v57;
	v18 =	vsel vm9, v2, v60;
	v17 =	vsel vm9, v8, v27;
	v35, v41, _ =	vpop (xrf1);
	(xrf1) =	vsort.ascd.msk.f32 $0xffff, v9, v34  }
0x33: {  	[tilespmem:$0x1FEF0] =	vst v43;
	vm10 =	vle.f32 v4, v10;
	v44 =	vperm.xlane v35, v13;
	v50 =	vperm.xlane v41, v13  }
0x34: {  	v11 =	vmovc v47;
	(xrf1) =	vsort.ascd.msk.f32 $0xffff, v18, v17;
	v43 =	vsel vm10, v4, v10;
	v47 =	vsel vm10, v3, v42  }
0x35: {  	[tilespmem:$0x1FF00] =	vst v45;
	v19 =	vsel vm10, v10, v4;
	v20 =	vsel vm10, v42, v3;
	vm11 =	vle.f32 v32, v44;
	v45, v46, _ =	vpop (xrf1)  }
0x36: {  	[tilespmem:$0x1FE50] =	vst v55;
	(xrf1) =	vsort.ascd.msk.f32 $0xffff, v43, v47;
	v51 =	vsel vm11, v32, v44;
	v55 =	vsel vm11, v33, v50;
	v48, v49, _ =	vpop (xrf1)  }
0x37: {  	v15 =	vmov v52;
	v18 =	vsel vm11, v44, v32;
	(xrf1) =	vsort.ascd.msk.f32 $0xffff, v19, v20;
	v52 =	vperm.xlane v48, v13;
	v54, v53, _ =	vpop (xrf1)  }
0x38: {  	[tilespmem:$0x1FE60] =	vst v56;
	v17 =	vsel vm11, v50, v33;
	(xrf1) =	vsort.ascd.msk.f32 $0xffff, v51, v55;
	v58 =	vperm.xlane v49, v13;
	v56, v57, _ =	vpop (xrf1)  }
0x39: {  	(xrf1) =	vsort.ascd.msk.f32 $0xffff, v18, v17;
	vm12 =	vle.f32 v45, v52;
	v60 =	vperm.xlane v56, v13  }
0x3a: {  	v62, v61, _ =	vpop (xrf1);
	v3 =	vperm.xlane v57, v13;
	v59 =	vsel vm12, v45, v52;
	v0 =	vsel vm12, v46, v58  }
0x3b: {  	v20 =	vsel vm12, v52, v45;
	v19 =	vsel vm12, v58, v46;
	v1, v2, _ =	vpop (xrf1);
	(xrf1) =	vsort.ascd.msk.f32 $0xffff, v59, v0  }
0x3c: {  	vm13 =	vle.f32 v54, v60;
	v7 =	vperm.xlane v1, v13;
	v9 =	vperm.xlane v2, v13  }
0x3d: {  	v5, v4, _ =	vpop (xrf1);
	(xrf1) =	vsort.ascd.msk.f32 $0xffff, v20, v19;
	v6 =	vsel vm13, v54, v60;
	v30 =	vsel vm13, v53, v3  }
0x3e: {  	[tilespmem:$0x1FDC0] =	vst v29;
	v8, v29, _ =	vpop (xrf1);
	v18 =	vsel vm13, v60, v54;
	v17 =	vsel vm13, v3, v53;
	(xrf1) =	vsort.ascd.msk.f32 $0xffff, v6, v30  }
0x3f: {  	v10, v31, _ =	vpop (xrf1);
	vm14 =	vle.f32 v62, v7;
	(xrf1) =	vsort.ascd.msk.f32 $0xffff, v18, v17  }
0x40: {  	v33, v32, _ =	vpop (xrf1);
	v34 =	vsel vm14, v62, v7;
	v35 =	vsel vm14, v61, v9;
	v20 =	vsel vm14, v7, v62  }
0x41: {  	v21 =	vsel vm14, v9, v61;
	v42 =	vperm.xlane v10, v13;
	v19 =	vperm.xlane v33, v13  }
0x42: {  	v43 =	vperm.xlane v31, v13;
	(xrf1) =	vsort.ascd.msk.f32 $0xffff, v34, v35;
	v41 =	vperm.xlane v32, v13  }
0x43: {  	v48, v47, _ =	vpop (xrf1);
	(xrf1) =	vsort.ascd.msk.f32 $0xffff, v20, v21;
	vm1 =	vle.f32 v8, v42;
	vm15 =	vle.f32 v5, v19  }
0x44: {  	v51, v50, _ =	vpop (xrf1);
	v46 =	vsel vm1, v8, v42;
	v49 =	vsel vm1, v29, v43;
	v18 =	vsel vm1, v42, v8  }
0x45: {  	v20 =	vsel vm1, v43, v29;
	v54, v32, _ =	vpop (xrf1);
	v44 =	vsel vm15, v5, v19;
	v45 =	vsel vm15, v4, v41  }
0x46: {  	v19 =	vsel vm15, v19, v5;
	v17 =	vsel vm15, v41, v4;
	v58 =	vperm.xlane v54, v13  }
0x47: {  	v60 =	vperm.xlane v32, v13;
	vm4 =	vle.f32 v44, v46;
	vm5 =	vle.f32 v19, v18  }
0x48: {  	v52 =	vsel vm4, v44, v46;
	v53 =	vsel vm4, v45, v49;
	v21 =	vsel vm4, v46, v44  }
0x49: {  	v22 =	vsel vm4, v49, v45;
	v41 =	vsel vm5, v19, v18;
	v42 =	vsel vm5, v17, v20  }
0x4a: {  	v55, v56, _ =	vpop (xrf1);
	v18 =	vsel vm5, v18, v19;
	v17 =	vsel vm5, v20, v17;
	vm7 =	vle.f32 v51, v58  }
0x4b: {  	(xrf1) =	vsort.ascd.msk.f32 $0xffff, v52, v53;
	v57 =	vperm.xlane v55, v13;
	v59 =	vperm.xlane v56, v13  }
0x4c: {  	v0 =	vsel vm7, v51, v58;
	v3 =	vsel vm7, v50, v60;
	(xrf1) =	vsort.ascd.msk.f32 $0xffff, v21, v22  }
0x4d: {  	v20 =	vsel vm7, v58, v51;
	(xrf1) =	vsort.ascd.msk.f32 $0xffff, v41, v42;
	vm6 =	vle.f32 v48, v57  }
0x4e: {  	(xrf1) =	vsort.ascd.msk.f32 $0xffff, v18, v17;
	v61 =	vsel vm6, v48, v57;
	v62 =	vsel vm6, v47, v59  }
0x4f: {  	v19 =	vsel vm6, v57, v48;
	v17 =	vsel vm6, v59, v47;
	vm8 =	vle.f32 v61, v0  }
0x50: {  	v2, v1, _ =	vpop (xrf1);
	v18 =	vsel vm7, v60, v50;
	vm9 =	vle.f32 v19, v20;
	v4 =	vsel vm8, v61, v0  }
0x51: {  	v29, v30, _ =	vpop (xrf1);
	v7 =	vsel vm8, v62, v3;
	v21 =	vsel vm8, v0, v61;
	v22 =	vsel vm8, v3, v62  }
0x52: {  	v6, v5, _ =	vpop (xrf1);
	v10 =	vsel vm9, v19, v20;
	v32 =	vsel vm9, v17, v18;
	v19 =	vsel vm9, v20, v19  }
0x53: {  	v9, v8, _ =	vpop (xrf1);
	v17 =	vsel vm9, v18, v17;
	v35 =	vperm.xlane v6, v13;
	(xrf1) =	vsort.ascd.msk.f32 $0xffff, v4, v7  }
0x54: {  	v41 =	vperm.xlane v5, v13;
	v33 =	vperm.xlane v9, v13;
	(xrf1) =	vsort.ascd.msk.f32 $0xffff, v21, v22  }
0x55: {  	v34 =	vperm.xlane v8, v13;
	vm11 =	vle.f32 v29, v35;
	(xrf1) =	vsort.ascd.msk.f32 $0xffff, v10, v32  }
0x56: {  	v47, v46, _ =	vpop (xrf1);
	vm10 =	vle.f32 v2, v33;
	v44 =	vsel vm11, v29, v35;
	v45 =	vsel vm11, v30, v41  }
0x57: {  	v49, v48, _ =	vpop (xrf1);
	v20 =	vsel vm11, v35, v29;
	(xrf1) =	vsort.ascd.msk.f32 $0xffff, v19, v17;
	v42 =	vsel vm10, v2, v33  }
0x58: {  	v53, v52, _ =	vpop (xrf1);
	v43 =	vsel vm10, v1, v34;
	v21 =	vsel vm10, v33, v2;
	v18 =	vsel vm10, v34, v1  }
0x59: {  	v17 =	vsel vm11, v41, v30;
	v56, v55, _ =	vpop (xrf1);
	v60 =	vperm.xlane v53, v13;
	v0 =	vperm.xlane v52, v13  }
0x5a: {  	vm12 =	vle.f32 v42, v44;
	vm13 =	vle.f32 v21, v20;
	v58 =	vperm.xlane v56, v13  }
0x5b: {  	v59 =	vperm.xlane v55, v13;
	v50 =	vsel vm12, v42, v44;
	v51 =	vsel vm12, v43, v45  }
0x5c: {  	v19 =	vsel vm12, v44, v42;
	v22 =	vsel vm12, v45, v43;
	v54 =	vsel vm13, v21, v20  }
0x5d: {  	v57 =	vsel vm13, v18, v17;
	v20 =	vsel vm13, v20, v21;
	v17 =	vsel vm13, v17, v18  }
0x5e: {  	vm15 =	vle.f32 v49, v60;
	(xrf1) =	vsort.ascd.msk.f32 $0xffff, v50, v51;
	vm14 =	vle.f32 v47, v58  }
0x5f: {  	v7 =	vsel vm15, v49, v60;
	v10 =	vsel vm15, v48, v0;
	v21 =	vsel vm15, v60, v49  }
0x60: {  	(xrf1) =	vsort.ascd.msk.f32 $0xffff, v19, v22;
	v3 =	vsel vm14, v47, v58;
	v4 =	vsel vm14, v46, v59  }
0x61: {  	v18 =	vsel vm14, v58, v47;
	v19 =	vsel vm14, v59, v46;
	(xrf1) =	vsort.ascd.msk.f32 $0xffff, v54, v57;
	v61, v62, _ =	vpop (xrf1)  }
0x62: {  	vm4 =	vle.f32 v3, v7;
	vm5 =	vle.f32 v18, v21;
	(xrf1) =	vsort.ascd.msk.f32 $0xffff, v20, v17;
	v2, v1, _ =	vpop (xrf1)  }
0x63: {  	v17 =	vsel vm15, v0, v48;
	v34 =	vsel vm4, v3, v7;
	v44 =	vsel vm4, v4, v10;
	v5, v6, _ =	vpop (xrf1)  }
0x64: {  	v25 =	vsel vm4, v7, v3;
	v35 =	vsel vm4, v10, v4;
	v47 =	vsel vm5, v18, v21;
	v9, v8, _ =	vpop (xrf1)  }
0x65: {  	v18 =	vsel vm5, v21, v18;
	v48 =	vsel vm5, v19, v17;
	v33, v43, _ =	vpop (xrf1);
	(xrf1) =	vsort.ascd.msk.f32 $0xffff, v34, v44  }
0x66: {  	v17 =	vsel vm5, v17, v19;
	v45, v46, _ =	vpop (xrf1);
	(xrf1) =	vsort.ascd.msk.f32 $0xffff, v25, v35;
	v27 =	vperm.xlane v33, v13  }
0x67: {  	v54 =	vperm.xlane v43, v13;
	v30, v42, _ =	vpop (xrf1);
	(xrf1) =	vsort.ascd.msk.f32 $0xffff, v47, v48;
	v52 =	vperm.xlane v45, v13  }
0x68: {  	v53 =	vperm.xlane v46, v13;
	v28, v44, _ =	vpop (xrf1);
	(xrf1) =	vsort.ascd.msk.f32 $0xffff, v18, v17;
	v50 =	vperm.xlane v30, v13  }
0x69: {  	v51 =	vperm.xlane v42, v13;
	vm9 =	vle.f32 v9, v27;
	v48 =	vperm.xlane v28, v13  }
0x6a: {  	v49 =	vperm.xlane v44, v13;
	vm8 =	vle.f32 v5, v52;
	v26 =	vsel vm9, v27, v9  }
0x6b: {  	v0 =	vsel vm9, v54, v8;
	vm7 =	vle.f32 v2, v50;
	v59 =	vsel vm8, v5, v52  }
0x6c: {  	v60 =	vsel vm8, v6, v53;
	v25 =	vsel vm8, v52, v5;
	v28 =	vsel vm8, v53, v6  }
0x6d: {  	vm6 =	vle.f32 v61, v48;
	v57 =	vsel vm7, v2, v50;
	v58 =	vsel vm7, v1, v51  }
0x6e: {  	v17 =	vsel vm7, v50, v2;
	v18 =	vsel vm7, v51, v1;
	v55 =	vsel vm6, v61, v48  }
0x6f: {  	v56 =	vsel vm6, v62, v49;
	v19 =	vsel vm6, v48, v61;
	v21 =	vsel vm6, v49, v62  }
0x70: {  	v61 =	vsel vm9, v9, v27;
	v62 =	vsel vm9, v8, v54;
	vm13 =	vle.f32 v17, v26  }
0x71: {  	vm10 =	vle.f32 v55, v59;
	vm11 =	vle.f32 v57, v61;
	vm12 =	vle.f32 v19, v25  }
0x72: {  	v7 =	vsel vm13, v17, v26;
	v8 =	vsel vm13, v18, v0;
	v17 =	vsel vm13, v26, v17  }
0x73: {  	v18 =	vsel vm13, v0, v18;
	v1 =	vsel vm10, v55, v59;
	v2 =	vsel vm10, v56, v60  }
0x74: {  	v20 =	vsel vm10, v59, v55;
	v24 =	vsel vm10, v60, v56;
	v3 =	vsel vm11, v57, v61  }
0x75: {  	v4 =	vsel vm11, v58, v62;
	v22 =	vsel vm11, v61, v57;
	v23 =	vsel vm11, v62, v58  }
0x76: {  	v5 =	vsel vm12, v19, v25;
	v6 =	vsel vm12, v21, v28;
	v19 =	vsel vm12, v25, v19  }
0x77: {  	v21 =	vsel vm12, v28, v21;
	vm14 =	vle.f32 v1, v3;
	vm15 =	vle.f32 v20, v22  }
0x78: {  	vm4 =	vle.f32 v5, v7;
	vm5 =	vle.f32 v19, v17;
	v33 =	vsel vm14, v1, v3  }
0x79: {  	v34 =	vsel vm14, v2, v4;
	v29 =	vsel vm14, v3, v1;
	v35 =	vsel vm14, v4, v2  }
0x7a: {  	v9, v10, _ =	vpop (xrf1);
	v52 =	vsel vm15, v20, v22;
	v55 =	vsel vm15, v24, v23;
	v20 =	vsel vm15, v22, v20  }
0x7b: {  	v45, v46, _ =	vpop (xrf1);
	v23 =	vsel vm15, v23, v24;
	v57 =	vsel vm4, v5, v7;
	v50 =	vsel vm4, v6, v8  }
0x7c: {  	v54, v53, _ =	vpop (xrf1);
	v25 =	vsel vm4, v7, v5;
	v28 =	vsel vm4, v8, v6;
	(xrf1) =	vsort.ascd.msk.f32 $0xffff, v33, v34  }
0x7d: {  	v56, v49, _ =	vpop (xrf1);
	v60 =	vsel vm5, v19, v17;
	v61 =	vsel vm5, v21, v18;
	(xrf1) =	vsort.ascd.msk.f32 $0xffff, v29, v35  }
0x7e: {  	v17 =	vsel vm5, v17, v19;
	v18 =	vsel vm5, v18, v21;
	v43, v44, _ =	vpop (xrf1);
	(xrf1) =	vsort.ascd.msk.f32 $0xffff, v52, v55  }
0x7f: {  	v29, v30, _ =	vpop (xrf1);
	(xrf1) =	vsort.ascd.msk.f32 $0xffff, v20, v23;
	v5 =	vperm.xlane v43, v13;
	v6 =	vperm.xlane v44, v13  }
0x80: {  	v58, v59, _ =	vpop (xrf1);
	(xrf1) =	vsort.ascd.msk.f32 $0xffff, v57, v50;
	v3 =	vperm.xlane v29, v13;
	v4 =	vperm.xlane v30, v13  }
0x81: {  	v20, v23, _ =	vpop (xrf1);
	(xrf1) =	vsort.ascd.msk.f32 $0xffff, v25, v28;
	v1 =	vperm.xlane v58, v13;
	v2 =	vperm.xlane v59, v13  }
0x82: {  	vm9 =	vle.f32 v56, v5;
	v62 =	vperm.xlane v20, v13;
	v0 =	vperm.xlane v23, v13  }
0x83: {  	(xrf1) =	vsort.ascd.msk.f32 $0xffff, v60, v61;
	vm8 =	vle.f32 v54, v3;
	v48 =	vsel vm9, v56, v5  }
0x84: {  	v50 =	vsel vm9, v49, v6;
	v22 =	vsel vm9, v5, v56;
	v51 =	vsel vm9, v6, v49  }
0x85: {  	(xrf1) =	vsort.ascd.msk.f32 $0xffff, v17, v18;
	vm7 =	vle.f32 v45, v1;
	v17 =	vsel vm8, v3, v54  }
0x86: {  	v18 =	vsel vm8, v4, v53;
	vm6 =	vle.f32 v9, v62;
	v21 =	vsel vm7, v1, v45  }
0x87: {  	v23 =	vsel vm7, v2, v46;
	v7 =	vsel vm6, v9, v62;
	v8 =	vsel vm6, v10, v0  }
0x88: {  	v19 =	vsel vm6, v62, v9;
	v20 =	vsel vm6, v0, v10;
	v9 =	vsel vm7, v45, v1  }
0x89: {  	v10 =	vsel vm7, v46, v2;
	v45 =	vsel vm8, v54, v3;
	v46 =	vsel vm8, v53, v4  }
0x8a: {  	vm13 =	vle.f32 v21, v22;
	vm10 =	vle.f32 v7, v45;
	vm11 =	vle.f32 v9, v48  }
0x8b: {  	vm12 =	vle.f32 v19, v17;
	v58 =	vsel vm13, v21, v22;
	v59 =	vsel vm13, v23, v51  }
0x8c: {  	v21 =	vsel vm13, v22, v21;
	v60 =	vsel vm13, v51, v23;
	v52 =	vsel vm10, v7, v45  }
0x8d: {  	v53 =	vsel vm10, v8, v46;
	v28 =	vsel vm10, v45, v7;
	v29 =	vsel vm10, v46, v8  }
0x8e: {  	v54 =	vsel vm11, v9, v48;
	v55 =	vsel vm11, v10, v50;
	v26 =	vsel vm11, v48, v9  }
0x8f: {  	v27 =	vsel vm11, v50, v10;
	v56 =	vsel vm12, v19, v17;
	v57 =	vsel vm12, v20, v18  }
0x90: {  	v17 =	vsel vm12, v17, v19;
	v18 =	vsel vm12, v18, v20;
	vm14 =	vle.f32 v52, v54  }
0x91: {  	vm15 =	vle.f32 v28, v26;
	vm4 =	vle.f32 v56, v58;
	vm5 =	vle.f32 v17, v21  }
0x92: {  	v61 =	vsel vm14, v52, v54;
	v62 =	vsel vm14, v53, v55;
	v25 =	vsel vm14, v54, v52  }
0x93: {  	v0 =	vsel vm14, v55, v53;
	v1 =	vsel vm15, v28, v26;
	(xrf1) =	vsort.ascd.msk.f32 $0xffff, v61, v62  }
0x94: {  	v2 =	vsel vm15, v29, v27;
	v3 =	vsel vm15, v26, v28;
	(xrf1) =	vsort.ascd.msk.f32 $0xffff, v25, v0  }
0x95: {  	v4 =	vsel vm15, v27, v29;
	v20 =	vsel vm4, v59, v57;
	(xrf1) =	vsort.ascd.msk.f32 $0xffff, v1, v2  }
0x96: {  	v5 =	vsel vm4, v56, v58;
	v19 =	vsel vm4, v58, v56;
	(xrf1) =	vsort.ascd.msk.f32 $0xffff, v3, v4  }
0x97: {  	v6 =	vsel vm4, v57, v59;
	v8 =	vsel vm5, v18, v60;
	v18 =	vsel vm5, v60, v18  }
0x98: {  	v7 =	vsel vm5, v17, v21;
	v17 =	vsel vm5, v21, v17;
	(xrf1) =	vsort.ascd.msk.f32 $0xffff, v5, v6  }
0x99: {  	(xrf1) =	vsort.ascd.msk.f32 $0xffff, v19, v20;
	v19, v20, _ =	vpop (xrf1)  }
0x9a: {  	(xrf1) =	vsort.ascd.msk.f32 $0xffff, v7, v8;
	v9, v10, _ =	vpop (xrf1)  }
0x9b: {  	(xrf1) =	vsort.ascd.msk.f32 $0xffff, v17, v18;
	v17, v18, _ =	vpop (xrf1)  }
0x9c: {  	v23, v24, _ =	vpop (xrf1)  }
0x9d: {  	v25, v26, _ =	vpop (xrf1)  }
0x9e: {  	v27, v28, _ =	vpop (xrf1)  }
0x9f: {  	v29, v30, _ =	vpop (xrf1)  }
0xa0: {  	v31, v32, _ =	vpop (xrf1)  }
0xa1: {  	vm3 =	vcmask $0x2F2C;
	vm2 =	vcmask $0x3B38;
	v35, v34, _ =	vpop (xrf1)  }
0xa2: {  	[tilespmem:$0x80] =	vst v40;
	v40 =	vimm.f32 $1.700000000e+01;
	v62, v0, _ =	vpop (xrf1);
	v41 =	vperm.xlane v35, v13;
	v42 =	vperm.xlane v34, v13  }
0xa3: {  	vm0 =	vcmask $0x3330;
	v1, v2, _ =	vpop (xrf1);
	v43 =	vperm.xlane v62, v13;
	v44 =	vperm.xlane v0, v13  }
0xa4: {  	v4, v3, _ =	vpop (xrf1);
	v45 =	vperm.xlane v1, v13;
	v46 =	vperm.xlane v2, v13;
	vm13 =	vle.f32 v31, v41  }
0xa5: {  	v47 =	vperm.xlane v4, v13;
	v48 =	vperm.xlane v3, v13;
	vm12 =	vle.f32 v29, v43  }
0xa6: {  	v6, v5, _ =	vpop (xrf1);
	v3 =	vsel vm13, v31, v41;
	v31 =	vsel vm13, v41, v31;
	v4 =	vsel vm13, v32, v42  }
0xa7: {  	v32 =	vsel vm13, v42, v32;
	v49 =	vperm.xlane v6, v13;
	v50 =	vperm.xlane v5, v13  }
0xa8: {  	v51, v52, _ =	vpop (xrf1);
	vm11 =	vle.f32 v27, v45;
	v1 =	vsel vm12, v29, v43;
	v29 =	vsel vm12, v43, v29  }
0xa9: {  	v2 =	vsel vm12, v30, v44;
	v30 =	vsel vm12, v44, v30;
	v51 =	vperm.xlane v51, v13  }
0xaa: {  	v52 =	vperm.xlane v52, v13;
	vm10 =	vle.f32 v25, v47;
	v62 =	vsel vm11, v27, v45  }
0xab: {  	v53, v54, _ =	vpop (xrf1);
	v27 =	vsel vm11, v45, v27;
	v0 =	vsel vm11, v28, v46;
	v28 =	vsel vm11, v46, v28  }
0xac: {  	v53 =	vperm.xlane v53, v13;
	v54 =	vperm.xlane v54, v13;
	vm9 =	vle.f32 v23, v49  }
0xad: {  	v55, v56, _ =	vpop (xrf1);
	v60 =	vsel vm10, v25, v47;
	v25 =	vsel vm10, v47, v25;
	v61 =	vsel vm10, v26, v48  }
0xae: {  	v26 =	vsel vm10, v48, v26;
	v55 =	vperm.xlane v55, v13;
	v56 =	vperm.xlane v56, v13  }
0xaf: {  	vm8 =	vle.f32 v17, v51;
	v16 =	vsel vm9, v24, v50;
	v24 =	vsel vm9, v50, v24  }
0xb0: {  	vm7 =	vle.f32 v9, v53;
	v8 =	vsel vm8, v17, v51;
	v17 =	vsel vm8, v51, v17  }
0xb1: {  	vm6 =	vle.f32 v19, v55;
	v21 =	vsel vm7, v53, v9;
	v22 =	vsel vm7, v54, v10  }
0xb2: {  	vm4 =	vle.f32 v8, v1;
	v57 =	vsel vm6, v19, v55;
	v19 =	vsel vm6, v55, v19  }
0xb3: {  	v7 =	vsel vm6, v20, v56;
	v20 =	vsel vm6, v56, v20;
	v56 =	vsel vm7, v9, v53  }
0xb4: {  	v53 =	vsel vm7, v10, v54;
	v9 =	vsel vm8, v18, v52;
	v18 =	vsel vm8, v52, v18  }
0xb5: {  	v10 =	vsel vm9, v23, v49;
	v23 =	vsel vm9, v49, v23;
	v46 =	vsel vm4, v1, v8  }
0xb6: {  	vm7 =	vle.f32 v21, v27;
	vm8 =	vle.f32 v17, v29;
	vm14 =	vle.f32 v57, v60  }
0xb7: {  	vm15 =	vle.f32 v56, v62;
	v43 =	vsel vm4, v2, v9;
	vm5 =	vle.f32 v10, v3  }
0xb8: {  	vm6 =	vle.f32 v19, v25;
	vm9 =	vle.f32 v23, v31;
	v5 =	vsel vm14, v57, v60  }
0xb9: {  	v50 =	vsel vm14, v60, v57;
	v6 =	vsel vm14, v7, v61;
	v47 =	vsel vm14, v61, v7  }
0xba: {  	v7 =	vsel vm15, v56, v62;
	v48 =	vsel vm15, v62, v56;
	v60 =	vsel vm15, v53, v0  }
0xbb: {  	v45 =	vsel vm15, v0, v53;
	v61 =	vsel vm4, v8, v1;
	v62 =	vsel vm4, v9, v2  }
0xbc: {  	v0 =	vsel vm5, v10, v3;
	v44 =	vsel vm5, v3, v10;
	v1 =	vsel vm5, v16, v4  }
0xbd: {  	v41 =	vsel vm5, v4, v16;
	v2 =	vsel vm6, v19, v25;
	v19 =	vsel vm6, v25, v19  }
0xbe: {  	v3 =	vsel vm6, v20, v26;
	v20 =	vsel vm6, v26, v20;
	v26 =	vsel vm7, v21, v27  }
0xbf: {  	v21 =	vsel vm7, v27, v21;
	v27 =	vsel vm7, v22, v28;
	v22 =	vsel vm7, v28, v22  }
0xc0: {  	v8 =	vsel vm8, v17, v29;
	v17 =	vsel vm8, v29, v17;
	v9 =	vsel vm8, v18, v30  }
0xc1: {  	v18 =	vsel vm8, v30, v18;
	v10 =	vsel vm9, v23, v31;
	v23 =	vsel vm9, v31, v23  }
0xc2: {  	v16 =	vsel vm9, v24, v32;
	v24 =	vsel vm9, v32, v24;
	vm10 =	vle.f32 v5, v61  }
0xc3: {  	vm11 =	vle.f32 v7, v0;
	vm12 =	vle.f32 v50, v46;
	vm13 =	vle.f32 v48, v44  }
0xc4: {  	vm14 =	vle.f32 v2, v8;
	vm15 =	vle.f32 v26, v10;
	vm4 =	vle.f32 v19, v17  }
0xc5: {  	vm5 =	vle.f32 v21, v23;
	v32 =	vsel vm10, v5, v61;
	v42 =	vsel vm10, v61, v5  }
0xc6: {  	v33 =	vsel vm10, v6, v62;
	v54 =	vsel vm10, v62, v6;
	v34 =	vsel vm11, v7, v0  }
0xc7: {  	v51 =	vsel vm11, v0, v7;
	v35 =	vsel vm11, v60, v1;
	v52 =	vsel vm11, v1, v60  }
0xc8: {  	v56 =	vsel vm12, v50, v46;
	v46 =	vsel vm12, v46, v50;
	v50 =	vsel vm12, v47, v43  }
0xc9: {  	v43 =	vsel vm12, v43, v47;
	v4 =	vsel vm13, v48, v44;
	v44 =	vsel vm13, v44, v48  }
0xca: {  	v5 =	vsel vm13, v45, v41;
	v41 =	vsel vm13, v41, v45;
	v6 =	vsel vm14, v2, v8  }
0xcb: {  	v62 =	vsel vm14, v8, v2;
	v7 =	vsel vm14, v3, v9;
	v8 =	vsel vm14, v9, v3  }
0xcc: {  	v58 =	vsel vm15, v26, v10;
	v26 =	vsel vm15, v10, v26;
	v59 =	vsel vm15, v27, v16  }
0xcd: {  	v60 =	vsel vm15, v16, v27;
	v61 =	vsel vm4, v19, v17;
	v17 =	vsel vm4, v17, v19  }
0xce: {  	v9 =	vsel vm4, v20, v18;
	v18 =	vsel vm4, v18, v20;
	v10 =	vsel vm5, v21, v23  }
0xcf: {  	v21 =	vsel vm5, v23, v21;
	v16 =	vsel vm5, v22, v24;
	v22 =	vsel vm5, v24, v22  }
0xd0: {  	vm13 =	vcmask $0x300;
	v3 =	vimm.f32 $2.410000000e+02;
	vm14 =	vcmask $0x704  }
0xd1: {  	vm12 =	vcmask $0xB08;
	vm5 =	vcmask $0x2724;
	vm4 =	vcmask $0x2B28  }
0xd2: {  	vm6 =	vle.f32 v32, v34;
	vm7 =	vle.f32 v42, v51;
	vm8 =	vle.f32 v56, v4  }
0xd3: {  	vm9 =	vle.f32 v46, v44;
	vm10 =	vle.f32 v6, v58;
	vm11 =	vle.f32 v62, v26  }
0xd4: {  	vm15 =	vle.f32 v61, v10;
	v27 =	vsel vm6, v32, v34;
	v30 =	vsel vm6, v34, v32  }
0xd5: {  	v24 =	vsel vm6, v33, v35;
	v25 =	vsel vm6, v35, v33;
	v31 =	vsel vm7, v42, v51  }
0xd6: {  	v42 =	vsel vm7, v51, v42;
	v28 =	vsel vm7, v54, v52;
	v53 =	vsel vm7, v52, v54  }
0xd7: {  	v32 =	vsel vm8, v56, v4;
	v54 =	vsel vm8, v4, v56;
	v29 =	vsel vm8, v50, v5  }
0xd8: {  	v33 =	vsel vm8, v5, v50;
	v55 =	vsel vm9, v46, v44;
	v50 =	vsel vm9, v44, v46  }
0xd9: {  	v34 =	vsel vm9, v43, v41;
	v56 =	vsel vm9, v41, v43;
	v51 =	vsel vm10, v6, v58  }
0xda: {  	v47 =	vsel vm10, v58, v6;
	v52 =	vsel vm10, v7, v59;
	v49 =	vsel vm10, v59, v7  }
0xdb: {  	v48 =	vsel vm11, v62, v26;
	v58 =	vsel vm11, v26, v62;
	v4 =	vsel vm13, $0x43800000, v3  }
0xdc: {  	v57 =	vsel vm11, v8, v60;
	v59 =	vsel vm11, v60, v8;
	vm11 =	vcmask $0xF0C  }
0xdd: {  	vm10 =	vcmask $0x1310;
	vm9 =	vcmask $0x1714;
	v62 =	vsel vm15, v61, v10  }
0xde: {  	v41 =	vsel vm15, v10, v61;
	vm8 =	vcmask $0x1B18;
	vm7 =	vcmask $0x1F1C  }
0xdf: {  	v43 =	vsel vm15, v16, v9;
	vm6 =	vcmask $0x2320;
	v10 =	vimm.f32 $1.930000000e+02  }
0xe0: {  	v8 =	vimm.f32 $2.250000000e+02;
	v26 =	vsel vm14, $0x437F0000, v4;
	v20 =	vsel vm13, $0x43500000, v10  }
0xe1: {  	v5 =	vsel vm12, $0x437E0000, v26;
	v26 =	vsel vm15, v9, v16;
	vm15 =	vle.f32 v17, v21  }
0xe2: {  	v9 =	vimm.f32 $2.090000000e+02;
	v20 =	vsel vm14, $0x434F0000, v20;
	v16 =	vimm.f32 $1.770000000e+02  }
0xe3: {  	v0 =	vsel vm11, $0x437D0000, v5;
	v44 =	vsel vm15, v17, v21;
	v35 =	vsel vm15, v21, v17  }
0xe4: {  	v46 =	vsel vm15, v18, v22;
	v45 =	vsel vm15, v22, v18;
	vm15 =	vcmask $0x3734  }
0xe5: {  	(xrf1) =	vsort.ascd.msk.f32 $0xffff, v27, v24;
	v18 =	vsel vm13, $0x43700000, v8;
	v19 =	vsel vm13, $0x43600000, v9;
	v20 =	vsel vm12, $0x434E0000, v20  }
0xe6: {  	(xrf1) =	vsort.ascd.msk.f32 $0xffff, v30, v25;
	v21 =	vsel vm13, $0x43400000, v16;
	v0 =	vsel vm10, $0x437C0000, v0;
	v18 =	vsel vm14, $0x436F0000, v18  }
0xe7: {  	(xrf1) =	vsort.ascd.msk.f32 $0xffff, v31, v28;
	v19 =	vsel vm14, $0x435F0000, v19;
	v20 =	vsel vm11, $0x434D0000, v20;
	v21 =	vsel vm14, $0x433F0000, v21  }
0xe8: {  	(xrf1) =	vsort.ascd.msk.f32 $0xffff, v42, v53;
	v0 =	vsel vm9, $0x437B0000, v0;
	v18 =	vsel vm12, $0x436E0000, v18;
	v19 =	vsel vm12, $0x435E0000, v19  }
0xe9: {  	v20 =	vsel vm10, $0x434C0000, v20;
	v21 =	vsel vm12, $0x433E0000, v21;
	(xrf1) =	vsort.ascd.msk.f32 $0xffff, v32, v29;
	v32 =	vsel vm13, $0x42000000, v40  }
0xea: {  	v0 =	vsel vm8, $0x437A0000, v0;
	v18 =	vsel vm11, $0x436D0000, v18;
	v19 =	vsel vm11, $0x435D0000, v19  }
0xeb: {  	v20 =	vsel vm9, $0x434B0000, v20;
	v21 =	vsel vm11, $0x433D0000, v21;
	v0 =	vsel vm7, $0x43790000, v0  }
0xec: {  	v18 =	vsel vm10, $0x436C0000, v18;
	v19 =	vsel vm10, $0x435C0000, v19;
	v20 =	vsel vm8, $0x434A0000, v20  }
0xed: {  	v21 =	vsel vm10, $0x433C0000, v21;
	v0 =	vsel vm6, $0x43780000, v0;
	v18 =	vsel vm9, $0x436B0000, v18  }
0xee: {  	v19 =	vsel vm9, $0x435B0000, v19;
	v20 =	vsel vm7, $0x43490000, v20;
	v21 =	vsel vm9, $0x433B0000, v21  }
0xef: {  	v6 =	vsel vm5, $0x43770000, v0;
	v18 =	vsel vm8, $0x436A0000, v18;
	v19 =	vsel vm8, $0x435A0000, v19  }
0xf0: {  	(xrf1) =	vsort.ascd.msk.f32 $0xffff, v54, v33;
	v20 =	vsel vm6, $0x43480000, v20;
	v21 =	vsel vm8, $0x433A0000, v21;
	v7 =	vsel vm4, $0x43760000, v6  }
0xf1: {  	(xrf1) =	vsort.ascd.msk.f32 $0xffff, v55, v34;
	v18 =	vsel vm7, $0x43690000, v18;
	v19 =	vsel vm7, $0x43590000, v19;
	v20 =	vsel vm5, $0x43470000, v20  }
0xf2: {  	(xrf1) =	vsort.ascd.msk.f32 $0xffff, v50, v56;
	v21 =	vsel vm7, $0x43390000, v21;
	v17 =	vsel vm3, $0x43750000, v7;
	v18 =	vsel vm6, $0x43680000, v18  }
0xf3: {  	(xrf1) =	vsort.ascd.msk.f32 $0xffff, v51, v52;
	v19 =	vsel vm6, $0x43580000, v19;
	v20 =	vsel vm4, $0x43460000, v20;
	v21 =	vsel vm6, $0x43380000, v21  }
0xf4: {  	(xrf1) =	vsort.ascd.msk.f32 $0xffff, v47, v49;
	v17 =	vsel vm0, $0x43740000, v17;
	v18 =	vsel vm5, $0x43670000, v18;
	v19 =	vsel vm5, $0x43570000, v19  }
0xf5: {  	(xrf1) =	vsort.ascd.msk.f32 $0xffff, v48, v57;
	v20 =	vsel vm3, $0x43450000, v20;
	v21 =	vsel vm5, $0x43370000, v21;
	v17 =	vsel vm15, $0x43730000, v17  }
0xf6: {  	(xrf1) =	vsort.ascd.msk.f32 $0xffff, v58, v59;
	v18 =	vsel vm4, $0x43660000, v18;
	v19 =	vsel vm4, $0x43560000, v19;
	v20 =	vsel vm0, $0x43440000, v20  }
0xf7: {  	v21 =	vsel vm4, $0x43360000, v21;
	(xrf1) =	vsort.ascd.msk.f32 $0xffff, v62, v26;
	v26 =	vimm.f32 $3.300000000e+01;
	v1 =	vsel vm2, $0x43720000, v17  }
0xf8: {  	v18 =	vsel vm3, $0x43650000, v18;
	v19 =	vsel vm3, $0x43550000, v19;
	v20 =	vsel vm15, $0x43430000, v20  }
0xf9: {  	[tilespmem:$0x90] =	vst v39;
	v12 =	vld [tilespmem:$0x1FEB0];
	v17 =	vimm.f32 $1.610000000e+02;
	v21 =	vsel vm3, $0x43350000, v21;
	v39 =	vsel vm13, $0x42400000, v26  }
0xfa: {  	v18 =	vsel vm0, $0x43640000, v18;
	v19 =	vsel vm0, $0x43540000, v19;
	v4 =	vsel vm2, $0x43420000, v20  }
0xfb: {  	v22 =	vsel vm13, $0x43300000, v17;
	v21 =	vsel vm0, $0x43340000, v21;
	v20 =	vimm.f32 $1.130000000e+02  }
0xfc: {  	v17 =	vimm.f32 $6.500000000e+01;
	v18 =	vsel vm15, $0x43630000, v18;
	v19 =	vsel vm15, $0x43530000, v19  }
0xfd: {  	v22 =	vsel vm14, $0x432F0000, v22;
	v21 =	vsel vm15, $0x43330000, v21;
	v61 =	vsel vm13, $0x43000000, v20  }
0xfe: {  	[tilespmem:$0x20] =	vst v12;
	v12 =	vld [tilespmem:$0x1FEC0];
	v27 =	vsel vm13, $0x42A00000, v17;
	v2 =	vsel vm2, $0x43620000, v18;
	v3 =	vsel vm2, $0x43520000, v19  }
0xff: {  	v18 =	vimm.f32 $1.450000000e+02;
	v22 =	vsel vm12, $0x432E0000, v22;
	v5 =	vsel vm2, $0x43320000, v21  }
0x100: {  	v19 =	vimm.f32 $1.290000000e+02;
	v21 =	vimm.f32 $9.700000000e+01;
	v27 =	vsel vm14, $0x429E0000, v27  }
0x101: {  	v23 =	vsel vm13, $0x43200000, v18;
	v22 =	vsel vm11, $0x432D0000, v22;
	v60 =	vsel vm13, $0x43100000, v19  }
0x102: {  	v0 =	vsel vm13, $0x42E00000, v21;
	v18 =	vimm.f32 $4.900000000e+01;
	v27 =	vsel vm12, $0x429C0000, v27  }
0x103: {  	[tilespmem:$0x30] =	vst v12;
	v23 =	vsel vm14, $0x431F0000, v23;
	v22 =	vsel vm10, $0x432C0000, v22;
	v60 =	vsel vm14, $0x430F0000, v60  }
0x104: {  	v12 =	vld [tilespmem:$0x1FED0];
	(xrf1) =	vsort.ascd.msk.f32 $0xffff, v41, v43;
	v0 =	vsel vm14, $0x42DE0000, v0;
	v28 =	vsel vm13, $0x42800000, v18;
	v27 =	vsel vm11, $0x429A0000, v27  }
0x105: {  	_, v20, _ =	vpop (xrf1);
	(xrf1) =	vsort.ascd.msk.f32 $0xffff, v44, v46;
	v44 =	vsel vm14, $0x41F80000, v32;
	v23 =	vsel vm12, $0x431E0000, v23;
	v22 =	vsel vm9, $0x432B0000, v22  }
0x106: {  	v0 =	vsel vm12, $0x42DC0000, v0;
	v28 =	vsel vm14, $0x427C0000, v28;
	v27 =	vsel vm10, $0x42980000, v27  }
0x107: {  	v23 =	vsel vm11, $0x431D0000, v23;
	v22 =	vsel vm8, $0x432A0000, v22;
	v0 =	vsel vm11, $0x42DA0000, v0  }
0x108: {  	v28 =	vsel vm12, $0x42780000, v28;
	v27 =	vsel vm9, $0x42960000, v27;
	v23 =	vsel vm10, $0x431C0000, v23  }
0x109: {  	[tilespmem:$0x40] =	vst v12;
	v12 =	vld [tilespmem:$0x1FEE0];
	v22 =	vsel vm7, $0x43290000, v22;
	v0 =	vsel vm10, $0x42D80000, v0;
	v28 =	vsel vm11, $0x42740000, v28  }
0x10a: {  	v27 =	vsel vm8, $0x42940000, v27;
	v23 =	vsel vm9, $0x431B0000, v23;
	v22 =	vsel vm6, $0x43280000, v22  }
0x10b: {  	v0 =	vsel vm9, $0x42D60000, v0;
	v28 =	vsel vm10, $0x42700000, v28;
	v27 =	vsel vm7, $0x42920000, v27  }
0x10c: {  	v23 =	vsel vm8, $0x431A0000, v23;
	v22 =	vsel vm5, $0x43270000, v22;
	v0 =	vsel vm8, $0x42D40000, v0  }
0x10d: {  	v28 =	vsel vm9, $0x426C0000, v28;
	v27 =	vsel vm6, $0x42900000, v27;
	v23 =	vsel vm7, $0x43190000, v23  }
0x10e: {  	[tilespmem:$0x50] =	vst v12;
	v12 =	vld [tilespmem:$0x1FEF0];
	v22 =	vsel vm4, $0x43260000, v22;
	v0 =	vsel vm7, $0x42D20000, v0;
	v28 =	vsel vm8, $0x42680000, v28  }
0x10f: {  	v27 =	vsel vm5, $0x428E0000, v27;
	v23 =	vsel vm6, $0x43180000, v23;
	v22 =	vsel vm3, $0x43250000, v22  }
0x110: {  	v0 =	vsel vm6, $0x42D00000, v0;
	v28 =	vsel vm7, $0x42640000, v28;
	v27 =	vsel vm4, $0x428C0000, v27  }
0x111: {  	v23 =	vsel vm5, $0x43170000, v23;
	v22 =	vsel vm0, $0x43240000, v22;
	v0 =	vsel vm5, $0x42CE0000, v0  }
0x112: {  	[tilespmem:$0x60] =	vst v37;
	v28 =	vsel vm6, $0x42600000, v28;
	v27 =	vsel vm3, $0x428A0000, v27;
	v23 =	vsel vm4, $0x43160000, v23  }
0x113: {  	[tilespmem:$0xA0] =	vst v12;
	v12 =	vld [tilespmem:$0x1FF00];
	v22 =	vsel vm15, $0x43230000, v22;
	v0 =	vsel vm4, $0x42CC0000, v0;
	v28 =	vsel vm5, $0x425C0000, v28  }
0x114: {  	[tilespmem:$0x70] =	vst v38;
	v19 =	vsel vm0, $0x42880000, v27;
	v23 =	vsel vm3, $0x43150000, v23;
	v6 =	vsel vm2, $0x43220000, v22  }
0x115: {  	[tilespmem:$0xB0] =	vst v36;
	v22 =	vsel vm12, $0x430E0000, v60;
	v0 =	vsel vm3, $0x42CA0000, v0;
	v60 =	vimm.f32 $8.100000000e+01  }
0x116: {  	[tilespmem:$0xE0] =	vst v63;
	v23 =	vsel vm0, $0x43140000, v23;
	v24 =	vsel vm11, $0x430D0000, v22;
	v0 =	vsel vm0, $0x42C80000, v0  }
0x117: {  	[tilespmem:$0xD0] =	vst v11;
	v58 =	vld [tilespmem:$0x1FE90];
	v16 =	vsel vm13, $0x42C00000, v60;
	v22 =	vsel vm15, $0x42860000, v19;
	v23 =	vsel vm15, $0x43130000, v23  }
0x118: {  	[tilespmem:$0xC0] =	vst v12;
	v24 =	vsel vm10, $0x430C0000, v24;
	v0 =	vsel vm15, $0x42C60000, v0;
	v12 =	vsel vm2, $0x42840000, v22  }
0x119: {  	[tilespmem:$0xF0] =	vst v15;
	v7 =	vsel vm2, $0x43120000, v23;
	v23 =	vsel vm14, $0x42FE0000, v61;
	v24 =	vsel vm9, $0x430B0000, v24  }
0x11a: {  	[tilespmem:$0x1FF10] =	vst v1;
	v62 =	vsel vm2, $0x42C40000, v0;
	v0 =	vsel vm14, $0x42BE0000, v16;
	v30 =	vsel vm12, $0x42FC0000, v23  }
0x11b: {  	[tilespmem:$0x1FF40] =	vst v4;
	v24 =	vsel vm8, $0x430A0000, v24;
	v0 =	vsel vm12, $0x42BC0000, v0;
	v25 =	vsel vm11, $0x42FA0000, v30  }
0x11c: {  	[tilespmem:$0x0] =	vst v58;
	v24 =	vsel vm7, $0x43090000, v24;
	v0 =	vsel vm11, $0x42BA0000, v0;
	v25 =	vsel vm10, $0x42F80000, v25  }
0x11d: {  	[tilespmem:$0x1FF20] =	vst v2;
	v24 =	vsel vm6, $0x43080000, v24;
	v0 =	vsel vm10, $0x42B80000, v0;
	v25 =	vsel vm9, $0x42F60000, v25  }
0x11e: {  	[tilespmem:$0x1FF30] =	vst v3;
	v24 =	vsel vm5, $0x43070000, v24;
	v0 =	vsel vm9, $0x42B60000, v0;
	v25 =	vsel vm8, $0x42F40000, v25  }
0x11f: {  	[tilespmem:$0x1FF50] =	vst v5;
	v61 =	vld [tilespmem:$0x1FEA0];
	v24 =	vsel vm4, $0x43060000, v24;
	v0 =	vsel vm8, $0x42B40000, v0;
	v25 =	vsel vm7, $0x42F20000, v25  }
0x120: {  	[tilespmem:$0x1FF60] =	vst v6;
	v24 =	vsel vm3, $0x43050000, v24;
	v0 =	vsel vm7, $0x42B20000, v0;
	v25 =	vsel vm6, $0x42F00000, v25  }
0x121: {  	[tilespmem:$0x1FFC0] =	vst v12;
	v24 =	vsel vm0, $0x43040000, v24;
	v0 =	vsel vm6, $0x42B00000, v0;
	v25 =	vsel vm5, $0x42EE0000, v25  }
0x122: {  	[tilespmem:$0x1FF70] =	vst v7;
	v24 =	vsel vm15, $0x43030000, v24;
	v0 =	vsel vm5, $0x42AE0000, v0;
	v25 =	vsel vm4, $0x42EC0000, v25  }
0x123: {  	v28 =	vsel vm4, $0x42580000, v28;
	[tilespmem:$0x1FFA0] =	vst v62;
	v0 =	vsel vm4, $0x42AC0000, v0;
	v25 =	vsel vm3, $0x42EA0000, v25  }
0x124: {  	s31 =	simm.s32 $0x100;
	v28 =	vsel vm3, $0x42540000, v28;
	[tilespmem:$0x10] =	vst v61;
	v0 =	vsel vm3, $0x42AA0000, v0;
	v25 =	vsel vm0, $0x42E80000, v25  }
0x125: {  	[tilespmem:v20+s31+$0x0] =	vst.idx.msk $0xffff, v1;
	v57 =	vsel vm2, $0x43020000, v24;
	v0 =	vsel vm0, $0x42A80000, v0;
	v25 =	vsel vm15, $0x42E60000, v25  }
0x126: {  	v23 =	vsel vm0, $0x42500000, v28;
	[tilespmem:$0x1FF80] =	vst v57;
	v0 =	vsel vm15, $0x42A60000, v0;
	_, v24, _ =	vpop (xrf1);
	v59 =	vsel vm2, $0x42E40000, v25  }
0x127: {  	v30 =	vsel vm12, $0x41F00000, v44;
	v21 =	vsel vm2, $0x42A40000, v0;
	v25 =	vsel vm15, $0x424C0000, v23;
	_, v27, _ =	vpop (xrf1);
	[tilespmem:$0x1FF90] =	vst v59  }
0x128: {  	v30 =	vsel vm11, $0x41E80000, v30;
	(xrf1) =	vsort.ascd.msk.f32 $0xffff, v35, v45;
	v14 =	vsel vm2, $0x42480000, v25;
	_, v41, _ =	vpop (xrf1);
	[tilespmem:$0x1FFB0] =	vst v21  }
0x129: {  	v30 =	vsel vm10, $0x41E00000, v30;
	v0 =	vsel vm14, $0x423C0000, v39;
	_, v43, _ =	vpop (xrf1);
	[tilespmem:$0x1FFD0] =	vst v14  }
0x12a: {  	v42 =	vimm.f32 $1.000000000e+00;
	v30 =	vsel vm9, $0x41D80000, v30;
	v0 =	vsel vm12, $0x42380000, v0;
	_, v46, _ =	vpop (xrf1);
	[tilespmem:v24+s31+$0x0] =	vst.idx.msk $0xffff, v2  }
0x12b: {  	v30 =	vsel vm8, $0x41D00000, v30;
	v45 =	vsel vm13, $0x41800000, v42;
	v0 =	vsel vm11, $0x42340000, v0;
	_, v48, _ =	vpop (xrf1);
	[tilespmem:v27+s31+$0x0] =	vst.idx.msk $0xffff, v3  }
0x12c: {  	v30 =	vsel vm7, $0x41C80000, v30;
	v47 =	vsel vm14, $0x41700000, v45;
	v0 =	vsel vm10, $0x42300000, v0;
	_, v49, _ =	vpop (xrf1);
	[tilespmem:v41+s31+$0x0] =	vst.idx.msk $0xffff, v4  }
0x12d: {  	v30 =	vsel vm6, $0x41C00000, v30;
	v31 =	vsel vm12, $0x41600000, v47;
	v0 =	vsel vm9, $0x422C0000, v0;
	_, v50, _ =	vpop (xrf1);
	[tilespmem:v43+s31+$0x0] =	vst.idx.msk $0xffff, v5  }
0x12e: {  	v30 =	vsel vm5, $0x41B80000, v30;
	v31 =	vsel vm11, $0x41500000, v31;
	v0 =	vsel vm8, $0x42280000, v0;
	_, v51, _ =	vpop (xrf1);
	[tilespmem:v46+s31+$0x0] =	vst.idx.msk $0xffff, v6  }
0x12f: {  	v30 =	vsel vm4, $0x41B00000, v30;
	v31 =	vsel vm10, $0x41400000, v31;
	v0 =	vsel vm7, $0x42240000, v0;
	_, v52, _ =	vpop (xrf1);
	[tilespmem:v48+s31+$0x0] =	vst.idx.msk $0xffff, v7  }
0x130: {  	v30 =	vsel vm3, $0x41A80000, v30;
	v31 =	vsel vm9, $0x41300000, v31;
	v0 =	vsel vm6, $0x42200000, v0;
	[tilespmem:v49+s31+$0x0] =	vst.idx.msk $0xffff, v57  }
0x131: {  	v58 =	vsel vm0, $0x41A00000, v30;
	v31 =	vsel vm8, $0x41200000, v31;
	v0 =	vsel vm5, $0x421C0000, v0;
	_, v53, _ =	vpop (xrf1);
	[tilespmem:v50+s31+$0x0] =	vst.idx.msk $0xffff, v59  }
0x132: {  	v60 =	vsel vm15, $0x41980000, v58;
	v31 =	vsel vm7, $0x41100000, v31;
	v0 =	vsel vm4, $0x42180000, v0;
	_, v54, _ =	vpop (xrf1);
	[tilespmem:v51+s31+$0x0] =	vst.idx.msk $0xffff, v62  }
0x133: {  	v31 =	vsel vm6, $0x41000000, v31;
	v0 =	vsel vm3, $0x42140000, v0;
	v62 =	vsel vm2, $0x41900000, v60;
	[tilespmem:v52+s31+$0x0] =	vst.idx.msk $0xffff, v21  }
0x134: {  	v31 =	vsel vm5, $0x40E00000, v31;
	_, v55, _ =	vpop (xrf1);
	v0 =	vsel vm0, $0x42100000, v0;
	[tilespmem:$0x1FFF0] =	vst v62  }
0x135: {  	v31 =	vsel vm4, $0x40C00000, v31;
	_, v56, _ =	vpop (xrf1);
	v0 =	vsel vm15, $0x420C0000, v0;
	[tilespmem:v53+s31+$0x0] =	vst.idx.msk $0xffff, v12  }
0x136: {  	v31 =	vsel vm3, $0x40A00000, v31;
	_, v57, _ =	vpop (xrf1);
	v59 =	vsel vm2, $0x42080000, v0;
	[tilespmem:v54+s31+$0x0] =	vst.idx.msk $0xffff, v14  }
0x137: {  	v61 =	vsel vm0, $0x40800000, v31;
	[tilespmem:$0x1FFE0] =	vst v59  }
0x138: {  	v63 =	vsel vm15, $0x40400000, v61;
	[tilespmem:v55+s31+$0x0] =	vst.idx.msk $0xffff, v59  }
0x139: {  	v32 =	vsel vm2, $0x40000000, v63;
	[tilespmem:v56+s31+$0x0] =	vst.idx.msk $0xffff, v62  }
0x13a: {  	s3 =	simm.s32 $0x200;
	[tilespmem:v57+s31+$0x0] =	vst.idx.msk $0xffff, v32  }
.LBB2_2:
0x13b: {  	v0 =	vld [tilespmem:$0x100]  }
0x13c: {  	v33 =	vld [tilespmem:$0x0]  }
0x13d: {  	v34 =	vld [tilespmem:$0x110]  }
0x13e: {  	v35 =	vld [tilespmem:$0x10]  }
0x13f: {  	v36 =	vld [tilespmem:$0x120]  }
0x140: {  	v37 =	vld [tilespmem:$0x20]  }
0x141: {  	v38 =	vld [tilespmem:$0x130]  }
0x142: {  	v39 =	vld [tilespmem:$0x30]  }
0x143: {  	v40 =	vld [tilespmem:$0x140]  }
0x144: {  	v41 =	vld [tilespmem:$0x40]  }
0x145: {  	v42 =	vld [tilespmem:$0x150]  }
0x146: {  	v43 =	vld [tilespmem:$0x50]  }
0x147: {  	v44 =	vld [tilespmem:$0x160]  }
0x148: {  	v45 =	vld [tilespmem:$0x60]  }
0x149: {  	v46 =	vld [tilespmem:$0x170]  }
0x14a: {  	v47 =	vld [tilespmem:$0x70]  }
0x14b: {  	v48 =	vld [tilespmem:$0x180]  }
0x14c: {  	v10 =	vld [tilespmem:$0x80]  }
0x14d: {  	v11 =	vld [tilespmem:$0x190]  }
0x14e: {  	v49 =	vld [tilespmem:$0x90]  }
0x14f: {  	v17 =	vld [tilespmem:$0x1A0]  }
0x150: {  	v18 =	vld [tilespmem:$0x1FDA0]  }
0x151: {  	v20 =	vld [tilespmem:$0xA0]  }
0x152: {  	v21 =	vld [tilespmem:$0x1B0]  }
0x153: {  	v22 =	vld [tilespmem:$0x1FDB0]  }
0x154: {  	v24 =	vld [tilespmem:$0xB0]  }
0x155: {  	v25 =	vld [tilespmem:$0x1FDC0]  }
0x156: {  	v27 =	vld [tilespmem:$0x1C0]  }
0x157: {  	v28 =	vld [tilespmem:$0xC0]  }
0x158: {  	v29 =	vld [tilespmem:$0x1FDD0]  }
0x159: {  	v31 =	vld [tilespmem:$0x1D0];
	v0 =	vsub.f32 v0, v33  }
0x15a: {  	v1 =	vlaneseq.u32;
	v51 =	vld [tilespmem:$0xD0]  }
0x15b: {  	v52 =	vld [tilespmem:$0x1E0];
	v34 =	vsub.f32 v34, v35;
	(xrf1) =	vsort.ascd.msk.f32 $0xffff, v0, v1  }
0x15c: {  	v53 =	vld [tilespmem:$0x1FDF0];
	v16 =	vsub.f32 v36, v37  }
0x15d: {  	v19 =	vsub.f32 v38, v39;
	v30 =	vsub.f32 v44, v45;
	v45 =	vld [tilespmem:$0x1FDE0];
	(xrf1) =	vsort.ascd.msk.f32 $0xffff, v34, v18  }
0x15e: {  	v55 =	vld [tilespmem:$0xE0];
	(xrf1) =	vsort.ascd.msk.f32 $0xffff, v16, v22  }
0x15f: {  	v56 =	vld [tilespmem:$0x1FE00];
	v23 =	vsub.f32 v40, v41;
	(xrf1) =	vsort.ascd.msk.f32 $0xffff, v19, v25  }
0x160: {  	v58 =	vld [tilespmem:$0x1F0];
	v26 =	vsub.f32 v42, v43  }
0x161: {  	v59 =	vld [tilespmem:$0xF0];
	(xrf1) =	vsort.ascd.msk.f32 $0xffff, v23, v29  }
0x162: {  	v60 =	vld [tilespmem:$0x1FE10];
	(xrf1) =	vsort.ascd.msk.f32 $0xffff, v26, v45  }
0x163: {  	v62 =	vld [tilespmem:$0x1FE20];
	v50 =	vsub.f32 v46, v47  }
0x164: {  	v4 =	vld [tilespmem:$0x1FE30];
	(xrf1) =	vsort.ascd.msk.f32 $0xffff, v30, v53  }
0x165: {  	v6 =	vld [tilespmem:$0x1FE40];
	v54 =	vsub.f32 v48, v10;
	(xrf1) =	vsort.ascd.msk.f32 $0xffff, v50, v56  }
0x166: {  	v8 =	vld [tilespmem:$0x1FE50];
	v57 =	vsub.f32 v11, v49  }
0x167: {  	v36 =	vsub.f32 v17, v20;
	v11 =	vld [tilespmem:$0x1FE60];
	(xrf1) =	vsort.ascd.msk.f32 $0xffff, v54, v60  }
0x168: {  	v61 =	vsub.f32 v21, v24;
	v18 =	vld [tilespmem:$0x1FE70];
	(xrf1) =	vsort.ascd.msk.f32 $0xffff, v57, v62  }
0x169: {  	v63 =	vsub.f32 v27, v28;
	v38, v39, _ =	vpop (xrf1);
	(xrf1) =	vsort.ascd.msk.f32 $0xffff, v36, v4  }
0x16a: {  	v5 =	vsub.f32 v31, v51;
	v20 =	vld [tilespmem:$0x1FE80];
	(xrf1) =	vsort.ascd.msk.f32 $0xffff, v61, v6  }
0x16b: {  	v7 =	vsub.f32 v52, v55;
	v40, v41, _ =	vpop (xrf1);
	(xrf1) =	vsort.ascd.msk.f32 $0xffff, v63, v8  }
0x16c: {  	v9 =	vperm.xlane v40, v13;
	v35, v37, _ =	vpop (xrf1);
	(xrf1) =	vsort.ascd.msk.f32 $0xffff, v5, v11  }
0x16d: {  	v10 =	vsub.f32 v58, v59;
	v19 =	vperm.xlane v41, v13;
	v17, v16, _ =	vpop (xrf1);
	(xrf1) =	vsort.ascd.msk.f32 $0xffff, v7, v18  }
0x16e: {  	vm0 =	vle.f32 v38, v9;
	v36 =	vperm.xlane v17, v13;
	v27 =	vperm.xlane v16, v13  }
0x16f: {  	v23, v22, _ =	vpop (xrf1);
	(xrf1) =	vsort.ascd.msk.f32 $0xffff, v10, v20;
	v21 =	vsel vm0, v38, v9;
	v24 =	vsel vm0, v39, v19  }
0x170: {  	v33 =	vsel vm0, v9, v38;
	v0 =	vsel vm0, v19, v39;
	v25, v26, _ =	vpop (xrf1);
	(xrf1) =	vsort.ascd.msk.f32 $0xffff, v21, v24  }
0x171: {  	vm5 =	vle.f32 v35, v36;
	v29 =	vperm.xlane v25, v13;
	v48 =	vperm.xlane v26, v13  }
0x172: {  	v31, v30, _ =	vpop (xrf1);
	(xrf1) =	vsort.ascd.msk.f32 $0xffff, v33, v0;
	v28 =	vsel vm5, v35, v36;
	v45 =	vsel vm5, v37, v27  }
0x173: {  	v35 =	vsel vm5, v36, v35;
	v34 =	vsel vm5, v27, v37;
	v46, v47, _ =	vpop (xrf1);
	(xrf1) =	vsort.ascd.msk.f32 $0xffff, v28, v45  }
0x174: {  	vm6 =	vle.f32 v23, v29;
	v50 =	vperm.xlane v46, v13;
	v56 =	vperm.xlane v47, v13  }
0x175: {  	v52, v51, _ =	vpop (xrf1);
	(xrf1) =	vsort.ascd.msk.f32 $0xffff, v35, v34;
	v49 =	vsel vm6, v23, v29;
	v53 =	vsel vm6, v22, v48  }
0x176: {  	v33 =	vsel vm6, v29, v23;
	v0 =	vsel vm6, v48, v22;
	v54, v55, _ =	vpop (xrf1);
	(xrf1) =	vsort.ascd.msk.f32 $0xffff, v49, v53  }
0x177: {  	vm7 =	vle.f32 v31, v50;
	v58 =	vperm.xlane v54, v13;
	v4 =	vperm.xlane v55, v13  }
0x178: {  	(xrf1) =	vsort.ascd.msk.f32 $0xffff, v33, v0;
	v57 =	vsel vm7, v31, v50;
	v61 =	vsel vm7, v30, v56  }
0x179: {  	v35 =	vsel vm7, v50, v31;
	v34 =	vsel vm7, v56, v30;
	vm8 =	vle.f32 v52, v58;
	v59, v60, _ =	vpop (xrf1)  }
0x17a: {  	(xrf1) =	vsort.ascd.msk.f32 $0xffff, v57, v61;
	v5 =	vsel vm8, v52, v58;
	v9 =	vsel vm8, v51, v4;
	v62, v63, _ =	vpop (xrf1)  }
0x17b: {  	v33 =	vsel vm8, v58, v52;
	(xrf1) =	vsort.ascd.msk.f32 $0xffff, v35, v34;
	v6 =	vperm.xlane v62, v13;
	v8, v7, _ =	vpop (xrf1)  }
0x17c: {  	v0 =	vsel vm8, v4, v51;
	(xrf1) =	vsort.ascd.msk.f32 $0xffff, v5, v9;
	v16 =	vperm.xlane v63, v13;
	v10, v11, _ =	vpop (xrf1)  }
0x17d: {  	(xrf1) =	vsort.ascd.msk.f32 $0xffff, v33, v0;
	vm9 =	vle.f32 v59, v6;
	v18 =	vperm.xlane v10, v13  }
0x17e: {  	v20, v19, _ =	vpop (xrf1);
	v24 =	vperm.xlane v11, v13;
	v17 =	vsel vm9, v59, v6;
	v21 =	vsel vm9, v60, v16  }
0x17f: {  	v35 =	vsel vm9, v6, v59;
	v34 =	vsel vm9, v16, v60;
	v22, v23, _ =	vpop (xrf1);
	(xrf1) =	vsort.ascd.msk.f32 $0xffff, v17, v21  }
0x180: {  	vm10 =	vle.f32 v8, v18;
	v28 =	vperm.xlane v22, v13;
	v48 =	vperm.xlane v23, v13  }
0x181: {  	v26, v25, _ =	vpop (xrf1);
	(xrf1) =	vsort.ascd.msk.f32 $0xffff, v35, v34;
	v27 =	vsel vm10, v8, v18;
	v31 =	vsel vm10, v7, v24  }
0x182: {  	v30, v29, _ =	vpop (xrf1);
	v33 =	vsel vm10, v18, v8;
	v0 =	vsel vm10, v24, v7;
	(xrf1) =	vsort.ascd.msk.f32 $0xffff, v27, v31  }
0x183: {  	v50, v49, _ =	vpop (xrf1);
	vm11 =	vle.f32 v20, v28;
	(xrf1) =	vsort.ascd.msk.f32 $0xffff, v33, v0  }
0x184: {  	v52, v51, _ =	vpop (xrf1);
	v53 =	vsel vm11, v20, v28;
	v54 =	vsel vm11, v19, v48;
	v35 =	vsel vm11, v28, v20  }
0x185: {  	v55 =	vsel vm11, v48, v19;
	v57 =	vperm.xlane v50, v13;
	v34 =	vperm.xlane v52, v13  }
0x186: {  	v58 =	vperm.xlane v49, v13;
	(xrf1) =	vsort.ascd.msk.f32 $0xffff, v53, v54;
	v56 =	vperm.xlane v51, v13  }
0x187: {  	v62, v63, _ =	vpop (xrf1);
	(xrf1) =	vsort.ascd.msk.f32 $0xffff, v35, v55;
	vm1 =	vle.f32 v30, v57;
	vm12 =	vle.f32 v26, v34  }
0x188: {  	v5, v4, _ =	vpop (xrf1);
	v61 =	vsel vm1, v30, v57;
	v3 =	vsel vm1, v29, v58;
	v33 =	vsel vm1, v57, v30  }
0x189: {  	v35 =	vsel vm1, v58, v29;
	v9, v8, _ =	vpop (xrf1);
	v59 =	vsel vm12, v26, v34;
	v60 =	vsel vm12, v25, v56  }
0x18a: {  	v34 =	vsel vm12, v34, v26;
	v0 =	vsel vm12, v56, v25;
	v19 =	vperm.xlane v9, v13  }
0x18b: {  	v21 =	vperm.xlane v8, v13;
	vm13 =	vle.f32 v59, v61;
	vm14 =	vle.f32 v34, v33  }
0x18c: {  	v6 =	vsel vm13, v59, v61;
	v7 =	vsel vm13, v60, v3;
	v36 =	vsel vm13, v61, v59  }
0x18d: {  	v38 =	vsel vm13, v3, v60;
	v16 =	vsel vm14, v34, v33;
	v17 =	vsel vm14, v0, v35  }
0x18e: {  	v10, v11, _ =	vpop (xrf1);
	v33 =	vsel vm14, v33, v34;
	v0 =	vsel vm14, v35, v0;
	vm4 =	vle.f32 v5, v19  }
0x18f: {  	(xrf1) =	vsort.ascd.msk.f32 $0xffff, v6, v7;
	v18 =	vperm.xlane v10, v13;
	v20 =	vperm.xlane v11, v13  }
0x190: {  	v24 =	vsel vm4, v5, v19;
	v27 =	vsel vm4, v4, v21;
	(xrf1) =	vsort.ascd.msk.f32 $0xffff, v36, v38  }
0x191: {  	v35 =	vsel vm4, v19, v5;
	(xrf1) =	vsort.ascd.msk.f32 $0xffff, v16, v17;
	vm15 =	vle.f32 v62, v18  }
0x192: {  	(xrf1) =	vsort.ascd.msk.f32 $0xffff, v33, v0;
	v22 =	vsel vm15, v62, v18;
	v23 =	vsel vm15, v63, v20  }
0x193: {  	v34 =	vsel vm15, v18, v62;
	v0 =	vsel vm15, v20, v63;
	vm5 =	vle.f32 v22, v24  }
0x194: {  	v26, v25, _ =	vpop (xrf1);
	v33 =	vsel vm4, v21, v4;
	vm6 =	vle.f32 v34, v35;
	v28 =	vsel vm5, v22, v24  }
0x195: {  	v44, v45, _ =	vpop (xrf1);
	v31 =	vsel vm5, v23, v27;
	v36 =	vsel vm5, v24, v22;
	v38 =	vsel vm5, v27, v23  }
0x196: {  	v30, v29, _ =	vpop (xrf1);
	v54 =	vsel vm6, v34, v35;
	v55 =	vsel vm6, v0, v33;
	v34 =	vsel vm6, v35, v34  }
0x197: {  	v53, v52, _ =	vpop (xrf1);
	v0 =	vsel vm6, v33, v0;
	v58 =	vperm.xlane v30, v13;
	(xrf1) =	vsort.ascd.msk.f32 $0xffff, v28, v31  }
0x198: {  	v59 =	vperm.xlane v29, v13;
	v56 =	vperm.xlane v53, v13;
	(xrf1) =	vsort.ascd.msk.f32 $0xffff, v36, v38  }
0x199: {  	v57 =	vperm.xlane v52, v13;
	vm8 =	vle.f32 v44, v58;
	(xrf1) =	vsort.ascd.msk.f32 $0xffff, v54, v55  }
0x19a: {  	v5, v4, _ =	vpop (xrf1);
	vm7 =	vle.f32 v26, v56;
	v62 =	vsel vm8, v44, v58;
	v63 =	vsel vm8, v45, v59  }
0x19b: {  	v7, v6, _ =	vpop (xrf1);
	v35 =	vsel vm8, v58, v44;
	(xrf1) =	vsort.ascd.msk.f32 $0xffff, v34, v0;
	v60 =	vsel vm7, v26, v56  }
0x19c: {  	v11, v10, _ =	vpop (xrf1);
	v61 =	vsel vm7, v25, v57;
	v36 =	vsel vm7, v56, v26;
	v33 =	vsel vm7, v57, v25  }
0x19d: {  	v0 =	vsel vm8, v59, v45;
	v18, v17, _ =	vpop (xrf1);
	v22 =	vperm.xlane v11, v13;
	v25 =	vperm.xlane v10, v13  }
0x19e: {  	vm9 =	vle.f32 v60, v62;
	vm10 =	vle.f32 v36, v35;
	v20 =	vperm.xlane v18, v13  }
0x19f: {  	v21 =	vperm.xlane v17, v13;
	v8 =	vsel vm9, v60, v62;
	v9 =	vsel vm9, v61, v63  }
0x1a0: {  	v34 =	vsel vm9, v62, v60;
	v37 =	vsel vm9, v63, v61;
	v16 =	vsel vm10, v36, v35  }
0x1a1: {  	v19 =	vsel vm10, v33, v0;
	v35 =	vsel vm10, v35, v36;
	v0 =	vsel vm10, v0, v33  }
0x1a2: {  	vm12 =	vle.f32 v7, v22;
	(xrf1) =	vsort.ascd.msk.f32 $0xffff, v8, v9;
	vm11 =	vle.f32 v5, v20  }
0x1a3: {  	v56 =	vsel vm12, v7, v22;
	v59 =	vsel vm12, v6, v25;
	v36 =	vsel vm12, v22, v7  }
0x1a4: {  	(xrf1) =	vsort.ascd.msk.f32 $0xffff, v34, v37;
	v28 =	vsel vm11, v5, v20;
	v29 =	vsel vm11, v4, v21  }
0x1a5: {  	v33 =	vsel vm11, v20, v5;
	v34 =	vsel vm11, v21, v4;
	(xrf1) =	vsort.ascd.msk.f32 $0xffff, v16, v19;
	v23, v24, _ =	vpop (xrf1)  }
0x1a6: {  	vm13 =	vle.f32 v28, v56;
	vm14 =	vle.f32 v33, v36;
	(xrf1) =	vsort.ascd.msk.f32 $0xffff, v35, v0;
	v27, v26, _ =	vpop (xrf1)  }
0x1a7: {  	v0 =	vsel vm12, v25, v6;
	v61 =	vsel vm13, v28, v56;
	v51 =	vsel vm13, v29, v59;
	v30, v31, _ =	vpop (xrf1)  }
0x1a8: {  	v40 =	vsel vm13, v56, v28;
	v62 =	vsel vm13, v59, v29;
	v54 =	vsel vm14, v33, v36;
	v58, v57, _ =	vpop (xrf1)  }
0x1a9: {  	v33 =	vsel vm14, v36, v33;
	v55 =	vsel vm14, v34, v0;
	v60, v50, _ =	vpop (xrf1);
	(xrf1) =	vsort.ascd.msk.f32 $0xffff, v61, v51  }
0x1aa: {  	v0 =	vsel vm14, v0, v34;
	v52, v53, _ =	vpop (xrf1);
	(xrf1) =	vsort.ascd.msk.f32 $0xffff, v40, v62;
	v42 =	vperm.xlane v60, v13  }
0x1ab: {  	v9 =	vperm.xlane v50, v13;
	v45, v49, _ =	vpop (xrf1);
	(xrf1) =	vsort.ascd.msk.f32 $0xffff, v54, v55;
	v7 =	vperm.xlane v52, v13  }
0x1ac: {  	v8 =	vperm.xlane v53, v13;
	v43, v51, _ =	vpop (xrf1);
	(xrf1) =	vsort.ascd.msk.f32 $0xffff, v33, v0;
	v5 =	vperm.xlane v45, v13  }
0x1ad: {  	v6 =	vperm.xlane v49, v13;
	vm6 =	vle.f32 v58, v42;
	v63 =	vperm.xlane v43, v13  }
0x1ae: {  	v4 =	vperm.xlane v51, v13;
	vm5 =	vle.f32 v30, v7;
	v20 =	vsel vm6, v58, v42  }
0x1af: {  	v21 =	vsel vm6, v57, v9;
	v41 =	vsel vm6, v42, v58;
	v22 =	vsel vm6, v9, v57  }
0x1b0: {  	vm4 =	vle.f32 v27, v5;
	v18 =	vsel vm5, v30, v7;
	v19 =	vsel vm5, v31, v8  }
0x1b1: {  	v40 =	vsel vm5, v7, v30;
	v43 =	vsel vm5, v8, v31;
	vm15 =	vle.f32 v23, v63  }
0x1b2: {  	v16 =	vsel vm4, v27, v5;
	v17 =	vsel vm4, v26, v6;
	v0 =	vsel vm4, v5, v27  }
0x1b3: {  	v33 =	vsel vm4, v6, v26;
	v10 =	vsel vm15, v23, v63;
	v11 =	vsel vm15, v24, v4  }
0x1b4: {  	v34 =	vsel vm15, v63, v23;
	v36 =	vsel vm15, v4, v24;
	vm8 =	vle.f32 v16, v20  }
0x1b5: {  	vm10 =	vle.f32 v0, v41;
	vm7 =	vle.f32 v10, v18;
	v25 =	vsel vm8, v16, v20  }
0x1b6: {  	v26 =	vsel vm8, v17, v21;
	vm9 =	vle.f32 v34, v40;
	v37 =	vsel vm8, v20, v16  }
0x1b7: {  	v38 =	vsel vm8, v21, v17;
	v29 =	vsel vm10, v0, v41;
	v30 =	vsel vm10, v33, v22  }
0x1b8: {  	v0 =	vsel vm10, v41, v0;
	v33 =	vsel vm10, v22, v33;
	v23 =	vsel vm7, v10, v18  }
0x1b9: {  	v24 =	vsel vm7, v11, v19;
	v35 =	vsel vm7, v18, v10;
	v39 =	vsel vm7, v19, v11  }
0x1ba: {  	v27 =	vsel vm9, v34, v40;
	v28 =	vsel vm9, v36, v43;
	v34 =	vsel vm9, v40, v34  }
0x1bb: {  	v36 =	vsel vm9, v43, v36;
	vm11 =	vle.f32 v23, v25;
	vm12 =	vle.f32 v35, v37  }
0x1bc: {  	vm13 =	vle.f32 v27, v29;
	vm14 =	vle.f32 v34, v0;
	v61 =	vsel vm11, v23, v25  }
0x1bd: {  	v62 =	vsel vm11, v24, v26;
	v44 =	vsel vm11, v25, v23;
	v5 =	vsel vm11, v26, v24  }
0x1be: {  	v31, v60, _ =	vpop (xrf1);
	v6 =	vsel vm12, v35, v37;
	v9 =	vsel vm12, v39, v38;
	v35 =	vsel vm12, v37, v35  }
0x1bf: {  	v63, v4, _ =	vpop (xrf1);
	v38 =	vsel vm12, v38, v39;
	v11 =	vsel vm13, v27, v29;
	v57 =	vsel vm13, v28, v30  }
0x1c0: {  	v8, v7, _ =	vpop (xrf1);
	v40 =	vsel vm13, v29, v27;
	v43 =	vsel vm13, v30, v28;
	(xrf1) =	vsort.ascd.msk.f32 $0xffff, v61, v62  }
0x1c1: {  	v10, v56, _ =	vpop (xrf1);
	v18 =	vsel vm14, v34, v0;
	v19 =	vsel vm14, v36, v33;
	(xrf1) =	vsort.ascd.msk.f32 $0xffff, v44, v5  }
0x1c2: {  	v0 =	vsel vm14, v0, v34;
	v33 =	vsel vm14, v33, v36;
	v50, v51, _ =	vpop (xrf1);
	(xrf1) =	vsort.ascd.msk.f32 $0xffff, v6, v9  }
0x1c3: {  	v44, v45, _ =	vpop (xrf1);
	(xrf1) =	vsort.ascd.msk.f32 $0xffff, v35, v38;
	v26 =	vperm.xlane v50, v13;
	v27 =	vperm.xlane v51, v13  }
0x1c4: {  	v16, v17, _ =	vpop (xrf1);
	(xrf1) =	vsort.ascd.msk.f32 $0xffff, v11, v57;
	v24 =	vperm.xlane v44, v13;
	v25 =	vperm.xlane v45, v13  }
0x1c5: {  	v35, v38, _ =	vpop (xrf1);
	(xrf1) =	vsort.ascd.msk.f32 $0xffff, v40, v43;
	v22 =	vperm.xlane v16, v13;
	v23 =	vperm.xlane v17, v13  }
0x1c6: {  	vm6 =	vle.f32 v10, v26;
	v20 =	vperm.xlane v35, v13;
	v21 =	vperm.xlane v38, v13  }
0x1c7: {  	(xrf1) =	vsort.ascd.msk.f32 $0xffff, v18, v19;
	vm5 =	vle.f32 v8, v24;
	v54 =	vsel vm6, v10, v26  }
0x1c8: {  	v55 =	vsel vm6, v56, v27;
	v37 =	vsel vm6, v26, v10;
	v57 =	vsel vm6, v27, v56  }
0x1c9: {  	(xrf1) =	vsort.ascd.msk.f32 $0xffff, v0, v33;
	vm4 =	vle.f32 v63, v22;
	v52 =	vsel vm5, v8, v24  }
0x1ca: {  	v53 =	vsel vm5, v7, v25;
	v0 =	vsel vm5, v24, v8;
	v33 =	vsel vm5, v25, v7  }
0x1cb: {  	vm15 =	vle.f32 v31, v20;
	v30 =	vsel vm4, v63, v22;
	v36 =	vsel vm4, v22, v63  }
0x1cc: {  	v38 =	vsel vm4, v23, v4;
	v28 =	vsel vm15, v31, v20;
	v29 =	vsel vm15, v60, v21  }
0x1cd: {  	v34 =	vsel vm15, v20, v31;
	v35 =	vsel vm15, v21, v60;
	v31 =	vsel vm4, v4, v23  }
0x1ce: {  	vm8 =	vle.f32 v30, v54;
	vm10 =	vle.f32 v36, v37;
	vm7 =	vle.f32 v28, v52  }
0x1cf: {  	v60 =	vsel vm8, v30, v54;
	v61 =	vsel vm8, v31, v55;
	v41 =	vsel vm8, v54, v30  }
0x1d0: {  	v42 =	vsel vm8, v55, v31;
	vm9 =	vle.f32 v34, v0;
	v4 =	vsel vm10, v36, v37  }
0x1d1: {  	v5 =	vsel vm10, v38, v57;
	v36 =	vsel vm10, v37, v36;
	v6 =	vsel vm10, v57, v38  }
0x1d2: {  	v58 =	vsel vm7, v28, v52;
	v59 =	vsel vm7, v29, v53;
	v43 =	vsel vm7, v52, v28  }
0x1d3: {  	v44 =	vsel vm7, v53, v29;
	v62 =	vsel vm9, v34, v0;
	v63 =	vsel vm9, v35, v33  }
0x1d4: {  	v0 =	vsel vm9, v0, v34;
	v33 =	vsel vm9, v33, v35;
	vm11 =	vle.f32 v58, v60  }
0x1d5: {  	vm12 =	vle.f32 v43, v41;
	vm13 =	vle.f32 v62, v4;
	vm14 =	vle.f32 v0, v36  }
0x1d6: {  	v7 =	vsel vm11, v58, v60;
	v8 =	vsel vm11, v59, v61;
	v40 =	vsel vm11, v60, v58  }
0x1d7: {  	v9 =	vsel vm11, v61, v59;
	v10 =	vsel vm12, v43, v41;
	(xrf1) =	vsort.ascd.msk.f32 $0xffff, v7, v8  }
0x1d8: {  	v11 =	vsel vm12, v44, v42;
	v16 =	vsel vm12, v41, v43;
	(xrf1) =	vsort.ascd.msk.f32 $0xffff, v40, v9  }
0x1d9: {  	v17 =	vsel vm12, v42, v44;
	v35 =	vsel vm13, v5, v63;
	(xrf1) =	vsort.ascd.msk.f32 $0xffff, v10, v11  }
0x1da: {  	v18 =	vsel vm13, v62, v4;
	v34 =	vsel vm13, v4, v62;
	(xrf1) =	vsort.ascd.msk.f32 $0xffff, v16, v17  }
0x1db: {  	v19 =	vsel vm13, v63, v5;
	v21 =	vsel vm14, v33, v6;
	v33 =	vsel vm14, v6, v33  }
0x1dc: {  	v20 =	vsel vm14, v0, v36;
	v0 =	vsel vm14, v36, v0;
	(xrf1) =	vsort.ascd.msk.f32 $0xffff, v18, v19  }
0x1dd: {  	(xrf1) =	vsort.ascd.msk.f32 $0xffff, v34, v35;
	v34, v35, _ =	vpop (xrf1)  }
0x1de: {  	(xrf1) =	vsort.ascd.msk.f32 $0xffff, v20, v21;
	v36, v37, _ =	vpop (xrf1)  }
0x1df: {  	(xrf1) =	vsort.ascd.msk.f32 $0xffff, v0, v33;
	v0, v33, _ =	vpop (xrf1)  }
0x1e0: {  	v38, v39, _ =	vpop (xrf1)  }
0x1e1: {  	v40, v41, _ =	vpop (xrf1)  }
0x1e2: {  	v42, v43, _ =	vpop (xrf1)  }
0x1e3: {  	v44, v45, _ =	vpop (xrf1)  }
0x1e4: {  	v46, v47, _ =	vpop (xrf1)  }
0x1e5: {  	v23, v22, _ =	vpop (xrf1)  }
0x1e6: {  	v24, v25, _ =	vpop (xrf1);
	v48 =	vperm.xlane v23, v13  }
0x1e7: {  	v49 =	vperm.xlane v22, v13;
	v26, v27, _ =	vpop (xrf1);
	v50 =	vperm.xlane v24, v13  }
0x1e8: {  	v51 =	vperm.xlane v25, v13;
	v29, v28, _ =	vpop (xrf1);
	v52 =	vperm.xlane v26, v13  }
0x1e9: {  	v53 =	vperm.xlane v27, v13;
	vm10 =	vle.f32 v46, v48;
	v54 =	vperm.xlane v29, v13  }
0x1ea: {  	v31, v30, _ =	vpop (xrf1);
	v55 =	vperm.xlane v28, v13;
	vm9 =	vle.f32 v44, v50;
	v16 =	vsel vm10, v46, v48  }
0x1eb: {  	v17 =	vsel vm10, v47, v49;
	v56 =	vperm.xlane v31, v13;
	v57 =	vperm.xlane v30, v13  }
0x1ec: {  	v58, v59, _ =	vpop (xrf1);
	vm8 =	vle.f32 v42, v52;
	v14 =	vsel vm9, v44, v50;
	v15 =	vsel vm9, v45, v51  }
0x1ed: {  	v58 =	vperm.xlane v58, v13;
	v59 =	vperm.xlane v59, v13;
	vm7 =	vle.f32 v40, v54  }
0x1ee: {  	v60, v61, _ =	vpop (xrf1);
	v11 =	vsel vm8, v42, v52;
	v12 =	vsel vm8, v43, v53;
	v52 =	vsel vm8, v52, v42  }
0x1ef: {  	v62, v63, _ =	vpop (xrf1);
	v60 =	vperm.xlane v60, v13;
	v61 =	vperm.xlane v61, v13;
	vm6 =	vle.f32 v38, v56  }
0x1f0: {  	v9 =	vsel vm7, v40, v54;
	v10 =	vsel vm7, v41, v55;
	v62 =	vperm.xlane v62, v13  }
0x1f1: {  	v63 =	vperm.xlane v63, v13;
	vm5 =	vle.f32 v0, v58;
	v7 =	vsel vm6, v38, v56  }
0x1f2: {  	v8 =	vsel vm6, v39, v57;
	vm4 =	vle.f32 v36, v60;
	v5 =	vsel vm5, v0, v58  }
0x1f3: {  	v6 =	vsel vm5, v33, v59;
	vm11 =	vle.f32 v7, v16;
	v0 =	vsel vm5, v58, v0  }
0x1f4: {  	v33 =	vsel vm5, v59, v33;
	v58 =	vsel vm10, v49, v47;
	vm3 =	vle.f32 v34, v62  }
0x1f5: {  	v3 =	vsel vm4, v36, v60;
	v4 =	vsel vm4, v37, v61;
	vm14 =	vle.f32 v5, v14  }
0x1f6: {  	v23 =	vsel vm11, v7, v16;
	v25 =	vsel vm11, v8, v17;
	v7 =	vsel vm11, v16, v7  }
0x1f7: {  	v8 =	vsel vm11, v17, v8;
	v1 =	vsel vm3, v34, v62;
	v2 =	vsel vm3, v35, v63  }
0x1f8: {  	vm13 =	vle.f32 v3, v11;
	v22 =	vsel vm14, v5, v14;
	v24 =	vsel vm14, v6, v15  }
0x1f9: {  	v5 =	vsel vm14, v14, v5;
	v6 =	vsel vm14, v15, v6;
	vm12 =	vle.f32 v1, v9  }
0x1fa: {  	v20 =	vsel vm13, v3, v11;
	v21 =	vsel vm13, v4, v12;
	v3 =	vsel vm13, v11, v3  }
0x1fb: {  	v4 =	vsel vm13, v12, v4;
	v18 =	vsel vm12, v1, v9;
	v19 =	vsel vm12, v2, v10  }
0x1fc: {  	vm15 =	vle.f32 v20, v23;
	v1 =	vsel vm12, v9, v1;
	v2 =	vsel vm12, v10, v2  }
0x1fd: {  	vm2 =	vle.f32 v18, v22;
	v27 =	vsel vm15, v20, v23;
	v29 =	vsel vm15, v21, v25  }
0x1fe: {  	v20 =	vsel vm15, v23, v20;
	vm14 =	vle.f32 v1, v5;
	v21 =	vsel vm15, v25, v21  }
0x1ff: {  	vm15 =	vle.f32 v3, v7;
	v26 =	vsel vm2, v18, v22;
	v28 =	vsel vm2, v19, v24  }
0x200: {  	v18 =	vsel vm2, v22, v18;
	v19 =	vsel vm2, v24, v19;
	vm0 =	vle.f32 v26, v27  }
0x201: {  	v47 =	vsel vm15, v3, v7;
	v30 =	vsel vm0, v26, v27;
	v31 =	vsel vm0, v28, v29  }
0x202: {  	v3 =	vsel vm15, v7, v3;
	v26 =	vsel vm0, v27, v26;
	(xrf1) =	vsort.ascd.msk.f32 $0xffff, v30, v31  }
0x203: {  	v30 =	vsel vm3, v62, v34;
	v31 =	vsel vm3, v63, v35;
	v34 =	vsel vm4, v60, v36  }
0x204: {  	v35 =	vsel vm4, v61, v37;
	v36 =	vsel vm6, v56, v38;
	v37 =	vsel vm6, v57, v39  }
0x205: {  	v62 =	vsel vm7, v54, v40;
	v63 =	vsel vm7, v55, v41;
	v54 =	vsel vm8, v53, v43  }
0x206: {  	v55 =	vsel vm9, v50, v44;
	v56 =	vsel vm9, v51, v45;
	v57 =	vsel vm10, v48, v46  }
0x207: {  	v45 =	vsel vm14, v1, v5;
	v1 =	vsel vm14, v5, v1;
	v46 =	vsel vm14, v2, v6  }
0x208: {  	v2 =	vsel vm14, v6, v2;
	v48 =	vsel vm15, v4, v8;
	v4 =	vsel vm15, v8, v4  }
0x209: {  	vm8 =	vle.f32 v18, v20;
	vm10 =	vle.f32 v30, v62;
	vm11 =	vle.f32 v34, v52  }
0x20a: {  	vm12 =	vle.f32 v0, v55;
	vm13 =	vle.f32 v36, v57;
	vm9 =	vle.f32 v45, v47  }
0x20b: {  	v59 =	vsel vm10, v30, v62;
	v60 =	vsel vm10, v62, v30;
	v61 =	vsel vm10, v31, v63  }
0x20c: {  	v12 =	vsel vm10, v63, v31;
	v14 =	vsel vm11, v34, v52;
	v15 =	vsel vm11, v52, v34  }
0x20d: {  	v62 =	vsel vm11, v35, v54;
	v63 =	vsel vm11, v54, v35;
	v40 =	vsel vm12, v0, v55  }
0x20e: {  	v0 =	vsel vm12, v55, v0;
	v41 =	vsel vm12, v33, v56;
	v33 =	vsel vm12, v56, v33  }
0x20f: {  	v42 =	vsel vm13, v36, v57;
	v43 =	vsel vm13, v57, v36;
	v44 =	vsel vm13, v37, v58  }
0x210: {  	v37 =	vsel vm13, v58, v37;
	v57 =	vsel vm0, v29, v28;
	v58 =	vsel vm8, v18, v20  }
0x211: {  	v18 =	vsel vm8, v20, v18;
	v6 =	vsel vm9, v47, v45;
	v5 =	vsel vm9, v48, v46  }
0x212: {  	vm10 =	vle.f32 v1, v3;
	vm4 =	vle.f32 v59, v40;
	vm5 =	vle.f32 v14, v42  }
0x213: {  	vm6 =	vle.f32 v60, v0;
	vm7 =	vle.f32 v15, v43;
	(xrf1) =	vsort.ascd.msk.f32 $0xffff, v26, v57  }
0x214: {  	v49 =	vsel vm4, v59, v40;
	v9 =	vsel vm4, v40, v59;
	v50 =	vsel vm4, v61, v41  }
0x215: {  	v11 =	vsel vm4, v41, v61;
	v51 =	vsel vm5, v14, v42;
	v14 =	vsel vm5, v42, v14  }
0x216: {  	v52 =	vsel vm5, v62, v44;
	v16 =	vsel vm5, v44, v62;
	v53 =	vsel vm6, v60, v0  }
0x217: {  	v0 =	vsel vm6, v0, v60;
	v54 =	vsel vm6, v12, v33;
	v12 =	vsel vm6, v33, v12  }
0x218: {  	v55 =	vsel vm7, v15, v43;
	v15 =	vsel vm7, v43, v15;
	v56 =	vsel vm7, v63, v37  }
0x219: {  	v17 =	vsel vm7, v37, v63;
	v59 =	vsel vm8, v19, v21;
	v19 =	vsel vm8, v21, v19  }
0x21a: {  	v60 =	vsel vm9, v45, v47;
	v61 =	vsel vm9, v46, v48;
	(xrf1) =	vsort.ascd.msk.f32 $0xffff, v58, v59  }
0x21b: {  	v62 =	vsel vm10, v1, v3;
	v63 =	vsel vm10, v2, v4;
	(xrf1) =	vsort.ascd.msk.f32 $0xffff, v18, v19  }
0x21c: {  	v1 =	vsel vm10, v3, v1;
	v2 =	vsel vm10, v4, v2;
	(xrf1) =	vsort.ascd.msk.f32 $0xffff, v60, v61  }
0x21d: {  	vm11 =	vle.f32 v49, v51;
	vm12 =	vle.f32 v9, v14;
	(xrf1) =	vsort.ascd.msk.f32 $0xffff, v6, v5  }
0x21e: {  	vm13 =	vle.f32 v53, v55;
	vm14 =	vle.f32 v0, v15;
	(xrf1) =	vsort.ascd.msk.f32 $0xffff, v62, v63  }
0x21f: {  	v19 =	vsel vm11, v49, v51;
	v21 =	vsel vm11, v50, v52;
	(xrf1) =	vsort.ascd.msk.f32 $0xffff, v1, v2  }
0x220: {  	v22 =	vsel vm11, v51, v49;
	v23 =	vsel vm11, v52, v50;
	(xrf1) =	vsort.ascd.msk.f32 $0xffff, v19, v21  }
0x221: {  	v24 =	vsel vm12, v9, v14;
	v25 =	vsel vm12, v11, v16;
	(xrf1) =	vsort.ascd.msk.f32 $0xffff, v22, v23  }
0x222: {  	v26 =	vsel vm12, v14, v9;
	v27 =	vsel vm12, v16, v11;
	(xrf1) =	vsort.ascd.msk.f32 $0xffff, v24, v25  }
0x223: {  	v28 =	vsel vm13, v53, v55;
	v29 =	vsel vm13, v54, v56;
	(xrf1) =	vsort.ascd.msk.f32 $0xffff, v26, v27  }
0x224: {  	v31 =	vsel vm13, v55, v53;
	v34 =	vsel vm13, v56, v54;
	(xrf1) =	vsort.ascd.msk.f32 $0xffff, v28, v29  }
0x225: {  	v43 =	vld [tilespmem:$0x1FF10];
	v35 =	vsel vm14, v0, v15;
	v36 =	vsel vm14, v12, v17;
	(xrf1) =	vsort.ascd.msk.f32 $0xffff, v31, v34  }
0x226: {  	v45 =	vld [tilespmem:$0x1FF20];
	v0 =	vsel vm14, v15, v0;
	v37 =	vsel vm14, v17, v12;
	_, v38, _ =	vpop (xrf1);
	(xrf1) =	vsort.ascd.msk.f32 $0xffff, v35, v36  }
0x227: {  	v47 =	vld [tilespmem:$0x1FF30];
	_, v39, _ =	vpop (xrf1);
	(xrf1) =	vsort.ascd.msk.f32 $0xffff, v0, v37  }
0x228: {  	v49 =	vld [tilespmem:$0x1FF40];
	_, v40, _ =	vpop (xrf1)  }
0x229: {  	v51 =	vld [tilespmem:$0x1FF50];
	_, v41, _ =	vpop (xrf1)  }
0x22a: {  	v53 =	vld [tilespmem:$0x1FF60];
	[tilespmem:v38+s3+$0x0] =	vst.idx.msk $0xffff, v43;
	_, v42, _ =	vpop (xrf1)  }
0x22b: {  	v55 =	vld [tilespmem:$0x1FF70];
	[tilespmem:v39+s3+$0x0] =	vst.idx.msk $0xffff, v45;
	_, v44, _ =	vpop (xrf1)  }
0x22c: {  	v57 =	vld [tilespmem:$0x1FF80];
	_, v46, _ =	vpop (xrf1);
	[tilespmem:v40+s3+$0x0] =	vst.idx.msk $0xffff, v47  }
0x22d: {  	v59 =	vld [tilespmem:$0x1FF90];
	_, v48, _ =	vpop (xrf1);
	[tilespmem:v41+s3+$0x0] =	vst.idx.msk $0xffff, v49  }
0x22e: {  	v61 =	vld [tilespmem:$0x1FFA0];
	_, v50, _ =	vpop (xrf1);
	[tilespmem:v42+s3+$0x0] =	vst.idx.msk $0xffff, v51  }
0x22f: {  	v63 =	vld [tilespmem:$0x1FFB0];
	_, v52, _ =	vpop (xrf1);
	[tilespmem:v44+s3+$0x0] =	vst.idx.msk $0xffff, v53  }
0x230: {  	v9 =	vld [tilespmem:$0x1FFC0];
	_, v54, _ =	vpop (xrf1);
	[tilespmem:v46+s3+$0x0] =	vst.idx.msk $0xffff, v55  }
0x231: {  	v10 =	vld [tilespmem:$0x1FFD0];
	_, v56, _ =	vpop (xrf1);
	[tilespmem:v48+s3+$0x0] =	vst.idx.msk $0xffff, v57  }
0x232: {  	v11 =	vld [tilespmem:$0x1FFE0];
	_, v58, _ =	vpop (xrf1);
	[tilespmem:v50+s3+$0x0] =	vst.idx.msk $0xffff, v59  }
0x233: {  	v16 =	vld [tilespmem:$0x1FFF0];
	_, v60, _ =	vpop (xrf1);
	[tilespmem:v52+s3+$0x0] =	vst.idx.msk $0xffff, v61  }
0x234: {  	_, v62, _ =	vpop (xrf1);
	[tilespmem:v54+s3+$0x0] =	vst.idx.msk $0xffff, v63  }
0x235: {  	_, v8, _ =	vpop (xrf1);
	[tilespmem:v56+s3+$0x0] =	vst.idx.msk $0xffff, v9  }
0x236: {  	[tilespmem:v58+s3+$0x0] =	vst.idx.msk $0xffff, v10  }
0x237: {  	[tilespmem:v60+s3+$0x0] =	vst.idx.msk $0xffff, v11  }
0x238: {  	[tilespmem:v62+s3+$0x0] =	vst.idx.msk $0xffff, v16  }
0x239: {  	[tilespmem:v8+s3+$0x0] =	vst.idx.msk $0xffff, v32  }
0x23a: {  	v40 =	vld [tilespmem:$0x100]  }
0x23b: {  	v0 =	vld [tilespmem:$0x0]  }
0x23c: {  	v1 =	vld [tilespmem:$0x200]  }
0x23d: {  	v39 =	vld [tilespmem:$0x110]  }
0x23e: {  	v2 =	vld [tilespmem:$0x10]  }
0x23f: {  	v3 =	vld [tilespmem:$0x210]  }
0x240: {  	v37 =	vld [tilespmem:$0x120]  }
0x241: {  	v4 =	vld [tilespmem:$0x20]  }
0x242: {  	v5 =	vld [tilespmem:$0x220]  }
0x243: {  	v36 =	vld [tilespmem:$0x130]  }
0x244: {  	v17 =	vld [tilespmem:$0x30]  }
0x245: {  	v18 =	vld [tilespmem:$0x230]  }
0x246: {  	v33 =	vld [tilespmem:$0x140]  }
0x247: {  	v19 =	vld [tilespmem:$0x40]  }
0x248: {  	v20 =	vld [tilespmem:$0x240]  }
0x249: {  	v34 =	vld [tilespmem:$0x150]  }
0x24a: {  	v21 =	vld [tilespmem:$0x50]  }
0x24b: {  	v22 =	vld [tilespmem:$0x250]  }
0x24c: {  	v35 =	vld [tilespmem:$0x160]  }
0x24d: {  	v23 =	vld [tilespmem:$0x60]  }
0x24e: {  	v12 =	vld [tilespmem:$0x260]  }
0x24f: {  	v38 =	vld [tilespmem:$0x170]  }
0x250: {  	v27 =	vld [tilespmem:$0x70];
	v0 =	vsub.f32 v40, v0;
	v45 =	vsub.f32 v1, v40  }
0x251: {  	v14 =	vld [tilespmem:$0x270]  }
0x252: {  	v41 =	vld [tilespmem:$0x180];
	v2 =	vsub.f32 v39, v2;
	v3 =	vsub.f32 v3, v39;
	v0 =	vmul.f32 v45, v0  }
0x253: {  	v31 =	vld [tilespmem:$0x80];
	v4 =	vsub.f32 v37, v4  }
0x254: {  	v48 =	vld [tilespmem:$0x280];
	v5 =	vsub.f32 v5, v37;
	v2 =	vmul.f32 v3, v2;
	v0 =	vadd.f32 $0.0e+00, v0  }
0x255: {  	v42 =	vld [tilespmem:$0x190];
	v25 =	vsub.f32 v36, v17  }
0x256: {  	v49 =	vld [tilespmem:$0x290];
	v26 =	vsub.f32 v18, v36;
	v24 =	vmul.f32 v5, v4;
	v0 =	vadd.f32 v2, v0  }
0x257: {  	v43 =	vld [tilespmem:$0x1A0];
	v29 =	vsub.f32 v33, v19;
	v30 =	vsub.f32 v20, v33  }
0x258: {  	v51 =	vld [tilespmem:$0xA0];
	v1 =	vsub.f32 v34, v21;
	v28 =	vmul.f32 v26, v25;
	v0 =	vadd.f32 v24, v0  }
0x259: {  	v44 =	vld [tilespmem:$0x1B0];
	v10 =	vsub.f32 v22, v34;
	v15 =	vmul.f32 v45, v45;
	v3 =	vmul.f32 v3, v3  }
0x25a: {  	v53 =	vsub.f32 v14, v38;
	v14 =	vld [tilespmem:$0x2A0];
	v4 =	vmul.f32 v30, v29;
	v0 =	vadd.f32 v28, v0  }
0x25b: {  	v56 =	vld [tilespmem:$0xB0];
	v11 =	vsub.f32 v35, v23;
	v5 =	vmul.f32 v5, v5;
	v3 =	vadd.f32 v3, v15  }
0x25c: {  	v12 =	vsub.f32 v12, v35;
	v1 =	vmul.f32 v10, v1;
	v15 =	vld [tilespmem:$0x90];
	v0 =	vadd.f32 v4, v0  }
0x25d: {  	v58 =	vld [tilespmem:$0x2B0];
	v7 =	vsub.f32 v38, v27;
	v50 =	vmul.f32 v26, v26;
	v3 =	vadd.f32 v5, v3  }
0x25e: {  	v46 =	vld [tilespmem:$0x1C0];
	v57 =	vsub.f32 v41, v31;
	v52 =	vmul.f32 v12, v11;
	v0 =	vadd.f32 v1, v0  }
0x25f: {  	v62 =	vld [tilespmem:$0xC0];
	v54 =	vmul.f32 v30, v30;
	v17 =	vsub.f32 v14, v43;
	v3 =	vadd.f32 v50, v3  }
0x260: {  	v63 =	vld [tilespmem:$0x2C0];
	v55 =	vmul.f32 v53, v7;
	v2 =	vsub.f32 v48, v41;
	v0 =	vadd.f32 v52, v0  }
0x261: {  	v47 =	vld [tilespmem:$0x1D0];
	v59 =	vmul.f32 v10, v10;
	v61 =	vsub.f32 v42, v15;
	v3 =	vadd.f32 v54, v3  }
0x262: {  	v14 =	vld [tilespmem:$0xD0];
	v60 =	vmul.f32 v2, v57;
	v4 =	vsub.f32 v49, v42;
	v0 =	vadd.f32 v55, v0  }
0x263: {  	v18 =	vld [tilespmem:$0x2D0];
	v9 =	vsub.f32 v58, v44;
	v12 =	vmul.f32 v12, v12;
	v3 =	vadd.f32 v59, v3  }
0x264: {  	v19 =	vld [tilespmem:$0xE0];
	v16 =	vmul.f32 v4, v61;
	v1 =	vsub.f32 v43, v51;
	v0 =	vadd.f32 v60, v0  }
0x265: {  	v21 =	vld [tilespmem:$0x2E0];
	v11 =	vmul.f32 v53, v53;
	v7 =	vsub.f32 v44, v56;
	v3 =	vadd.f32 v12, v3  }
0x266: {  	v10 =	vsub.f32 v46, v62;
	v48 =	vld [tilespmem:$0x1E0];
	v1 =	vmul.f32 v17, v1;
	v0 =	vadd.f32 v16, v0  }
0x267: {  	v2 =	vmul.f32 v2, v2;
	v25 =	vsub.f32 v47, v14;
	v14 =	vld [tilespmem:$0x2F0];
	v3 =	vadd.f32 v11, v3  }
0x268: {  	v20 =	vmul.f32 v9, v7;
	v5 =	vsub.f32 v63, v46;
	v12 =	vld [tilespmem:$0x1F0];
	v0 =	vadd.f32 v1, v0  }
0x269: {  	v23 =	vld [tilespmem:$0xF0];
	v22 =	vmul.f32 v4, v4;
	v2 =	vadd.f32 v2, v3  }
0x26a: {  	v6 =	vsub.f32 v18, v47;
	v24 =	vmul.f32 v5, v10;
	v0 =	vadd.f32 v20, v0  }
0x26b: {  	v26 =	vmul.f32 v17, v17;
	v28 =	vsub.f32 v48, v19;
	v2 =	vadd.f32 v22, v2  }
0x26c: {  	v7 =	vsub.f32 v21, v48;
	v27 =	vmul.f32 v6, v25;
	v0 =	vadd.f32 v24, v0  }
0x26d: {  	v29 =	vmul.f32 v9, v9;
	v31 =	vsub.f32 v14, v12;
	v2 =	vadd.f32 v26, v2  }
0x26e: {  	v30 =	vmul.f32 v7, v28;
	v1 =	vsub.f32 v12, v23;
	v0 =	vadd.f32 v27, v0  }
0x26f: {  	v49 =	vmul.f32 v5, v5  }
0x270: {  	v2 =	vadd.f32 v29, v2;
	v1 =	vmul.f32 v31, v1;
	v0 =	vadd.f32 v30, v0;
	_ =	sdelay $0x1  }
0x271: {  	v50 =	vmul.f32 v6, v6;
	v2 =	vadd.f32 v49, v2;
	v0 =	vadd.f32 v1, v0;
	_ =	sdelay $0x1  }
0x272: {  	v52 =	vmul.f32 v7, v7;
	v51 =	vadd.f32 v50, v2;
	(xrf2) =	vadd.scan.msk.f32 $0xffff, v0;
	_ =	sdelay $0x1  }
0x273: {  	v54 =	vmul.f32 v31, v31;
	v53 =	vadd.f32 v52, v51;
	_ =	sdelay $0x1  }
0x274: {  	v0 =	vadd.f32 v54, v53;
	_ =	sdelay $0x1  }
0x275: {  	(xrf2) =	vadd.scan.msk.f32 $0xffff, v0;
	_ =	sdelay $0x3  }
0x276: {  	v55, _, _ =	vpop (xrf2)  }
0x277: {  	(v2sf) =	vpush v55, $0xF;
	_ =	sdelay $0x4  }
0x278: {  	v56, _, _ =	vpop (xrf2)  }
0x279: {  	v0 =	vbroadcast v56, $0xF;
	_ =	sdelay $0x1  }
0x27a: {  	(erf) = vrcp.f32 v0;
	_ =	sdelay $0x6  }
0x27b: {  	s4 =	spop (v2sf)  }
0x27c: {  	s4 =	ssub.f32 $0.0e+00, s4  }
0x27d: {  	v58 =	vld [tilespmem:$0x210];
	v57 =	vpop (erf)  }
0x27e: {  	v59 =	vld [tilespmem:$0x220];
	v1 =	vmul.f32 s4, v57  }
0x27f: {  	v60 =	vld [tilespmem:$0x230]  }
0x280: {  	v61 =	vld [tilespmem:$0x240];
	v1 =	vmax.f32 v1, $0.0e+00  }
0x281: {  	v63 =	vld [tilespmem:$0x250];
	vm15 =	vgt.f32 v0, $0.0e+00;
	v62 =	vmin.f32 v1, $1.000000000e+00  }
0x282: {  	v16 =	vld [tilespmem:$0x260];
	v2 =	vsub.f32 v58, v39;
	v0 =	vnsel vm15, $0x0, v62  }
0x283: {  	v18 =	vld [tilespmem:$0x270];
	v3 =	vsub.f32 v59, v37;
	v17 =	vmul.f32 v0, v45  }
0x284: {  	v25 =	vld [tilespmem:$0x2C0];
	v4 =	vsub.f32 v60, v36;
	v2 =	vmul.f32 v0, v2  }
0x285: {  	v5 =	vsub.f32 v61, v33;
	v29 =	vld [tilespmem:$0x2D0];
	v3 =	vmul.f32 v0, v3;
	v7 =	vadd.f32 v17, v40  }
0x286: {  	v19 =	vld [tilespmem:$0x280];
	v1 =	vsub.f32 v63, v34;
	v4 =	vmul.f32 v0, v4;
	v2 =	vadd.f32 v2, v39  }
0x287: {  	v20 =	vld [tilespmem:$0x290];
	v6 =	vsub.f32 v16, v35;
	v5 =	vmul.f32 v0, v5;
	v3 =	vadd.f32 v3, v37;
	[tilespmem:$0x100] =	vst v7  }
0x288: {  	v21 =	vld [tilespmem:$0x2A0];
	v24 =	vsub.f32 v18, v38;
	v1 =	vmul.f32 v0, v1;
	v23 =	vadd.f32 v4, v36;
	[tilespmem:$0x110] =	vst v2  }
0x289: {  	v22 =	vld [tilespmem:$0x2B0];
	v50 =	vsub.f32 v25, v46;
	v27 =	vmul.f32 v6, v0;
	v26 =	vadd.f32 v5, v33;
	[tilespmem:$0x120] =	vst v3  }
0x28a: {  	v53 =	vsub.f32 v29, v47;
	v30 =	vmul.f32 v24, v0;
	v1 =	vadd.f32 v1, v34;
	v33 =	vld [tilespmem:$0x2E0];
	[tilespmem:$0x130] =	vst v23  }
0x28b: {  	v28 =	vsub.f32 v19, v41;
	v55 =	vmul.f32 v50, v0;
	v34 =	vadd.f32 v27, v35;
	v37 =	vld [tilespmem:$0x2F0];
	[tilespmem:$0x140] =	vst v26  }
0x28c: {  	v31 =	vsub.f32 v20, v42;
	v58 =	vmul.f32 v53, v0;
	v38 =	vadd.f32 v30, v38;
	[tilespmem:$0x150] =	vst v1  }
0x28d: {  	v35 =	vmul.f32 v28, v0;
	v36 =	vsub.f32 v21, v43;
	v60 =	vadd.f32 v55, v46;
	[tilespmem:$0x160] =	vst v34  }
0x28e: {  	p1 =	sgt.u32 s2, $0x62;
	v39 =	vmul.f32 v31, v0;
	v40 =	vsub.f32 v22, v44;
	v62 =	vadd.f32 v58, v47;
	[tilespmem:$0x170] =	vst v38  }
0x28f: {  	p2 =	sle.f32 @!p1 s4, $0.0e+00;
	v45 =	vadd.f32 v35, v41;
	v49 =	vmul.f32 v36, v0;
	[tilespmem:$0x1C0] =	vst v60;
	v56 =	vsub.f32 v33, v48  }
0x290: {  	v51 =	vadd.f32 v39, v42;
	v52 =	vmul.f32 v40, v0;
	[tilespmem:$0x1D0] =	vst v62;
	v59 =	vsub.f32 v37, v12  }
0x291: {  	p1 =	por p1, p2;
	[tilespmem:$0x180] =	vst v45;
	v54 =	vadd.f32 v49, v43;
	v61 =	vmul.f32 v56, v0  }
.Ltmp1:
0x292: {  	[tilespmem:$0x190] =	vst v51;
	v57 =	vadd.f32 v52, v44;
	v0 =	vmul.f32 v59, v0;
	(pc) =	sbr.rel @!p1 .LBB2_2-.Ltmp1, $4  }
0x293: {  	[tilespmem:$0x1A0] =	vst v54;
	v63 =	vadd.f32 v61, v48  }
0x294: {  	[tilespmem:$0x1B0] =	vst v57;
	v0 =	vadd.f32 v0, v12  }
0x295: {  	[tilespmem:$0x1E0] =	vst v63  }
0x296: {  	s2 =	sadd.s32 $0x1, s2;
	[tilespmem:$0x1F0] =	vst v0  }
0x297: {  	s2 =	simm.s32 $0x0;
	s3 =	simm.s32 $0x100;
	s31 =	simm.s32 $0x1  }
0x298: {  	[hbm4b:s1+s2] =	stream.linear.scatter [tilespmem:s3], [sflag:$0x1], $0x100, $0x38;
	[tilespmem:$0x300] =	vst v63  }
0x299: {  	_ =	swait.ge [sflag:s31], $0x100  }
0x29a: {  	[sflag:s31] =	ssyncset.done $0x0  }
0x29b: {  	[sflag:s31] =	ssyncadd.s32 $0xFFFFFF00  }
.LBB2_4:
0x29c: {  	_ =	sfence.sel $0x180000  }
0x29d: {  	[bflag:$0x0] =	sbarrier.arrive $0xFFFF  }
0x29e: {  	_ =	strace $0x90000047  }
0x29f: {  	s0 =	sadd.s32 @!p0 $0x100000, s0;
	[bflag:$0x2] =	sbarrier.arrive $0xFFFF  }
0x2a0: {  	[sflag:s0] =	ssyncadd.tile.s32 @!p0 $0x1;
	_ =	shalt  }
.Lfunc_end2:
_tile_overlayer_lowered:
.L_overlay_start_2:
0x2a1: {  	(tag) =	ssettag $0x2  }
0x2a2: {  	s0 =	rddreg [dreg:$0x0];
	s2 =	stileid.u32  }
0x2a3: {  	s1 =	rddreg [dreg:$0x1];
	p0 =	sne.s32 s2, $0x0  }
0x2a4: {  	s3 =	rddreg [dreg:$0x2];
	[bflag:$0x3] =	sbarrier.arrive $0xFFFF;
	s2 =	simm.s32 @!p0 $0x1C01  }
0x2a5: {  	[timem:s3], [sflag:s2] =	dma.local @!p0 [hbm:s0], s1  }
0x2a6: {  	s0 =	simm.s32 @!p0 $0x1  }
0x2a7: {  	_ =	swait.ge @!p0 [sflag:s0], s1  }
0x2a8: {  	s1 =	ssub.s32 @!p0 $0x0, s1;
	[sflag:s0] =	ssyncset.done @!p0 $0x0  }
0x2a9: {  	[sflag:s0] =	ssyncadd.s32 @!p0 s1  }
0x2aa: {  	[bflag:$0x3] =	sbarrier.arrive $0xFFFF  }
0x2ab: {  	_ =	shalt  }

</sc_bundles>
